<compile_context>
chip_gen: v7x
topology: tpu7x:2x2x1
jax: 0.10.2.dev20260603
libtpu: 0.0.44.dev20260713+nightly
codegen_flags: <defaults>
</compile_context>

<pallas_src>
import functools
import math

import jax
import jax.numpy as jnp
import numpy as np
from jax import lax
from jax.experimental import pallas as pl
from jax.experimental.pallas import tpu as pltpu
from jax.experimental.pallas import tpu_sc as plsc

_SHAPES = ((64, 64), (32, 32), (16, 16), (8, 8))
_NB = 4
_SQ = 5440
_DM = 256
_NH = 8
_NL = 4
_NP = 4
_DH = 32
_STARTS = (0, 4096, 5120, 5376)
_QB = 680
_NQB = _SQ // _QB
_C = 4
_NSTRIPE = 8
_STRIPE = _SQ // _NSTRIPE
_NCHUNK = _STRIPE // _C


def _col_consts():
    c = np.arange(128)
    m = c // 16
    l = (c // 4) % 4
    wf = np.array([w for _, w in _SHAPES], np.float32)[l]
    hf = np.array([h for h, _ in _SHAPES], np.float32)[l]
    base = (m * _SQ + np.array(_STARTS, np.int64)[l]).astype(np.int32)
    rx_rows = np.zeros((4, 128), np.float32)
    ry_rows = np.zeros((4, 128), np.float32)
    for li in range(4):
        rx_rows[li, l == li] = float(_SHAPES[li][1])
        ry_rows[li, l == li] = float(_SHAPES[li][0])
    return wf.reshape(1, 128), hf.reshape(1, 128), base.reshape(1, 128), rx_rows, ry_rows


_WF, _HF, _BASE, _RX_ROWS, _RY_ROWS = _col_consts()

_PACK_PERM = np.concatenate(
    [(g * 32 + np.stack([np.arange(16), np.arange(16) + 16], 1).reshape(-1))
     for g in range(2)]).astype(np.int32)


def _matmul_body(x_ref, k_ref, b_ref, o_ref):
    o_ref[0] = jnp.dot(x_ref[0], k_ref[...], preferred_element_type=jnp.float32,
                       precision=jax.lax.Precision.HIGHEST) + b_ref[...]


def _proj_call(x, k, b):
    n, s, din = x.shape
    dout = k.shape[1]
    return pl.pallas_call(
        _matmul_body,
        grid=(n, s // _QB),
        in_specs=[
            pl.BlockSpec((1, _QB, din), lambda i, j: (i, j, 0)),
            pl.BlockSpec((din, dout), lambda i, j: (0, 0)),
            pl.BlockSpec((1, dout), lambda i, j: (0, 0)),
        ],
        out_specs=pl.BlockSpec((1, _QB, dout), lambda i, j: (i, j, 0)),
        out_shape=jax.ShapeDtypeStruct((n, s, dout), jnp.float32),
    )(x, k, b.reshape(1, dout))


def _params_body(a_ref, kx_ref, ky_ref, bx_ref, by_ref, awk_ref, awb_ref,
                 wf_ref, hf_ref, base_ref,
                 ia_ref, ib_ref, w0_ref, w1_ref, w2_ref, w3_ref):
    n = pl.program_id(0)
    a = a_ref[0]
    x = jnp.dot(a, kx_ref[...], preferred_element_type=jnp.float32, precision=jax.lax.Precision.HIGHEST) + bx_ref[...]
    y = jnp.dot(a, ky_ref[...], preferred_element_type=jnp.float32, precision=jax.lax.Precision.HIGHEST) + by_ref[...]
    logits = jnp.dot(a[:, :_DM], awk_ref[...], preferred_element_type=jnp.float32, precision=jax.lax.Precision.HIGHEST) + awb_ref[...]
    l3 = logits.reshape(_QB, _NH, _NL * _NP)
    gm = jnp.max(l3, axis=-1, keepdims=True)
    e3 = jnp.exp(l3 - gm)
    s3 = jnp.sum(e3, axis=-1, keepdims=True)
    aw = (e3 / s3).reshape(_QB, 128)

    wf = wf_ref[...]
    hf = hf_ref[...]
    x0 = jnp.floor(x)
    y0 = jnp.floor(y)
    fx = x - x0
    fy = y - y0
    gx = 1.0 - fx
    gy = 1.0 - fy
    x0v = (x0 >= 0.0) & (x0 <= wf - 1.0)
    x1v = (x0 >= -1.0) & (x0 <= wf - 2.0)
    y0v = (y0 >= 0.0) & (y0 <= hf - 1.0)
    y1v = (y0 >= -1.0) & (y0 <= hf - 2.0)
    cv = (x >= -0.5) & (x <= wf - 0.5) & (y >= -0.5) & (y <= hf - 0.5)
    awc = jnp.where(cv, aw, 0.0)
    wa = jnp.where(x0v & y0v, gx * gy * awc, 0.0)
    wb = jnp.where(x0v & y1v, gx * fy * awc, 0.0)
    wc = jnp.where(x1v & y0v, fx * gy * awc, 0.0)
    wd = jnp.where(x1v & y1v, fx * fy * awc, 0.0)

    xb = jnp.clip(x0, 0.0, wf - 2.0)
    eq = x0 == xb
    lt = x0 < xb
    s0_y0 = jnp.where(eq, wa, jnp.where(lt, wc, 0.0))
    s1_y0 = jnp.where(eq, wc, jnp.where(lt, 0.0, wa))
    s0_y1 = jnp.where(eq, wb, jnp.where(lt, wd, 0.0))
    s1_y1 = jnp.where(eq, wd, jnp.where(lt, 0.0, wb))
    w0_ref[0] = s0_y0
    w1_ref[0] = s1_y0
    w2_ref[0] = s0_y1
    w3_ref[0] = s1_y1

    y0c = jnp.clip(y0, 0.0, hf - 1.0)
    y1c = jnp.clip(y0 + 1.0, 0.0, hf - 1.0)
    base = base_ref[...] + n * (_NH * _SQ)
    ia_ref[0] = base + (y0c * wf + xb).astype(jnp.int32)
    ib_ref[0] = base + (y1c * wf + xb).astype(jnp.int32)


def _params_call(a, kx, ky, bx, by, awk, awb):
    full = lambda shp: pl.BlockSpec(shp, lambda i, j: tuple(0 for _ in shp))
    io = jax.ShapeDtypeStruct((_NB, _SQ, 128), jnp.int32)
    fo = jax.ShapeDtypeStruct((_NB, _SQ, 128), jnp.float32)
    blk = pl.BlockSpec((1, _QB, 128), lambda i, j: (i, j, 0))
    return pl.pallas_call(
        _params_body,
        grid=(_NB, _NQB),
        in_specs=[
            pl.BlockSpec((1, _QB, _DM + 8), lambda i, j: (i, j, 0)),
            full((_DM + 8, 128)), full((_DM + 8, 128)),
            full((1, 128)), full((1, 128)),
            full((_DM, 128)), full((1, 128)),
            full((1, 128)), full((1, 128)), full((1, 128)),
        ],
        out_specs=[blk] * 6,
        out_shape=[io, io, fo, fo, fo, fo],
    )(a, kx, ky, bx, by, awk, awb,
      jnp.asarray(_WF), jnp.asarray(_HF), jnp.asarray(_BASE))


_SUP = 20
_NSUP = _STRIPE // _SUP
_CPS = _SUP // _C
_TOT = _NSUP * _CPS
_GDEPTH = 2
_HIMASK = np.int32(-65536)


def _sc_body(ia, ib, w0, w1, w2, w3, table, out_hbm,
             idxb, wgtb, gatb, outb, sem_sup, sem_gats):
    wid = lax.axis_index("s") * 2 + lax.axis_index("c")
    n = wid // _NSTRIPE
    q_base = (wid % _NSTRIPE) * _STRIPE

    idx_hbms = (ia, ib)
    w_hbms = (w0, w1, w2, w3)

    def fetch_sup(sup):
        slot = lax.rem(sup, 2)
        q0 = q_base + sup * _SUP
        for r2 in range(2):
            pltpu.async_copy(idx_hbms[r2].at[n, pl.ds(q0, _SUP), :],
                             idxb.at[slot, r2], sem_sup)
        for c4 in range(4):
            pltpu.async_copy(w_hbms[c4].at[n, pl.ds(q0, _SUP), :],
                             wgtb.at[slot, c4], sem_sup)

    def drain_sup():
        for r2 in range(2):
            pltpu.make_async_copy(idx_hbms[r2].at[n, pl.ds(q_base, _SUP), :],
                                  idxb.at[0, r2], sem_sup).wait()
        for c4 in range(4):
            pltpu.make_async_copy(w_hbms[c4].at[n, pl.ds(q_base, _SUP), :],
                                  wgtb.at[0, c4], sem_sup).wait()

    def issue_gathers(g):
        sup = g // _CPS
        ch = lax.rem(g, _CPS)
        sslot = lax.rem(sup, 2)
        gslot = lax.rem(g, _GDEPTH)
        for r2 in range(2):
            for qi in range(_C):
                qs = ch * _C + qi
                pltpu.async_copy(table.at[idxb.at[sslot, r2, qs]],
                                 gatb.at[gslot, r2, qi], sem_gats.at[gslot])

    def drain_gat(g):
        gslot = lax.rem(g, _GDEPTH)
        for r2 in range(2):
            for qi in range(_C):
                pltpu.make_async_copy(table.at[pl.ds(0, 128)],
                                      gatb.at[0, r2, qi], sem_gats.at[gslot]).wait()

    fetch_sup(0)
    drain_sup()
    for gg in range(_GDEPTH - 1):
        issue_gathers(gg)
    fetch_sup(1)

    def step(g, carry):
        sup = g // _CPS
        ch = lax.rem(g, _CPS)
        sslot = lax.rem(sup, 2)
        gslot = lax.rem(g, _GDEPTH)
        drain_gat(g)

        @pl.when(g + _GDEPTH - 1 < _TOT)
        def _():
            @pl.when(lax.rem(g + _GDEPTH - 1, _CPS) == 0)
            def _():
                drain_sup()
            issue_gathers(g + _GDEPTH - 1)

        def inner(t, carry2):
            qi = t // _NH
            m = t % _NH
            qs = ch * _C + qi
            col0 = m * 16
            acc0 = jnp.zeros((16,), jnp.float32)
            acc1 = jnp.zeros((16,), jnp.float32)
            for r2 in range(2):
                wv0 = wgtb[sslot, 2 * r2, qs, pl.ds(col0, 16)]
                wv1 = wgtb[sslot, 2 * r2 + 1, qs, pl.ds(col0, 16)]
                for j in range(16):
                    u = wv0[j]
                    w = wv1[j]
                    h0 = gatb[gslot, r2, qi, col0 + j, 0:16]
                    h1 = gatb[gslot, r2, qi, col0 + j, 16:32]
                    va = lax.bitcast_convert_type(jnp.left_shift(h0, 16), jnp.float32)
                    vb = lax.bitcast_convert_type(jnp.bitwise_and(h0, _HIMASK), jnp.float32)
                    vc = lax.bitcast_convert_type(jnp.left_shift(h1, 16), jnp.float32)
                    vd = lax.bitcast_convert_type(jnp.bitwise_and(h1, _HIMASK), jnp.float32)
                    acc0 = acc0 + u * va
                    acc1 = acc1 + u * vb
                    acc0 = acc0 + w * vc
                    acc1 = acc1 + w * vd
            outb[sslot, qs, pl.ds(m * 32, 16)] = acc0
            outb[sslot, qs, pl.ds(m * 32 + 16, 16)] = acc1
            return carry2

        lax.fori_loop(0, _C * _NH, inner, 0)

        @pl.when(ch == _CPS - 1)
        def _():
            q0 = q_base + sup * _SUP
            pltpu.sync_copy(outb.at[sslot], out_hbm.at[n, pl.ds(q0, _SUP), :])

            @pl.when(sup + 2 < _NSUP)
            def _():
                fetch_sup(sup + 2)

        return carry

    lax.fori_loop(0, _TOT, step, 0)


def _sc_call(ia, ib, w0, w1, w2, w3, table):
    mesh = plsc.VectorSubcoreMesh(core_axis_name="c", subcore_axis_name="s",
                                  num_cores=2, num_subcores=16)
    fn = pl.kernel(
        _sc_body,
        out_type=jax.ShapeDtypeStruct((_NB, _SQ, _DM), jnp.float32),
        mesh=mesh,
        scratch_types=[
            pltpu.VMEM((2, 2, _SUP, 128), jnp.int32),
            pltpu.VMEM((2, 4, _SUP, 128), jnp.float32),
            pltpu.VMEM((_GDEPTH, 2, _C, 128, _DH), jnp.int32),
            pltpu.VMEM((2, _SUP, _DM), jnp.float32),
            pltpu.SemaphoreType.DMA,
            pltpu.SemaphoreType.DMA((_GDEPTH,)),
        ],
        compiler_params=pltpu.CompilerParams(use_tc_tiling_on_sc=False),
    )
    return fn(ia, ib, w0, w1, w2, w3, table)


def kernel(query, reference_points, input_flatten, input_spatial_shapes,
           so_kernel, so_bias, aw_kernel, aw_bias, vp_kernel, vp_bias,
           op_kernel, op_bias):
    value = _proj_call(input_flatten, vp_kernel, vp_bias)
    table = value.reshape(_NB, _SQ, _NH, _DH).transpose(0, 2, 1, 3)
    table = table.reshape(_NB * _NH * _SQ, _DH)
    shifted = jnp.concatenate([table[1:], jnp.zeros((1, _DH), jnp.float32)], axis=0)
    table = jnp.concatenate([table, shifted], axis=1).astype(jnp.bfloat16)
    table = table[:, jnp.asarray(_PACK_PERM)]
    table = jax.lax.bitcast_convert_type(table.reshape(-1, 2 * _DH // 2, 2),
                                         jnp.int32)

    rx = reference_points[..., 0]
    ry = reference_points[..., 1]
    a = jnp.concatenate([query, rx, ry], axis=-1)
    so_kx = so_kernel[:, 0::2]
    so_ky = so_kernel[:, 1::2]
    kx = jnp.concatenate([so_kx, jnp.asarray(_RX_ROWS), jnp.zeros((4, 128), jnp.float32)], axis=0)
    ky = jnp.concatenate([so_ky, jnp.zeros((4, 128), jnp.float32), jnp.asarray(_RY_ROWS)], axis=0)
    bx = (so_bias[0::2] - 0.5).reshape(1, 128)
    by = (so_bias[1::2] - 0.5).reshape(1, 128)
    ia, ib, w0, w1, w2, w3 = _params_call(
        a, kx, ky, bx, by, aw_kernel, aw_bias.reshape(1, 128))

    attn = _sc_call(ia, ib, w0, w1, w2, w3, table)

    return _proj_call(attn, op_kernel, op_bias)

# --- scband reference (transcript-rebuilt; emitter-appended) ---
"""Pipeline reference for scband-msdeform-attn-57166014710110 (READ-ONLY COPY).

The authoritative reference and input builder live on the scoring server;
editing this copy changes nothing except your own understanding.
"""

import jax, jax.numpy as jnp
import numpy as np
import math

SHAPES = [(64, 64), (32, 32), (16, 16), (8, 8)]
D_MODEL = 256
N_LEVELS = 4
N_HEADS = 8
N_POINTS = 4
N_BATCH = 4
LEN_IN = sum(h * w for h, w in SHAPES)
LEN_Q = LEN_IN


def _offsets_bias():
    thetas = np.arange(N_HEADS, dtype=np.float32) * (2.0 * math.pi / N_HEADS)
    grid = np.stack([np.cos(thetas), np.sin(thetas)], -1)
    grid = grid / np.abs(grid).max(-1, keepdims=True)
    grid = grid.reshape(N_HEADS, 1, 1, 2)
    points = np.arange(1, N_POINTS + 1, dtype=np.float32).reshape(1, 1, -1, 1)
    grid = grid * points
    grid = np.tile(grid, (1, N_LEVELS, 1, 1))
    return jnp.asarray(grid.reshape(-1), dtype=jnp.float32)


def setup_inputs(seed: int = 0) -> dict:
    key = jax.random.key(seed)
    ks = jax.random.split(key, 8)
    query = jax.random.normal(ks[0], (N_BATCH, LEN_Q, D_MODEL), jnp.float32)
    reference_points = jax.random.uniform(ks[1], (N_BATCH, LEN_Q, N_LEVELS, 2), jnp.float32)
    input_flatten = jax.random.normal(ks[2], (N_BATCH, LEN_IN, D_MODEL), jnp.float32)
    input_spatial_shapes = jnp.array(SHAPES, dtype=jnp.int32)
    so_kernel = jax.random.normal(ks[3], (D_MODEL, N_HEADS * N_LEVELS * N_POINTS * 2), jnp.float32) * 0.01
    so_bias = _offsets_bias()
    aw_kernel = jax.random.normal(ks[4], (D_MODEL, N_HEADS * N_LEVELS * N_POINTS), jnp.float32) * 0.01
    aw_bias = jnp.zeros((N_HEADS * N_LEVELS * N_POINTS,), jnp.float32)
    vp_kernel = jax.random.normal(ks[5], (D_MODEL, D_MODEL), jnp.float32) * (1.0 / math.sqrt(D_MODEL))
    vp_bias = jnp.zeros((D_MODEL,), jnp.float32)
    op_kernel = jax.random.normal(ks[6], (D_MODEL, D_MODEL), jnp.float32) * (1.0 / math.sqrt(D_MODEL))
    op_bias = jnp.zeros((D_MODEL,), jnp.float32)
    return {"query": query, "reference_points": reference_points, "input_flatten": input_flatten,
            "input_spatial_shapes": input_spatial_shapes,
            "so_kernel": so_kernel, "so_bias": so_bias, "aw_kernel": aw_kernel, "aw_bias": aw_bias,
            "vp_kernel": vp_kernel, "vp_bias": vp_bias, "op_kernel": op_kernel, "op_bias": op_bias}


def _bilinear(images, x_norm, y_norm):
    B, H, W, C = images.shape
    x = x_norm * W - 0.5
    y = y_norm * H - 0.5
    x0 = jnp.floor(x); y0 = jnp.floor(y)
    x1 = x0 + 1.0; y1 = y0 + 1.0
    wa = ((x1 - x) * (y1 - y))[..., None]
    wb = ((x1 - x) * (y - y0))[..., None]
    wc = ((x - x0) * (y1 - y))[..., None]
    wd = ((x - x0) * (y - y0))[..., None]
    x0v = (x0 >= 0.0) & (x0 <= W - 1.0)
    x1v = (x1 >= 0.0) & (x1 <= W - 1.0)
    y0v = (y0 >= 0.0) & (y0 <= H - 1.0)
    y1v = (y1 >= 0.0) & (y1 <= H - 1.0)
    x0i = jnp.clip(x0.astype(jnp.int32), 0, W - 1)
    x1i = jnp.clip(x1.astype(jnp.int32), 0, W - 1)
    y0i = jnp.clip(y0.astype(jnp.int32), 0, H - 1)
    y1i = jnp.clip(y1.astype(jnp.int32), 0, H - 1)
    flat = images.reshape(B, H * W, C)
    Lq, P = x_norm.shape[1], x_norm.shape[2]

    def g(xi, yi, vx, vy):
        lin = (yi * W + xi).reshape(B, Lq * P, 1)
        vals = jnp.take_along_axis(flat, lin, axis=1).reshape(B, Lq, P, C)
        m = (vx & vy).astype(vals.dtype)[..., None]
        return vals * m

    out = wa * g(x0i, y0i, x0v, y0v) + wb * g(x0i, y1i, x0v, y1v) + wc * g(x1i, y0i, x1v, y0v) + wd * g(x1i, y1i, x1v, y1v)
    cv = ((x_norm >= 0.0) & (x_norm <= 1.0) & (y_norm >= 0.0) & (y_norm <= 1.0)).astype(out.dtype)[..., None]
    return out * cv


def _core(value, sampling_locations, attention_weights):
    N, S, M, D = value.shape
    Lq = sampling_locations.shape[1]
    P = sampling_locations.shape[4]
    outs = []
    start = 0
    for lid, (H, W) in enumerate(SHAPES):
        v = value[:, start:start + H * W]
        start += H * W
        v = jnp.transpose(v, (0, 2, 1, 3)).reshape(N * M, H, W, D)
        grid = sampling_locations[:, :, :, lid]
        grid = jnp.transpose(grid, (0, 2, 1, 3, 4)).reshape(N * M, Lq, P, 2)
        outs.append(_bilinear(v, grid[..., 0], grid[..., 1]))
    samp = jnp.stack(outs, axis=2).reshape(N * M, Lq, len(SHAPES) * P, D)
    attn = jnp.transpose(attention_weights, (0, 2, 1, 3, 4)).reshape(N * M, Lq, len(SHAPES) * P, 1)
    out = jnp.sum(samp * attn, axis=2)
    out = out.reshape(N, M, Lq, D)
    out = jnp.transpose(out, (0, 2, 1, 3)).reshape(N, Lq, M * D)
    return out


def _forward(query, reference_points, input_flatten, so_kernel, so_bias, aw_kernel, aw_bias, vp_kernel, vp_bias, op_kernel, op_bias):
    N, Lq, _ = query.shape
    d_head = D_MODEL // N_HEADS
    value = (input_flatten @ vp_kernel + vp_bias).reshape(N, -1, N_HEADS, d_head)
    so = (query @ so_kernel + so_bias).reshape(N, Lq, N_HEADS, N_LEVELS, N_POINTS, 2)
    aw = (query @ aw_kernel + aw_bias).reshape(N, Lq, N_HEADS, N_LEVELS * N_POINTS)
    aw = jax.nn.softmax(aw, axis=-1).reshape(N, Lq, N_HEADS, N_LEVELS, N_POINTS)
    wh = jnp.asarray([[w, h] for h, w in SHAPES], dtype=jnp.float32)
    loc = reference_points[:, :, None, :, None, :] + so / wh[None, None, None, :, None, :]
    out = _core(value, loc, aw)
    return out @ op_kernel + op_bias


def reference(query, reference_points, input_flatten, input_spatial_shapes, so_kernel, so_bias, aw_kernel, aw_bias, vp_kernel, vp_bias, op_kernel, op_bias):
    # input_spatial_shapes values equal SHAPES (closed over statically for jit-compatible level splits)
    return _forward(query, reference_points, input_flatten, so_kernel, so_bias, aw_kernel, aw_bias, vp_kernel, vp_bias, op_kernel, op_bias)

if __name__ == "__main__":
    import jax
    _d = setup_inputs()
    print(jax.jit(kernel)(*tuple(_d.values())))

</pallas_src>

<mosaic_0001>
#map = affine_map<(d0, d1) -> (0, 0, 0)>
#map1 = affine_map<(d0, d1) -> (0, 0)>
module attributes {stable_mosaic.version = 14 : i64} {
  func.func @_sc_body(%arg0: i32, %arg1: i32, %arg2: memref<4x5440x128xi32, #tpu.memory_space<hbm>>, %arg3: memref<4x5440x128xi32, #tpu.memory_space<hbm>>, %arg4: memref<4x5440x128xf32, #tpu.memory_space<hbm>>, %arg5: memref<4x5440x128xf32, #tpu.memory_space<hbm>>, %arg6: memref<4x5440x128xf32, #tpu.memory_space<hbm>>, %arg7: memref<4x5440x128xf32, #tpu.memory_space<hbm>>, %arg8: memref<174080x32xi32, #tpu.memory_space<hbm>>, %arg9: memref<4x5440x256xf32, #tpu.memory_space<hbm>>, %arg10: memref<2x2x20x128xi32, #tpu.memory_space<vmem>>, %arg11: memref<2x4x20x128xf32, #tpu.memory_space<vmem>>, %arg12: memref<2x2x4x128x32xi32, #tpu.memory_space<vmem>>, %arg13: memref<2x20x256xf32, #tpu.memory_space<vmem>>, %arg14: memref<!tpu.dma_semaphore, #tpu.memory_space<semaphore_mem>>, %arg15: memref<2x!tpu.dma_semaphore, #tpu.memory_space<semaphore_mem>>) attributes {dimension_semantics = [#tpu.dimension_semantics<core_parallel>, #tpu.dimension_semantics<subcore_parallel>], iteration_bounds = array<i64: 2, 16>, scalar_prefetch = 0 : i64, scratch_operands = 6 : i64, tpu.core_type = #tpu.core_type<sc_vector_subcore>, window_params = [{transform_indices = #map}, {transform_indices = #map}, {transform_indices = #map}, {transform_indices = #map}, {transform_indices = #map}, {transform_indices = #map}, {transform_indices = #map1}, {transform_indices = #map}]} {
    %mul3A = arith.constant 2 : i32
    %mul3A_0 = arith.muli %arg1, %mul3A : i32
    %add3A = arith.addi %mul3A_0, %arg0 : i32
    %jit3A = arith.constant 8 : i32
    %div3A = arith.divsi %add3A, %jit3A : i32
    %sign3A = arith.constant 0 : i32
    %sign3A_1 = arith.cmpi sgt, %add3A, %sign3A : i32
    %sign3A_2 = arith.extui %sign3A_1 : i1 to i32
    %sign3A_3 = arith.constant 0 : i32
    %sign3A_4 = arith.cmpi slt, %add3A, %sign3A_3 : i32
    %sign3A_5 = arith.extui %sign3A_4 : i1 to i32
    %sign3A_6 = arith.subi %sign3A_2, %sign3A_5 : i32
    %sign3A_7 = arith.constant 0 : i32
    %sign3A_8 = arith.cmpi sgt, %jit3A, %sign3A_7 : i32
    %sign3A_9 = arith.extui %sign3A_8 : i1 to i32
    %sign3A_10 = arith.constant 0 : i32
    %sign3A_11 = arith.cmpi slt, %jit3A, %sign3A_10 : i32
    %sign3A_12 = arith.extui %sign3A_11 : i1 to i32
    %sign3A_13 = arith.subi %sign3A_9, %sign3A_12 : i32
    %ne3A = arith.cmpi ne, %sign3A_6, %sign3A_13 : i32
    %rem3A = arith.remsi %add3A, %jit3A : i32
    %ne3A_14 = arith.constant 0 : i32
    %ne3A_15 = arith.cmpi ne, %rem3A, %ne3A_14 : i32
    %and3A = arith.andi %ne3A, %ne3A_15 : i1
    %sub3A = arith.constant 1 : i32
    %sub3A_16 = arith.subi %div3A, %sub3A : i32
    %select_n3A = arith.select %and3A, %sub3A_16, %div3A : i32
    %jit3A_17 = arith.constant 8 : i32
    %eq3A = arith.constant 0 : i32
    %eq3A_18 = arith.cmpi eq, %jit3A_17, %eq3A : i32
    %jit3A_19 = arith.constant 1 : i32
    %select_n3A_20 = arith.select %eq3A_18, %jit3A_19, %jit3A_17 : i32
    %rem3A_21 = arith.remsi %add3A, %select_n3A_20 : i32
    %ne3A_22 = arith.constant 0 : i32
    %ne3A_23 = arith.cmpi ne, %rem3A_21, %ne3A_22 : i32
    %lt3A = arith.constant 0 : i32
    %lt3A_24 = arith.cmpi slt, %rem3A_21, %lt3A : i32
    %lt3A_25 = arith.constant 0 : i32
    %lt3A_26 = arith.cmpi slt, %select_n3A_20, %lt3A_25 : i32
    %ne3A_27 = arith.xori %lt3A_24, %lt3A_26 : i1
    %and3A_28 = arith.andi %ne3A_27, %ne3A_23 : i1
    %add3A_29 = arith.addi %rem3A_21, %select_n3A_20 : i32
    %select_n3A_30 = arith.select %and3A_28, %add3A_29, %rem3A_21 : i32
    %mul3A_31 = arith.constant 680 : i32
    %mul3A_32 = arith.muli %select_n3A_30, %mul3A_31 : i32
    %rem3A_33 = arith.constant 0 : i32
    %rem3A_34 = arith.constant 2 : i32
    %rem3A_35 = arith.remsi %rem3A_33, %rem3A_34 : i32
    %add3A_36 = arith.constant 0 : i32
    %add3A_37 = arith.addi %mul3A_32, %add3A_36 : i32
    %dma_start3A = arith.constant 0 : i32
    %dma_start3A_38 = arith.constant 0 : i32
    %dma_start3A_39 = arith.constant 0 : i32
    %dma_start3A_40 = tpu.memref_slice %arg10[%rem3A_35, %dma_start3A, %dma_start3A_38, %dma_start3A_39] : memref<2x2x20x128xi32, #tpu.memory_space<vmem>> -> memref<1x1x20x128xi32, #tpu.memory_space<vmem>>
    %dma_start3A_41 = tpu.memref_squeeze %dma_start3A_40 : memref<1x1x20x128xi32, #tpu.memory_space<vmem>> -> memref<20x128xi32, #tpu.memory_space<vmem>>
    %dma_start3A_42 = arith.constant 0 : i32
    %dma_start3A_43 = tpu.memref_slice %arg2[%select_n3A, %add3A_37, %dma_start3A_42] : memref<4x5440x128xi32, #tpu.memory_space<hbm>> -> memref<1x20x128xi32, #tpu.memory_space<hbm>>
    %dma_start3A_44 = tpu.memref_squeeze %dma_start3A_43 : memref<1x20x128xi32, #tpu.memory_space<hbm>> -> memref<20x128xi32, #tpu.memory_space<hbm>>
    %dma_start3A_45 = arith.constant 0 : i32
    %dma_start3A_46 = arith.constant 0 : i32
    %dma_start3A_47 = tpu.memref_slice %arg10[%rem3A_35, %dma_start3A, %dma_start3A_45, %dma_start3A_46] : memref<2x2x20x128xi32, #tpu.memory_space<vmem>> -> memref<1x1x20x128xi32, #tpu.memory_space<vmem>>
    %dma_start3A_48 = tpu.memref_squeeze %dma_start3A_47 : memref<1x1x20x128xi32, #tpu.memory_space<vmem>> -> memref<20x128xi32, #tpu.memory_space<vmem>>
    %dma_start3A_49 = arith.constant 0 : i32
    %dma_start3A_50 = tpu.memref_slice %arg2[%select_n3A, %add3A_37, %dma_start3A_49] : memref<4x5440x128xi32, #tpu.memory_space<hbm>> -> memref<1x20x128xi32, #tpu.memory_space<hbm>>
    %dma_start3A_51 = tpu.memref_squeeze %dma_start3A_50 : memref<1x20x128xi32, #tpu.memory_space<hbm>> -> memref<20x128xi32, #tpu.memory_space<hbm>>
    tpu.enqueue_dma source(%dma_start3A_51 : memref<20x128xi32, #tpu.memory_space<hbm>>) target(%dma_start3A_48 : memref<20x128xi32, #tpu.memory_space<vmem>>) target_semaphore(%arg14 : memref<!tpu.dma_semaphore, #tpu.memory_space<semaphore_mem>>)
    %dma_start3A_52 = arith.constant 1 : i32
    %dma_start3A_53 = arith.constant 0 : i32
    %dma_start3A_54 = arith.constant 0 : i32
    %dma_start3A_55 = tpu.memref_slice %arg10[%rem3A_35, %dma_start3A_52, %dma_start3A_53, %dma_start3A_54] : memref<2x2x20x128xi32, #tpu.memory_space<vmem>> -> memref<1x1x20x128xi32, #tpu.memory_space<vmem>>
    %dma_start3A_56 = tpu.memref_squeeze %dma_start3A_55 : memref<1x1x20x128xi32, #tpu.memory_space<vmem>> -> memref<20x128xi32, #tpu.memory_space<vmem>>
    %dma_start3A_57 = arith.constant 0 : i32
    %dma_start3A_58 = tpu.memref_slice %arg3[%select_n3A, %add3A_37, %dma_start3A_57] : memref<4x5440x128xi32, #tpu.memory_space<hbm>> -> memref<1x20x128xi32, #tpu.memory_space<hbm>>
    %dma_start3A_59 = tpu.memref_squeeze %dma_start3A_58 : memref<1x20x128xi32, #tpu.memory_space<hbm>> -> memref<20x128xi32, #tpu.memory_space<hbm>>
    %dma_start3A_60 = arith.constant 0 : i32
    %dma_start3A_61 = arith.constant 0 : i32
    %dma_start3A_62 = tpu.memref_slice %arg10[%rem3A_35, %dma_start3A_52, %dma_start3A_60, %dma_start3A_61] : memref<2x2x20x128xi32, #tpu.memory_space<vmem>> -> memref<1x1x20x128xi32, #tpu.memory_space<vmem>>
    %dma_start3A_63 = tpu.memref_squeeze %dma_start3A_62 : memref<1x1x20x128xi32, #tpu.memory_space<vmem>> -> memref<20x128xi32, #tpu.memory_space<vmem>>
    %dma_start3A_64 = arith.constant 0 : i32
    %dma_start3A_65 = tpu.memref_slice %arg3[%select_n3A, %add3A_37, %dma_start3A_64] : memref<4x5440x128xi32, #tpu.memory_space<hbm>> -> memref<1x20x128xi32, #tpu.memory_space<hbm>>
    %dma_start3A_66 = tpu.memref_squeeze %dma_start3A_65 : memref<1x20x128xi32, #tpu.memory_space<hbm>> -> memref<20x128xi32, #tpu.memory_space<hbm>>
    tpu.enqueue_dma source(%dma_start3A_66 : memref<20x128xi32, #tpu.memory_space<hbm>>) target(%dma_start3A_63 : memref<20x128xi32, #tpu.memory_space<vmem>>) target_semaphore(%arg14 : memref<!tpu.dma_semaphore, #tpu.memory_space<semaphore_mem>>)
    %dma_start3A_67 = arith.constant 0 : i32
    %dma_start3A_68 = arith.constant 0 : i32
    %dma_start3A_69 = arith.constant 0 : i32
    %dma_start3A_70 = tpu.memref_slice %arg11[%rem3A_35, %dma_start3A_67, %dma_start3A_68, %dma_start3A_69] : memref<2x4x20x128xf32, #tpu.memory_space<vmem>> -> memref<1x1x20x128xf32, #tpu.memory_space<vmem>>
    %dma_start3A_71 = tpu.memref_squeeze %dma_start3A_70 : memref<1x1x20x128xf32, #tpu.memory_space<vmem>> -> memref<20x128xf32, #tpu.memory_space<vmem>>
    %dma_start3A_72 = arith.constant 0 : i32
    %dma_start3A_73 = tpu.memref_slice %arg4[%select_n3A, %add3A_37, %dma_start3A_72] : memref<4x5440x128xf32, #tpu.memory_space<hbm>> -> memref<1x20x128xf32, #tpu.memory_space<hbm>>
    %dma_start3A_74 = tpu.memref_squeeze %dma_start3A_73 : memref<1x20x128xf32, #tpu.memory_space<hbm>> -> memref<20x128xf32, #tpu.memory_space<hbm>>
    %dma_start3A_75 = arith.constant 0 : i32
    %dma_start3A_76 = arith.constant 0 : i32
    %dma_start3A_77 = tpu.memref_slice %arg11[%rem3A_35, %dma_start3A_67, %dma_start3A_75, %dma_start3A_76] : memref<2x4x20x128xf32, #tpu.memory_space<vmem>> -> memref<1x1x20x128xf32, #tpu.memory_space<vmem>>
    %dma_start3A_78 = tpu.memref_squeeze %dma_start3A_77 : memref<1x1x20x128xf32, #tpu.memory_space<vmem>> -> memref<20x128xf32, #tpu.memory_space<vmem>>
    %dma_start3A_79 = arith.constant 0 : i32
    %dma_start3A_80 = tpu.memref_slice %arg4[%select_n3A, %add3A_37, %dma_start3A_79] : memref<4x5440x128xf32, #tpu.memory_space<hbm>> -> memref<1x20x128xf32, #tpu.memory_space<hbm>>
    %dma_start3A_81 = tpu.memref_squeeze %dma_start3A_80 : memref<1x20x128xf32, #tpu.memory_space<hbm>> -> memref<20x128xf32, #tpu.memory_space<hbm>>
    tpu.enqueue_dma source(%dma_start3A_81 : memref<20x128xf32, #tpu.memory_space<hbm>>) target(%dma_start3A_78 : memref<20x128xf32, #tpu.memory_space<vmem>>) target_semaphore(%arg14 : memref<!tpu.dma_semaphore, #tpu.memory_space<semaphore_mem>>)
    %dma_start3A_82 = arith.constant 1 : i32
    %dma_start3A_83 = arith.constant 0 : i32
    %dma_start3A_84 = arith.constant 0 : i32
    %dma_start3A_85 = tpu.memref_slice %arg11[%rem3A_35, %dma_start3A_82, %dma_start3A_83, %dma_start3A_84] : memref<2x4x20x128xf32, #tpu.memory_space<vmem>> -> memref<1x1x20x128xf32, #tpu.memory_space<vmem>>
    %dma_start3A_86 = tpu.memref_squeeze %dma_start3A_85 : memref<1x1x20x128xf32, #tpu.memory_space<vmem>> -> memref<20x128xf32, #tpu.memory_space<vmem>>
    %dma_start3A_87 = arith.constant 0 : i32
    %dma_start3A_88 = tpu.memref_slice %arg5[%select_n3A, %add3A_37, %dma_start3A_87] : memref<4x5440x128xf32, #tpu.memory_space<hbm>> -> memref<1x20x128xf32, #tpu.memory_space<hbm>>
    %dma_start3A_89 = tpu.memref_squeeze %dma_start3A_88 : memref<1x20x128xf32, #tpu.memory_space<hbm>> -> memref<20x128xf32, #tpu.memory_space<hbm>>
    %dma_start3A_90 = arith.constant 0 : i32
    %dma_start3A_91 = arith.constant 0 : i32
    %dma_start3A_92 = tpu.memref_slice %arg11[%rem3A_35, %dma_start3A_82, %dma_start3A_90, %dma_start3A_91] : memref<2x4x20x128xf32, #tpu.memory_space<vmem>> -> memref<1x1x20x128xf32, #tpu.memory_space<vmem>>
    %dma_start3A_93 = tpu.memref_squeeze %dma_start3A_92 : memref<1x1x20x128xf32, #tpu.memory_space<vmem>> -> memref<20x128xf32, #tpu.memory_space<vmem>>
    %dma_start3A_94 = arith.constant 0 : i32
    %dma_start3A_95 = tpu.memref_slice %arg5[%select_n3A, %add3A_37, %dma_start3A_94] : memref<4x5440x128xf32, #tpu.memory_space<hbm>> -> memref<1x20x128xf32, #tpu.memory_space<hbm>>
    %dma_start3A_96 = tpu.memref_squeeze %dma_start3A_95 : memref<1x20x128xf32, #tpu.memory_space<hbm>> -> memref<20x128xf32, #tpu.memory_space<hbm>>
    tpu.enqueue_dma source(%dma_start3A_96 : memref<20x128xf32, #tpu.memory_space<hbm>>) target(%dma_start3A_93 : memref<20x128xf32, #tpu.memory_space<vmem>>) target_semaphore(%arg14 : memref<!tpu.dma_semaphore, #tpu.memory_space<semaphore_mem>>)
    %dma_start3A_97 = arith.constant 2 : i32
    %dma_start3A_98 = arith.constant 0 : i32
    %dma_start3A_99 = arith.constant 0 : i32
    %dma_start3A_100 = tpu.memref_slice %arg11[%rem3A_35, %dma_start3A_97, %dma_start3A_98, %dma_start3A_99] : memref<2x4x20x128xf32, #tpu.memory_space<vmem>> -> memref<1x1x20x128xf32, #tpu.memory_space<vmem>>
    %dma_start3A_101 = tpu.memref_squeeze %dma_start3A_100 : memref<1x1x20x128xf32, #tpu.memory_space<vmem>> -> memref<20x128xf32, #tpu.memory_space<vmem>>
    %dma_start3A_102 = arith.constant 0 : i32
    %dma_start3A_103 = tpu.memref_slice %arg6[%select_n3A, %add3A_37, %dma_start3A_102] : memref<4x5440x128xf32, #tpu.memory_space<hbm>> -> memref<1x20x128xf32, #tpu.memory_space<hbm>>
    %dma_start3A_104 = tpu.memref_squeeze %dma_start3A_103 : memref<1x20x128xf32, #tpu.memory_space<hbm>> -> memref<20x128xf32, #tpu.memory_space<hbm>>
    %dma_start3A_105 = arith.constant 0 : i32
    %dma_start3A_106 = arith.constant 0 : i32
    %dma_start3A_107 = tpu.memref_slice %arg11[%rem3A_35, %dma_start3A_97, %dma_start3A_105, %dma_start3A_106] : memref<2x4x20x128xf32, #tpu.memory_space<vmem>> -> memref<1x1x20x128xf32, #tpu.memory_space<vmem>>
    %dma_start3A_108 = tpu.memref_squeeze %dma_start3A_107 : memref<1x1x20x128xf32, #tpu.memory_space<vmem>> -> memref<20x128xf32, #tpu.memory_space<vmem>>
    %dma_start3A_109 = arith.constant 0 : i32
    %dma_start3A_110 = tpu.memref_slice %arg6[%select_n3A, %add3A_37, %dma_start3A_109] : memref<4x5440x128xf32, #tpu.memory_space<hbm>> -> memref<1x20x128xf32, #tpu.memory_space<hbm>>
    %dma_start3A_111 = tpu.memref_squeeze %dma_start3A_110 : memref<1x20x128xf32, #tpu.memory_space<hbm>> -> memref<20x128xf32, #tpu.memory_space<hbm>>
    tpu.enqueue_dma source(%dma_start3A_111 : memref<20x128xf32, #tpu.memory_space<hbm>>) target(%dma_start3A_108 : memref<20x128xf32, #tpu.memory_space<vmem>>) target_semaphore(%arg14 : memref<!tpu.dma_semaphore, #tpu.memory_space<semaphore_mem>>)
    %dma_start3A_112 = arith.constant 3 : i32
    %dma_start3A_113 = arith.constant 0 : i32
    %dma_start3A_114 = arith.constant 0 : i32
    %dma_start3A_115 = tpu.memref_slice %arg11[%rem3A_35, %dma_start3A_112, %dma_start3A_113, %dma_start3A_114] : memref<2x4x20x128xf32, #tpu.memory_space<vmem>> -> memref<1x1x20x128xf32, #tpu.memory_space<vmem>>
    %dma_start3A_116 = tpu.memref_squeeze %dma_start3A_115 : memref<1x1x20x128xf32, #tpu.memory_space<vmem>> -> memref<20x128xf32, #tpu.memory_space<vmem>>
    %dma_start3A_117 = arith.constant 0 : i32
    %dma_start3A_118 = tpu.memref_slice %arg7[%select_n3A, %add3A_37, %dma_start3A_117] : memref<4x5440x128xf32, #tpu.memory_space<hbm>> -> memref<1x20x128xf32, #tpu.memory_space<hbm>>
    %dma_start3A_119 = tpu.memref_squeeze %dma_start3A_118 : memref<1x20x128xf32, #tpu.memory_space<hbm>> -> memref<20x128xf32, #tpu.memory_space<hbm>>
    %dma_start3A_120 = arith.constant 0 : i32
    %dma_start3A_121 = arith.constant 0 : i32
    %dma_start3A_122 = tpu.memref_slice %arg11[%rem3A_35, %dma_start3A_112, %dma_start3A_120, %dma_start3A_121] : memref<2x4x20x128xf32, #tpu.memory_space<vmem>> -> memref<1x1x20x128xf32, #tpu.memory_space<vmem>>
    %dma_start3A_123 = tpu.memref_squeeze %dma_start3A_122 : memref<1x1x20x128xf32, #tpu.memory_space<vmem>> -> memref<20x128xf32, #tpu.memory_space<vmem>>
    %dma_start3A_124 = arith.constant 0 : i32
    %dma_start3A_125 = tpu.memref_slice %arg7[%select_n3A, %add3A_37, %dma_start3A_124] : memref<4x5440x128xf32, #tpu.memory_space<hbm>> -> memref<1x20x128xf32, #tpu.memory_space<hbm>>
    %dma_start3A_126 = tpu.memref_squeeze %dma_start3A_125 : memref<1x20x128xf32, #tpu.memory_space<hbm>> -> memref<20x128xf32, #tpu.memory_space<hbm>>
    tpu.enqueue_dma source(%dma_start3A_126 : memref<20x128xf32, #tpu.memory_space<hbm>>) target(%dma_start3A_123 : memref<20x128xf32, #tpu.memory_space<vmem>>) target_semaphore(%arg14 : memref<!tpu.dma_semaphore, #tpu.memory_space<semaphore_mem>>)
    %dma_wait3A = arith.constant 0 : i32
    %dma_wait3A_127 = arith.constant 0 : i32
    %dma_wait3A_128 = arith.constant 0 : i32
    %dma_wait3A_129 = arith.constant 0 : i32
    %dma_wait3A_130 = tpu.memref_slice %arg10[%dma_wait3A, %dma_wait3A_127, %dma_wait3A_128, %dma_wait3A_129] : memref<2x2x20x128xi32, #tpu.memory_space<vmem>> -> memref<1x1x20x128xi32, #tpu.memory_space<vmem>>
    %dma_wait3A_131 = tpu.memref_squeeze %dma_wait3A_130 : memref<1x1x20x128xi32, #tpu.memory_space<vmem>> -> memref<20x128xi32, #tpu.memory_space<vmem>>
    %dma_wait3A_132 = arith.constant 0 : i32
    %dma_wait3A_133 = tpu.memref_slice %arg2[%select_n3A, %mul3A_32, %dma_wait3A_132] : memref<4x5440x128xi32, #tpu.memory_space<hbm>> -> memref<1x20x128xi32, #tpu.memory_space<hbm>>
    %dma_wait3A_134 = tpu.memref_squeeze %dma_wait3A_133 : memref<1x20x128xi32, #tpu.memory_space<hbm>> -> memref<20x128xi32, #tpu.memory_space<hbm>>
    %dma_wait3A_135 = arith.constant 0 : i32
    %dma_wait3A_136 = arith.constant 0 : i32
    %dma_wait3A_137 = tpu.memref_slice %arg10[%dma_wait3A, %dma_wait3A_127, %dma_wait3A_135, %dma_wait3A_136] : memref<2x2x20x128xi32, #tpu.memory_space<vmem>> -> memref<1x1x20x128xi32, #tpu.memory_space<vmem>>
    %dma_wait3A_138 = tpu.memref_squeeze %dma_wait3A_137 : memref<1x1x20x128xi32, #tpu.memory_space<vmem>> -> memref<20x128xi32, #tpu.memory_space<vmem>>
    %dma_wait3A_139 = arith.constant 0 : i32
    %dma_wait3A_140 = tpu.memref_slice %arg2[%select_n3A, %mul3A_32, %dma_wait3A_139] : memref<4x5440x128xi32, #tpu.memory_space<hbm>> -> memref<1x20x128xi32, #tpu.memory_space<hbm>>
    %dma_wait3A_141 = tpu.memref_squeeze %dma_wait3A_140 : memref<1x20x128xi32, #tpu.memory_space<hbm>> -> memref<20x128xi32, #tpu.memory_space<hbm>>
    tpu.wait_dma2 semaphore(%arg14 : memref<!tpu.dma_semaphore, #tpu.memory_space<semaphore_mem>>) src(%dma_wait3A_141 : memref<20x128xi32, #tpu.memory_space<hbm>>) dst(%dma_wait3A_138 : memref<20x128xi32, #tpu.memory_space<vmem>>)
    %dma_wait3A_142 = arith.constant 0 : i32
    %dma_wait3A_143 = arith.constant 1 : i32
    %dma_wait3A_144 = arith.constant 0 : i32
    %dma_wait3A_145 = arith.constant 0 : i32
    %dma_wait3A_146 = tpu.memref_slice %arg10[%dma_wait3A_142, %dma_wait3A_143, %dma_wait3A_144, %dma_wait3A_145] : memref<2x2x20x128xi32, #tpu.memory_space<vmem>> -> memref<1x1x20x128xi32, #tpu.memory_space<vmem>>
    %dma_wait3A_147 = tpu.memref_squeeze %dma_wait3A_146 : memref<1x1x20x128xi32, #tpu.memory_space<vmem>> -> memref<20x128xi32, #tpu.memory_space<vmem>>
    %dma_wait3A_148 = arith.constant 0 : i32
    %dma_wait3A_149 = tpu.memref_slice %arg3[%select_n3A, %mul3A_32, %dma_wait3A_148] : memref<4x5440x128xi32, #tpu.memory_space<hbm>> -> memref<1x20x128xi32, #tpu.memory_space<hbm>>
    %dma_wait3A_150 = tpu.memref_squeeze %dma_wait3A_149 : memref<1x20x128xi32, #tpu.memory_space<hbm>> -> memref<20x128xi32, #tpu.memory_space<hbm>>
    %dma_wait3A_151 = arith.constant 0 : i32
    %dma_wait3A_152 = arith.constant 0 : i32
    %dma_wait3A_153 = tpu.memref_slice %arg10[%dma_wait3A_142, %dma_wait3A_143, %dma_wait3A_151, %dma_wait3A_152] : memref<2x2x20x128xi32, #tpu.memory_space<vmem>> -> memref<1x1x20x128xi32, #tpu.memory_space<vmem>>
    %dma_wait3A_154 = tpu.memref_squeeze %dma_wait3A_153 : memref<1x1x20x128xi32, #tpu.memory_space<vmem>> -> memref<20x128xi32, #tpu.memory_space<vmem>>
    %dma_wait3A_155 = arith.constant 0 : i32
    %dma_wait3A_156 = tpu.memref_slice %arg3[%select_n3A, %mul3A_32, %dma_wait3A_155] : memref<4x5440x128xi32, #tpu.memory_space<hbm>> -> memref<1x20x128xi32, #tpu.memory_space<hbm>>
    %dma_wait3A_157 = tpu.memref_squeeze %dma_wait3A_156 : memref<1x20x128xi32, #tpu.memory_space<hbm>> -> memref<20x128xi32, #tpu.memory_space<hbm>>
    tpu.wait_dma2 semaphore(%arg14 : memref<!tpu.dma_semaphore, #tpu.memory_space<semaphore_mem>>) src(%dma_wait3A_157 : memref<20x128xi32, #tpu.memory_space<hbm>>) dst(%dma_wait3A_154 : memref<20x128xi32, #tpu.memory_space<vmem>>)
    %dma_wait3A_158 = arith.constant 0 : i32
    %dma_wait3A_159 = arith.constant 0 : i32
    %dma_wait3A_160 = arith.constant 0 : i32
    %dma_wait3A_161 = arith.constant 0 : i32
    %dma_wait3A_162 = tpu.memref_slice %arg11[%dma_wait3A_158, %dma_wait3A_159, %dma_wait3A_160, %dma_wait3A_161] : memref<2x4x20x128xf32, #tpu.memory_space<vmem>> -> memref<1x1x20x128xf32, #tpu.memory_space<vmem>>
    %dma_wait3A_163 = tpu.memref_squeeze %dma_wait3A_162 : memref<1x1x20x128xf32, #tpu.memory_space<vmem>> -> memref<20x128xf32, #tpu.memory_space<vmem>>
    %dma_wait3A_164 = arith.constant 0 : i32
    %dma_wait3A_165 = tpu.memref_slice %arg4[%select_n3A, %mul3A_32, %dma_wait3A_164] : memref<4x5440x128xf32, #tpu.memory_space<hbm>> -> memref<1x20x128xf32, #tpu.memory_space<hbm>>
    %dma_wait3A_166 = tpu.memref_squeeze %dma_wait3A_165 : memref<1x20x128xf32, #tpu.memory_space<hbm>> -> memref<20x128xf32, #tpu.memory_space<hbm>>
    %dma_wait3A_167 = arith.constant 0 : i32
    %dma_wait3A_168 = arith.constant 0 : i32
    %dma_wait3A_169 = tpu.memref_slice %arg11[%dma_wait3A_158, %dma_wait3A_159, %dma_wait3A_167, %dma_wait3A_168] : memref<2x4x20x128xf32, #tpu.memory_space<vmem>> -> memref<1x1x20x128xf32, #tpu.memory_space<vmem>>
    %dma_wait3A_170 = tpu.memref_squeeze %dma_wait3A_169 : memref<1x1x20x128xf32, #tpu.memory_space<vmem>> -> memref<20x128xf32, #tpu.memory_space<vmem>>
    %dma_wait3A_171 = arith.constant 0 : i32
    %dma_wait3A_172 = tpu.memref_slice %arg4[%select_n3A, %mul3A_32, %dma_wait3A_171] : memref<4x5440x128xf32, #tpu.memory_space<hbm>> -> memref<1x20x128xf32, #tpu.memory_space<hbm>>
    %dma_wait3A_173 = tpu.memref_squeeze %dma_wait3A_172 : memref<1x20x128xf32, #tpu.memory_space<hbm>> -> memref<20x128xf32, #tpu.memory_space<hbm>>
    tpu.wait_dma2 semaphore(%arg14 : memref<!tpu.dma_semaphore, #tpu.memory_space<semaphore_mem>>) src(%dma_wait3A_173 : memref<20x128xf32, #tpu.memory_space<hbm>>) dst(%dma_wait3A_170 : memref<20x128xf32, #tpu.memory_space<vmem>>)
    %dma_wait3A_174 = arith.constant 0 : i32
    %dma_wait3A_175 = arith.constant 1 : i32
    %dma_wait3A_176 = arith.constant 0 : i32
    %dma_wait3A_177 = arith.constant 0 : i32
    %dma_wait3A_178 = tpu.memref_slice %arg11[%dma_wait3A_174, %dma_wait3A_175, %dma_wait3A_176, %dma_wait3A_177] : memref<2x4x20x128xf32, #tpu.memory_space<vmem>> -> memref<1x1x20x128xf32, #tpu.memory_space<vmem>>
    %dma_wait3A_179 = tpu.memref_squeeze %dma_wait3A_178 : memref<1x1x20x128xf32, #tpu.memory_space<vmem>> -> memref<20x128xf32, #tpu.memory_space<vmem>>
    %dma_wait3A_180 = arith.constant 0 : i32
    %dma_wait3A_181 = tpu.memref_slice %arg5[%select_n3A, %mul3A_32, %dma_wait3A_180] : memref<4x5440x128xf32, #tpu.memory_space<hbm>> -> memref<1x20x128xf32, #tpu.memory_space<hbm>>
    %dma_wait3A_182 = tpu.memref_squeeze %dma_wait3A_181 : memref<1x20x128xf32, #tpu.memory_space<hbm>> -> memref<20x128xf32, #tpu.memory_space<hbm>>
    %dma_wait3A_183 = arith.constant 0 : i32
    %dma_wait3A_184 = arith.constant 0 : i32
    %dma_wait3A_185 = tpu.memref_slice %arg11[%dma_wait3A_174, %dma_wait3A_175, %dma_wait3A_183, %dma_wait3A_184] : memref<2x4x20x128xf32, #tpu.memory_space<vmem>> -> memref<1x1x20x128xf32, #tpu.memory_space<vmem>>
    %dma_wait3A_186 = tpu.memref_squeeze %dma_wait3A_185 : memref<1x1x20x128xf32, #tpu.memory_space<vmem>> -> memref<20x128xf32, #tpu.memory_space<vmem>>
    %dma_wait3A_187 = arith.constant 0 : i32
    %dma_wait3A_188 = tpu.memref_slice %arg5[%select_n3A, %mul3A_32, %dma_wait3A_187] : memref<4x5440x128xf32, #tpu.memory_space<hbm>> -> memref<1x20x128xf32, #tpu.memory_space<hbm>>
    %dma_wait3A_189 = tpu.memref_squeeze %dma_wait3A_188 : memref<1x20x128xf32, #tpu.memory_space<hbm>> -> memref<20x128xf32, #tpu.memory_space<hbm>>
    tpu.wait_dma2 semaphore(%arg14 : memref<!tpu.dma_semaphore, #tpu.memory_space<semaphore_mem>>) src(%dma_wait3A_189 : memref<20x128xf32, #tpu.memory_space<hbm>>) dst(%dma_wait3A_186 : memref<20x128xf32, #tpu.memory_space<vmem>>)
    %dma_wait3A_190 = arith.constant 0 : i32
    %dma_wait3A_191 = arith.constant 2 : i32
    %dma_wait3A_192 = arith.constant 0 : i32
    %dma_wait3A_193 = arith.constant 0 : i32
    %dma_wait3A_194 = tpu.memref_slice %arg11[%dma_wait3A_190, %dma_wait3A_191, %dma_wait3A_192, %dma_wait3A_193] : memref<2x4x20x128xf32, #tpu.memory_space<vmem>> -> memref<1x1x20x128xf32, #tpu.memory_space<vmem>>
    %dma_wait3A_195 = tpu.memref_squeeze %dma_wait3A_194 : memref<1x1x20x128xf32, #tpu.memory_space<vmem>> -> memref<20x128xf32, #tpu.memory_space<vmem>>
    %dma_wait3A_196 = arith.constant 0 : i32
    %dma_wait3A_197 = tpu.memref_slice %arg6[%select_n3A, %mul3A_32, %dma_wait3A_196] : memref<4x5440x128xf32, #tpu.memory_space<hbm>> -> memref<1x20x128xf32, #tpu.memory_space<hbm>>
    %dma_wait3A_198 = tpu.memref_squeeze %dma_wait3A_197 : memref<1x20x128xf32, #tpu.memory_space<hbm>> -> memref<20x128xf32, #tpu.memory_space<hbm>>
    %dma_wait3A_199 = arith.constant 0 : i32
    %dma_wait3A_200 = arith.constant 0 : i32
    %dma_wait3A_201 = tpu.memref_slice %arg11[%dma_wait3A_190, %dma_wait3A_191, %dma_wait3A_199, %dma_wait3A_200] : memref<2x4x20x128xf32, #tpu.memory_space<vmem>> -> memref<1x1x20x128xf32, #tpu.memory_space<vmem>>
    %dma_wait3A_202 = tpu.memref_squeeze %dma_wait3A_201 : memref<1x1x20x128xf32, #tpu.memory_space<vmem>> -> memref<20x128xf32, #tpu.memory_space<vmem>>
    %dma_wait3A_203 = arith.constant 0 : i32
    %dma_wait3A_204 = tpu.memref_slice %arg6[%select_n3A, %mul3A_32, %dma_wait3A_203] : memref<4x5440x128xf32, #tpu.memory_space<hbm>> -> memref<1x20x128xf32, #tpu.memory_space<hbm>>
    %dma_wait3A_205 = tpu.memref_squeeze %dma_wait3A_204 : memref<1x20x128xf32, #tpu.memory_space<hbm>> -> memref<20x128xf32, #tpu.memory_space<hbm>>
    tpu.wait_dma2 semaphore(%arg14 : memref<!tpu.dma_semaphore, #tpu.memory_space<semaphore_mem>>) src(%dma_wait3A_205 : memref<20x128xf32, #tpu.memory_space<hbm>>) dst(%dma_wait3A_202 : memref<20x128xf32, #tpu.memory_space<vmem>>)
    %dma_wait3A_206 = arith.constant 0 : i32
    %dma_wait3A_207 = arith.constant 3 : i32
    %dma_wait3A_208 = arith.constant 0 : i32
    %dma_wait3A_209 = arith.constant 0 : i32
    %dma_wait3A_210 = tpu.memref_slice %arg11[%dma_wait3A_206, %dma_wait3A_207, %dma_wait3A_208, %dma_wait3A_209] : memref<2x4x20x128xf32, #tpu.memory_space<vmem>> -> memref<1x1x20x128xf32, #tpu.memory_space<vmem>>
    %dma_wait3A_211 = tpu.memref_squeeze %dma_wait3A_210 : memref<1x1x20x128xf32, #tpu.memory_space<vmem>> -> memref<20x128xf32, #tpu.memory_space<vmem>>
    %dma_wait3A_212 = arith.constant 0 : i32
    %dma_wait3A_213 = tpu.memref_slice %arg7[%select_n3A, %mul3A_32, %dma_wait3A_212] : memref<4x5440x128xf32, #tpu.memory_space<hbm>> -> memref<1x20x128xf32, #tpu.memory_space<hbm>>
    %dma_wait3A_214 = tpu.memref_squeeze %dma_wait3A_213 : memref<1x20x128xf32, #tpu.memory_space<hbm>> -> memref<20x128xf32, #tpu.memory_space<hbm>>
    %dma_wait3A_215 = arith.constant 0 : i32
    %dma_wait3A_216 = arith.constant 0 : i32
    %dma_wait3A_217 = tpu.memref_slice %arg11[%dma_wait3A_206, %dma_wait3A_207, %dma_wait3A_215, %dma_wait3A_216] : memref<2x4x20x128xf32, #tpu.memory_space<vmem>> -> memref<1x1x20x128xf32, #tpu.memory_space<vmem>>
    %dma_wait3A_218 = tpu.memref_squeeze %dma_wait3A_217 : memref<1x1x20x128xf32, #tpu.memory_space<vmem>> -> memref<20x128xf32, #tpu.memory_space<vmem>>
    %dma_wait3A_219 = arith.constant 0 : i32
    %dma_wait3A_220 = tpu.memref_slice %arg7[%select_n3A, %mul3A_32, %dma_wait3A_219] : memref<4x5440x128xf32, #tpu.memory_space<hbm>> -> memref<1x20x128xf32, #tpu.memory_space<hbm>>
    %dma_wait3A_221 = tpu.memref_squeeze %dma_wait3A_220 : memref<1x20x128xf32, #tpu.memory_space<hbm>> -> memref<20x128xf32, #tpu.memory_space<hbm>>
    tpu.wait_dma2 semaphore(%arg14 : memref<!tpu.dma_semaphore, #tpu.memory_space<semaphore_mem>>) src(%dma_wait3A_221 : memref<20x128xf32, #tpu.memory_space<hbm>>) dst(%dma_wait3A_218 : memref<20x128xf32, #tpu.memory_space<vmem>>)
    %rem3A_222 = arith.constant 0 : i32
    %rem3A_223 = arith.constant 5 : i32
    %rem3A_224 = arith.remsi %rem3A_222, %rem3A_223 : i32
    %rem3A_225 = arith.constant 0 : i32
    %rem3A_226 = arith.constant 2 : i32
    %rem3A_227 = arith.remsi %rem3A_225, %rem3A_226 : i32
    %rem3A_228 = arith.constant 0 : i32
    %rem3A_229 = arith.constant 2 : i32
    %rem3A_230 = arith.remsi %rem3A_228, %rem3A_229 : i32
    %mul3A_231 = arith.constant 4 : i32
    %mul3A_232 = arith.muli %rem3A_224, %mul3A_231 : i32
    %add3A_233 = arith.constant 0 : i32
    %add3A_234 = arith.addi %mul3A_232, %add3A_233 : i32
    %dma_start3A_235 = arith.constant 0 : i32
    %dma_start3A_236 = arith.constant 0 : i32
    %dma_start3A_237 = arith.constant 0 : i32
    %dma_start3A_238 = arith.constant 0 : i32
    %dma_start3A_239 = arith.constant 0 : i32
    %dma_start3A_240 = tpu.memref_slice %arg12[%rem3A_230, %dma_start3A_236, %dma_start3A_237, %dma_start3A_238, %dma_start3A_239] : memref<2x2x4x128x32xi32, #tpu.memory_space<vmem>> -> memref<1x1x1x128x32xi32, #tpu.memory_space<vmem>>
    %dma_start3A_241 = tpu.memref_squeeze %dma_start3A_240 : memref<1x1x1x128x32xi32, #tpu.memory_space<vmem>> -> memref<128x32xi32, #tpu.memory_space<vmem>>
    %dma_start3A_242 = arith.constant 0 : i32
    %dma_start3A_243 = tpu.memref_slice %arg10[%rem3A_227, %dma_start3A_235, %add3A_234, %dma_start3A_242] : memref<2x2x20x128xi32, #tpu.memory_space<vmem>> -> memref<1x1x1x128xi32, #tpu.memory_space<vmem>>
    %dma_start3A_244 = tpu.memref_squeeze %dma_start3A_243 : memref<1x1x1x128xi32, #tpu.memory_space<vmem>> -> memref<128xi32, #tpu.memory_space<vmem>>
    %dma_start3A_245 = arith.constant 0 : i32
    %dma_start3A_246 = arith.constant 0 : i32
    %dma_start3A_247 = tpu.memref_slice %arg8[%dma_start3A_245, %dma_start3A_246] : memref<174080x32xi32, #tpu.memory_space<hbm>> -> memref<174080x32xi32, #tpu.memory_space<hbm>>
    %dma_start3A_248 = tpu.memref_slice %arg15[%rem3A_230] : memref<2x!tpu.dma_semaphore, #tpu.memory_space<semaphore_mem>> -> memref<1x!tpu.dma_semaphore, #tpu.memory_space<semaphore_mem>>
    %dma_start3A_249 = tpu.memref_squeeze %dma_start3A_248 : memref<1x!tpu.dma_semaphore, #tpu.memory_space<semaphore_mem>> -> memref<!tpu.dma_semaphore, #tpu.memory_space<semaphore_mem>>
    tpu.enqueue_indirect_dma source(%dma_start3A_247 : memref<174080x32xi32, #tpu.memory_space<hbm>>) target(%dma_start3A_241 : memref<128x32xi32, #tpu.memory_space<vmem>>) offsets(%dma_start3A_244 : memref<128xi32, #tpu.memory_space<vmem>>) semaphore(%dma_start3A_249 : memref<!tpu.dma_semaphore, #tpu.memory_space<semaphore_mem>>)
    %mul3A_250 = arith.constant 4 : i32
    %mul3A_251 = arith.muli %rem3A_224, %mul3A_250 : i32
    %add3A_252 = arith.constant 1 : i32
    %add3A_253 = arith.addi %mul3A_251, %add3A_252 : i32
    %dma_start3A_254 = arith.constant 0 : i32
    %dma_start3A_255 = arith.constant 0 : i32
    %dma_start3A_256 = arith.constant 1 : i32
    %dma_start3A_257 = arith.constant 0 : i32
    %dma_start3A_258 = arith.constant 0 : i32
    %dma_start3A_259 = tpu.memref_slice %arg12[%rem3A_230, %dma_start3A_255, %dma_start3A_256, %dma_start3A_257, %dma_start3A_258] : memref<2x2x4x128x32xi32, #tpu.memory_space<vmem>> -> memref<1x1x1x128x32xi32, #tpu.memory_space<vmem>>
    %dma_start3A_260 = tpu.memref_squeeze %dma_start3A_259 : memref<1x1x1x128x32xi32, #tpu.memory_space<vmem>> -> memref<128x32xi32, #tpu.memory_space<vmem>>
    %dma_start3A_261 = arith.constant 0 : i32
    %dma_start3A_262 = tpu.memref_slice %arg10[%rem3A_227, %dma_start3A_254, %add3A_253, %dma_start3A_261] : memref<2x2x20x128xi32, #tpu.memory_space<vmem>> -> memref<1x1x1x128xi32, #tpu.memory_space<vmem>>
    %dma_start3A_263 = tpu.memref_squeeze %dma_start3A_262 : memref<1x1x1x128xi32, #tpu.memory_space<vmem>> -> memref<128xi32, #tpu.memory_space<vmem>>
    %dma_start3A_264 = arith.constant 0 : i32
    %dma_start3A_265 = arith.constant 0 : i32
    %dma_start3A_266 = tpu.memref_slice %arg8[%dma_start3A_264, %dma_start3A_265] : memref<174080x32xi32, #tpu.memory_space<hbm>> -> memref<174080x32xi32, #tpu.memory_space<hbm>>
    %dma_start3A_267 = tpu.memref_slice %arg15[%rem3A_230] : memref<2x!tpu.dma_semaphore, #tpu.memory_space<semaphore_mem>> -> memref<1x!tpu.dma_semaphore, #tpu.memory_space<semaphore_mem>>
    %dma_start3A_268 = tpu.memref_squeeze %dma_start3A_267 : memref<1x!tpu.dma_semaphore, #tpu.memory_space<semaphore_mem>> -> memref<!tpu.dma_semaphore, #tpu.memory_space<semaphore_mem>>
    tpu.enqueue_indirect_dma source(%dma_start3A_266 : memref<174080x32xi32, #tpu.memory_space<hbm>>) target(%dma_start3A_260 : memref<128x32xi32, #tpu.memory_space<vmem>>) offsets(%dma_start3A_263 : memref<128xi32, #tpu.memory_space<vmem>>) semaphore(%dma_start3A_268 : memref<!tpu.dma_semaphore, #tpu.memory_space<semaphore_mem>>)
    %mul3A_269 = arith.constant 4 : i32
    %mul3A_270 = arith.muli %rem3A_224, %mul3A_269 : i32
    %add3A_271 = arith.constant 2 : i32
    %add3A_272 = arith.addi %mul3A_270, %add3A_271 : i32
    %dma_start3A_273 = arith.constant 0 : i32
    %dma_start3A_274 = arith.constant 0 : i32
    %dma_start3A_275 = arith.constant 2 : i32
    %dma_start3A_276 = arith.constant 0 : i32
    %dma_start3A_277 = arith.constant 0 : i32
    %dma_start3A_278 = tpu.memref_slice %arg12[%rem3A_230, %dma_start3A_274, %dma_start3A_275, %dma_start3A_276, %dma_start3A_277] : memref<2x2x4x128x32xi32, #tpu.memory_space<vmem>> -> memref<1x1x1x128x32xi32, #tpu.memory_space<vmem>>
    %dma_start3A_279 = tpu.memref_squeeze %dma_start3A_278 : memref<1x1x1x128x32xi32, #tpu.memory_space<vmem>> -> memref<128x32xi32, #tpu.memory_space<vmem>>
    %dma_start3A_280 = arith.constant 0 : i32
    %dma_start3A_281 = tpu.memref_slice %arg10[%rem3A_227, %dma_start3A_273, %add3A_272, %dma_start3A_280] : memref<2x2x20x128xi32, #tpu.memory_space<vmem>> -> memref<1x1x1x128xi32, #tpu.memory_space<vmem>>
    %dma_start3A_282 = tpu.memref_squeeze %dma_start3A_281 : memref<1x1x1x128xi32, #tpu.memory_space<vmem>> -> memref<128xi32, #tpu.memory_space<vmem>>
    %dma_start3A_283 = arith.constant 0 : i32
    %dma_start3A_284 = arith.constant 0 : i32
    %dma_start3A_285 = tpu.memref_slice %arg8[%dma_start3A_283, %dma_start3A_284] : memref<174080x32xi32, #tpu.memory_space<hbm>> -> memref<174080x32xi32, #tpu.memory_space<hbm>>
    %dma_start3A_286 = tpu.memref_slice %arg15[%rem3A_230] : memref<2x!tpu.dma_semaphore, #tpu.memory_space<semaphore_mem>> -> memref<1x!tpu.dma_semaphore, #tpu.memory_space<semaphore_mem>>
    %dma_start3A_287 = tpu.memref_squeeze %dma_start3A_286 : memref<1x!tpu.dma_semaphore, #tpu.memory_space<semaphore_mem>> -> memref<!tpu.dma_semaphore, #tpu.memory_space<semaphore_mem>>
    tpu.enqueue_indirect_dma source(%dma_start3A_285 : memref<174080x32xi32, #tpu.memory_space<hbm>>) target(%dma_start3A_279 : memref<128x32xi32, #tpu.memory_space<vmem>>) offsets(%dma_start3A_282 : memref<128xi32, #tpu.memory_space<vmem>>) semaphore(%dma_start3A_287 : memref<!tpu.dma_semaphore, #tpu.memory_space<semaphore_mem>>)
    %mul3A_288 = arith.constant 4 : i32
    %mul3A_289 = arith.muli %rem3A_224, %mul3A_288 : i32
    %add3A_290 = arith.constant 3 : i32
    %add3A_291 = arith.addi %mul3A_289, %add3A_290 : i32
    %dma_start3A_292 = arith.constant 0 : i32
    %dma_start3A_293 = arith.constant 0 : i32
    %dma_start3A_294 = arith.constant 3 : i32
    %dma_start3A_295 = arith.constant 0 : i32
    %dma_start3A_296 = arith.constant 0 : i32
    %dma_start3A_297 = tpu.memref_slice %arg12[%rem3A_230, %dma_start3A_293, %dma_start3A_294, %dma_start3A_295, %dma_start3A_296] : memref<2x2x4x128x32xi32, #tpu.memory_space<vmem>> -> memref<1x1x1x128x32xi32, #tpu.memory_space<vmem>>
    %dma_start3A_298 = tpu.memref_squeeze %dma_start3A_297 : memref<1x1x1x128x32xi32, #tpu.memory_space<vmem>> -> memref<128x32xi32, #tpu.memory_space<vmem>>
    %dma_start3A_299 = arith.constant 0 : i32
    %dma_start3A_300 = tpu.memref_slice %arg10[%rem3A_227, %dma_start3A_292, %add3A_291, %dma_start3A_299] : memref<2x2x20x128xi32, #tpu.memory_space<vmem>> -> memref<1x1x1x128xi32, #tpu.memory_space<vmem>>
    %dma_start3A_301 = tpu.memref_squeeze %dma_start3A_300 : memref<1x1x1x128xi32, #tpu.memory_space<vmem>> -> memref<128xi32, #tpu.memory_space<vmem>>
    %dma_start3A_302 = arith.constant 0 : i32
    %dma_start3A_303 = arith.constant 0 : i32
    %dma_start3A_304 = tpu.memref_slice %arg8[%dma_start3A_302, %dma_start3A_303] : memref<174080x32xi32, #tpu.memory_space<hbm>> -> memref<174080x32xi32, #tpu.memory_space<hbm>>
    %dma_start3A_305 = tpu.memref_slice %arg15[%rem3A_230] : memref<2x!tpu.dma_semaphore, #tpu.memory_space<semaphore_mem>> -> memref<1x!tpu.dma_semaphore, #tpu.memory_space<semaphore_mem>>
    %dma_start3A_306 = tpu.memref_squeeze %dma_start3A_305 : memref<1x!tpu.dma_semaphore, #tpu.memory_space<semaphore_mem>> -> memref<!tpu.dma_semaphore, #tpu.memory_space<semaphore_mem>>
    tpu.enqueue_indirect_dma source(%dma_start3A_304 : memref<174080x32xi32, #tpu.memory_space<hbm>>) target(%dma_start3A_298 : memref<128x32xi32, #tpu.memory_space<vmem>>) offsets(%dma_start3A_301 : memref<128xi32, #tpu.memory_space<vmem>>) semaphore(%dma_start3A_306 : memref<!tpu.dma_semaphore, #tpu.memory_space<semaphore_mem>>)
    %mul3A_307 = arith.constant 4 : i32
    %mul3A_308 = arith.muli %rem3A_224, %mul3A_307 : i32
    %add3A_309 = arith.constant 0 : i32
    %add3A_310 = arith.addi %mul3A_308, %add3A_309 : i32
    %dma_start3A_311 = arith.constant 1 : i32
    %dma_start3A_312 = arith.constant 1 : i32
    %dma_start3A_313 = arith.constant 0 : i32
    %dma_start3A_314 = arith.constant 0 : i32
    %dma_start3A_315 = arith.constant 0 : i32
    %dma_start3A_316 = tpu.memref_slice %arg12[%rem3A_230, %dma_start3A_312, %dma_start3A_313, %dma_start3A_314, %dma_start3A_315] : memref<2x2x4x128x32xi32, #tpu.memory_space<vmem>> -> memref<1x1x1x128x32xi32, #tpu.memory_space<vmem>>
    %dma_start3A_317 = tpu.memref_squeeze %dma_start3A_316 : memref<1x1x1x128x32xi32, #tpu.memory_space<vmem>> -> memref<128x32xi32, #tpu.memory_space<vmem>>
    %dma_start3A_318 = arith.constant 0 : i32
    %dma_start3A_319 = tpu.memref_slice %arg10[%rem3A_227, %dma_start3A_311, %add3A_310, %dma_start3A_318] : memref<2x2x20x128xi32, #tpu.memory_space<vmem>> -> memref<1x1x1x128xi32, #tpu.memory_space<vmem>>
    %dma_start3A_320 = tpu.memref_squeeze %dma_start3A_319 : memref<1x1x1x128xi32, #tpu.memory_space<vmem>> -> memref<128xi32, #tpu.memory_space<vmem>>
    %dma_start3A_321 = arith.constant 0 : i32
    %dma_start3A_322 = arith.constant 0 : i32
    %dma_start3A_323 = tpu.memref_slice %arg8[%dma_start3A_321, %dma_start3A_322] : memref<174080x32xi32, #tpu.memory_space<hbm>> -> memref<174080x32xi32, #tpu.memory_space<hbm>>
    %dma_start3A_324 = tpu.memref_slice %arg15[%rem3A_230] : memref<2x!tpu.dma_semaphore, #tpu.memory_space<semaphore_mem>> -> memref<1x!tpu.dma_semaphore, #tpu.memory_space<semaphore_mem>>
    %dma_start3A_325 = tpu.memref_squeeze %dma_start3A_324 : memref<1x!tpu.dma_semaphore, #tpu.memory_space<semaphore_mem>> -> memref<!tpu.dma_semaphore, #tpu.memory_space<semaphore_mem>>
    tpu.enqueue_indirect_dma source(%dma_start3A_323 : memref<174080x32xi32, #tpu.memory_space<hbm>>) target(%dma_start3A_317 : memref<128x32xi32, #tpu.memory_space<vmem>>) offsets(%dma_start3A_320 : memref<128xi32, #tpu.memory_space<vmem>>) semaphore(%dma_start3A_325 : memref<!tpu.dma_semaphore, #tpu.memory_space<semaphore_mem>>)
    %mul3A_326 = arith.constant 4 : i32
    %mul3A_327 = arith.muli %rem3A_224, %mul3A_326 : i32
    %add3A_328 = arith.constant 1 : i32
    %add3A_329 = arith.addi %mul3A_327, %add3A_328 : i32
    %dma_start3A_330 = arith.constant 1 : i32
    %dma_start3A_331 = arith.constant 1 : i32
    %dma_start3A_332 = arith.constant 1 : i32
    %dma_start3A_333 = arith.constant 0 : i32
    %dma_start3A_334 = arith.constant 0 : i32
    %dma_start3A_335 = tpu.memref_slice %arg12[%rem3A_230, %dma_start3A_331, %dma_start3A_332, %dma_start3A_333, %dma_start3A_334] : memref<2x2x4x128x32xi32, #tpu.memory_space<vmem>> -> memref<1x1x1x128x32xi32, #tpu.memory_space<vmem>>
    %dma_start3A_336 = tpu.memref_squeeze %dma_start3A_335 : memref<1x1x1x128x32xi32, #tpu.memory_space<vmem>> -> memref<128x32xi32, #tpu.memory_space<vmem>>
    %dma_start3A_337 = arith.constant 0 : i32
    %dma_start3A_338 = tpu.memref_slice %arg10[%rem3A_227, %dma_start3A_330, %add3A_329, %dma_start3A_337] : memref<2x2x20x128xi32, #tpu.memory_space<vmem>> -> memref<1x1x1x128xi32, #tpu.memory_space<vmem>>
    %dma_start3A_339 = tpu.memref_squeeze %dma_start3A_338 : memref<1x1x1x128xi32, #tpu.memory_space<vmem>> -> memref<128xi32, #tpu.memory_space<vmem>>
    %dma_start3A_340 = arith.constant 0 : i32
    %dma_start3A_341 = arith.constant 0 : i32
    %dma_start3A_342 = tpu.memref_slice %arg8[%dma_start3A_340, %dma_start3A_341] : memref<174080x32xi32, #tpu.memory_space<hbm>> -> memref<174080x32xi32, #tpu.memory_space<hbm>>
    %dma_start3A_343 = tpu.memref_slice %arg15[%rem3A_230] : memref<2x!tpu.dma_semaphore, #tpu.memory_space<semaphore_mem>> -> memref<1x!tpu.dma_semaphore, #tpu.memory_space<semaphore_mem>>
    %dma_start3A_344 = tpu.memref_squeeze %dma_start3A_343 : memref<1x!tpu.dma_semaphore, #tpu.memory_space<semaphore_mem>> -> memref<!tpu.dma_semaphore, #tpu.memory_space<semaphore_mem>>
    tpu.enqueue_indirect_dma source(%dma_start3A_342 : memref<174080x32xi32, #tpu.memory_space<hbm>>) target(%dma_start3A_336 : memref<128x32xi32, #tpu.memory_space<vmem>>) offsets(%dma_start3A_339 : memref<128xi32, #tpu.memory_space<vmem>>) semaphore(%dma_start3A_344 : memref<!tpu.dma_semaphore, #tpu.memory_space<semaphore_mem>>)
    %mul3A_345 = arith.constant 4 : i32
    %mul3A_346 = arith.muli %rem3A_224, %mul3A_345 : i32
    %add3A_347 = arith.constant 2 : i32
    %add3A_348 = arith.addi %mul3A_346, %add3A_347 : i32
    %dma_start3A_349 = arith.constant 1 : i32
    %dma_start3A_350 = arith.constant 1 : i32
    %dma_start3A_351 = arith.constant 2 : i32
    %dma_start3A_352 = arith.constant 0 : i32
    %dma_start3A_353 = arith.constant 0 : i32
    %dma_start3A_354 = tpu.memref_slice %arg12[%rem3A_230, %dma_start3A_350, %dma_start3A_351, %dma_start3A_352, %dma_start3A_353] : memref<2x2x4x128x32xi32, #tpu.memory_space<vmem>> -> memref<1x1x1x128x32xi32, #tpu.memory_space<vmem>>
    %dma_start3A_355 = tpu.memref_squeeze %dma_start3A_354 : memref<1x1x1x128x32xi32, #tpu.memory_space<vmem>> -> memref<128x32xi32, #tpu.memory_space<vmem>>
    %dma_start3A_356 = arith.constant 0 : i32
    %dma_start3A_357 = tpu.memref_slice %arg10[%rem3A_227, %dma_start3A_349, %add3A_348, %dma_start3A_356] : memref<2x2x20x128xi32, #tpu.memory_space<vmem>> -> memref<1x1x1x128xi32, #tpu.memory_space<vmem>>
    %dma_start3A_358 = tpu.memref_squeeze %dma_start3A_357 : memref<1x1x1x128xi32, #tpu.memory_space<vmem>> -> memref<128xi32, #tpu.memory_space<vmem>>
    %dma_start3A_359 = arith.constant 0 : i32
    %dma_start3A_360 = arith.constant 0 : i32
    %dma_start3A_361 = tpu.memref_slice %arg8[%dma_start3A_359, %dma_start3A_360] : memref<174080x32xi32, #tpu.memory_space<hbm>> -> memref<174080x32xi32, #tpu.memory_space<hbm>>
    %dma_start3A_362 = tpu.memref_slice %arg15[%rem3A_230] : memref<2x!tpu.dma_semaphore, #tpu.memory_space<semaphore_mem>> -> memref<1x!tpu.dma_semaphore, #tpu.memory_space<semaphore_mem>>
    %dma_start3A_363 = tpu.memref_squeeze %dma_start3A_362 : memref<1x!tpu.dma_semaphore, #tpu.memory_space<semaphore_mem>> -> memref<!tpu.dma_semaphore, #tpu.memory_space<semaphore_mem>>
    tpu.enqueue_indirect_dma source(%dma_start3A_361 : memref<174080x32xi32, #tpu.memory_space<hbm>>) target(%dma_start3A_355 : memref<128x32xi32, #tpu.memory_space<vmem>>) offsets(%dma_start3A_358 : memref<128xi32, #tpu.memory_space<vmem>>) semaphore(%dma_start3A_363 : memref<!tpu.dma_semaphore, #tpu.memory_space<semaphore_mem>>)
    %mul3A_364 = arith.constant 4 : i32
    %mul3A_365 = arith.muli %rem3A_224, %mul3A_364 : i32
    %add3A_366 = arith.constant 3 : i32
    %add3A_367 = arith.addi %mul3A_365, %add3A_366 : i32
    %dma_start3A_368 = arith.constant 1 : i32
    %dma_start3A_369 = arith.constant 1 : i32
    %dma_start3A_370 = arith.constant 3 : i32
    %dma_start3A_371 = arith.constant 0 : i32
    %dma_start3A_372 = arith.constant 0 : i32
    %dma_start3A_373 = tpu.memref_slice %arg12[%rem3A_230, %dma_start3A_369, %dma_start3A_370, %dma_start3A_371, %dma_start3A_372] : memref<2x2x4x128x32xi32, #tpu.memory_space<vmem>> -> memref<1x1x1x128x32xi32, #tpu.memory_space<vmem>>
    %dma_start3A_374 = tpu.memref_squeeze %dma_start3A_373 : memref<1x1x1x128x32xi32, #tpu.memory_space<vmem>> -> memref<128x32xi32, #tpu.memory_space<vmem>>
    %dma_start3A_375 = arith.constant 0 : i32
    %dma_start3A_376 = tpu.memref_slice %arg10[%rem3A_227, %dma_start3A_368, %add3A_367, %dma_start3A_375] : memref<2x2x20x128xi32, #tpu.memory_space<vmem>> -> memref<1x1x1x128xi32, #tpu.memory_space<vmem>>
    %dma_start3A_377 = tpu.memref_squeeze %dma_start3A_376 : memref<1x1x1x128xi32, #tpu.memory_space<vmem>> -> memref<128xi32, #tpu.memory_space<vmem>>
    %dma_start3A_378 = arith.constant 0 : i32
    %dma_start3A_379 = arith.constant 0 : i32
    %dma_start3A_380 = tpu.memref_slice %arg8[%dma_start3A_378, %dma_start3A_379] : memref<174080x32xi32, #tpu.memory_space<hbm>> -> memref<174080x32xi32, #tpu.memory_space<hbm>>
    %dma_start3A_381 = tpu.memref_slice %arg15[%rem3A_230] : memref<2x!tpu.dma_semaphore, #tpu.memory_space<semaphore_mem>> -> memref<1x!tpu.dma_semaphore, #tpu.memory_space<semaphore_mem>>
    %dma_start3A_382 = tpu.memref_squeeze %dma_start3A_381 : memref<1x!tpu.dma_semaphore, #tpu.memory_space<semaphore_mem>> -> memref<!tpu.dma_semaphore, #tpu.memory_space<semaphore_mem>>
    tpu.enqueue_indirect_dma source(%dma_start3A_380 : memref<174080x32xi32, #tpu.memory_space<hbm>>) target(%dma_start3A_374 : memref<128x32xi32, #tpu.memory_space<vmem>>) offsets(%dma_start3A_377 : memref<128xi32, #tpu.memory_space<vmem>>) semaphore(%dma_start3A_382 : memref<!tpu.dma_semaphore, #tpu.memory_space<semaphore_mem>>)
    %rem3A_383 = arith.constant 1 : i32
    %rem3A_384 = arith.constant 2 : i32
    %rem3A_385 = arith.remsi %rem3A_383, %rem3A_384 : i32
    %add3A_386 = arith.constant 20 : i32
    %add3A_387 = arith.addi %mul3A_32, %add3A_386 : i32
    %dma_start3A_388 = arith.constant 0 : i32
    %dma_start3A_389 = arith.constant 0 : i32
    %dma_start3A_390 = arith.constant 0 : i32
    %dma_start3A_391 = tpu.memref_slice %arg10[%rem3A_385, %dma_start3A_388, %dma_start3A_389, %dma_start3A_390] : memref<2x2x20x128xi32, #tpu.memory_space<vmem>> -> memref<1x1x20x128xi32, #tpu.memory_space<vmem>>
    %dma_start3A_392 = tpu.memref_squeeze %dma_start3A_391 : memref<1x1x20x128xi32, #tpu.memory_space<vmem>> -> memref<20x128xi32, #tpu.memory_space<vmem>>
    %dma_start3A_393 = arith.constant 0 : i32
    %dma_start3A_394 = tpu.memref_slice %arg2[%select_n3A, %add3A_387, %dma_start3A_393] : memref<4x5440x128xi32, #tpu.memory_space<hbm>> -> memref<1x20x128xi32, #tpu.memory_space<hbm>>
    %dma_start3A_395 = tpu.memref_squeeze %dma_start3A_394 : memref<1x20x128xi32, #tpu.memory_space<hbm>> -> memref<20x128xi32, #tpu.memory_space<hbm>>
    %dma_start3A_396 = arith.constant 0 : i32
    %dma_start3A_397 = arith.constant 0 : i32
    %dma_start3A_398 = tpu.memref_slice %arg10[%rem3A_385, %dma_start3A_388, %dma_start3A_396, %dma_start3A_397] : memref<2x2x20x128xi32, #tpu.memory_space<vmem>> -> memref<1x1x20x128xi32, #tpu.memory_space<vmem>>
    %dma_start3A_399 = tpu.memref_squeeze %dma_start3A_398 : memref<1x1x20x128xi32, #tpu.memory_space<vmem>> -> memref<20x128xi32, #tpu.memory_space<vmem>>
    %dma_start3A_400 = arith.constant 0 : i32
    %dma_start3A_401 = tpu.memref_slice %arg2[%select_n3A, %add3A_387, %dma_start3A_400] : memref<4x5440x128xi32, #tpu.memory_space<hbm>> -> memref<1x20x128xi32, #tpu.memory_space<hbm>>
    %dma_start3A_402 = tpu.memref_squeeze %dma_start3A_401 : memref<1x20x128xi32, #tpu.memory_space<hbm>> -> memref<20x128xi32, #tpu.memory_space<hbm>>
    tpu.enqueue_dma source(%dma_start3A_402 : memref<20x128xi32, #tpu.memory_space<hbm>>) target(%dma_start3A_399 : memref<20x128xi32, #tpu.memory_space<vmem>>) target_semaphore(%arg14 : memref<!tpu.dma_semaphore, #tpu.memory_space<semaphore_mem>>)
    %dma_start3A_403 = arith.constant 1 : i32
    %dma_start3A_404 = arith.constant 0 : i32
    %dma_start3A_405 = arith.constant 0 : i32
    %dma_start3A_406 = tpu.memref_slice %arg10[%rem3A_385, %dma_start3A_403, %dma_start3A_404, %dma_start3A_405] : memref<2x2x20x128xi32, #tpu.memory_space<vmem>> -> memref<1x1x20x128xi32, #tpu.memory_space<vmem>>
    %dma_start3A_407 = tpu.memref_squeeze %dma_start3A_406 : memref<1x1x20x128xi32, #tpu.memory_space<vmem>> -> memref<20x128xi32, #tpu.memory_space<vmem>>
    %dma_start3A_408 = arith.constant 0 : i32
    %dma_start3A_409 = tpu.memref_slice %arg3[%select_n3A, %add3A_387, %dma_start3A_408] : memref<4x5440x128xi32, #tpu.memory_space<hbm>> -> memref<1x20x128xi32, #tpu.memory_space<hbm>>
    %dma_start3A_410 = tpu.memref_squeeze %dma_start3A_409 : memref<1x20x128xi32, #tpu.memory_space<hbm>> -> memref<20x128xi32, #tpu.memory_space<hbm>>
    %dma_start3A_411 = arith.constant 0 : i32
    %dma_start3A_412 = arith.constant 0 : i32
    %dma_start3A_413 = tpu.memref_slice %arg10[%rem3A_385, %dma_start3A_403, %dma_start3A_411, %dma_start3A_412] : memref<2x2x20x128xi32, #tpu.memory_space<vmem>> -> memref<1x1x20x128xi32, #tpu.memory_space<vmem>>
    %dma_start3A_414 = tpu.memref_squeeze %dma_start3A_413 : memref<1x1x20x128xi32, #tpu.memory_space<vmem>> -> memref<20x128xi32, #tpu.memory_space<vmem>>
    %dma_start3A_415 = arith.constant 0 : i32
    %dma_start3A_416 = tpu.memref_slice %arg3[%select_n3A, %add3A_387, %dma_start3A_415] : memref<4x5440x128xi32, #tpu.memory_space<hbm>> -> memref<1x20x128xi32, #tpu.memory_space<hbm>>
    %dma_start3A_417 = tpu.memref_squeeze %dma_start3A_416 : memref<1x20x128xi32, #tpu.memory_space<hbm>> -> memref<20x128xi32, #tpu.memory_space<hbm>>
    tpu.enqueue_dma source(%dma_start3A_417 : memref<20x128xi32, #tpu.memory_space<hbm>>) target(%dma_start3A_414 : memref<20x128xi32, #tpu.memory_space<vmem>>) target_semaphore(%arg14 : memref<!tpu.dma_semaphore, #tpu.memory_space<semaphore_mem>>)
    %dma_start3A_418 = arith.constant 0 : i32
    %dma_start3A_419 = arith.constant 0 : i32
    %dma_start3A_420 = arith.constant 0 : i32
    %dma_start3A_421 = tpu.memref_slice %arg11[%rem3A_385, %dma_start3A_418, %dma_start3A_419, %dma_start3A_420] : memref<2x4x20x128xf32, #tpu.memory_space<vmem>> -> memref<1x1x20x128xf32, #tpu.memory_space<vmem>>
    %dma_start3A_422 = tpu.memref_squeeze %dma_start3A_421 : memref<1x1x20x128xf32, #tpu.memory_space<vmem>> -> memref<20x128xf32, #tpu.memory_space<vmem>>
    %dma_start3A_423 = arith.constant 0 : i32
    %dma_start3A_424 = tpu.memref_slice %arg4[%select_n3A, %add3A_387, %dma_start3A_423] : memref<4x5440x128xf32, #tpu.memory_space<hbm>> -> memref<1x20x128xf32, #tpu.memory_space<hbm>>
    %dma_start3A_425 = tpu.memref_squeeze %dma_start3A_424 : memref<1x20x128xf32, #tpu.memory_space<hbm>> -> memref<20x128xf32, #tpu.memory_space<hbm>>
    %dma_start3A_426 = arith.constant 0 : i32
    %dma_start3A_427 = arith.constant 0 : i32
    %dma_start3A_428 = tpu.memref_slice %arg11[%rem3A_385, %dma_start3A_418, %dma_start3A_426, %dma_start3A_427] : memref<2x4x20x128xf32, #tpu.memory_space<vmem>> -> memref<1x1x20x128xf32, #tpu.memory_space<vmem>>
    %dma_start3A_429 = tpu.memref_squeeze %dma_start3A_428 : memref<1x1x20x128xf32, #tpu.memory_space<vmem>> -> memref<20x128xf32, #tpu.memory_space<vmem>>
    %dma_start3A_430 = arith.constant 0 : i32
    %dma_start3A_431 = tpu.memref_slice %arg4[%select_n3A, %add3A_387, %dma_start3A_430] : memref<4x5440x128xf32, #tpu.memory_space<hbm>> -> memref<1x20x128xf32, #tpu.memory_space<hbm>>
    %dma_start3A_432 = tpu.memref_squeeze %dma_start3A_431 : memref<1x20x128xf32, #tpu.memory_space<hbm>> -> memref<20x128xf32, #tpu.memory_space<hbm>>
    tpu.enqueue_dma source(%dma_start3A_432 : memref<20x128xf32, #tpu.memory_space<hbm>>) target(%dma_start3A_429 : memref<20x128xf32, #tpu.memory_space<vmem>>) target_semaphore(%arg14 : memref<!tpu.dma_semaphore, #tpu.memory_space<semaphore_mem>>)
    %dma_start3A_433 = arith.constant 1 : i32
    %dma_start3A_434 = arith.constant 0 : i32
    %dma_start3A_435 = arith.constant 0 : i32
    %dma_start3A_436 = tpu.memref_slice %arg11[%rem3A_385, %dma_start3A_433, %dma_start3A_434, %dma_start3A_435] : memref<2x4x20x128xf32, #tpu.memory_space<vmem>> -> memref<1x1x20x128xf32, #tpu.memory_space<vmem>>
    %dma_start3A_437 = tpu.memref_squeeze %dma_start3A_436 : memref<1x1x20x128xf32, #tpu.memory_space<vmem>> -> memref<20x128xf32, #tpu.memory_space<vmem>>
    %dma_start3A_438 = arith.constant 0 : i32
    %dma_start3A_439 = tpu.memref_slice %arg5[%select_n3A, %add3A_387, %dma_start3A_438] : memref<4x5440x128xf32, #tpu.memory_space<hbm>> -> memref<1x20x128xf32, #tpu.memory_space<hbm>>
    %dma_start3A_440 = tpu.memref_squeeze %dma_start3A_439 : memref<1x20x128xf32, #tpu.memory_space<hbm>> -> memref<20x128xf32, #tpu.memory_space<hbm>>
    %dma_start3A_441 = arith.constant 0 : i32
    %dma_start3A_442 = arith.constant 0 : i32
    %dma_start3A_443 = tpu.memref_slice %arg11[%rem3A_385, %dma_start3A_433, %dma_start3A_441, %dma_start3A_442] : memref<2x4x20x128xf32, #tpu.memory_space<vmem>> -> memref<1x1x20x128xf32, #tpu.memory_space<vmem>>
    %dma_start3A_444 = tpu.memref_squeeze %dma_start3A_443 : memref<1x1x20x128xf32, #tpu.memory_space<vmem>> -> memref<20x128xf32, #tpu.memory_space<vmem>>
    %dma_start3A_445 = arith.constant 0 : i32
    %dma_start3A_446 = tpu.memref_slice %arg5[%select_n3A, %add3A_387, %dma_start3A_445] : memref<4x5440x128xf32, #tpu.memory_space<hbm>> -> memref<1x20x128xf32, #tpu.memory_space<hbm>>
    %dma_start3A_447 = tpu.memref_squeeze %dma_start3A_446 : memref<1x20x128xf32, #tpu.memory_space<hbm>> -> memref<20x128xf32, #tpu.memory_space<hbm>>
    tpu.enqueue_dma source(%dma_start3A_447 : memref<20x128xf32, #tpu.memory_space<hbm>>) target(%dma_start3A_444 : memref<20x128xf32, #tpu.memory_space<vmem>>) target_semaphore(%arg14 : memref<!tpu.dma_semaphore, #tpu.memory_space<semaphore_mem>>)
    %dma_start3A_448 = arith.constant 2 : i32
    %dma_start3A_449 = arith.constant 0 : i32
    %dma_start3A_450 = arith.constant 0 : i32
    %dma_start3A_451 = tpu.memref_slice %arg11[%rem3A_385, %dma_start3A_448, %dma_start3A_449, %dma_start3A_450] : memref<2x4x20x128xf32, #tpu.memory_space<vmem>> -> memref<1x1x20x128xf32, #tpu.memory_space<vmem>>
    %dma_start3A_452 = tpu.memref_squeeze %dma_start3A_451 : memref<1x1x20x128xf32, #tpu.memory_space<vmem>> -> memref<20x128xf32, #tpu.memory_space<vmem>>
    %dma_start3A_453 = arith.constant 0 : i32
    %dma_start3A_454 = tpu.memref_slice %arg6[%select_n3A, %add3A_387, %dma_start3A_453] : memref<4x5440x128xf32, #tpu.memory_space<hbm>> -> memref<1x20x128xf32, #tpu.memory_space<hbm>>
    %dma_start3A_455 = tpu.memref_squeeze %dma_start3A_454 : memref<1x20x128xf32, #tpu.memory_space<hbm>> -> memref<20x128xf32, #tpu.memory_space<hbm>>
    %dma_start3A_456 = arith.constant 0 : i32
    %dma_start3A_457 = arith.constant 0 : i32
    %dma_start3A_458 = tpu.memref_slice %arg11[%rem3A_385, %dma_start3A_448, %dma_start3A_456, %dma_start3A_457] : memref<2x4x20x128xf32, #tpu.memory_space<vmem>> -> memref<1x1x20x128xf32, #tpu.memory_space<vmem>>
    %dma_start3A_459 = tpu.memref_squeeze %dma_start3A_458 : memref<1x1x20x128xf32, #tpu.memory_space<vmem>> -> memref<20x128xf32, #tpu.memory_space<vmem>>
    %dma_start3A_460 = arith.constant 0 : i32
    %dma_start3A_461 = tpu.memref_slice %arg6[%select_n3A, %add3A_387, %dma_start3A_460] : memref<4x5440x128xf32, #tpu.memory_space<hbm>> -> memref<1x20x128xf32, #tpu.memory_space<hbm>>
    %dma_start3A_462 = tpu.memref_squeeze %dma_start3A_461 : memref<1x20x128xf32, #tpu.memory_space<hbm>> -> memref<20x128xf32, #tpu.memory_space<hbm>>
    tpu.enqueue_dma source(%dma_start3A_462 : memref<20x128xf32, #tpu.memory_space<hbm>>) target(%dma_start3A_459 : memref<20x128xf32, #tpu.memory_space<vmem>>) target_semaphore(%arg14 : memref<!tpu.dma_semaphore, #tpu.memory_space<semaphore_mem>>)
    %dma_start3A_463 = arith.constant 3 : i32
    %dma_start3A_464 = arith.constant 0 : i32
    %dma_start3A_465 = arith.constant 0 : i32
    %dma_start3A_466 = tpu.memref_slice %arg11[%rem3A_385, %dma_start3A_463, %dma_start3A_464, %dma_start3A_465] : memref<2x4x20x128xf32, #tpu.memory_space<vmem>> -> memref<1x1x20x128xf32, #tpu.memory_space<vmem>>
    %dma_start3A_467 = tpu.memref_squeeze %dma_start3A_466 : memref<1x1x20x128xf32, #tpu.memory_space<vmem>> -> memref<20x128xf32, #tpu.memory_space<vmem>>
    %dma_start3A_468 = arith.constant 0 : i32
    %dma_start3A_469 = tpu.memref_slice %arg7[%select_n3A, %add3A_387, %dma_start3A_468] : memref<4x5440x128xf32, #tpu.memory_space<hbm>> -> memref<1x20x128xf32, #tpu.memory_space<hbm>>
    %dma_start3A_470 = tpu.memref_squeeze %dma_start3A_469 : memref<1x20x128xf32, #tpu.memory_space<hbm>> -> memref<20x128xf32, #tpu.memory_space<hbm>>
    %dma_start3A_471 = arith.constant 0 : i32
    %dma_start3A_472 = arith.constant 0 : i32
    %dma_start3A_473 = tpu.memref_slice %arg11[%rem3A_385, %dma_start3A_463, %dma_start3A_471, %dma_start3A_472] : memref<2x4x20x128xf32, #tpu.memory_space<vmem>> -> memref<1x1x20x128xf32, #tpu.memory_space<vmem>>
    %dma_start3A_474 = tpu.memref_squeeze %dma_start3A_473 : memref<1x1x20x128xf32, #tpu.memory_space<vmem>> -> memref<20x128xf32, #tpu.memory_space<vmem>>
    %dma_start3A_475 = arith.constant 0 : i32
    %dma_start3A_476 = tpu.memref_slice %arg7[%select_n3A, %add3A_387, %dma_start3A_475] : memref<4x5440x128xf32, #tpu.memory_space<hbm>> -> memref<1x20x128xf32, #tpu.memory_space<hbm>>
    %dma_start3A_477 = tpu.memref_squeeze %dma_start3A_476 : memref<1x20x128xf32, #tpu.memory_space<hbm>> -> memref<20x128xf32, #tpu.memory_space<hbm>>
    tpu.enqueue_dma source(%dma_start3A_477 : memref<20x128xf32, #tpu.memory_space<hbm>>) target(%dma_start3A_474 : memref<20x128xf32, #tpu.memory_space<vmem>>) target_semaphore(%arg14 : memref<!tpu.dma_semaphore, #tpu.memory_space<semaphore_mem>>)
    %scan3A = arith.constant 0 : i32
    %scan3A_478 = arith.constant 0 : i32
    %scan3A_479 = arith.constant 170 : i32
    %scan3A_480 = arith.addi %scan3A_478, %scan3A_479 : i32
    %scan3A_481 = arith.constant 1 : i32
    scf.for %scan3A_483 = %scan3A_478 to %scan3A_480 step %scan3A_481  : i32 {
      %jit3A_484 = arith.constant 5 : i32
      %div3A_485 = arith.divsi %scan3A_483, %jit3A_484 : i32
      %sign3A_486 = arith.constant 0 : i32
      %sign3A_487 = arith.cmpi sgt, %scan3A_483, %sign3A_486 : i32
      %sign3A_488 = arith.extui %sign3A_487 : i1 to i32
      %sign3A_489 = arith.constant 0 : i32
      %sign3A_490 = arith.cmpi slt, %scan3A_483, %sign3A_489 : i32
      %sign3A_491 = arith.extui %sign3A_490 : i1 to i32
      %sign3A_492 = arith.subi %sign3A_488, %sign3A_491 : i32
      %sign3A_493 = arith.constant 0 : i32
      %sign3A_494 = arith.cmpi sgt, %jit3A_484, %sign3A_493 : i32
      %sign3A_495 = arith.extui %sign3A_494 : i1 to i32
      %sign3A_496 = arith.constant 0 : i32
      %sign3A_497 = arith.cmpi slt, %jit3A_484, %sign3A_496 : i32
      %sign3A_498 = arith.extui %sign3A_497 : i1 to i32
      %sign3A_499 = arith.subi %sign3A_495, %sign3A_498 : i32
      %ne3A_500 = arith.cmpi ne, %sign3A_492, %sign3A_499 : i32
      %rem3A_501 = arith.remsi %scan3A_483, %jit3A_484 : i32
      %ne3A_502 = arith.constant 0 : i32
      %ne3A_503 = arith.cmpi ne, %rem3A_501, %ne3A_502 : i32
      %and3A_504 = arith.andi %ne3A_500, %ne3A_503 : i1
      %sub3A_505 = arith.constant 1 : i32
      %sub3A_506 = arith.subi %div3A_485, %sub3A_505 : i32
      %select_n3A_507 = arith.select %and3A_504, %sub3A_506, %div3A_485 : i32
      %rem3A_508 = arith.constant 5 : i32
      %rem3A_509 = arith.remsi %scan3A_483, %rem3A_508 : i32
      %rem3A_510 = arith.constant 2 : i32
      %rem3A_511 = arith.remsi %select_n3A_507, %rem3A_510 : i32
      %rem3A_512 = arith.constant 2 : i32
      %rem3A_513 = arith.remsi %scan3A_483, %rem3A_512 : i32
      %rem3A_514 = arith.constant 2 : i32
      %rem3A_515 = arith.remsi %scan3A_483, %rem3A_514 : i32
      %dma_wait3A_516 = arith.constant 0 : i32
      %dma_wait3A_517 = arith.constant 0 : i32
      %dma_wait3A_518 = arith.constant 0 : i32
      %dma_wait3A_519 = arith.constant 0 : i32
      %dma_wait3A_520 = arith.constant 0 : i32
      %dma_wait3A_521 = tpu.memref_slice %arg12[%dma_wait3A_516, %dma_wait3A_517, %dma_wait3A_518, %dma_wait3A_519, %dma_wait3A_520] : memref<2x2x4x128x32xi32, #tpu.memory_space<vmem>> -> memref<1x1x1x128x32xi32, #tpu.memory_space<vmem>>
      %dma_wait3A_522 = tpu.memref_squeeze %dma_wait3A_521 : memref<1x1x1x128x32xi32, #tpu.memory_space<vmem>> -> memref<128x32xi32, #tpu.memory_space<vmem>>
      %dma_wait3A_523 = arith.constant 0 : i32
      %dma_wait3A_524 = arith.constant 0 : i32
      %dma_wait3A_525 = tpu.memref_slice %arg8[%dma_wait3A_523, %dma_wait3A_524] : memref<174080x32xi32, #tpu.memory_space<hbm>> -> memref<128x32xi32, #tpu.memory_space<hbm>>
      %dma_wait3A_526 = tpu.memref_slice %arg15[%rem3A_515] : memref<2x!tpu.dma_semaphore, #tpu.memory_space<semaphore_mem>> -> memref<1x!tpu.dma_semaphore, #tpu.memory_space<semaphore_mem>>
      %dma_wait3A_527 = tpu.memref_squeeze %dma_wait3A_526 : memref<1x!tpu.dma_semaphore, #tpu.memory_space<semaphore_mem>> -> memref<!tpu.dma_semaphore, #tpu.memory_space<semaphore_mem>>
      %dma_wait3A_528 = arith.constant 0 : i32
      %dma_wait3A_529 = arith.constant 0 : i32
      %dma_wait3A_530 = tpu.memref_slice %arg12[%dma_wait3A_516, %dma_wait3A_517, %dma_wait3A_518, %dma_wait3A_528, %dma_wait3A_529] : memref<2x2x4x128x32xi32, #tpu.memory_space<vmem>> -> memref<1x1x1x128x32xi32, #tpu.memory_space<vmem>>
      %dma_wait3A_531 = tpu.memref_squeeze %dma_wait3A_530 : memref<1x1x1x128x32xi32, #tpu.memory_space<vmem>> -> memref<128x32xi32, #tpu.memory_space<vmem>>
      %dma_wait3A_532 = arith.constant 0 : i32
      %dma_wait3A_533 = arith.constant 0 : i32
      %dma_wait3A_534 = tpu.memref_slice %arg8[%dma_wait3A_532, %dma_wait3A_533] : memref<174080x32xi32, #tpu.memory_space<hbm>> -> memref<128x32xi32, #tpu.memory_space<hbm>>
      tpu.wait_dma2 semaphore(%dma_wait3A_527 : memref<!tpu.dma_semaphore, #tpu.memory_space<semaphore_mem>>) src(%dma_wait3A_534 : memref<128x32xi32, #tpu.memory_space<hbm>>) dst(%dma_wait3A_531 : memref<128x32xi32, #tpu.memory_space<vmem>>)
      %dma_wait3A_535 = arith.constant 0 : i32
      %dma_wait3A_536 = arith.constant 0 : i32
      %dma_wait3A_537 = arith.constant 1 : i32
      %dma_wait3A_538 = arith.constant 0 : i32
      %dma_wait3A_539 = arith.constant 0 : i32
      %dma_wait3A_540 = tpu.memref_slice %arg12[%dma_wait3A_535, %dma_wait3A_536, %dma_wait3A_537, %dma_wait3A_538, %dma_wait3A_539] : memref<2x2x4x128x32xi32, #tpu.memory_space<vmem>> -> memref<1x1x1x128x32xi32, #tpu.memory_space<vmem>>
      %dma_wait3A_541 = tpu.memref_squeeze %dma_wait3A_540 : memref<1x1x1x128x32xi32, #tpu.memory_space<vmem>> -> memref<128x32xi32, #tpu.memory_space<vmem>>
      %dma_wait3A_542 = arith.constant 0 : i32
      %dma_wait3A_543 = arith.constant 0 : i32
      %dma_wait3A_544 = tpu.memref_slice %arg8[%dma_wait3A_542, %dma_wait3A_543] : memref<174080x32xi32, #tpu.memory_space<hbm>> -> memref<128x32xi32, #tpu.memory_space<hbm>>
      %dma_wait3A_545 = tpu.memref_slice %arg15[%rem3A_515] : memref<2x!tpu.dma_semaphore, #tpu.memory_space<semaphore_mem>> -> memref<1x!tpu.dma_semaphore, #tpu.memory_space<semaphore_mem>>
      %dma_wait3A_546 = tpu.memref_squeeze %dma_wait3A_545 : memref<1x!tpu.dma_semaphore, #tpu.memory_space<semaphore_mem>> -> memref<!tpu.dma_semaphore, #tpu.memory_space<semaphore_mem>>
      %dma_wait3A_547 = arith.constant 0 : i32
      %dma_wait3A_548 = arith.constant 0 : i32
      %dma_wait3A_549 = tpu.memref_slice %arg12[%dma_wait3A_535, %dma_wait3A_536, %dma_wait3A_537, %dma_wait3A_547, %dma_wait3A_548] : memref<2x2x4x128x32xi32, #tpu.memory_space<vmem>> -> memref<1x1x1x128x32xi32, #tpu.memory_space<vmem>>
      %dma_wait3A_550 = tpu.memref_squeeze %dma_wait3A_549 : memref<1x1x1x128x32xi32, #tpu.memory_space<vmem>> -> memref<128x32xi32, #tpu.memory_space<vmem>>
      %dma_wait3A_551 = arith.constant 0 : i32
      %dma_wait3A_552 = arith.constant 0 : i32
      %dma_wait3A_553 = tpu.memref_slice %arg8[%dma_wait3A_551, %dma_wait3A_552] : memref<174080x32xi32, #tpu.memory_space<hbm>> -> memref<128x32xi32, #tpu.memory_space<hbm>>
      tpu.wait_dma2 semaphore(%dma_wait3A_546 : memref<!tpu.dma_semaphore, #tpu.memory_space<semaphore_mem>>) src(%dma_wait3A_553 : memref<128x32xi32, #tpu.memory_space<hbm>>) dst(%dma_wait3A_550 : memref<128x32xi32, #tpu.memory_space<vmem>>)
      %dma_wait3A_554 = arith.constant 0 : i32
      %dma_wait3A_555 = arith.constant 0 : i32
      %dma_wait3A_556 = arith.constant 2 : i32
      %dma_wait3A_557 = arith.constant 0 : i32
      %dma_wait3A_558 = arith.constant 0 : i32
      %dma_wait3A_559 = tpu.memref_slice %arg12[%dma_wait3A_554, %dma_wait3A_555, %dma_wait3A_556, %dma_wait3A_557, %dma_wait3A_558] : memref<2x2x4x128x32xi32, #tpu.memory_space<vmem>> -> memref<1x1x1x128x32xi32, #tpu.memory_space<vmem>>
      %dma_wait3A_560 = tpu.memref_squeeze %dma_wait3A_559 : memref<1x1x1x128x32xi32, #tpu.memory_space<vmem>> -> memref<128x32xi32, #tpu.memory_space<vmem>>
      %dma_wait3A_561 = arith.constant 0 : i32
      %dma_wait3A_562 = arith.constant 0 : i32
      %dma_wait3A_563 = tpu.memref_slice %arg8[%dma_wait3A_561, %dma_wait3A_562] : memref<174080x32xi32, #tpu.memory_space<hbm>> -> memref<128x32xi32, #tpu.memory_space<hbm>>
      %dma_wait3A_564 = tpu.memref_slice %arg15[%rem3A_515] : memref<2x!tpu.dma_semaphore, #tpu.memory_space<semaphore_mem>> -> memref<1x!tpu.dma_semaphore, #tpu.memory_space<semaphore_mem>>
      %dma_wait3A_565 = tpu.memref_squeeze %dma_wait3A_564 : memref<1x!tpu.dma_semaphore, #tpu.memory_space<semaphore_mem>> -> memref<!tpu.dma_semaphore, #tpu.memory_space<semaphore_mem>>
      %dma_wait3A_566 = arith.constant 0 : i32
      %dma_wait3A_567 = arith.constant 0 : i32
      %dma_wait3A_568 = tpu.memref_slice %arg12[%dma_wait3A_554, %dma_wait3A_555, %dma_wait3A_556, %dma_wait3A_566, %dma_wait3A_567] : memref<2x2x4x128x32xi32, #tpu.memory_space<vmem>> -> memref<1x1x1x128x32xi32, #tpu.memory_space<vmem>>
      %dma_wait3A_569 = tpu.memref_squeeze %dma_wait3A_568 : memref<1x1x1x128x32xi32, #tpu.memory_space<vmem>> -> memref<128x32xi32, #tpu.memory_space<vmem>>
      %dma_wait3A_570 = arith.constant 0 : i32
      %dma_wait3A_571 = arith.constant 0 : i32
      %dma_wait3A_572 = tpu.memref_slice %arg8[%dma_wait3A_570, %dma_wait3A_571] : memref<174080x32xi32, #tpu.memory_space<hbm>> -> memref<128x32xi32, #tpu.memory_space<hbm>>
      tpu.wait_dma2 semaphore(%dma_wait3A_565 : memref<!tpu.dma_semaphore, #tpu.memory_space<semaphore_mem>>) src(%dma_wait3A_572 : memref<128x32xi32, #tpu.memory_space<hbm>>) dst(%dma_wait3A_569 : memref<128x32xi32, #tpu.memory_space<vmem>>)
      %dma_wait3A_573 = arith.constant 0 : i32
      %dma_wait3A_574 = arith.constant 0 : i32
      %dma_wait3A_575 = arith.constant 3 : i32
      %dma_wait3A_576 = arith.constant 0 : i32
      %dma_wait3A_577 = arith.constant 0 : i32
      %dma_wait3A_578 = tpu.memref_slice %arg12[%dma_wait3A_573, %dma_wait3A_574, %dma_wait3A_575, %dma_wait3A_576, %dma_wait3A_577] : memref<2x2x4x128x32xi32, #tpu.memory_space<vmem>> -> memref<1x1x1x128x32xi32, #tpu.memory_space<vmem>>
      %dma_wait3A_579 = tpu.memref_squeeze %dma_wait3A_578 : memref<1x1x1x128x32xi32, #tpu.memory_space<vmem>> -> memref<128x32xi32, #tpu.memory_space<vmem>>
      %dma_wait3A_580 = arith.constant 0 : i32
      %dma_wait3A_581 = arith.constant 0 : i32
      %dma_wait3A_582 = tpu.memref_slice %arg8[%dma_wait3A_580, %dma_wait3A_581] : memref<174080x32xi32, #tpu.memory_space<hbm>> -> memref<128x32xi32, #tpu.memory_space<hbm>>
      %dma_wait3A_583 = tpu.memref_slice %arg15[%rem3A_515] : memref<2x!tpu.dma_semaphore, #tpu.memory_space<semaphore_mem>> -> memref<1x!tpu.dma_semaphore, #tpu.memory_space<semaphore_mem>>
      %dma_wait3A_584 = tpu.memref_squeeze %dma_wait3A_583 : memref<1x!tpu.dma_semaphore, #tpu.memory_space<semaphore_mem>> -> memref<!tpu.dma_semaphore, #tpu.memory_space<semaphore_mem>>
      %dma_wait3A_585 = arith.constant 0 : i32
      %dma_wait3A_586 = arith.constant 0 : i32
      %dma_wait3A_587 = tpu.memref_slice %arg12[%dma_wait3A_573, %dma_wait3A_574, %dma_wait3A_575, %dma_wait3A_585, %dma_wait3A_586] : memref<2x2x4x128x32xi32, #tpu.memory_space<vmem>> -> memref<1x1x1x128x32xi32, #tpu.memory_space<vmem>>
      %dma_wait3A_588 = tpu.memref_squeeze %dma_wait3A_587 : memref<1x1x1x128x32xi32, #tpu.memory_space<vmem>> -> memref<128x32xi32, #tpu.memory_space<vmem>>
      %dma_wait3A_589 = arith.constant 0 : i32
      %dma_wait3A_590 = arith.constant 0 : i32
      %dma_wait3A_591 = tpu.memref_slice %arg8[%dma_wait3A_589, %dma_wait3A_590] : memref<174080x32xi32, #tpu.memory_space<hbm>> -> memref<128x32xi32, #tpu.memory_space<hbm>>
      tpu.wait_dma2 semaphore(%dma_wait3A_584 : memref<!tpu.dma_semaphore, #tpu.memory_space<semaphore_mem>>) src(%dma_wait3A_591 : memref<128x32xi32, #tpu.memory_space<hbm>>) dst(%dma_wait3A_588 : memref<128x32xi32, #tpu.memory_space<vmem>>)
      %dma_wait3A_592 = arith.constant 0 : i32
      %dma_wait3A_593 = arith.constant 1 : i32
      %dma_wait3A_594 = arith.constant 0 : i32
      %dma_wait3A_595 = arith.constant 0 : i32
      %dma_wait3A_596 = arith.constant 0 : i32
      %dma_wait3A_597 = tpu.memref_slice %arg12[%dma_wait3A_592, %dma_wait3A_593, %dma_wait3A_594, %dma_wait3A_595, %dma_wait3A_596] : memref<2x2x4x128x32xi32, #tpu.memory_space<vmem>> -> memref<1x1x1x128x32xi32, #tpu.memory_space<vmem>>
      %dma_wait3A_598 = tpu.memref_squeeze %dma_wait3A_597 : memref<1x1x1x128x32xi32, #tpu.memory_space<vmem>> -> memref<128x32xi32, #tpu.memory_space<vmem>>
      %dma_wait3A_599 = arith.constant 0 : i32
      %dma_wait3A_600 = arith.constant 0 : i32
      %dma_wait3A_601 = tpu.memref_slice %arg8[%dma_wait3A_599, %dma_wait3A_600] : memref<174080x32xi32, #tpu.memory_space<hbm>> -> memref<128x32xi32, #tpu.memory_space<hbm>>
      %dma_wait3A_602 = tpu.memref_slice %arg15[%rem3A_515] : memref<2x!tpu.dma_semaphore, #tpu.memory_space<semaphore_mem>> -> memref<1x!tpu.dma_semaphore, #tpu.memory_space<semaphore_mem>>
      %dma_wait3A_603 = tpu.memref_squeeze %dma_wait3A_602 : memref<1x!tpu.dma_semaphore, #tpu.memory_space<semaphore_mem>> -> memref<!tpu.dma_semaphore, #tpu.memory_space<semaphore_mem>>
      %dma_wait3A_604 = arith.constant 0 : i32
      %dma_wait3A_605 = arith.constant 0 : i32
      %dma_wait3A_606 = tpu.memref_slice %arg12[%dma_wait3A_592, %dma_wait3A_593, %dma_wait3A_594, %dma_wait3A_604, %dma_wait3A_605] : memref<2x2x4x128x32xi32, #tpu.memory_space<vmem>> -> memref<1x1x1x128x32xi32, #tpu.memory_space<vmem>>
      %dma_wait3A_607 = tpu.memref_squeeze %dma_wait3A_606 : memref<1x1x1x128x32xi32, #tpu.memory_space<vmem>> -> memref<128x32xi32, #tpu.memory_space<vmem>>
      %dma_wait3A_608 = arith.constant 0 : i32
      %dma_wait3A_609 = arith.constant 0 : i32
      %dma_wait3A_610 = tpu.memref_slice %arg8[%dma_wait3A_608, %dma_wait3A_609] : memref<174080x32xi32, #tpu.memory_space<hbm>> -> memref<128x32xi32, #tpu.memory_space<hbm>>
      tpu.wait_dma2 semaphore(%dma_wait3A_603 : memref<!tpu.dma_semaphore, #tpu.memory_space<semaphore_mem>>) src(%dma_wait3A_610 : memref<128x32xi32, #tpu.memory_space<hbm>>) dst(%dma_wait3A_607 : memref<128x32xi32, #tpu.memory_space<vmem>>)
      %dma_wait3A_611 = arith.constant 0 : i32
      %dma_wait3A_612 = arith.constant 1 : i32
      %dma_wait3A_613 = arith.constant 1 : i32
      %dma_wait3A_614 = arith.constant 0 : i32
      %dma_wait3A_615 = arith.constant 0 : i32
      %dma_wait3A_616 = tpu.memref_slice %arg12[%dma_wait3A_611, %dma_wait3A_612, %dma_wait3A_613, %dma_wait3A_614, %dma_wait3A_615] : memref<2x2x4x128x32xi32, #tpu.memory_space<vmem>> -> memref<1x1x1x128x32xi32, #tpu.memory_space<vmem>>
      %dma_wait3A_617 = tpu.memref_squeeze %dma_wait3A_616 : memref<1x1x1x128x32xi32, #tpu.memory_space<vmem>> -> memref<128x32xi32, #tpu.memory_space<vmem>>
      %dma_wait3A_618 = arith.constant 0 : i32
      %dma_wait3A_619 = arith.constant 0 : i32
      %dma_wait3A_620 = tpu.memref_slice %arg8[%dma_wait3A_618, %dma_wait3A_619] : memref<174080x32xi32, #tpu.memory_space<hbm>> -> memref<128x32xi32, #tpu.memory_space<hbm>>
      %dma_wait3A_621 = tpu.memref_slice %arg15[%rem3A_515] : memref<2x!tpu.dma_semaphore, #tpu.memory_space<semaphore_mem>> -> memref<1x!tpu.dma_semaphore, #tpu.memory_space<semaphore_mem>>
      %dma_wait3A_622 = tpu.memref_squeeze %dma_wait3A_621 : memref<1x!tpu.dma_semaphore, #tpu.memory_space<semaphore_mem>> -> memref<!tpu.dma_semaphore, #tpu.memory_space<semaphore_mem>>
      %dma_wait3A_623 = arith.constant 0 : i32
      %dma_wait3A_624 = arith.constant 0 : i32
      %dma_wait3A_625 = tpu.memref_slice %arg12[%dma_wait3A_611, %dma_wait3A_612, %dma_wait3A_613, %dma_wait3A_623, %dma_wait3A_624] : memref<2x2x4x128x32xi32, #tpu.memory_space<vmem>> -> memref<1x1x1x128x32xi32, #tpu.memory_space<vmem>>
      %dma_wait3A_626 = tpu.memref_squeeze %dma_wait3A_625 : memref<1x1x1x128x32xi32, #tpu.memory_space<vmem>> -> memref<128x32xi32, #tpu.memory_space<vmem>>
      %dma_wait3A_627 = arith.constant 0 : i32
      %dma_wait3A_628 = arith.constant 0 : i32
      %dma_wait3A_629 = tpu.memref_slice %arg8[%dma_wait3A_627, %dma_wait3A_628] : memref<174080x32xi32, #tpu.memory_space<hbm>> -> memref<128x32xi32, #tpu.memory_space<hbm>>
      tpu.wait_dma2 semaphore(%dma_wait3A_622 : memref<!tpu.dma_semaphore, #tpu.memory_space<semaphore_mem>>) src(%dma_wait3A_629 : memref<128x32xi32, #tpu.memory_space<hbm>>) dst(%dma_wait3A_626 : memref<128x32xi32, #tpu.memory_space<vmem>>)
      %dma_wait3A_630 = arith.constant 0 : i32
      %dma_wait3A_631 = arith.constant 1 : i32
      %dma_wait3A_632 = arith.constant 2 : i32
      %dma_wait3A_633 = arith.constant 0 : i32
      %dma_wait3A_634 = arith.constant 0 : i32
      %dma_wait3A_635 = tpu.memref_slice %arg12[%dma_wait3A_630, %dma_wait3A_631, %dma_wait3A_632, %dma_wait3A_633, %dma_wait3A_634] : memref<2x2x4x128x32xi32, #tpu.memory_space<vmem>> -> memref<1x1x1x128x32xi32, #tpu.memory_space<vmem>>
      %dma_wait3A_636 = tpu.memref_squeeze %dma_wait3A_635 : memref<1x1x1x128x32xi32, #tpu.memory_space<vmem>> -> memref<128x32xi32, #tpu.memory_space<vmem>>
      %dma_wait3A_637 = arith.constant 0 : i32
      %dma_wait3A_638 = arith.constant 0 : i32
      %dma_wait3A_639 = tpu.memref_slice %arg8[%dma_wait3A_637, %dma_wait3A_638] : memref<174080x32xi32, #tpu.memory_space<hbm>> -> memref<128x32xi32, #tpu.memory_space<hbm>>
      %dma_wait3A_640 = tpu.memref_slice %arg15[%rem3A_515] : memref<2x!tpu.dma_semaphore, #tpu.memory_space<semaphore_mem>> -> memref<1x!tpu.dma_semaphore, #tpu.memory_space<semaphore_mem>>
      %dma_wait3A_641 = tpu.memref_squeeze %dma_wait3A_640 : memref<1x!tpu.dma_semaphore, #tpu.memory_space<semaphore_mem>> -> memref<!tpu.dma_semaphore, #tpu.memory_space<semaphore_mem>>
      %dma_wait3A_642 = arith.constant 0 : i32
      %dma_wait3A_643 = arith.constant 0 : i32
      %dma_wait3A_644 = tpu.memref_slice %arg12[%dma_wait3A_630, %dma_wait3A_631, %dma_wait3A_632, %dma_wait3A_642, %dma_wait3A_643] : memref<2x2x4x128x32xi32, #tpu.memory_space<vmem>> -> memref<1x1x1x128x32xi32, #tpu.memory_space<vmem>>
      %dma_wait3A_645 = tpu.memref_squeeze %dma_wait3A_644 : memref<1x1x1x128x32xi32, #tpu.memory_space<vmem>> -> memref<128x32xi32, #tpu.memory_space<vmem>>
      %dma_wait3A_646 = arith.constant 0 : i32
      %dma_wait3A_647 = arith.constant 0 : i32
      %dma_wait3A_648 = tpu.memref_slice %arg8[%dma_wait3A_646, %dma_wait3A_647] : memref<174080x32xi32, #tpu.memory_space<hbm>> -> memref<128x32xi32, #tpu.memory_space<hbm>>
      tpu.wait_dma2 semaphore(%dma_wait3A_641 : memref<!tpu.dma_semaphore, #tpu.memory_space<semaphore_mem>>) src(%dma_wait3A_648 : memref<128x32xi32, #tpu.memory_space<hbm>>) dst(%dma_wait3A_645 : memref<128x32xi32, #tpu.memory_space<vmem>>)
      %dma_wait3A_649 = arith.constant 0 : i32
      %dma_wait3A_650 = arith.constant 1 : i32
      %dma_wait3A_651 = arith.constant 3 : i32
      %dma_wait3A_652 = arith.constant 0 : i32
      %dma_wait3A_653 = arith.constant 0 : i32
      %dma_wait3A_654 = tpu.memref_slice %arg12[%dma_wait3A_649, %dma_wait3A_650, %dma_wait3A_651, %dma_wait3A_652, %dma_wait3A_653] : memref<2x2x4x128x32xi32, #tpu.memory_space<vmem>> -> memref<1x1x1x128x32xi32, #tpu.memory_space<vmem>>
      %dma_wait3A_655 = tpu.memref_squeeze %dma_wait3A_654 : memref<1x1x1x128x32xi32, #tpu.memory_space<vmem>> -> memref<128x32xi32, #tpu.memory_space<vmem>>
      %dma_wait3A_656 = arith.constant 0 : i32
      %dma_wait3A_657 = arith.constant 0 : i32
      %dma_wait3A_658 = tpu.memref_slice %arg8[%dma_wait3A_656, %dma_wait3A_657] : memref<174080x32xi32, #tpu.memory_space<hbm>> -> memref<128x32xi32, #tpu.memory_space<hbm>>
      %dma_wait3A_659 = tpu.memref_slice %arg15[%rem3A_515] : memref<2x!tpu.dma_semaphore, #tpu.memory_space<semaphore_mem>> -> memref<1x!tpu.dma_semaphore, #tpu.memory_space<semaphore_mem>>
      %dma_wait3A_660 = tpu.memref_squeeze %dma_wait3A_659 : memref<1x!tpu.dma_semaphore, #tpu.memory_space<semaphore_mem>> -> memref<!tpu.dma_semaphore, #tpu.memory_space<semaphore_mem>>
      %dma_wait3A_661 = arith.constant 0 : i32
      %dma_wait3A_662 = arith.constant 0 : i32
      %dma_wait3A_663 = tpu.memref_slice %arg12[%dma_wait3A_649, %dma_wait3A_650, %dma_wait3A_651, %dma_wait3A_661, %dma_wait3A_662] : memref<2x2x4x128x32xi32, #tpu.memory_space<vmem>> -> memref<1x1x1x128x32xi32, #tpu.memory_space<vmem>>
      %dma_wait3A_664 = tpu.memref_squeeze %dma_wait3A_663 : memref<1x1x1x128x32xi32, #tpu.memory_space<vmem>> -> memref<128x32xi32, #tpu.memory_space<vmem>>
      %dma_wait3A_665 = arith.constant 0 : i32
      %dma_wait3A_666 = arith.constant 0 : i32
      %dma_wait3A_667 = tpu.memref_slice %arg8[%dma_wait3A_665, %dma_wait3A_666] : memref<174080x32xi32, #tpu.memory_space<hbm>> -> memref<128x32xi32, #tpu.memory_space<hbm>>
      tpu.wait_dma2 semaphore(%dma_wait3A_660 : memref<!tpu.dma_semaphore, #tpu.memory_space<semaphore_mem>>) src(%dma_wait3A_667 : memref<128x32xi32, #tpu.memory_space<hbm>>) dst(%dma_wait3A_664 : memref<128x32xi32, #tpu.memory_space<vmem>>)
      %add3A_668 = arith.constant 2 : i32
      %add3A_669 = arith.addi %scan3A_483, %add3A_668 : i32
      %sub3A_670 = arith.constant 1 : i32
      %sub3A_671 = arith.subi %add3A_669, %sub3A_670 : i32
      %lt3A_672 = arith.constant 170 : i32
      %lt3A_673 = arith.cmpi slt, %sub3A_671, %lt3A_672 : i32
      %convert_element_type3A = arith.extui %lt3A_673 : i1 to i32
      %cond3A = arith.constant 0 : i32
      %cond3A_674 = arith.cmpi ne, %convert_element_type3A, %cond3A : i32
      scf.if %cond3A_674 {
        %add3A_686 = arith.constant 2 : i32
        %add3A_687 = arith.addi %scan3A_483, %add3A_686 : i32
        %sub3A_688 = arith.constant 1 : i32
        %sub3A_689 = arith.subi %add3A_687, %sub3A_688 : i32
        %rem3A_690 = arith.constant 5 : i32
        %rem3A_691 = arith.remsi %sub3A_689, %rem3A_690 : i32
        %eq3A_692 = arith.constant 0 : i32
        %eq3A_693 = arith.cmpi eq, %rem3A_691, %eq3A_692 : i32
        %convert_element_type3A_694 = arith.extui %eq3A_693 : i1 to i32
        %cond3A_695 = arith.constant 0 : i32
        %cond3A_696 = arith.cmpi ne, %convert_element_type3A_694, %cond3A_695 : i32
        scf.if %cond3A_696 {
          %dma_wait3A_883 = arith.constant 0 : i32
          %dma_wait3A_884 = arith.constant 0 : i32
          %dma_wait3A_885 = arith.constant 0 : i32
          %dma_wait3A_886 = arith.constant 0 : i32
          %dma_wait3A_887 = tpu.memref_slice %arg10[%dma_wait3A_883, %dma_wait3A_884, %dma_wait3A_885, %dma_wait3A_886] : memref<2x2x20x128xi32, #tpu.memory_space<vmem>> -> memref<1x1x20x128xi32, #tpu.memory_space<vmem>>
          %dma_wait3A_888 = tpu.memref_squeeze %dma_wait3A_887 : memref<1x1x20x128xi32, #tpu.memory_space<vmem>> -> memref<20x128xi32, #tpu.memory_space<vmem>>
          %dma_wait3A_889 = arith.constant 0 : i32
          %dma_wait3A_890 = tpu.memref_slice %arg2[%select_n3A, %mul3A_32, %dma_wait3A_889] : memref<4x5440x128xi32, #tpu.memory_space<hbm>> -> memref<1x20x128xi32, #tpu.memory_space<hbm>>
          %dma_wait3A_891 = tpu.memref_squeeze %dma_wait3A_890 : memref<1x20x128xi32, #tpu.memory_space<hbm>> -> memref<20x128xi32, #tpu.memory_space<hbm>>
          %dma_wait3A_892 = arith.constant 0 : i32
          %dma_wait3A_893 = arith.constant 0 : i32
          %dma_wait3A_894 = tpu.memref_slice %arg10[%dma_wait3A_883, %dma_wait3A_884, %dma_wait3A_892, %dma_wait3A_893] : memref<2x2x20x128xi32, #tpu.memory_space<vmem>> -> memref<1x1x20x128xi32, #tpu.memory_space<vmem>>
          %dma_wait3A_895 = tpu.memref_squeeze %dma_wait3A_894 : memref<1x1x20x128xi32, #tpu.memory_space<vmem>> -> memref<20x128xi32, #tpu.memory_space<vmem>>
          %dma_wait3A_896 = arith.constant 0 : i32
          %dma_wait3A_897 = tpu.memref_slice %arg2[%select_n3A, %mul3A_32, %dma_wait3A_896] : memref<4x5440x128xi32, #tpu.memory_space<hbm>> -> memref<1x20x128xi32, #tpu.memory_space<hbm>>
          %dma_wait3A_898 = tpu.memref_squeeze %dma_wait3A_897 : memref<1x20x128xi32, #tpu.memory_space<hbm>> -> memref<20x128xi32, #tpu.memory_space<hbm>>
          tpu.wait_dma2 semaphore(%arg14 : memref<!tpu.dma_semaphore, #tpu.memory_space<semaphore_mem>>) src(%dma_wait3A_898 : memref<20x128xi32, #tpu.memory_space<hbm>>) dst(%dma_wait3A_895 : memref<20x128xi32, #tpu.memory_space<vmem>>)
          %dma_wait3A_899 = arith.constant 0 : i32
          %dma_wait3A_900 = arith.constant 1 : i32
          %dma_wait3A_901 = arith.constant 0 : i32
          %dma_wait3A_902 = arith.constant 0 : i32
          %dma_wait3A_903 = tpu.memref_slice %arg10[%dma_wait3A_899, %dma_wait3A_900, %dma_wait3A_901, %dma_wait3A_902] : memref<2x2x20x128xi32, #tpu.memory_space<vmem>> -> memref<1x1x20x128xi32, #tpu.memory_space<vmem>>
          %dma_wait3A_904 = tpu.memref_squeeze %dma_wait3A_903 : memref<1x1x20x128xi32, #tpu.memory_space<vmem>> -> memref<20x128xi32, #tpu.memory_space<vmem>>
          %dma_wait3A_905 = arith.constant 0 : i32
          %dma_wait3A_906 = tpu.memref_slice %arg3[%select_n3A, %mul3A_32, %dma_wait3A_905] : memref<4x5440x128xi32, #tpu.memory_space<hbm>> -> memref<1x20x128xi32, #tpu.memory_space<hbm>>
          %dma_wait3A_907 = tpu.memref_squeeze %dma_wait3A_906 : memref<1x20x128xi32, #tpu.memory_space<hbm>> -> memref<20x128xi32, #tpu.memory_space<hbm>>
          %dma_wait3A_908 = arith.constant 0 : i32
          %dma_wait3A_909 = arith.constant 0 : i32
          %dma_wait3A_910 = tpu.memref_slice %arg10[%dma_wait3A_899, %dma_wait3A_900, %dma_wait3A_908, %dma_wait3A_909] : memref<2x2x20x128xi32, #tpu.memory_space<vmem>> -> memref<1x1x20x128xi32, #tpu.memory_space<vmem>>
          %dma_wait3A_911 = tpu.memref_squeeze %dma_wait3A_910 : memref<1x1x20x128xi32, #tpu.memory_space<vmem>> -> memref<20x128xi32, #tpu.memory_space<vmem>>
          %dma_wait3A_912 = arith.constant 0 : i32
          %dma_wait3A_913 = tpu.memref_slice %arg3[%select_n3A, %mul3A_32, %dma_wait3A_912] : memref<4x5440x128xi32, #tpu.memory_space<hbm>> -> memref<1x20x128xi32, #tpu.memory_space<hbm>>
          %dma_wait3A_914 = tpu.memref_squeeze %dma_wait3A_913 : memref<1x20x128xi32, #tpu.memory_space<hbm>> -> memref<20x128xi32, #tpu.memory_space<hbm>>
          tpu.wait_dma2 semaphore(%arg14 : memref<!tpu.dma_semaphore, #tpu.memory_space<semaphore_mem>>) src(%dma_wait3A_914 : memref<20x128xi32, #tpu.memory_space<hbm>>) dst(%dma_wait3A_911 : memref<20x128xi32, #tpu.memory_space<vmem>>)
          %dma_wait3A_915 = arith.constant 0 : i32
          %dma_wait3A_916 = arith.constant 0 : i32
          %dma_wait3A_917 = arith.constant 0 : i32
          %dma_wait3A_918 = arith.constant 0 : i32
          %dma_wait3A_919 = tpu.memref_slice %arg11[%dma_wait3A_915, %dma_wait3A_916, %dma_wait3A_917, %dma_wait3A_918] : memref<2x4x20x128xf32, #tpu.memory_space<vmem>> -> memref<1x1x20x128xf32, #tpu.memory_space<vmem>>
          %dma_wait3A_920 = tpu.memref_squeeze %dma_wait3A_919 : memref<1x1x20x128xf32, #tpu.memory_space<vmem>> -> memref<20x128xf32, #tpu.memory_space<vmem>>
          %dma_wait3A_921 = arith.constant 0 : i32
          %dma_wait3A_922 = tpu.memref_slice %arg4[%select_n3A, %mul3A_32, %dma_wait3A_921] : memref<4x5440x128xf32, #tpu.memory_space<hbm>> -> memref<1x20x128xf32, #tpu.memory_space<hbm>>
          %dma_wait3A_923 = tpu.memref_squeeze %dma_wait3A_922 : memref<1x20x128xf32, #tpu.memory_space<hbm>> -> memref<20x128xf32, #tpu.memory_space<hbm>>
          %dma_wait3A_924 = arith.constant 0 : i32
          %dma_wait3A_925 = arith.constant 0 : i32
          %dma_wait3A_926 = tpu.memref_slice %arg11[%dma_wait3A_915, %dma_wait3A_916, %dma_wait3A_924, %dma_wait3A_925] : memref<2x4x20x128xf32, #tpu.memory_space<vmem>> -> memref<1x1x20x128xf32, #tpu.memory_space<vmem>>
          %dma_wait3A_927 = tpu.memref_squeeze %dma_wait3A_926 : memref<1x1x20x128xf32, #tpu.memory_space<vmem>> -> memref<20x128xf32, #tpu.memory_space<vmem>>
          %dma_wait3A_928 = arith.constant 0 : i32
          %dma_wait3A_929 = tpu.memref_slice %arg4[%select_n3A, %mul3A_32, %dma_wait3A_928] : memref<4x5440x128xf32, #tpu.memory_space<hbm>> -> memref<1x20x128xf32, #tpu.memory_space<hbm>>
          %dma_wait3A_930 = tpu.memref_squeeze %dma_wait3A_929 : memref<1x20x128xf32, #tpu.memory_space<hbm>> -> memref<20x128xf32, #tpu.memory_space<hbm>>
          tpu.wait_dma2 semaphore(%arg14 : memref<!tpu.dma_semaphore, #tpu.memory_space<semaphore_mem>>) src(%dma_wait3A_930 : memref<20x128xf32, #tpu.memory_space<hbm>>) dst(%dma_wait3A_927 : memref<20x128xf32, #tpu.memory_space<vmem>>)
          %dma_wait3A_931 = arith.constant 0 : i32
          %dma_wait3A_932 = arith.constant 1 : i32
          %dma_wait3A_933 = arith.constant 0 : i32
          %dma_wait3A_934 = arith.constant 0 : i32
          %dma_wait3A_935 = tpu.memref_slice %arg11[%dma_wait3A_931, %dma_wait3A_932, %dma_wait3A_933, %dma_wait3A_934] : memref<2x4x20x128xf32, #tpu.memory_space<vmem>> -> memref<1x1x20x128xf32, #tpu.memory_space<vmem>>
          %dma_wait3A_936 = tpu.memref_squeeze %dma_wait3A_935 : memref<1x1x20x128xf32, #tpu.memory_space<vmem>> -> memref<20x128xf32, #tpu.memory_space<vmem>>
          %dma_wait3A_937 = arith.constant 0 : i32
          %dma_wait3A_938 = tpu.memref_slice %arg5[%select_n3A, %mul3A_32, %dma_wait3A_937] : memref<4x5440x128xf32, #tpu.memory_space<hbm>> -> memref<1x20x128xf32, #tpu.memory_space<hbm>>
          %dma_wait3A_939 = tpu.memref_squeeze %dma_wait3A_938 : memref<1x20x128xf32, #tpu.memory_space<hbm>> -> memref<20x128xf32, #tpu.memory_space<hbm>>
          %dma_wait3A_940 = arith.constant 0 : i32
          %dma_wait3A_941 = arith.constant 0 : i32
          %dma_wait3A_942 = tpu.memref_slice %arg11[%dma_wait3A_931, %dma_wait3A_932, %dma_wait3A_940, %dma_wait3A_941] : memref<2x4x20x128xf32, #tpu.memory_space<vmem>> -> memref<1x1x20x128xf32, #tpu.memory_space<vmem>>
          %dma_wait3A_943 = tpu.memref_squeeze %dma_wait3A_942 : memref<1x1x20x128xf32, #tpu.memory_space<vmem>> -> memref<20x128xf32, #tpu.memory_space<vmem>>
          %dma_wait3A_944 = arith.constant 0 : i32
          %dma_wait3A_945 = tpu.memref_slice %arg5[%select_n3A, %mul3A_32, %dma_wait3A_944] : memref<4x5440x128xf32, #tpu.memory_space<hbm>> -> memref<1x20x128xf32, #tpu.memory_space<hbm>>
          %dma_wait3A_946 = tpu.memref_squeeze %dma_wait3A_945 : memref<1x20x128xf32, #tpu.memory_space<hbm>> -> memref<20x128xf32, #tpu.memory_space<hbm>>
          tpu.wait_dma2 semaphore(%arg14 : memref<!tpu.dma_semaphore, #tpu.memory_space<semaphore_mem>>) src(%dma_wait3A_946 : memref<20x128xf32, #tpu.memory_space<hbm>>) dst(%dma_wait3A_943 : memref<20x128xf32, #tpu.memory_space<vmem>>)
          %dma_wait3A_947 = arith.constant 0 : i32
          %dma_wait3A_948 = arith.constant 2 : i32
          %dma_wait3A_949 = arith.constant 0 : i32
          %dma_wait3A_950 = arith.constant 0 : i32
          %dma_wait3A_951 = tpu.memref_slice %arg11[%dma_wait3A_947, %dma_wait3A_948, %dma_wait3A_949, %dma_wait3A_950] : memref<2x4x20x128xf32, #tpu.memory_space<vmem>> -> memref<1x1x20x128xf32, #tpu.memory_space<vmem>>
          %dma_wait3A_952 = tpu.memref_squeeze %dma_wait3A_951 : memref<1x1x20x128xf32, #tpu.memory_space<vmem>> -> memref<20x128xf32, #tpu.memory_space<vmem>>
          %dma_wait3A_953 = arith.constant 0 : i32
          %dma_wait3A_954 = tpu.memref_slice %arg6[%select_n3A, %mul3A_32, %dma_wait3A_953] : memref<4x5440x128xf32, #tpu.memory_space<hbm>> -> memref<1x20x128xf32, #tpu.memory_space<hbm>>
          %dma_wait3A_955 = tpu.memref_squeeze %dma_wait3A_954 : memref<1x20x128xf32, #tpu.memory_space<hbm>> -> memref<20x128xf32, #tpu.memory_space<hbm>>
          %dma_wait3A_956 = arith.constant 0 : i32
          %dma_wait3A_957 = arith.constant 0 : i32
          %dma_wait3A_958 = tpu.memref_slice %arg11[%dma_wait3A_947, %dma_wait3A_948, %dma_wait3A_956, %dma_wait3A_957] : memref<2x4x20x128xf32, #tpu.memory_space<vmem>> -> memref<1x1x20x128xf32, #tpu.memory_space<vmem>>
          %dma_wait3A_959 = tpu.memref_squeeze %dma_wait3A_958 : memref<1x1x20x128xf32, #tpu.memory_space<vmem>> -> memref<20x128xf32, #tpu.memory_space<vmem>>
          %dma_wait3A_960 = arith.constant 0 : i32
          %dma_wait3A_961 = tpu.memref_slice %arg6[%select_n3A, %mul3A_32, %dma_wait3A_960] : memref<4x5440x128xf32, #tpu.memory_space<hbm>> -> memref<1x20x128xf32, #tpu.memory_space<hbm>>
          %dma_wait3A_962 = tpu.memref_squeeze %dma_wait3A_961 : memref<1x20x128xf32, #tpu.memory_space<hbm>> -> memref<20x128xf32, #tpu.memory_space<hbm>>
          tpu.wait_dma2 semaphore(%arg14 : memref<!tpu.dma_semaphore, #tpu.memory_space<semaphore_mem>>) src(%dma_wait3A_962 : memref<20x128xf32, #tpu.memory_space<hbm>>) dst(%dma_wait3A_959 : memref<20x128xf32, #tpu.memory_space<vmem>>)
          %dma_wait3A_963 = arith.constant 0 : i32
          %dma_wait3A_964 = arith.constant 3 : i32
          %dma_wait3A_965 = arith.constant 0 : i32
          %dma_wait3A_966 = arith.constant 0 : i32
          %dma_wait3A_967 = tpu.memref_slice %arg11[%dma_wait3A_963, %dma_wait3A_964, %dma_wait3A_965, %dma_wait3A_966] : memref<2x4x20x128xf32, #tpu.memory_space<vmem>> -> memref<1x1x20x128xf32, #tpu.memory_space<vmem>>
          %dma_wait3A_968 = tpu.memref_squeeze %dma_wait3A_967 : memref<1x1x20x128xf32, #tpu.memory_space<vmem>> -> memref<20x128xf32, #tpu.memory_space<vmem>>
          %dma_wait3A_969 = arith.constant 0 : i32
          %dma_wait3A_970 = tpu.memref_slice %arg7[%select_n3A, %mul3A_32, %dma_wait3A_969] : memref<4x5440x128xf32, #tpu.memory_space<hbm>> -> memref<1x20x128xf32, #tpu.memory_space<hbm>>
          %dma_wait3A_971 = tpu.memref_squeeze %dma_wait3A_970 : memref<1x20x128xf32, #tpu.memory_space<hbm>> -> memref<20x128xf32, #tpu.memory_space<hbm>>
          %dma_wait3A_972 = arith.constant 0 : i32
          %dma_wait3A_973 = arith.constant 0 : i32
          %dma_wait3A_974 = tpu.memref_slice %arg11[%dma_wait3A_963, %dma_wait3A_964, %dma_wait3A_972, %dma_wait3A_973] : memref<2x4x20x128xf32, #tpu.memory_space<vmem>> -> memref<1x1x20x128xf32, #tpu.memory_space<vmem>>
          %dma_wait3A_975 = tpu.memref_squeeze %dma_wait3A_974 : memref<1x1x20x128xf32, #tpu.memory_space<vmem>> -> memref<20x128xf32, #tpu.memory_space<vmem>>
          %dma_wait3A_976 = arith.constant 0 : i32
          %dma_wait3A_977 = tpu.memref_slice %arg7[%select_n3A, %mul3A_32, %dma_wait3A_976] : memref<4x5440x128xf32, #tpu.memory_space<hbm>> -> memref<1x20x128xf32, #tpu.memory_space<hbm>>
          %dma_wait3A_978 = tpu.memref_squeeze %dma_wait3A_977 : memref<1x20x128xf32, #tpu.memory_space<hbm>> -> memref<20x128xf32, #tpu.memory_space<hbm>>
          tpu.wait_dma2 semaphore(%arg14 : memref<!tpu.dma_semaphore, #tpu.memory_space<semaphore_mem>>) src(%dma_wait3A_978 : memref<20x128xf32, #tpu.memory_space<hbm>>) dst(%dma_wait3A_975 : memref<20x128xf32, #tpu.memory_space<vmem>>)
        } else {
        }
        %add3A_697 = arith.constant 2 : i32
        %add3A_698 = arith.addi %scan3A_483, %add3A_697 : i32
        %sub3A_699 = arith.constant 1 : i32
        %sub3A_700 = arith.subi %add3A_698, %sub3A_699 : i32
        %jit3A_701 = arith.constant 5 : i32
        %div3A_702 = arith.divsi %sub3A_700, %jit3A_701 : i32
        %sign3A_703 = arith.constant 0 : i32
        %sign3A_704 = arith.cmpi sgt, %sub3A_700, %sign3A_703 : i32
        %sign3A_705 = arith.extui %sign3A_704 : i1 to i32
        %sign3A_706 = arith.constant 0 : i32
        %sign3A_707 = arith.cmpi slt, %sub3A_700, %sign3A_706 : i32
        %sign3A_708 = arith.extui %sign3A_707 : i1 to i32
        %sign3A_709 = arith.subi %sign3A_705, %sign3A_708 : i32
        %sign3A_710 = arith.constant 0 : i32
        %sign3A_711 = arith.cmpi sgt, %jit3A_701, %sign3A_710 : i32
        %sign3A_712 = arith.extui %sign3A_711 : i1 to i32
        %sign3A_713 = arith.constant 0 : i32
        %sign3A_714 = arith.cmpi slt, %jit3A_701, %sign3A_713 : i32
        %sign3A_715 = arith.extui %sign3A_714 : i1 to i32
        %sign3A_716 = arith.subi %sign3A_712, %sign3A_715 : i32
        %ne3A_717 = arith.cmpi ne, %sign3A_709, %sign3A_716 : i32
        %rem3A_718 = arith.remsi %sub3A_700, %jit3A_701 : i32
        %ne3A_719 = arith.constant 0 : i32
        %ne3A_720 = arith.cmpi ne, %rem3A_718, %ne3A_719 : i32
        %and3A_721 = arith.andi %ne3A_717, %ne3A_720 : i1
        %sub3A_722 = arith.constant 1 : i32
        %sub3A_723 = arith.subi %div3A_702, %sub3A_722 : i32
        %select_n3A_724 = arith.select %and3A_721, %sub3A_723, %div3A_702 : i32
        %rem3A_725 = arith.constant 5 : i32
        %rem3A_726 = arith.remsi %sub3A_700, %rem3A_725 : i32
        %rem3A_727 = arith.constant 2 : i32
        %rem3A_728 = arith.remsi %select_n3A_724, %rem3A_727 : i32
        %rem3A_729 = arith.constant 2 : i32
        %rem3A_730 = arith.remsi %sub3A_700, %rem3A_729 : i32
        %mul3A_731 = arith.constant 4 : i32
        %mul3A_732 = arith.muli %rem3A_726, %mul3A_731 : i32
        %add3A_733 = arith.constant 0 : i32
        %add3A_734 = arith.addi %mul3A_732, %add3A_733 : i32
        %dma_start3A_735 = arith.constant 0 : i32
        %dma_start3A_736 = arith.constant 0 : i32
        %dma_start3A_737 = arith.constant 0 : i32
        %dma_start3A_738 = arith.constant 0 : i32
        %dma_start3A_739 = arith.constant 0 : i32
        %dma_start3A_740 = tpu.memref_slice %arg12[%rem3A_730, %dma_start3A_736, %dma_start3A_737, %dma_start3A_738, %dma_start3A_739] : memref<2x2x4x128x32xi32, #tpu.memory_space<vmem>> -> memref<1x1x1x128x32xi32, #tpu.memory_space<vmem>>
        %dma_start3A_741 = tpu.memref_squeeze %dma_start3A_740 : memref<1x1x1x128x32xi32, #tpu.memory_space<vmem>> -> memref<128x32xi32, #tpu.memory_space<vmem>>
        %dma_start3A_742 = arith.constant 0 : i32
        %dma_start3A_743 = tpu.memref_slice %arg10[%rem3A_728, %dma_start3A_735, %add3A_734, %dma_start3A_742] : memref<2x2x20x128xi32, #tpu.memory_space<vmem>> -> memref<1x1x1x128xi32, #tpu.memory_space<vmem>>
        %dma_start3A_744 = tpu.memref_squeeze %dma_start3A_743 : memref<1x1x1x128xi32, #tpu.memory_space<vmem>> -> memref<128xi32, #tpu.memory_space<vmem>>
        %dma_start3A_745 = arith.constant 0 : i32
        %dma_start3A_746 = arith.constant 0 : i32
        %dma_start3A_747 = tpu.memref_slice %arg8[%dma_start3A_745, %dma_start3A_746] : memref<174080x32xi32, #tpu.memory_space<hbm>> -> memref<174080x32xi32, #tpu.memory_space<hbm>>
        %dma_start3A_748 = tpu.memref_slice %arg15[%rem3A_730] : memref<2x!tpu.dma_semaphore, #tpu.memory_space<semaphore_mem>> -> memref<1x!tpu.dma_semaphore, #tpu.memory_space<semaphore_mem>>
        %dma_start3A_749 = tpu.memref_squeeze %dma_start3A_748 : memref<1x!tpu.dma_semaphore, #tpu.memory_space<semaphore_mem>> -> memref<!tpu.dma_semaphore, #tpu.memory_space<semaphore_mem>>
        tpu.enqueue_indirect_dma source(%dma_start3A_747 : memref<174080x32xi32, #tpu.memory_space<hbm>>) target(%dma_start3A_741 : memref<128x32xi32, #tpu.memory_space<vmem>>) offsets(%dma_start3A_744 : memref<128xi32, #tpu.memory_space<vmem>>) semaphore(%dma_start3A_749 : memref<!tpu.dma_semaphore, #tpu.memory_space<semaphore_mem>>)
        %mul3A_750 = arith.constant 4 : i32
        %mul3A_751 = arith.muli %rem3A_726, %mul3A_750 : i32
        %add3A_752 = arith.constant 1 : i32
        %add3A_753 = arith.addi %mul3A_751, %add3A_752 : i32
        %dma_start3A_754 = arith.constant 0 : i32
        %dma_start3A_755 = arith.constant 0 : i32
        %dma_start3A_756 = arith.constant 1 : i32
        %dma_start3A_757 = arith.constant 0 : i32
        %dma_start3A_758 = arith.constant 0 : i32
        %dma_start3A_759 = tpu.memref_slice %arg12[%rem3A_730, %dma_start3A_755, %dma_start3A_756, %dma_start3A_757, %dma_start3A_758] : memref<2x2x4x128x32xi32, #tpu.memory_space<vmem>> -> memref<1x1x1x128x32xi32, #tpu.memory_space<vmem>>
        %dma_start3A_760 = tpu.memref_squeeze %dma_start3A_759 : memref<1x1x1x128x32xi32, #tpu.memory_space<vmem>> -> memref<128x32xi32, #tpu.memory_space<vmem>>
        %dma_start3A_761 = arith.constant 0 : i32
        %dma_start3A_762 = tpu.memref_slice %arg10[%rem3A_728, %dma_start3A_754, %add3A_753, %dma_start3A_761] : memref<2x2x20x128xi32, #tpu.memory_space<vmem>> -> memref<1x1x1x128xi32, #tpu.memory_space<vmem>>
        %dma_start3A_763 = tpu.memref_squeeze %dma_start3A_762 : memref<1x1x1x128xi32, #tpu.memory_space<vmem>> -> memref<128xi32, #tpu.memory_space<vmem>>
        %dma_start3A_764 = arith.constant 0 : i32
        %dma_start3A_765 = arith.constant 0 : i32
        %dma_start3A_766 = tpu.memref_slice %arg8[%dma_start3A_764, %dma_start3A_765] : memref<174080x32xi32, #tpu.memory_space<hbm>> -> memref<174080x32xi32, #tpu.memory_space<hbm>>
        %dma_start3A_767 = tpu.memref_slice %arg15[%rem3A_730] : memref<2x!tpu.dma_semaphore, #tpu.memory_space<semaphore_mem>> -> memref<1x!tpu.dma_semaphore, #tpu.memory_space<semaphore_mem>>
        %dma_start3A_768 = tpu.memref_squeeze %dma_start3A_767 : memref<1x!tpu.dma_semaphore, #tpu.memory_space<semaphore_mem>> -> memref<!tpu.dma_semaphore, #tpu.memory_space<semaphore_mem>>
        tpu.enqueue_indirect_dma source(%dma_start3A_766 : memref<174080x32xi32, #tpu.memory_space<hbm>>) target(%dma_start3A_760 : memref<128x32xi32, #tpu.memory_space<vmem>>) offsets(%dma_start3A_763 : memref<128xi32, #tpu.memory_space<vmem>>) semaphore(%dma_start3A_768 : memref<!tpu.dma_semaphore, #tpu.memory_space<semaphore_mem>>)
        %mul3A_769 = arith.constant 4 : i32
        %mul3A_770 = arith.muli %rem3A_726, %mul3A_769 : i32
        %add3A_771 = arith.constant 2 : i32
        %add3A_772 = arith.addi %mul3A_770, %add3A_771 : i32
        %dma_start3A_773 = arith.constant 0 : i32
        %dma_start3A_774 = arith.constant 0 : i32
        %dma_start3A_775 = arith.constant 2 : i32
        %dma_start3A_776 = arith.constant 0 : i32
        %dma_start3A_777 = arith.constant 0 : i32
        %dma_start3A_778 = tpu.memref_slice %arg12[%rem3A_730, %dma_start3A_774, %dma_start3A_775, %dma_start3A_776, %dma_start3A_777] : memref<2x2x4x128x32xi32, #tpu.memory_space<vmem>> -> memref<1x1x1x128x32xi32, #tpu.memory_space<vmem>>
        %dma_start3A_779 = tpu.memref_squeeze %dma_start3A_778 : memref<1x1x1x128x32xi32, #tpu.memory_space<vmem>> -> memref<128x32xi32, #tpu.memory_space<vmem>>
        %dma_start3A_780 = arith.constant 0 : i32
        %dma_start3A_781 = tpu.memref_slice %arg10[%rem3A_728, %dma_start3A_773, %add3A_772, %dma_start3A_780] : memref<2x2x20x128xi32, #tpu.memory_space<vmem>> -> memref<1x1x1x128xi32, #tpu.memory_space<vmem>>
        %dma_start3A_782 = tpu.memref_squeeze %dma_start3A_781 : memref<1x1x1x128xi32, #tpu.memory_space<vmem>> -> memref<128xi32, #tpu.memory_space<vmem>>
        %dma_start3A_783 = arith.constant 0 : i32
        %dma_start3A_784 = arith.constant 0 : i32
        %dma_start3A_785 = tpu.memref_slice %arg8[%dma_start3A_783, %dma_start3A_784] : memref<174080x32xi32, #tpu.memory_space<hbm>> -> memref<174080x32xi32, #tpu.memory_space<hbm>>
        %dma_start3A_786 = tpu.memref_slice %arg15[%rem3A_730] : memref<2x!tpu.dma_semaphore, #tpu.memory_space<semaphore_mem>> -> memref<1x!tpu.dma_semaphore, #tpu.memory_space<semaphore_mem>>
        %dma_start3A_787 = tpu.memref_squeeze %dma_start3A_786 : memref<1x!tpu.dma_semaphore, #tpu.memory_space<semaphore_mem>> -> memref<!tpu.dma_semaphore, #tpu.memory_space<semaphore_mem>>
        tpu.enqueue_indirect_dma source(%dma_start3A_785 : memref<174080x32xi32, #tpu.memory_space<hbm>>) target(%dma_start3A_779 : memref<128x32xi32, #tpu.memory_space<vmem>>) offsets(%dma_start3A_782 : memref<128xi32, #tpu.memory_space<vmem>>) semaphore(%dma_start3A_787 : memref<!tpu.dma_semaphore, #tpu.memory_space<semaphore_mem>>)
        %mul3A_788 = arith.constant 4 : i32
        %mul3A_789 = arith.muli %rem3A_726, %mul3A_788 : i32
        %add3A_790 = arith.constant 3 : i32
        %add3A_791 = arith.addi %mul3A_789, %add3A_790 : i32
        %dma_start3A_792 = arith.constant 0 : i32
        %dma_start3A_793 = arith.constant 0 : i32
        %dma_start3A_794 = arith.constant 3 : i32
        %dma_start3A_795 = arith.constant 0 : i32
        %dma_start3A_796 = arith.constant 0 : i32
        %dma_start3A_797 = tpu.memref_slice %arg12[%rem3A_730, %dma_start3A_793, %dma_start3A_794, %dma_start3A_795, %dma_start3A_796] : memref<2x2x4x128x32xi32, #tpu.memory_space<vmem>> -> memref<1x1x1x128x32xi32, #tpu.memory_space<vmem>>
        %dma_start3A_798 = tpu.memref_squeeze %dma_start3A_797 : memref<1x1x1x128x32xi32, #tpu.memory_space<vmem>> -> memref<128x32xi32, #tpu.memory_space<vmem>>
        %dma_start3A_799 = arith.constant 0 : i32
        %dma_start3A_800 = tpu.memref_slice %arg10[%rem3A_728, %dma_start3A_792, %add3A_791, %dma_start3A_799] : memref<2x2x20x128xi32, #tpu.memory_space<vmem>> -> memref<1x1x1x128xi32, #tpu.memory_space<vmem>>
        %dma_start3A_801 = tpu.memref_squeeze %dma_start3A_800 : memref<1x1x1x128xi32, #tpu.memory_space<vmem>> -> memref<128xi32, #tpu.memory_space<vmem>>
        %dma_start3A_802 = arith.constant 0 : i32
        %dma_start3A_803 = arith.constant 0 : i32
        %dma_start3A_804 = tpu.memref_slice %arg8[%dma_start3A_802, %dma_start3A_803] : memref<174080x32xi32, #tpu.memory_space<hbm>> -> memref<174080x32xi32, #tpu.memory_space<hbm>>
        %dma_start3A_805 = tpu.memref_slice %arg15[%rem3A_730] : memref<2x!tpu.dma_semaphore, #tpu.memory_space<semaphore_mem>> -> memref<1x!tpu.dma_semaphore, #tpu.memory_space<semaphore_mem>>
        %dma_start3A_806 = tpu.memref_squeeze %dma_start3A_805 : memref<1x!tpu.dma_semaphore, #tpu.memory_space<semaphore_mem>> -> memref<!tpu.dma_semaphore, #tpu.memory_space<semaphore_mem>>
        tpu.enqueue_indirect_dma source(%dma_start3A_804 : memref<174080x32xi32, #tpu.memory_space<hbm>>) target(%dma_start3A_798 : memref<128x32xi32, #tpu.memory_space<vmem>>) offsets(%dma_start3A_801 : memref<128xi32, #tpu.memory_space<vmem>>) semaphore(%dma_start3A_806 : memref<!tpu.dma_semaphore, #tpu.memory_space<semaphore_mem>>)
        %mul3A_807 = arith.constant 4 : i32
        %mul3A_808 = arith.muli %rem3A_726, %mul3A_807 : i32
        %add3A_809 = arith.constant 0 : i32
        %add3A_810 = arith.addi %mul3A_808, %add3A_809 : i32
        %dma_start3A_811 = arith.constant 1 : i32
        %dma_start3A_812 = arith.constant 1 : i32
        %dma_start3A_813 = arith.constant 0 : i32
        %dma_start3A_814 = arith.constant 0 : i32
        %dma_start3A_815 = arith.constant 0 : i32
        %dma_start3A_816 = tpu.memref_slice %arg12[%rem3A_730, %dma_start3A_812, %dma_start3A_813, %dma_start3A_814, %dma_start3A_815] : memref<2x2x4x128x32xi32, #tpu.memory_space<vmem>> -> memref<1x1x1x128x32xi32, #tpu.memory_space<vmem>>
        %dma_start3A_817 = tpu.memref_squeeze %dma_start3A_816 : memref<1x1x1x128x32xi32, #tpu.memory_space<vmem>> -> memref<128x32xi32, #tpu.memory_space<vmem>>
        %dma_start3A_818 = arith.constant 0 : i32
        %dma_start3A_819 = tpu.memref_slice %arg10[%rem3A_728, %dma_start3A_811, %add3A_810, %dma_start3A_818] : memref<2x2x20x128xi32, #tpu.memory_space<vmem>> -> memref<1x1x1x128xi32, #tpu.memory_space<vmem>>
        %dma_start3A_820 = tpu.memref_squeeze %dma_start3A_819 : memref<1x1x1x128xi32, #tpu.memory_space<vmem>> -> memref<128xi32, #tpu.memory_space<vmem>>
        %dma_start3A_821 = arith.constant 0 : i32
        %dma_start3A_822 = arith.constant 0 : i32
        %dma_start3A_823 = tpu.memref_slice %arg8[%dma_start3A_821, %dma_start3A_822] : memref<174080x32xi32, #tpu.memory_space<hbm>> -> memref<174080x32xi32, #tpu.memory_space<hbm>>
        %dma_start3A_824 = tpu.memref_slice %arg15[%rem3A_730] : memref<2x!tpu.dma_semaphore, #tpu.memory_space<semaphore_mem>> -> memref<1x!tpu.dma_semaphore, #tpu.memory_space<semaphore_mem>>
        %dma_start3A_825 = tpu.memref_squeeze %dma_start3A_824 : memref<1x!tpu.dma_semaphore, #tpu.memory_space<semaphore_mem>> -> memref<!tpu.dma_semaphore, #tpu.memory_space<semaphore_mem>>
        tpu.enqueue_indirect_dma source(%dma_start3A_823 : memref<174080x32xi32, #tpu.memory_space<hbm>>) target(%dma_start3A_817 : memref<128x32xi32, #tpu.memory_space<vmem>>) offsets(%dma_start3A_820 : memref<128xi32, #tpu.memory_space<vmem>>) semaphore(%dma_start3A_825 : memref<!tpu.dma_semaphore, #tpu.memory_space<semaphore_mem>>)
        %mul3A_826 = arith.constant 4 : i32
        %mul3A_827 = arith.muli %rem3A_726, %mul3A_826 : i32
        %add3A_828 = arith.constant 1 : i32
        %add3A_829 = arith.addi %mul3A_827, %add3A_828 : i32
        %dma_start3A_830 = arith.constant 1 : i32
        %dma_start3A_831 = arith.constant 1 : i32
        %dma_start3A_832 = arith.constant 1 : i32
        %dma_start3A_833 = arith.constant 0 : i32
        %dma_start3A_834 = arith.constant 0 : i32
        %dma_start3A_835 = tpu.memref_slice %arg12[%rem3A_730, %dma_start3A_831, %dma_start3A_832, %dma_start3A_833, %dma_start3A_834] : memref<2x2x4x128x32xi32, #tpu.memory_space<vmem>> -> memref<1x1x1x128x32xi32, #tpu.memory_space<vmem>>
        %dma_start3A_836 = tpu.memref_squeeze %dma_start3A_835 : memref<1x1x1x128x32xi32, #tpu.memory_space<vmem>> -> memref<128x32xi32, #tpu.memory_space<vmem>>
        %dma_start3A_837 = arith.constant 0 : i32
        %dma_start3A_838 = tpu.memref_slice %arg10[%rem3A_728, %dma_start3A_830, %add3A_829, %dma_start3A_837] : memref<2x2x20x128xi32, #tpu.memory_space<vmem>> -> memref<1x1x1x128xi32, #tpu.memory_space<vmem>>
        %dma_start3A_839 = tpu.memref_squeeze %dma_start3A_838 : memref<1x1x1x128xi32, #tpu.memory_space<vmem>> -> memref<128xi32, #tpu.memory_space<vmem>>
        %dma_start3A_840 = arith.constant 0 : i32
        %dma_start3A_841 = arith.constant 0 : i32
        %dma_start3A_842 = tpu.memref_slice %arg8[%dma_start3A_840, %dma_start3A_841] : memref<174080x32xi32, #tpu.memory_space<hbm>> -> memref<174080x32xi32, #tpu.memory_space<hbm>>
        %dma_start3A_843 = tpu.memref_slice %arg15[%rem3A_730] : memref<2x!tpu.dma_semaphore, #tpu.memory_space<semaphore_mem>> -> memref<1x!tpu.dma_semaphore, #tpu.memory_space<semaphore_mem>>
        %dma_start3A_844 = tpu.memref_squeeze %dma_start3A_843 : memref<1x!tpu.dma_semaphore, #tpu.memory_space<semaphore_mem>> -> memref<!tpu.dma_semaphore, #tpu.memory_space<semaphore_mem>>
        tpu.enqueue_indirect_dma source(%dma_start3A_842 : memref<174080x32xi32, #tpu.memory_space<hbm>>) target(%dma_start3A_836 : memref<128x32xi32, #tpu.memory_space<vmem>>) offsets(%dma_start3A_839 : memref<128xi32, #tpu.memory_space<vmem>>) semaphore(%dma_start3A_844 : memref<!tpu.dma_semaphore, #tpu.memory_space<semaphore_mem>>)
        %mul3A_845 = arith.constant 4 : i32
        %mul3A_846 = arith.muli %rem3A_726, %mul3A_845 : i32
        %add3A_847 = arith.constant 2 : i32
        %add3A_848 = arith.addi %mul3A_846, %add3A_847 : i32
        %dma_start3A_849 = arith.constant 1 : i32
        %dma_start3A_850 = arith.constant 1 : i32
        %dma_start3A_851 = arith.constant 2 : i32
        %dma_start3A_852 = arith.constant 0 : i32
        %dma_start3A_853 = arith.constant 0 : i32
        %dma_start3A_854 = tpu.memref_slice %arg12[%rem3A_730, %dma_start3A_850, %dma_start3A_851, %dma_start3A_852, %dma_start3A_853] : memref<2x2x4x128x32xi32, #tpu.memory_space<vmem>> -> memref<1x1x1x128x32xi32, #tpu.memory_space<vmem>>
        %dma_start3A_855 = tpu.memref_squeeze %dma_start3A_854 : memref<1x1x1x128x32xi32, #tpu.memory_space<vmem>> -> memref<128x32xi32, #tpu.memory_space<vmem>>
        %dma_start3A_856 = arith.constant 0 : i32
        %dma_start3A_857 = tpu.memref_slice %arg10[%rem3A_728, %dma_start3A_849, %add3A_848, %dma_start3A_856] : memref<2x2x20x128xi32, #tpu.memory_space<vmem>> -> memref<1x1x1x128xi32, #tpu.memory_space<vmem>>
        %dma_start3A_858 = tpu.memref_squeeze %dma_start3A_857 : memref<1x1x1x128xi32, #tpu.memory_space<vmem>> -> memref<128xi32, #tpu.memory_space<vmem>>
        %dma_start3A_859 = arith.constant 0 : i32
        %dma_start3A_860 = arith.constant 0 : i32
        %dma_start3A_861 = tpu.memref_slice %arg8[%dma_start3A_859, %dma_start3A_860] : memref<174080x32xi32, #tpu.memory_space<hbm>> -> memref<174080x32xi32, #tpu.memory_space<hbm>>
        %dma_start3A_862 = tpu.memref_slice %arg15[%rem3A_730] : memref<2x!tpu.dma_semaphore, #tpu.memory_space<semaphore_mem>> -> memref<1x!tpu.dma_semaphore, #tpu.memory_space<semaphore_mem>>
        %dma_start3A_863 = tpu.memref_squeeze %dma_start3A_862 : memref<1x!tpu.dma_semaphore, #tpu.memory_space<semaphore_mem>> -> memref<!tpu.dma_semaphore, #tpu.memory_space<semaphore_mem>>
        tpu.enqueue_indirect_dma source(%dma_start3A_861 : memref<174080x32xi32, #tpu.memory_space<hbm>>) target(%dma_start3A_855 : memref<128x32xi32, #tpu.memory_space<vmem>>) offsets(%dma_start3A_858 : memref<128xi32, #tpu.memory_space<vmem>>) semaphore(%dma_start3A_863 : memref<!tpu.dma_semaphore, #tpu.memory_space<semaphore_mem>>)
        %mul3A_864 = arith.constant 4 : i32
        %mul3A_865 = arith.muli %rem3A_726, %mul3A_864 : i32
        %add3A_866 = arith.constant 3 : i32
        %add3A_867 = arith.addi %mul3A_865, %add3A_866 : i32
        %dma_start3A_868 = arith.constant 1 : i32
        %dma_start3A_869 = arith.constant 1 : i32
        %dma_start3A_870 = arith.constant 3 : i32
        %dma_start3A_871 = arith.constant 0 : i32
        %dma_start3A_872 = arith.constant 0 : i32
        %dma_start3A_873 = tpu.memref_slice %arg12[%rem3A_730, %dma_start3A_869, %dma_start3A_870, %dma_start3A_871, %dma_start3A_872] : memref<2x2x4x128x32xi32, #tpu.memory_space<vmem>> -> memref<1x1x1x128x32xi32, #tpu.memory_space<vmem>>
        %dma_start3A_874 = tpu.memref_squeeze %dma_start3A_873 : memref<1x1x1x128x32xi32, #tpu.memory_space<vmem>> -> memref<128x32xi32, #tpu.memory_space<vmem>>
        %dma_start3A_875 = arith.constant 0 : i32
        %dma_start3A_876 = tpu.memref_slice %arg10[%rem3A_728, %dma_start3A_868, %add3A_867, %dma_start3A_875] : memref<2x2x20x128xi32, #tpu.memory_space<vmem>> -> memref<1x1x1x128xi32, #tpu.memory_space<vmem>>
        %dma_start3A_877 = tpu.memref_squeeze %dma_start3A_876 : memref<1x1x1x128xi32, #tpu.memory_space<vmem>> -> memref<128xi32, #tpu.memory_space<vmem>>
        %dma_start3A_878 = arith.constant 0 : i32
        %dma_start3A_879 = arith.constant 0 : i32
        %dma_start3A_880 = tpu.memref_slice %arg8[%dma_start3A_878, %dma_start3A_879] : memref<174080x32xi32, #tpu.memory_space<hbm>> -> memref<174080x32xi32, #tpu.memory_space<hbm>>
        %dma_start3A_881 = tpu.memref_slice %arg15[%rem3A_730] : memref<2x!tpu.dma_semaphore, #tpu.memory_space<semaphore_mem>> -> memref<1x!tpu.dma_semaphore, #tpu.memory_space<semaphore_mem>>
        %dma_start3A_882 = tpu.memref_squeeze %dma_start3A_881 : memref<1x!tpu.dma_semaphore, #tpu.memory_space<semaphore_mem>> -> memref<!tpu.dma_semaphore, #tpu.memory_space<semaphore_mem>>
        tpu.enqueue_indirect_dma source(%dma_start3A_880 : memref<174080x32xi32, #tpu.memory_space<hbm>>) target(%dma_start3A_874 : memref<128x32xi32, #tpu.memory_space<vmem>>) offsets(%dma_start3A_877 : memref<128xi32, #tpu.memory_space<vmem>>) semaphore(%dma_start3A_882 : memref<!tpu.dma_semaphore, #tpu.memory_space<semaphore_mem>>)
      } else {
      }
      %scan3A_675 = arith.constant 0 : i32
      %scan3A_676 = arith.constant 0 : i32
      %scan3A_677 = arith.constant 32 : i32
      %scan3A_678 = arith.addi %scan3A_676, %scan3A_677 : i32
      %scan3A_679 = arith.constant 1 : i32
      scf.for %scan3A_686 = %scan3A_676 to %scan3A_678 step %scan3A_679  : i32 {
        %jit3A_687 = arith.constant 8 : i32
        %div3A_688 = arith.divsi %scan3A_686, %jit3A_687 : i32
        %sign3A_689 = arith.constant 0 : i32
        %sign3A_690 = arith.cmpi sgt, %scan3A_686, %sign3A_689 : i32
        %sign3A_691 = arith.extui %sign3A_690 : i1 to i32
        %sign3A_692 = arith.constant 0 : i32
        %sign3A_693 = arith.cmpi slt, %scan3A_686, %sign3A_692 : i32
        %sign3A_694 = arith.extui %sign3A_693 : i1 to i32
        %sign3A_695 = arith.subi %sign3A_691, %sign3A_694 : i32
        %sign3A_696 = arith.constant 0 : i32
        %sign3A_697 = arith.cmpi sgt, %jit3A_687, %sign3A_696 : i32
        %sign3A_698 = arith.extui %sign3A_697 : i1 to i32
        %sign3A_699 = arith.constant 0 : i32
        %sign3A_700 = arith.cmpi slt, %jit3A_687, %sign3A_699 : i32
        %sign3A_701 = arith.extui %sign3A_700 : i1 to i32
        %sign3A_702 = arith.subi %sign3A_698, %sign3A_701 : i32
        %ne3A_703 = arith.cmpi ne, %sign3A_695, %sign3A_702 : i32
        %rem3A_704 = arith.remsi %scan3A_686, %jit3A_687 : i32
        %ne3A_705 = arith.constant 0 : i32
        %ne3A_706 = arith.cmpi ne, %rem3A_704, %ne3A_705 : i32
        %and3A_707 = arith.andi %ne3A_703, %ne3A_706 : i1
        %sub3A_708 = arith.constant 1 : i32
        %sub3A_709 = arith.subi %div3A_688, %sub3A_708 : i32
        %select_n3A_710 = arith.select %and3A_707, %sub3A_709, %div3A_688 : i32
        %jit3A_711 = arith.constant 8 : i32
        %eq3A_712 = arith.constant 0 : i32
        %eq3A_713 = arith.cmpi eq, %jit3A_711, %eq3A_712 : i32
        %jit3A_714 = arith.constant 1 : i32
        %select_n3A_715 = arith.select %eq3A_713, %jit3A_714, %jit3A_711 : i32
        %rem3A_716 = arith.remsi %scan3A_686, %select_n3A_715 : i32
        %ne3A_717 = arith.constant 0 : i32
        %ne3A_718 = arith.cmpi ne, %rem3A_716, %ne3A_717 : i32
        %lt3A_719 = arith.constant 0 : i32
        %lt3A_720 = arith.cmpi slt, %rem3A_716, %lt3A_719 : i32
        %lt3A_721 = arith.constant 0 : i32
        %lt3A_722 = arith.cmpi slt, %select_n3A_715, %lt3A_721 : i32
        %ne3A_723 = arith.xori %lt3A_720, %lt3A_722 : i1
        %and3A_724 = arith.andi %ne3A_723, %ne3A_718 : i1
        %add3A_725 = arith.addi %rem3A_716, %select_n3A_715 : i32
        %select_n3A_726 = arith.select %and3A_724, %add3A_725, %rem3A_716 : i32
        %mul3A_727 = arith.constant 4 : i32
        %mul3A_728 = arith.muli %rem3A_509, %mul3A_727 : i32
        %add3A_729 = arith.addi %mul3A_728, %select_n3A_710 : i32
        %mul3A_730 = arith.constant 16 : i32
        %mul3A_731 = arith.muli %select_n3A_726, %mul3A_730 : i32
        %broadcast_in_dim3A = arith.constant 0.000000e+00 : f32
        %broadcast_in_dim3A_732 = vector.broadcast %broadcast_in_dim3A : f32 to vector<16xf32>
        %broadcast_in_dim3A_733 = arith.constant 0.000000e+00 : f32
        %broadcast_in_dim3A_734 = vector.broadcast %broadcast_in_dim3A_733 : f32 to vector<16xf32>
        %get3A = arith.constant 0 : i32
        %get3A_735 = arith.index_cast %rem3A_511 : i32 to index
        %get3A_736 = arith.index_cast %get3A : i32 to index
        %get3A_737 = arith.index_cast %add3A_729 : i32 to index
        %get3A_738 = arith.index_cast %mul3A_731 : i32 to index
        %get3A_739 = tpu.vector_load %arg11[%get3A_735, %get3A_736, %get3A_737, %get3A_738] {strides = array<i32>} : memref<2x4x20x128xf32, #tpu.memory_space<vmem>>, vector<1x1x1x16xf32>,
        %get3A_740 = vector.shape_cast %get3A_739 : vector<1x1x1x16xf32> to vector<16xf32>
        %get3A_741 = arith.constant 1 : i32
        %get3A_742 = arith.index_cast %rem3A_511 : i32 to index
        %get3A_743 = arith.index_cast %get3A_741 : i32 to index
        %get3A_744 = arith.index_cast %add3A_729 : i32 to index
        %get3A_745 = arith.index_cast %mul3A_731 : i32 to index
        %get3A_746 = tpu.vector_load %arg11[%get3A_742, %get3A_743, %get3A_744, %get3A_745] {strides = array<i32>} : memref<2x4x20x128xf32, #tpu.memory_space<vmem>>, vector<1x1x1x16xf32>,
        %get3A_747 = vector.shape_cast %get3A_746 : vector<1x1x1x16xf32> to vector<16xf32>
        %slice3A = vector.extract_strided_slice %get3A_740 {offsets = [0], sizes = [1], strides = [1]} : vector<16xf32> to vector<1xf32>
        %squeeze3A = vector.extract %slice3A[0] : f32 from vector<1xf32>
        %slice3A_748 = vector.extract_strided_slice %get3A_747 {offsets = [0], sizes = [1], strides = [1]} : vector<16xf32> to vector<1xf32>
        %squeeze3A_749 = vector.extract %slice3A_748[0] : f32 from vector<1xf32>
        %add3A_750 = arith.constant 0 : i32
        %add3A_751 = arith.addi %mul3A_731, %add3A_750 : i32
        %get3A_752 = arith.constant 0 : i32
        %get3A_753 = arith.index_cast %rem3A_513 : i32 to index
        %get3A_754 = arith.index_cast %get3A_752 : i32 to index
        %get3A_755 = arith.index_cast %select_n3A_710 : i32 to index
        %get3A_756 = arith.index_cast %add3A_751 : i32 to index
        %get3A_757 = arith.constant 0 : index
        %get3A_758 = tpu.vector_load %arg12[%get3A_753, %get3A_754, %get3A_755, %get3A_756, %get3A_757] {strides = array<i32>} : memref<2x2x4x128x32xi32, #tpu.memory_space<vmem>>, vector<1x1x1x1x16xi32>,
        %get3A_759 = vector.shape_cast %get3A_758 : vector<1x1x1x1x16xi32> to vector<16xi32>
        %add3A_760 = arith.constant 0 : i32
        %add3A_761 = arith.addi %mul3A_731, %add3A_760 : i32
        %get3A_762 = arith.constant 0 : i32
        %get3A_763 = arith.index_cast %rem3A_513 : i32 to index
        %get3A_764 = arith.index_cast %get3A_762 : i32 to index
        %get3A_765 = arith.index_cast %select_n3A_710 : i32 to index
        %get3A_766 = arith.index_cast %add3A_761 : i32 to index
        %get3A_767 = arith.constant 16 : index
        %get3A_768 = tpu.vector_load %arg12[%get3A_763, %get3A_764, %get3A_765, %get3A_766, %get3A_767] {strides = array<i32>} : memref<2x2x4x128x32xi32, #tpu.memory_space<vmem>>, vector<1x1x1x1x16xi32>,
        %get3A_769 = vector.shape_cast %get3A_768 : vector<1x1x1x1x16xi32> to vector<16xi32>
        %shift_left3A = arith.constant 16 : i32
        %shift_left3A_770 = vector.broadcast %shift_left3A : i32 to vector<16xi32>
        %shift_left3A_771 = arith.shli %get3A_759, %shift_left3A_770 : vector<16xi32>
        %bitcast_convert_type3A = tpu.bitcast %shift_left3A_771 : vector<16xi32> -> vector<16xf32>
        %and3A_772 = arith.constant -65536 : i32
        %and3A_773 = vector.broadcast %and3A_772 : i32 to vector<16xi32>
        %and3A_774 = arith.andi %get3A_759, %and3A_773 : vector<16xi32>
        %bitcast_convert_type3A_775 = tpu.bitcast %and3A_774 : vector<16xi32> -> vector<16xf32>
        %shift_left3A_776 = arith.constant 16 : i32
        %shift_left3A_777 = vector.broadcast %shift_left3A_776 : i32 to vector<16xi32>
        %shift_left3A_778 = arith.shli %get3A_769, %shift_left3A_777 : vector<16xi32>
        %bitcast_convert_type3A_779 = tpu.bitcast %shift_left3A_778 : vector<16xi32> -> vector<16xf32>
        %and3A_780 = arith.constant -65536 : i32
        %and3A_781 = vector.broadcast %and3A_780 : i32 to vector<16xi32>
        %and3A_782 = arith.andi %get3A_769, %and3A_781 : vector<16xi32>
        %bitcast_convert_type3A_783 = tpu.bitcast %and3A_782 : vector<16xi32> -> vector<16xf32>
        %mul3A_784 = vector.broadcast %squeeze3A : f32 to vector<16xf32>
        %mul3A_785 = arith.mulf %mul3A_784, %bitcast_convert_type3A : vector<16xf32>
        %add3A_786 = arith.addf %broadcast_in_dim3A_732, %mul3A_785 : vector<16xf32>
        %mul3A_787 = vector.broadcast %squeeze3A : f32 to vector<16xf32>
        %mul3A_788 = arith.mulf %mul3A_787, %bitcast_convert_type3A_775 : vector<16xf32>
        %add3A_789 = arith.addf %broadcast_in_dim3A_734, %mul3A_788 : vector<16xf32>
        %mul3A_790 = vector.broadcast %squeeze3A_749 : f32 to vector<16xf32>
        %mul3A_791 = arith.mulf %mul3A_790, %bitcast_convert_type3A_779 : vector<16xf32>
        %add3A_792 = arith.addf %add3A_786, %mul3A_791 : vector<16xf32>
        %mul3A_793 = vector.broadcast %squeeze3A_749 : f32 to vector<16xf32>
        %mul3A_794 = arith.mulf %mul3A_793, %bitcast_convert_type3A_783 : vector<16xf32>
        %add3A_795 = arith.addf %add3A_789, %mul3A_794 : vector<16xf32>
        %slice3A_796 = vector.extract_strided_slice %get3A_740 {offsets = [1], sizes = [1], strides = [1]} : vector<16xf32> to vector<1xf32>
        %squeeze3A_797 = vector.extract %slice3A_796[0] : f32 from vector<1xf32>
        %slice3A_798 = vector.extract_strided_slice %get3A_747 {offsets = [1], sizes = [1], strides = [1]} : vector<16xf32> to vector<1xf32>
        %squeeze3A_799 = vector.extract %slice3A_798[0] : f32 from vector<1xf32>
        %add3A_800 = arith.constant 1 : i32
        %add3A_801 = arith.addi %mul3A_731, %add3A_800 : i32
        %get3A_802 = arith.constant 0 : i32
        %get3A_803 = arith.index_cast %rem3A_513 : i32 to index
        %get3A_804 = arith.index_cast %get3A_802 : i32 to index
        %get3A_805 = arith.index_cast %select_n3A_710 : i32 to index
        %get3A_806 = arith.index_cast %add3A_801 : i32 to index
        %get3A_807 = arith.constant 0 : index
        %get3A_808 = tpu.vector_load %arg12[%get3A_803, %get3A_804, %get3A_805, %get3A_806, %get3A_807] {strides = array<i32>} : memref<2x2x4x128x32xi32, #tpu.memory_space<vmem>>, vector<1x1x1x1x16xi32>,
        %get3A_809 = vector.shape_cast %get3A_808 : vector<1x1x1x1x16xi32> to vector<16xi32>
        %add3A_810 = arith.constant 1 : i32
        %add3A_811 = arith.addi %mul3A_731, %add3A_810 : i32
        %get3A_812 = arith.constant 0 : i32
        %get3A_813 = arith.index_cast %rem3A_513 : i32 to index
        %get3A_814 = arith.index_cast %get3A_812 : i32 to index
        %get3A_815 = arith.index_cast %select_n3A_710 : i32 to index
        %get3A_816 = arith.index_cast %add3A_811 : i32 to index
        %get3A_817 = arith.constant 16 : index
        %get3A_818 = tpu.vector_load %arg12[%get3A_813, %get3A_814, %get3A_815, %get3A_816, %get3A_817] {strides = array<i32>} : memref<2x2x4x128x32xi32, #tpu.memory_space<vmem>>, vector<1x1x1x1x16xi32>,
        %get3A_819 = vector.shape_cast %get3A_818 : vector<1x1x1x1x16xi32> to vector<16xi32>
        %shift_left3A_820 = arith.constant 16 : i32
        %shift_left3A_821 = vector.broadcast %shift_left3A_820 : i32 to vector<16xi32>
        %shift_left3A_822 = arith.shli %get3A_809, %shift_left3A_821 : vector<16xi32>
        %bitcast_convert_type3A_823 = tpu.bitcast %shift_left3A_822 : vector<16xi32> -> vector<16xf32>
        %and3A_824 = arith.constant -65536 : i32
        %and3A_825 = vector.broadcast %and3A_824 : i32 to vector<16xi32>
        %and3A_826 = arith.andi %get3A_809, %and3A_825 : vector<16xi32>
        %bitcast_convert_type3A_827 = tpu.bitcast %and3A_826 : vector<16xi32> -> vector<16xf32>
        %shift_left3A_828 = arith.constant 16 : i32
        %shift_left3A_829 = vector.broadcast %shift_left3A_828 : i32 to vector<16xi32>
        %shift_left3A_830 = arith.shli %get3A_819, %shift_left3A_829 : vector<16xi32>
        %bitcast_convert_type3A_831 = tpu.bitcast %shift_left3A_830 : vector<16xi32> -> vector<16xf32>
        %and3A_832 = arith.constant -65536 : i32
        %and3A_833 = vector.broadcast %and3A_832 : i32 to vector<16xi32>
        %and3A_834 = arith.andi %get3A_819, %and3A_833 : vector<16xi32>
        %bitcast_convert_type3A_835 = tpu.bitcast %and3A_834 : vector<16xi32> -> vector<16xf32>
        %mul3A_836 = vector.broadcast %squeeze3A_797 : f32 to vector<16xf32>
        %mul3A_837 = arith.mulf %mul3A_836, %bitcast_convert_type3A_823 : vector<16xf32>
        %add3A_838 = arith.addf %add3A_792, %mul3A_837 : vector<16xf32>
        %mul3A_839 = vector.broadcast %squeeze3A_797 : f32 to vector<16xf32>
        %mul3A_840 = arith.mulf %mul3A_839, %bitcast_convert_type3A_827 : vector<16xf32>
        %add3A_841 = arith.addf %add3A_795, %mul3A_840 : vector<16xf32>
        %mul3A_842 = vector.broadcast %squeeze3A_799 : f32 to vector<16xf32>
        %mul3A_843 = arith.mulf %mul3A_842, %bitcast_convert_type3A_831 : vector<16xf32>
        %add3A_844 = arith.addf %add3A_838, %mul3A_843 : vector<16xf32>
        %mul3A_845 = vector.broadcast %squeeze3A_799 : f32 to vector<16xf32>
        %mul3A_846 = arith.mulf %mul3A_845, %bitcast_convert_type3A_835 : vector<16xf32>
        %add3A_847 = arith.addf %add3A_841, %mul3A_846 : vector<16xf32>
        %slice3A_848 = vector.extract_strided_slice %get3A_740 {offsets = [2], sizes = [1], strides = [1]} : vector<16xf32> to vector<1xf32>
        %squeeze3A_849 = vector.extract %slice3A_848[0] : f32 from vector<1xf32>
        %slice3A_850 = vector.extract_strided_slice %get3A_747 {offsets = [2], sizes = [1], strides = [1]} : vector<16xf32> to vector<1xf32>
        %squeeze3A_851 = vector.extract %slice3A_850[0] : f32 from vector<1xf32>
        %add3A_852 = arith.constant 2 : i32
        %add3A_853 = arith.addi %mul3A_731, %add3A_852 : i32
        %get3A_854 = arith.constant 0 : i32
        %get3A_855 = arith.index_cast %rem3A_513 : i32 to index
        %get3A_856 = arith.index_cast %get3A_854 : i32 to index
        %get3A_857 = arith.index_cast %select_n3A_710 : i32 to index
        %get3A_858 = arith.index_cast %add3A_853 : i32 to index
        %get3A_859 = arith.constant 0 : index
        %get3A_860 = tpu.vector_load %arg12[%get3A_855, %get3A_856, %get3A_857, %get3A_858, %get3A_859] {strides = array<i32>} : memref<2x2x4x128x32xi32, #tpu.memory_space<vmem>>, vector<1x1x1x1x16xi32>,
        %get3A_861 = vector.shape_cast %get3A_860 : vector<1x1x1x1x16xi32> to vector<16xi32>
        %add3A_862 = arith.constant 2 : i32
        %add3A_863 = arith.addi %mul3A_731, %add3A_862 : i32
        %get3A_864 = arith.constant 0 : i32
        %get3A_865 = arith.index_cast %rem3A_513 : i32 to index
        %get3A_866 = arith.index_cast %get3A_864 : i32 to index
        %get3A_867 = arith.index_cast %select_n3A_710 : i32 to index
        %get3A_868 = arith.index_cast %add3A_863 : i32 to index
        %get3A_869 = arith.constant 16 : index
        %get3A_870 = tpu.vector_load %arg12[%get3A_865, %get3A_866, %get3A_867, %get3A_868, %get3A_869] {strides = array<i32>} : memref<2x2x4x128x32xi32, #tpu.memory_space<vmem>>, vector<1x1x1x1x16xi32>,
        %get3A_871 = vector.shape_cast %get3A_870 : vector<1x1x1x1x16xi32> to vector<16xi32>
        %shift_left3A_872 = arith.constant 16 : i32
        %shift_left3A_873 = vector.broadcast %shift_left3A_872 : i32 to vector<16xi32>
        %shift_left3A_874 = arith.shli %get3A_861, %shift_left3A_873 : vector<16xi32>
        %bitcast_convert_type3A_875 = tpu.bitcast %shift_left3A_874 : vector<16xi32> -> vector<16xf32>
        %and3A_876 = arith.constant -65536 : i32
        %and3A_877 = vector.broadcast %and3A_876 : i32 to vector<16xi32>
        %and3A_878 = arith.andi %get3A_861, %and3A_877 : vector<16xi32>
        %bitcast_convert_type3A_879 = tpu.bitcast %and3A_878 : vector<16xi32> -> vector<16xf32>
        %shift_left3A_880 = arith.constant 16 : i32
        %shift_left3A_881 = vector.broadcast %shift_left3A_880 : i32 to vector<16xi32>
        %shift_left3A_882 = arith.shli %get3A_871, %shift_left3A_881 : vector<16xi32>
        %bitcast_convert_type3A_883 = tpu.bitcast %shift_left3A_882 : vector<16xi32> -> vector<16xf32>
        %and3A_884 = arith.constant -65536 : i32
        %and3A_885 = vector.broadcast %and3A_884 : i32 to vector<16xi32>
        %and3A_886 = arith.andi %get3A_871, %and3A_885 : vector<16xi32>
        %bitcast_convert_type3A_887 = tpu.bitcast %and3A_886 : vector<16xi32> -> vector<16xf32>
        %mul3A_888 = vector.broadcast %squeeze3A_849 : f32 to vector<16xf32>
        %mul3A_889 = arith.mulf %mul3A_888, %bitcast_convert_type3A_875 : vector<16xf32>
        %add3A_890 = arith.addf %add3A_844, %mul3A_889 : vector<16xf32>
        %mul3A_891 = vector.broadcast %squeeze3A_849 : f32 to vector<16xf32>
        %mul3A_892 = arith.mulf %mul3A_891, %bitcast_convert_type3A_879 : vector<16xf32>
        %add3A_893 = arith.addf %add3A_847, %mul3A_892 : vector<16xf32>
        %mul3A_894 = vector.broadcast %squeeze3A_851 : f32 to vector<16xf32>
        %mul3A_895 = arith.mulf %mul3A_894, %bitcast_convert_type3A_883 : vector<16xf32>
        %add3A_896 = arith.addf %add3A_890, %mul3A_895 : vector<16xf32>
        %mul3A_897 = vector.broadcast %squeeze3A_851 : f32 to vector<16xf32>
        %mul3A_898 = arith.mulf %mul3A_897, %bitcast_convert_type3A_887 : vector<16xf32>
        %add3A_899 = arith.addf %add3A_893, %mul3A_898 : vector<16xf32>
        %slice3A_900 = vector.extract_strided_slice %get3A_740 {offsets = [3], sizes = [1], strides = [1]} : vector<16xf32> to vector<1xf32>
        %squeeze3A_901 = vector.extract %slice3A_900[0] : f32 from vector<1xf32>
        %slice3A_902 = vector.extract_strided_slice %get3A_747 {offsets = [3], sizes = [1], strides = [1]} : vector<16xf32> to vector<1xf32>
        %squeeze3A_903 = vector.extract %slice3A_902[0] : f32 from vector<1xf32>
        %add3A_904 = arith.constant 3 : i32
        %add3A_905 = arith.addi %mul3A_731, %add3A_904 : i32
        %get3A_906 = arith.constant 0 : i32
        %get3A_907 = arith.index_cast %rem3A_513 : i32 to index
        %get3A_908 = arith.index_cast %get3A_906 : i32 to index
        %get3A_909 = arith.index_cast %select_n3A_710 : i32 to index
        %get3A_910 = arith.index_cast %add3A_905 : i32 to index
        %get3A_911 = arith.constant 0 : index
        %get3A_912 = tpu.vector_load %arg12[%get3A_907, %get3A_908, %get3A_909, %get3A_910, %get3A_911] {strides = array<i32>} : memref<2x2x4x128x32xi32, #tpu.memory_space<vmem>>, vector<1x1x1x1x16xi32>,
        %get3A_913 = vector.shape_cast %get3A_912 : vector<1x1x1x1x16xi32> to vector<16xi32>
        %add3A_914 = arith.constant 3 : i32
        %add3A_915 = arith.addi %mul3A_731, %add3A_914 : i32
        %get3A_916 = arith.constant 0 : i32
        %get3A_917 = arith.index_cast %rem3A_513 : i32 to index
        %get3A_918 = arith.index_cast %get3A_916 : i32 to index
        %get3A_919 = arith.index_cast %select_n3A_710 : i32 to index
        %get3A_920 = arith.index_cast %add3A_915 : i32 to index
        %get3A_921 = arith.constant 16 : index
        %get3A_922 = tpu.vector_load %arg12[%get3A_917, %get3A_918, %get3A_919, %get3A_920, %get3A_921] {strides = array<i32>} : memref<2x2x4x128x32xi32, #tpu.memory_space<vmem>>, vector<1x1x1x1x16xi32>,
        %get3A_923 = vector.shape_cast %get3A_922 : vector<1x1x1x1x16xi32> to vector<16xi32>
        %shift_left3A_924 = arith.constant 16 : i32
        %shift_left3A_925 = vector.broadcast %shift_left3A_924 : i32 to vector<16xi32>
        %shift_left3A_926 = arith.shli %get3A_913, %shift_left3A_925 : vector<16xi32>
        %bitcast_convert_type3A_927 = tpu.bitcast %shift_left3A_926 : vector<16xi32> -> vector<16xf32>
        %and3A_928 = arith.constant -65536 : i32
        %and3A_929 = vector.broadcast %and3A_928 : i32 to vector<16xi32>
        %and3A_930 = arith.andi %get3A_913, %and3A_929 : vector<16xi32>
        %bitcast_convert_type3A_931 = tpu.bitcast %and3A_930 : vector<16xi32> -> vector<16xf32>
        %shift_left3A_932 = arith.constant 16 : i32
        %shift_left3A_933 = vector.broadcast %shift_left3A_932 : i32 to vector<16xi32>
        %shift_left3A_934 = arith.shli %get3A_923, %shift_left3A_933 : vector<16xi32>
        %bitcast_convert_type3A_935 = tpu.bitcast %shift_left3A_934 : vector<16xi32> -> vector<16xf32>
        %and3A_936 = arith.constant -65536 : i32
        %and3A_937 = vector.broadcast %and3A_936 : i32 to vector<16xi32>
        %and3A_938 = arith.andi %get3A_923, %and3A_937 : vector<16xi32>
        %bitcast_convert_type3A_939 = tpu.bitcast %and3A_938 : vector<16xi32> -> vector<16xf32>
        %mul3A_940 = vector.broadcast %squeeze3A_901 : f32 to vector<16xf32>
        %mul3A_941 = arith.mulf %mul3A_940, %bitcast_convert_type3A_927 : vector<16xf32>
        %add3A_942 = arith.addf %add3A_896, %mul3A_941 : vector<16xf32>
        %mul3A_943 = vector.broadcast %squeeze3A_901 : f32 to vector<16xf32>
        %mul3A_944 = arith.mulf %mul3A_943, %bitcast_convert_type3A_931 : vector<16xf32>
        %add3A_945 = arith.addf %add3A_899, %mul3A_944 : vector<16xf32>
        %mul3A_946 = vector.broadcast %squeeze3A_903 : f32 to vector<16xf32>
        %mul3A_947 = arith.mulf %mul3A_946, %bitcast_convert_type3A_935 : vector<16xf32>
        %add3A_948 = arith.addf %add3A_942, %mul3A_947 : vector<16xf32>
        %mul3A_949 = vector.broadcast %squeeze3A_903 : f32 to vector<16xf32>
        %mul3A_950 = arith.mulf %mul3A_949, %bitcast_convert_type3A_939 : vector<16xf32>
        %add3A_951 = arith.addf %add3A_945, %mul3A_950 : vector<16xf32>
        %slice3A_952 = vector.extract_strided_slice %get3A_740 {offsets = [4], sizes = [1], strides = [1]} : vector<16xf32> to vector<1xf32>
        %squeeze3A_953 = vector.extract %slice3A_952[0] : f32 from vector<1xf32>
        %slice3A_954 = vector.extract_strided_slice %get3A_747 {offsets = [4], sizes = [1], strides = [1]} : vector<16xf32> to vector<1xf32>
        %squeeze3A_955 = vector.extract %slice3A_954[0] : f32 from vector<1xf32>
        %add3A_956 = arith.constant 4 : i32
        %add3A_957 = arith.addi %mul3A_731, %add3A_956 : i32
        %get3A_958 = arith.constant 0 : i32
        %get3A_959 = arith.index_cast %rem3A_513 : i32 to index
        %get3A_960 = arith.index_cast %get3A_958 : i32 to index
        %get3A_961 = arith.index_cast %select_n3A_710 : i32 to index
        %get3A_962 = arith.index_cast %add3A_957 : i32 to index
        %get3A_963 = arith.constant 0 : index
        %get3A_964 = tpu.vector_load %arg12[%get3A_959, %get3A_960, %get3A_961, %get3A_962, %get3A_963] {strides = array<i32>} : memref<2x2x4x128x32xi32, #tpu.memory_space<vmem>>, vector<1x1x1x1x16xi32>,
        %get3A_965 = vector.shape_cast %get3A_964 : vector<1x1x1x1x16xi32> to vector<16xi32>
        %add3A_966 = arith.constant 4 : i32
        %add3A_967 = arith.addi %mul3A_731, %add3A_966 : i32
        %get3A_968 = arith.constant 0 : i32
        %get3A_969 = arith.index_cast %rem3A_513 : i32 to index
        %get3A_970 = arith.index_cast %get3A_968 : i32 to index
        %get3A_971 = arith.index_cast %select_n3A_710 : i32 to index
        %get3A_972 = arith.index_cast %add3A_967 : i32 to index
        %get3A_973 = arith.constant 16 : index
        %get3A_974 = tpu.vector_load %arg12[%get3A_969, %get3A_970, %get3A_971, %get3A_972, %get3A_973] {strides = array<i32>} : memref<2x2x4x128x32xi32, #tpu.memory_space<vmem>>, vector<1x1x1x1x16xi32>,
        %get3A_975 = vector.shape_cast %get3A_974 : vector<1x1x1x1x16xi32> to vector<16xi32>
        %shift_left3A_976 = arith.constant 16 : i32
        %shift_left3A_977 = vector.broadcast %shift_left3A_976 : i32 to vector<16xi32>
        %shift_left3A_978 = arith.shli %get3A_965, %shift_left3A_977 : vector<16xi32>
        %bitcast_convert_type3A_979 = tpu.bitcast %shift_left3A_978 : vector<16xi32> -> vector<16xf32>
        %and3A_980 = arith.constant -65536 : i32
        %and3A_981 = vector.broadcast %and3A_980 : i32 to vector<16xi32>
        %and3A_982 = arith.andi %get3A_965, %and3A_981 : vector<16xi32>
        %bitcast_convert_type3A_983 = tpu.bitcast %and3A_982 : vector<16xi32> -> vector<16xf32>
        %shift_left3A_984 = arith.constant 16 : i32
        %shift_left3A_985 = vector.broadcast %shift_left3A_984 : i32 to vector<16xi32>
        %shift_left3A_986 = arith.shli %get3A_975, %shift_left3A_985 : vector<16xi32>
        %bitcast_convert_type3A_987 = tpu.bitcast %shift_left3A_986 : vector<16xi32> -> vector<16xf32>
        %and3A_988 = arith.constant -65536 : i32
        %and3A_989 = vector.broadcast %and3A_988 : i32 to vector<16xi32>
        %and3A_990 = arith.andi %get3A_975, %and3A_989 : vector<16xi32>
        %bitcast_convert_type3A_991 = tpu.bitcast %and3A_990 : vector<16xi32> -> vector<16xf32>
        %mul3A_992 = vector.broadcast %squeeze3A_953 : f32 to vector<16xf32>
        %mul3A_993 = arith.mulf %mul3A_992, %bitcast_convert_type3A_979 : vector<16xf32>
        %add3A_994 = arith.addf %add3A_948, %mul3A_993 : vector<16xf32>
        %mul3A_995 = vector.broadcast %squeeze3A_953 : f32 to vector<16xf32>
        %mul3A_996 = arith.mulf %mul3A_995, %bitcast_convert_type3A_983 : vector<16xf32>
        %add3A_997 = arith.addf %add3A_951, %mul3A_996 : vector<16xf32>
        %mul3A_998 = vector.broadcast %squeeze3A_955 : f32 to vector<16xf32>
        %mul3A_999 = arith.mulf %mul3A_998, %bitcast_convert_type3A_987 : vector<16xf32>
        %add3A_1000 = arith.addf %add3A_994, %mul3A_999 : vector<16xf32>
        %mul3A_1001 = vector.broadcast %squeeze3A_955 : f32 to vector<16xf32>
        %mul3A_1002 = arith.mulf %mul3A_1001, %bitcast_convert_type3A_991 : vector<16xf32>
        %add3A_1003 = arith.addf %add3A_997, %mul3A_1002 : vector<16xf32>
        %slice3A_1004 = vector.extract_strided_slice %get3A_740 {offsets = [5], sizes = [1], strides = [1]} : vector<16xf32> to vector<1xf32>
        %squeeze3A_1005 = vector.extract %slice3A_1004[0] : f32 from vector<1xf32>
        %slice3A_1006 = vector.extract_strided_slice %get3A_747 {offsets = [5], sizes = [1], strides = [1]} : vector<16xf32> to vector<1xf32>
        %squeeze3A_1007 = vector.extract %slice3A_1006[0] : f32 from vector<1xf32>
        %add3A_1008 = arith.constant 5 : i32
        %add3A_1009 = arith.addi %mul3A_731, %add3A_1008 : i32
        %get3A_1010 = arith.constant 0 : i32
        %get3A_1011 = arith.index_cast %rem3A_513 : i32 to index
        %get3A_1012 = arith.index_cast %get3A_1010 : i32 to index
        %get3A_1013 = arith.index_cast %select_n3A_710 : i32 to index
        %get3A_1014 = arith.index_cast %add3A_1009 : i32 to index
        %get3A_1015 = arith.constant 0 : index
        %get3A_1016 = tpu.vector_load %arg12[%get3A_1011, %get3A_1012, %get3A_1013, %get3A_1014, %get3A_1015] {strides = array<i32>} : memref<2x2x4x128x32xi32, #tpu.memory_space<vmem>>, vector<1x1x1x1x16xi32>,
        %get3A_1017 = vector.shape_cast %get3A_1016 : vector<1x1x1x1x16xi32> to vector<16xi32>
        %add3A_1018 = arith.constant 5 : i32
        %add3A_1019 = arith.addi %mul3A_731, %add3A_1018 : i32
        %get3A_1020 = arith.constant 0 : i32
        %get3A_1021 = arith.index_cast %rem3A_513 : i32 to index
        %get3A_1022 = arith.index_cast %get3A_1020 : i32 to index
        %get3A_1023 = arith.index_cast %select_n3A_710 : i32 to index
        %get3A_1024 = arith.index_cast %add3A_1019 : i32 to index
        %get3A_1025 = arith.constant 16 : index
        %get3A_1026 = tpu.vector_load %arg12[%get3A_1021, %get3A_1022, %get3A_1023, %get3A_1024, %get3A_1025] {strides = array<i32>} : memref<2x2x4x128x32xi32, #tpu.memory_space<vmem>>, vector<1x1x1x1x16xi32>,
        %get3A_1027 = vector.shape_cast %get3A_1026 : vector<1x1x1x1x16xi32> to vector<16xi32>
        %shift_left3A_1028 = arith.constant 16 : i32
        %shift_left3A_1029 = vector.broadcast %shift_left3A_1028 : i32 to vector<16xi32>
        %shift_left3A_1030 = arith.shli %get3A_1017, %shift_left3A_1029 : vector<16xi32>
        %bitcast_convert_type3A_1031 = tpu.bitcast %shift_left3A_1030 : vector<16xi32> -> vector<16xf32>
        %and3A_1032 = arith.constant -65536 : i32
        %and3A_1033 = vector.broadcast %and3A_1032 : i32 to vector<16xi32>
        %and3A_1034 = arith.andi %get3A_1017, %and3A_1033 : vector<16xi32>
        %bitcast_convert_type3A_1035 = tpu.bitcast %and3A_1034 : vector<16xi32> -> vector<16xf32>
        %shift_left3A_1036 = arith.constant 16 : i32
        %shift_left3A_1037 = vector.broadcast %shift_left3A_1036 : i32 to vector<16xi32>
        %shift_left3A_1038 = arith.shli %get3A_1027, %shift_left3A_1037 : vector<16xi32>
        %bitcast_convert_type3A_1039 = tpu.bitcast %shift_left3A_1038 : vector<16xi32> -> vector<16xf32>
        %and3A_1040 = arith.constant -65536 : i32
        %and3A_1041 = vector.broadcast %and3A_1040 : i32 to vector<16xi32>
        %and3A_1042 = arith.andi %get3A_1027, %and3A_1041 : vector<16xi32>
        %bitcast_convert_type3A_1043 = tpu.bitcast %and3A_1042 : vector<16xi32> -> vector<16xf32>
        %mul3A_1044 = vector.broadcast %squeeze3A_1005 : f32 to vector<16xf32>
        %mul3A_1045 = arith.mulf %mul3A_1044, %bitcast_convert_type3A_1031 : vector<16xf32>
        %add3A_1046 = arith.addf %add3A_1000, %mul3A_1045 : vector<16xf32>
        %mul3A_1047 = vector.broadcast %squeeze3A_1005 : f32 to vector<16xf32>
        %mul3A_1048 = arith.mulf %mul3A_1047, %bitcast_convert_type3A_1035 : vector<16xf32>
        %add3A_1049 = arith.addf %add3A_1003, %mul3A_1048 : vector<16xf32>
        %mul3A_1050 = vector.broadcast %squeeze3A_1007 : f32 to vector<16xf32>
        %mul3A_1051 = arith.mulf %mul3A_1050, %bitcast_convert_type3A_1039 : vector<16xf32>
        %add3A_1052 = arith.addf %add3A_1046, %mul3A_1051 : vector<16xf32>
        %mul3A_1053 = vector.broadcast %squeeze3A_1007 : f32 to vector<16xf32>
        %mul3A_1054 = arith.mulf %mul3A_1053, %bitcast_convert_type3A_1043 : vector<16xf32>
        %add3A_1055 = arith.addf %add3A_1049, %mul3A_1054 : vector<16xf32>
        %slice3A_1056 = vector.extract_strided_slice %get3A_740 {offsets = [6], sizes = [1], strides = [1]} : vector<16xf32> to vector<1xf32>
        %squeeze3A_1057 = vector.extract %slice3A_1056[0] : f32 from vector<1xf32>
        %slice3A_1058 = vector.extract_strided_slice %get3A_747 {offsets = [6], sizes = [1], strides = [1]} : vector<16xf32> to vector<1xf32>
        %squeeze3A_1059 = vector.extract %slice3A_1058[0] : f32 from vector<1xf32>
        %add3A_1060 = arith.constant 6 : i32
        %add3A_1061 = arith.addi %mul3A_731, %add3A_1060 : i32
        %get3A_1062 = arith.constant 0 : i32
        %get3A_1063 = arith.index_cast %rem3A_513 : i32 to index
        %get3A_1064 = arith.index_cast %get3A_1062 : i32 to index
        %get3A_1065 = arith.index_cast %select_n3A_710 : i32 to index
        %get3A_1066 = arith.index_cast %add3A_1061 : i32 to index
        %get3A_1067 = arith.constant 0 : index
        %get3A_1068 = tpu.vector_load %arg12[%get3A_1063, %get3A_1064, %get3A_1065, %get3A_1066, %get3A_1067] {strides = array<i32>} : memref<2x2x4x128x32xi32, #tpu.memory_space<vmem>>, vector<1x1x1x1x16xi32>,
        %get3A_1069 = vector.shape_cast %get3A_1068 : vector<1x1x1x1x16xi32> to vector<16xi32>
        %add3A_1070 = arith.constant 6 : i32
        %add3A_1071 = arith.addi %mul3A_731, %add3A_1070 : i32
        %get3A_1072 = arith.constant 0 : i32
        %get3A_1073 = arith.index_cast %rem3A_513 : i32 to index
        %get3A_1074 = arith.index_cast %get3A_1072 : i32 to index
        %get3A_1075 = arith.index_cast %select_n3A_710 : i32 to index
        %get3A_1076 = arith.index_cast %add3A_1071 : i32 to index
        %get3A_1077 = arith.constant 16 : index
        %get3A_1078 = tpu.vector_load %arg12[%get3A_1073, %get3A_1074, %get3A_1075, %get3A_1076, %get3A_1077] {strides = array<i32>} : memref<2x2x4x128x32xi32, #tpu.memory_space<vmem>>, vector<1x1x1x1x16xi32>,
        %get3A_1079 = vector.shape_cast %get3A_1078 : vector<1x1x1x1x16xi32> to vector<16xi32>
        %shift_left3A_1080 = arith.constant 16 : i32
        %shift_left3A_1081 = vector.broadcast %shift_left3A_1080 : i32 to vector<16xi32>
        %shift_left3A_1082 = arith.shli %get3A_1069, %shift_left3A_1081 : vector<16xi32>
        %bitcast_convert_type3A_1083 = tpu.bitcast %shift_left3A_1082 : vector<16xi32> -> vector<16xf32>
        %and3A_1084 = arith.constant -65536 : i32
        %and3A_1085 = vector.broadcast %and3A_1084 : i32 to vector<16xi32>
        %and3A_1086 = arith.andi %get3A_1069, %and3A_1085 : vector<16xi32>
        %bitcast_convert_type3A_1087 = tpu.bitcast %and3A_1086 : vector<16xi32> -> vector<16xf32>
        %shift_left3A_1088 = arith.constant 16 : i32
        %shift_left3A_1089 = vector.broadcast %shift_left3A_1088 : i32 to vector<16xi32>
        %shift_left3A_1090 = arith.shli %get3A_1079, %shift_left3A_1089 : vector<16xi32>
        %bitcast_convert_type3A_1091 = tpu.bitcast %shift_left3A_1090 : vector<16xi32> -> vector<16xf32>
        %and3A_1092 = arith.constant -65536 : i32
        %and3A_1093 = vector.broadcast %and3A_1092 : i32 to vector<16xi32>
        %and3A_1094 = arith.andi %get3A_1079, %and3A_1093 : vector<16xi32>
        %bitcast_convert_type3A_1095 = tpu.bitcast %and3A_1094 : vector<16xi32> -> vector<16xf32>
        %mul3A_1096 = vector.broadcast %squeeze3A_1057 : f32 to vector<16xf32>
        %mul3A_1097 = arith.mulf %mul3A_1096, %bitcast_convert_type3A_1083 : vector<16xf32>
        %add3A_1098 = arith.addf %add3A_1052, %mul3A_1097 : vector<16xf32>
        %mul3A_1099 = vector.broadcast %squeeze3A_1057 : f32 to vector<16xf32>
        %mul3A_1100 = arith.mulf %mul3A_1099, %bitcast_convert_type3A_1087 : vector<16xf32>
        %add3A_1101 = arith.addf %add3A_1055, %mul3A_1100 : vector<16xf32>
        %mul3A_1102 = vector.broadcast %squeeze3A_1059 : f32 to vector<16xf32>
        %mul3A_1103 = arith.mulf %mul3A_1102, %bitcast_convert_type3A_1091 : vector<16xf32>
        %add3A_1104 = arith.addf %add3A_1098, %mul3A_1103 : vector<16xf32>
        %mul3A_1105 = vector.broadcast %squeeze3A_1059 : f32 to vector<16xf32>
        %mul3A_1106 = arith.mulf %mul3A_1105, %bitcast_convert_type3A_1095 : vector<16xf32>
        %add3A_1107 = arith.addf %add3A_1101, %mul3A_1106 : vector<16xf32>
        %slice3A_1108 = vector.extract_strided_slice %get3A_740 {offsets = [7], sizes = [1], strides = [1]} : vector<16xf32> to vector<1xf32>
        %squeeze3A_1109 = vector.extract %slice3A_1108[0] : f32 from vector<1xf32>
        %slice3A_1110 = vector.extract_strided_slice %get3A_747 {offsets = [7], sizes = [1], strides = [1]} : vector<16xf32> to vector<1xf32>
        %squeeze3A_1111 = vector.extract %slice3A_1110[0] : f32 from vector<1xf32>
        %add3A_1112 = arith.constant 7 : i32
        %add3A_1113 = arith.addi %mul3A_731, %add3A_1112 : i32
        %get3A_1114 = arith.constant 0 : i32
        %get3A_1115 = arith.index_cast %rem3A_513 : i32 to index
        %get3A_1116 = arith.index_cast %get3A_1114 : i32 to index
        %get3A_1117 = arith.index_cast %select_n3A_710 : i32 to index
        %get3A_1118 = arith.index_cast %add3A_1113 : i32 to index
        %get3A_1119 = arith.constant 0 : index
        %get3A_1120 = tpu.vector_load %arg12[%get3A_1115, %get3A_1116, %get3A_1117, %get3A_1118, %get3A_1119] {strides = array<i32>} : memref<2x2x4x128x32xi32, #tpu.memory_space<vmem>>, vector<1x1x1x1x16xi32>,
        %get3A_1121 = vector.shape_cast %get3A_1120 : vector<1x1x1x1x16xi32> to vector<16xi32>
        %add3A_1122 = arith.constant 7 : i32
        %add3A_1123 = arith.addi %mul3A_731, %add3A_1122 : i32
        %get3A_1124 = arith.constant 0 : i32
        %get3A_1125 = arith.index_cast %rem3A_513 : i32 to index
        %get3A_1126 = arith.index_cast %get3A_1124 : i32 to index
        %get3A_1127 = arith.index_cast %select_n3A_710 : i32 to index
        %get3A_1128 = arith.index_cast %add3A_1123 : i32 to index
        %get3A_1129 = arith.constant 16 : index
        %get3A_1130 = tpu.vector_load %arg12[%get3A_1125, %get3A_1126, %get3A_1127, %get3A_1128, %get3A_1129] {strides = array<i32>} : memref<2x2x4x128x32xi32, #tpu.memory_space<vmem>>, vector<1x1x1x1x16xi32>,
        %get3A_1131 = vector.shape_cast %get3A_1130 : vector<1x1x1x1x16xi32> to vector<16xi32>
        %shift_left3A_1132 = arith.constant 16 : i32
        %shift_left3A_1133 = vector.broadcast %shift_left3A_1132 : i32 to vector<16xi32>
        %shift_left3A_1134 = arith.shli %get3A_1121, %shift_left3A_1133 : vector<16xi32>
        %bitcast_convert_type3A_1135 = tpu.bitcast %shift_left3A_1134 : vector<16xi32> -> vector<16xf32>
        %and3A_1136 = arith.constant -65536 : i32
        %and3A_1137 = vector.broadcast %and3A_1136 : i32 to vector<16xi32>
        %and3A_1138 = arith.andi %get3A_1121, %and3A_1137 : vector<16xi32>
        %bitcast_convert_type3A_1139 = tpu.bitcast %and3A_1138 : vector<16xi32> -> vector<16xf32>
        %shift_left3A_1140 = arith.constant 16 : i32
        %shift_left3A_1141 = vector.broadcast %shift_left3A_1140 : i32 to vector<16xi32>
        %shift_left3A_1142 = arith.shli %get3A_1131, %shift_left3A_1141 : vector<16xi32>
        %bitcast_convert_type3A_1143 = tpu.bitcast %shift_left3A_1142 : vector<16xi32> -> vector<16xf32>
        %and3A_1144 = arith.constant -65536 : i32
        %and3A_1145 = vector.broadcast %and3A_1144 : i32 to vector<16xi32>
        %and3A_1146 = arith.andi %get3A_1131, %and3A_1145 : vector<16xi32>
        %bitcast_convert_type3A_1147 = tpu.bitcast %and3A_1146 : vector<16xi32> -> vector<16xf32>
        %mul3A_1148 = vector.broadcast %squeeze3A_1109 : f32 to vector<16xf32>
        %mul3A_1149 = arith.mulf %mul3A_1148, %bitcast_convert_type3A_1135 : vector<16xf32>
        %add3A_1150 = arith.addf %add3A_1104, %mul3A_1149 : vector<16xf32>
        %mul3A_1151 = vector.broadcast %squeeze3A_1109 : f32 to vector<16xf32>
        %mul3A_1152 = arith.mulf %mul3A_1151, %bitcast_convert_type3A_1139 : vector<16xf32>
        %add3A_1153 = arith.addf %add3A_1107, %mul3A_1152 : vector<16xf32>
        %mul3A_1154 = vector.broadcast %squeeze3A_1111 : f32 to vector<16xf32>
        %mul3A_1155 = arith.mulf %mul3A_1154, %bitcast_convert_type3A_1143 : vector<16xf32>
        %add3A_1156 = arith.addf %add3A_1150, %mul3A_1155 : vector<16xf32>
        %mul3A_1157 = vector.broadcast %squeeze3A_1111 : f32 to vector<16xf32>
        %mul3A_1158 = arith.mulf %mul3A_1157, %bitcast_convert_type3A_1147 : vector<16xf32>
        %add3A_1159 = arith.addf %add3A_1153, %mul3A_1158 : vector<16xf32>
        %slice3A_1160 = vector.extract_strided_slice %get3A_740 {offsets = [8], sizes = [1], strides = [1]} : vector<16xf32> to vector<1xf32>
        %squeeze3A_1161 = vector.extract %slice3A_1160[0] : f32 from vector<1xf32>
        %slice3A_1162 = vector.extract_strided_slice %get3A_747 {offsets = [8], sizes = [1], strides = [1]} : vector<16xf32> to vector<1xf32>
        %squeeze3A_1163 = vector.extract %slice3A_1162[0] : f32 from vector<1xf32>
        %add3A_1164 = arith.constant 8 : i32
        %add3A_1165 = arith.addi %mul3A_731, %add3A_1164 : i32
        %get3A_1166 = arith.constant 0 : i32
        %get3A_1167 = arith.index_cast %rem3A_513 : i32 to index
        %get3A_1168 = arith.index_cast %get3A_1166 : i32 to index
        %get3A_1169 = arith.index_cast %select_n3A_710 : i32 to index
        %get3A_1170 = arith.index_cast %add3A_1165 : i32 to index
        %get3A_1171 = arith.constant 0 : index
        %get3A_1172 = tpu.vector_load %arg12[%get3A_1167, %get3A_1168, %get3A_1169, %get3A_1170, %get3A_1171] {strides = array<i32>} : memref<2x2x4x128x32xi32, #tpu.memory_space<vmem>>, vector<1x1x1x1x16xi32>,
        %get3A_1173 = vector.shape_cast %get3A_1172 : vector<1x1x1x1x16xi32> to vector<16xi32>
        %add3A_1174 = arith.constant 8 : i32
        %add3A_1175 = arith.addi %mul3A_731, %add3A_1174 : i32
        %get3A_1176 = arith.constant 0 : i32
        %get3A_1177 = arith.index_cast %rem3A_513 : i32 to index
        %get3A_1178 = arith.index_cast %get3A_1176 : i32 to index
        %get3A_1179 = arith.index_cast %select_n3A_710 : i32 to index
        %get3A_1180 = arith.index_cast %add3A_1175 : i32 to index
        %get3A_1181 = arith.constant 16 : index
        %get3A_1182 = tpu.vector_load %arg12[%get3A_1177, %get3A_1178, %get3A_1179, %get3A_1180, %get3A_1181] {strides = array<i32>} : memref<2x2x4x128x32xi32, #tpu.memory_space<vmem>>, vector<1x1x1x1x16xi32>,
        %get3A_1183 = vector.shape_cast %get3A_1182 : vector<1x1x1x1x16xi32> to vector<16xi32>
        %shift_left3A_1184 = arith.constant 16 : i32
        %shift_left3A_1185 = vector.broadcast %shift_left3A_1184 : i32 to vector<16xi32>
        %shift_left3A_1186 = arith.shli %get3A_1173, %shift_left3A_1185 : vector<16xi32>
        %bitcast_convert_type3A_1187 = tpu.bitcast %shift_left3A_1186 : vector<16xi32> -> vector<16xf32>
        %and3A_1188 = arith.constant -65536 : i32
        %and3A_1189 = vector.broadcast %and3A_1188 : i32 to vector<16xi32>
        %and3A_1190 = arith.andi %get3A_1173, %and3A_1189 : vector<16xi32>
        %bitcast_convert_type3A_1191 = tpu.bitcast %and3A_1190 : vector<16xi32> -> vector<16xf32>
        %shift_left3A_1192 = arith.constant 16 : i32
        %shift_left3A_1193 = vector.broadcast %shift_left3A_1192 : i32 to vector<16xi32>
        %shift_left3A_1194 = arith.shli %get3A_1183, %shift_left3A_1193 : vector<16xi32>
        %bitcast_convert_type3A_1195 = tpu.bitcast %shift_left3A_1194 : vector<16xi32> -> vector<16xf32>
        %and3A_1196 = arith.constant -65536 : i32
        %and3A_1197 = vector.broadcast %and3A_1196 : i32 to vector<16xi32>
        %and3A_1198 = arith.andi %get3A_1183, %and3A_1197 : vector<16xi32>
        %bitcast_convert_type3A_1199 = tpu.bitcast %and3A_1198 : vector<16xi32> -> vector<16xf32>
        %mul3A_1200 = vector.broadcast %squeeze3A_1161 : f32 to vector<16xf32>
        %mul3A_1201 = arith.mulf %mul3A_1200, %bitcast_convert_type3A_1187 : vector<16xf32>
        %add3A_1202 = arith.addf %add3A_1156, %mul3A_1201 : vector<16xf32>
        %mul3A_1203 = vector.broadcast %squeeze3A_1161 : f32 to vector<16xf32>
        %mul3A_1204 = arith.mulf %mul3A_1203, %bitcast_convert_type3A_1191 : vector<16xf32>
        %add3A_1205 = arith.addf %add3A_1159, %mul3A_1204 : vector<16xf32>
        %mul3A_1206 = vector.broadcast %squeeze3A_1163 : f32 to vector<16xf32>
        %mul3A_1207 = arith.mulf %mul3A_1206, %bitcast_convert_type3A_1195 : vector<16xf32>
        %add3A_1208 = arith.addf %add3A_1202, %mul3A_1207 : vector<16xf32>
        %mul3A_1209 = vector.broadcast %squeeze3A_1163 : f32 to vector<16xf32>
        %mul3A_1210 = arith.mulf %mul3A_1209, %bitcast_convert_type3A_1199 : vector<16xf32>
        %add3A_1211 = arith.addf %add3A_1205, %mul3A_1210 : vector<16xf32>
        %slice3A_1212 = vector.extract_strided_slice %get3A_740 {offsets = [9], sizes = [1], strides = [1]} : vector<16xf32> to vector<1xf32>
        %squeeze3A_1213 = vector.extract %slice3A_1212[0] : f32 from vector<1xf32>
        %slice3A_1214 = vector.extract_strided_slice %get3A_747 {offsets = [9], sizes = [1], strides = [1]} : vector<16xf32> to vector<1xf32>
        %squeeze3A_1215 = vector.extract %slice3A_1214[0] : f32 from vector<1xf32>
        %add3A_1216 = arith.constant 9 : i32
        %add3A_1217 = arith.addi %mul3A_731, %add3A_1216 : i32
        %get3A_1218 = arith.constant 0 : i32
        %get3A_1219 = arith.index_cast %rem3A_513 : i32 to index
        %get3A_1220 = arith.index_cast %get3A_1218 : i32 to index
        %get3A_1221 = arith.index_cast %select_n3A_710 : i32 to index
        %get3A_1222 = arith.index_cast %add3A_1217 : i32 to index
        %get3A_1223 = arith.constant 0 : index
        %get3A_1224 = tpu.vector_load %arg12[%get3A_1219, %get3A_1220, %get3A_1221, %get3A_1222, %get3A_1223] {strides = array<i32>} : memref<2x2x4x128x32xi32, #tpu.memory_space<vmem>>, vector<1x1x1x1x16xi32>,
        %get3A_1225 = vector.shape_cast %get3A_1224 : vector<1x1x1x1x16xi32> to vector<16xi32>
        %add3A_1226 = arith.constant 9 : i32
        %add3A_1227 = arith.addi %mul3A_731, %add3A_1226 : i32
        %get3A_1228 = arith.constant 0 : i32
        %get3A_1229 = arith.index_cast %rem3A_513 : i32 to index
        %get3A_1230 = arith.index_cast %get3A_1228 : i32 to index
        %get3A_1231 = arith.index_cast %select_n3A_710 : i32 to index
        %get3A_1232 = arith.index_cast %add3A_1227 : i32 to index
        %get3A_1233 = arith.constant 16 : index
        %get3A_1234 = tpu.vector_load %arg12[%get3A_1229, %get3A_1230, %get3A_1231, %get3A_1232, %get3A_1233] {strides = array<i32>} : memref<2x2x4x128x32xi32, #tpu.memory_space<vmem>>, vector<1x1x1x1x16xi32>,
        %get3A_1235 = vector.shape_cast %get3A_1234 : vector<1x1x1x1x16xi32> to vector<16xi32>
        %shift_left3A_1236 = arith.constant 16 : i32
        %shift_left3A_1237 = vector.broadcast %shift_left3A_1236 : i32 to vector<16xi32>
        %shift_left3A_1238 = arith.shli %get3A_1225, %shift_left3A_1237 : vector<16xi32>
        %bitcast_convert_type3A_1239 = tpu.bitcast %shift_left3A_1238 : vector<16xi32> -> vector<16xf32>
        %and3A_1240 = arith.constant -65536 : i32
        %and3A_1241 = vector.broadcast %and3A_1240 : i32 to vector<16xi32>
        %and3A_1242 = arith.andi %get3A_1225, %and3A_1241 : vector<16xi32>
        %bitcast_convert_type3A_1243 = tpu.bitcast %and3A_1242 : vector<16xi32> -> vector<16xf32>
        %shift_left3A_1244 = arith.constant 16 : i32
        %shift_left3A_1245 = vector.broadcast %shift_left3A_1244 : i32 to vector<16xi32>
        %shift_left3A_1246 = arith.shli %get3A_1235, %shift_left3A_1245 : vector<16xi32>
        %bitcast_convert_type3A_1247 = tpu.bitcast %shift_left3A_1246 : vector<16xi32> -> vector<16xf32>
        %and3A_1248 = arith.constant -65536 : i32
        %and3A_1249 = vector.broadcast %and3A_1248 : i32 to vector<16xi32>
        %and3A_1250 = arith.andi %get3A_1235, %and3A_1249 : vector<16xi32>
        %bitcast_convert_type3A_1251 = tpu.bitcast %and3A_1250 : vector<16xi32> -> vector<16xf32>
        %mul3A_1252 = vector.broadcast %squeeze3A_1213 : f32 to vector<16xf32>
        %mul3A_1253 = arith.mulf %mul3A_1252, %bitcast_convert_type3A_1239 : vector<16xf32>
        %add3A_1254 = arith.addf %add3A_1208, %mul3A_1253 : vector<16xf32>
        %mul3A_1255 = vector.broadcast %squeeze3A_1213 : f32 to vector<16xf32>
        %mul3A_1256 = arith.mulf %mul3A_1255, %bitcast_convert_type3A_1243 : vector<16xf32>
        %add3A_1257 = arith.addf %add3A_1211, %mul3A_1256 : vector<16xf32>
        %mul3A_1258 = vector.broadcast %squeeze3A_1215 : f32 to vector<16xf32>
        %mul3A_1259 = arith.mulf %mul3A_1258, %bitcast_convert_type3A_1247 : vector<16xf32>
        %add3A_1260 = arith.addf %add3A_1254, %mul3A_1259 : vector<16xf32>
        %mul3A_1261 = vector.broadcast %squeeze3A_1215 : f32 to vector<16xf32>
        %mul3A_1262 = arith.mulf %mul3A_1261, %bitcast_convert_type3A_1251 : vector<16xf32>
        %add3A_1263 = arith.addf %add3A_1257, %mul3A_1262 : vector<16xf32>
        %slice3A_1264 = vector.extract_strided_slice %get3A_740 {offsets = [10], sizes = [1], strides = [1]} : vector<16xf32> to vector<1xf32>
        %squeeze3A_1265 = vector.extract %slice3A_1264[0] : f32 from vector<1xf32>
        %slice3A_1266 = vector.extract_strided_slice %get3A_747 {offsets = [10], sizes = [1], strides = [1]} : vector<16xf32> to vector<1xf32>
        %squeeze3A_1267 = vector.extract %slice3A_1266[0] : f32 from vector<1xf32>
        %add3A_1268 = arith.constant 10 : i32
        %add3A_1269 = arith.addi %mul3A_731, %add3A_1268 : i32
        %get3A_1270 = arith.constant 0 : i32
        %get3A_1271 = arith.index_cast %rem3A_513 : i32 to index
        %get3A_1272 = arith.index_cast %get3A_1270 : i32 to index
        %get3A_1273 = arith.index_cast %select_n3A_710 : i32 to index
        %get3A_1274 = arith.index_cast %add3A_1269 : i32 to index
        %get3A_1275 = arith.constant 0 : index
        %get3A_1276 = tpu.vector_load %arg12[%get3A_1271, %get3A_1272, %get3A_1273, %get3A_1274, %get3A_1275] {strides = array<i32>} : memref<2x2x4x128x32xi32, #tpu.memory_space<vmem>>, vector<1x1x1x1x16xi32>,
        %get3A_1277 = vector.shape_cast %get3A_1276 : vector<1x1x1x1x16xi32> to vector<16xi32>
        %add3A_1278 = arith.constant 10 : i32
        %add3A_1279 = arith.addi %mul3A_731, %add3A_1278 : i32
        %get3A_1280 = arith.constant 0 : i32
        %get3A_1281 = arith.index_cast %rem3A_513 : i32 to index
        %get3A_1282 = arith.index_cast %get3A_1280 : i32 to index
        %get3A_1283 = arith.index_cast %select_n3A_710 : i32 to index
        %get3A_1284 = arith.index_cast %add3A_1279 : i32 to index
        %get3A_1285 = arith.constant 16 : index
        %get3A_1286 = tpu.vector_load %arg12[%get3A_1281, %get3A_1282, %get3A_1283, %get3A_1284, %get3A_1285] {strides = array<i32>} : memref<2x2x4x128x32xi32, #tpu.memory_space<vmem>>, vector<1x1x1x1x16xi32>,
        %get3A_1287 = vector.shape_cast %get3A_1286 : vector<1x1x1x1x16xi32> to vector<16xi32>
        %shift_left3A_1288 = arith.constant 16 : i32
        %shift_left3A_1289 = vector.broadcast %shift_left3A_1288 : i32 to vector<16xi32>
        %shift_left3A_1290 = arith.shli %get3A_1277, %shift_left3A_1289 : vector<16xi32>
        %bitcast_convert_type3A_1291 = tpu.bitcast %shift_left3A_1290 : vector<16xi32> -> vector<16xf32>
        %and3A_1292 = arith.constant -65536 : i32
        %and3A_1293 = vector.broadcast %and3A_1292 : i32 to vector<16xi32>
        %and3A_1294 = arith.andi %get3A_1277, %and3A_1293 : vector<16xi32>
        %bitcast_convert_type3A_1295 = tpu.bitcast %and3A_1294 : vector<16xi32> -> vector<16xf32>
        %shift_left3A_1296 = arith.constant 16 : i32
        %shift_left3A_1297 = vector.broadcast %shift_left3A_1296 : i32 to vector<16xi32>
        %shift_left3A_1298 = arith.shli %get3A_1287, %shift_left3A_1297 : vector<16xi32>
        %bitcast_convert_type3A_1299 = tpu.bitcast %shift_left3A_1298 : vector<16xi32> -> vector<16xf32>
        %and3A_1300 = arith.constant -65536 : i32
        %and3A_1301 = vector.broadcast %and3A_1300 : i32 to vector<16xi32>
        %and3A_1302 = arith.andi %get3A_1287, %and3A_1301 : vector<16xi32>
        %bitcast_convert_type3A_1303 = tpu.bitcast %and3A_1302 : vector<16xi32> -> vector<16xf32>
        %mul3A_1304 = vector.broadcast %squeeze3A_1265 : f32 to vector<16xf32>
        %mul3A_1305 = arith.mulf %mul3A_1304, %bitcast_convert_type3A_1291 : vector<16xf32>
        %add3A_1306 = arith.addf %add3A_1260, %mul3A_1305 : vector<16xf32>
        %mul3A_1307 = vector.broadcast %squeeze3A_1265 : f32 to vector<16xf32>
        %mul3A_1308 = arith.mulf %mul3A_1307, %bitcast_convert_type3A_1295 : vector<16xf32>
        %add3A_1309 = arith.addf %add3A_1263, %mul3A_1308 : vector<16xf32>
        %mul3A_1310 = vector.broadcast %squeeze3A_1267 : f32 to vector<16xf32>
        %mul3A_1311 = arith.mulf %mul3A_1310, %bitcast_convert_type3A_1299 : vector<16xf32>
        %add3A_1312 = arith.addf %add3A_1306, %mul3A_1311 : vector<16xf32>
        %mul3A_1313 = vector.broadcast %squeeze3A_1267 : f32 to vector<16xf32>
        %mul3A_1314 = arith.mulf %mul3A_1313, %bitcast_convert_type3A_1303 : vector<16xf32>
        %add3A_1315 = arith.addf %add3A_1309, %mul3A_1314 : vector<16xf32>
        %slice3A_1316 = vector.extract_strided_slice %get3A_740 {offsets = [11], sizes = [1], strides = [1]} : vector<16xf32> to vector<1xf32>
        %squeeze3A_1317 = vector.extract %slice3A_1316[0] : f32 from vector<1xf32>
        %slice3A_1318 = vector.extract_strided_slice %get3A_747 {offsets = [11], sizes = [1], strides = [1]} : vector<16xf32> to vector<1xf32>
        %squeeze3A_1319 = vector.extract %slice3A_1318[0] : f32 from vector<1xf32>
        %add3A_1320 = arith.constant 11 : i32
        %add3A_1321 = arith.addi %mul3A_731, %add3A_1320 : i32
        %get3A_1322 = arith.constant 0 : i32
        %get3A_1323 = arith.index_cast %rem3A_513 : i32 to index
        %get3A_1324 = arith.index_cast %get3A_1322 : i32 to index
        %get3A_1325 = arith.index_cast %select_n3A_710 : i32 to index
        %get3A_1326 = arith.index_cast %add3A_1321 : i32 to index
        %get3A_1327 = arith.constant 0 : index
        %get3A_1328 = tpu.vector_load %arg12[%get3A_1323, %get3A_1324, %get3A_1325, %get3A_1326, %get3A_1327] {strides = array<i32>} : memref<2x2x4x128x32xi32, #tpu.memory_space<vmem>>, vector<1x1x1x1x16xi32>,
        %get3A_1329 = vector.shape_cast %get3A_1328 : vector<1x1x1x1x16xi32> to vector<16xi32>
        %add3A_1330 = arith.constant 11 : i32
        %add3A_1331 = arith.addi %mul3A_731, %add3A_1330 : i32
        %get3A_1332 = arith.constant 0 : i32
        %get3A_1333 = arith.index_cast %rem3A_513 : i32 to index
        %get3A_1334 = arith.index_cast %get3A_1332 : i32 to index
        %get3A_1335 = arith.index_cast %select_n3A_710 : i32 to index
        %get3A_1336 = arith.index_cast %add3A_1331 : i32 to index
        %get3A_1337 = arith.constant 16 : index
        %get3A_1338 = tpu.vector_load %arg12[%get3A_1333, %get3A_1334, %get3A_1335, %get3A_1336, %get3A_1337] {strides = array<i32>} : memref<2x2x4x128x32xi32, #tpu.memory_space<vmem>>, vector<1x1x1x1x16xi32>,
        %get3A_1339 = vector.shape_cast %get3A_1338 : vector<1x1x1x1x16xi32> to vector<16xi32>
        %shift_left3A_1340 = arith.constant 16 : i32
        %shift_left3A_1341 = vector.broadcast %shift_left3A_1340 : i32 to vector<16xi32>
        %shift_left3A_1342 = arith.shli %get3A_1329, %shift_left3A_1341 : vector<16xi32>
        %bitcast_convert_type3A_1343 = tpu.bitcast %shift_left3A_1342 : vector<16xi32> -> vector<16xf32>
        %and3A_1344 = arith.constant -65536 : i32
        %and3A_1345 = vector.broadcast %and3A_1344 : i32 to vector<16xi32>
        %and3A_1346 = arith.andi %get3A_1329, %and3A_1345 : vector<16xi32>
        %bitcast_convert_type3A_1347 = tpu.bitcast %and3A_1346 : vector<16xi32> -> vector<16xf32>
        %shift_left3A_1348 = arith.constant 16 : i32
        %shift_left3A_1349 = vector.broadcast %shift_left3A_1348 : i32 to vector<16xi32>
        %shift_left3A_1350 = arith.shli %get3A_1339, %shift_left3A_1349 : vector<16xi32>
        %bitcast_convert_type3A_1351 = tpu.bitcast %shift_left3A_1350 : vector<16xi32> -> vector<16xf32>
        %and3A_1352 = arith.constant -65536 : i32
        %and3A_1353 = vector.broadcast %and3A_1352 : i32 to vector<16xi32>
        %and3A_1354 = arith.andi %get3A_1339, %and3A_1353 : vector<16xi32>
        %bitcast_convert_type3A_1355 = tpu.bitcast %and3A_1354 : vector<16xi32> -> vector<16xf32>
        %mul3A_1356 = vector.broadcast %squeeze3A_1317 : f32 to vector<16xf32>
        %mul3A_1357 = arith.mulf %mul3A_1356, %bitcast_convert_type3A_1343 : vector<16xf32>
        %add3A_1358 = arith.addf %add3A_1312, %mul3A_1357 : vector<16xf32>
        %mul3A_1359 = vector.broadcast %squeeze3A_1317 : f32 to vector<16xf32>
        %mul3A_1360 = arith.mulf %mul3A_1359, %bitcast_convert_type3A_1347 : vector<16xf32>
        %add3A_1361 = arith.addf %add3A_1315, %mul3A_1360 : vector<16xf32>
        %mul3A_1362 = vector.broadcast %squeeze3A_1319 : f32 to vector<16xf32>
        %mul3A_1363 = arith.mulf %mul3A_1362, %bitcast_convert_type3A_1351 : vector<16xf32>
        %add3A_1364 = arith.addf %add3A_1358, %mul3A_1363 : vector<16xf32>
        %mul3A_1365 = vector.broadcast %squeeze3A_1319 : f32 to vector<16xf32>
        %mul3A_1366 = arith.mulf %mul3A_1365, %bitcast_convert_type3A_1355 : vector<16xf32>
        %add3A_1367 = arith.addf %add3A_1361, %mul3A_1366 : vector<16xf32>
        %slice3A_1368 = vector.extract_strided_slice %get3A_740 {offsets = [12], sizes = [1], strides = [1]} : vector<16xf32> to vector<1xf32>
        %squeeze3A_1369 = vector.extract %slice3A_1368[0] : f32 from vector<1xf32>
        %slice3A_1370 = vector.extract_strided_slice %get3A_747 {offsets = [12], sizes = [1], strides = [1]} : vector<16xf32> to vector<1xf32>
        %squeeze3A_1371 = vector.extract %slice3A_1370[0] : f32 from vector<1xf32>
        %add3A_1372 = arith.constant 12 : i32
        %add3A_1373 = arith.addi %mul3A_731, %add3A_1372 : i32
        %get3A_1374 = arith.constant 0 : i32
        %get3A_1375 = arith.index_cast %rem3A_513 : i32 to index
        %get3A_1376 = arith.index_cast %get3A_1374 : i32 to index
        %get3A_1377 = arith.index_cast %select_n3A_710 : i32 to index
        %get3A_1378 = arith.index_cast %add3A_1373 : i32 to index
        %get3A_1379 = arith.constant 0 : index
        %get3A_1380 = tpu.vector_load %arg12[%get3A_1375, %get3A_1376, %get3A_1377, %get3A_1378, %get3A_1379] {strides = array<i32>} : memref<2x2x4x128x32xi32, #tpu.memory_space<vmem>>, vector<1x1x1x1x16xi32>,
        %get3A_1381 = vector.shape_cast %get3A_1380 : vector<1x1x1x1x16xi32> to vector<16xi32>
        %add3A_1382 = arith.constant 12 : i32
        %add3A_1383 = arith.addi %mul3A_731, %add3A_1382 : i32
        %get3A_1384 = arith.constant 0 : i32
        %get3A_1385 = arith.index_cast %rem3A_513 : i32 to index
        %get3A_1386 = arith.index_cast %get3A_1384 : i32 to index
        %get3A_1387 = arith.index_cast %select_n3A_710 : i32 to index
        %get3A_1388 = arith.index_cast %add3A_1383 : i32 to index
        %get3A_1389 = arith.constant 16 : index
        %get3A_1390 = tpu.vector_load %arg12[%get3A_1385, %get3A_1386, %get3A_1387, %get3A_1388, %get3A_1389] {strides = array<i32>} : memref<2x2x4x128x32xi32, #tpu.memory_space<vmem>>, vector<1x1x1x1x16xi32>,
        %get3A_1391 = vector.shape_cast %get3A_1390 : vector<1x1x1x1x16xi32> to vector<16xi32>
        %shift_left3A_1392 = arith.constant 16 : i32
        %shift_left3A_1393 = vector.broadcast %shift_left3A_1392 : i32 to vector<16xi32>
        %shift_left3A_1394 = arith.shli %get3A_1381, %shift_left3A_1393 : vector<16xi32>
        %bitcast_convert_type3A_1395 = tpu.bitcast %shift_left3A_1394 : vector<16xi32> -> vector<16xf32>
        %and3A_1396 = arith.constant -65536 : i32
        %and3A_1397 = vector.broadcast %and3A_1396 : i32 to vector<16xi32>
        %and3A_1398 = arith.andi %get3A_1381, %and3A_1397 : vector<16xi32>
        %bitcast_convert_type3A_1399 = tpu.bitcast %and3A_1398 : vector<16xi32> -> vector<16xf32>
        %shift_left3A_1400 = arith.constant 16 : i32
        %shift_left3A_1401 = vector.broadcast %shift_left3A_1400 : i32 to vector<16xi32>
        %shift_left3A_1402 = arith.shli %get3A_1391, %shift_left3A_1401 : vector<16xi32>
        %bitcast_convert_type3A_1403 = tpu.bitcast %shift_left3A_1402 : vector<16xi32> -> vector<16xf32>
        %and3A_1404 = arith.constant -65536 : i32
        %and3A_1405 = vector.broadcast %and3A_1404 : i32 to vector<16xi32>
        %and3A_1406 = arith.andi %get3A_1391, %and3A_1405 : vector<16xi32>
        %bitcast_convert_type3A_1407 = tpu.bitcast %and3A_1406 : vector<16xi32> -> vector<16xf32>
        %mul3A_1408 = vector.broadcast %squeeze3A_1369 : f32 to vector<16xf32>
        %mul3A_1409 = arith.mulf %mul3A_1408, %bitcast_convert_type3A_1395 : vector<16xf32>
        %add3A_1410 = arith.addf %add3A_1364, %mul3A_1409 : vector<16xf32>
        %mul3A_1411 = vector.broadcast %squeeze3A_1369 : f32 to vector<16xf32>
        %mul3A_1412 = arith.mulf %mul3A_1411, %bitcast_convert_type3A_1399 : vector<16xf32>
        %add3A_1413 = arith.addf %add3A_1367, %mul3A_1412 : vector<16xf32>
        %mul3A_1414 = vector.broadcast %squeeze3A_1371 : f32 to vector<16xf32>
        %mul3A_1415 = arith.mulf %mul3A_1414, %bitcast_convert_type3A_1403 : vector<16xf32>
        %add3A_1416 = arith.addf %add3A_1410, %mul3A_1415 : vector<16xf32>
        %mul3A_1417 = vector.broadcast %squeeze3A_1371 : f32 to vector<16xf32>
        %mul3A_1418 = arith.mulf %mul3A_1417, %bitcast_convert_type3A_1407 : vector<16xf32>
        %add3A_1419 = arith.addf %add3A_1413, %mul3A_1418 : vector<16xf32>
        %slice3A_1420 = vector.extract_strided_slice %get3A_740 {offsets = [13], sizes = [1], strides = [1]} : vector<16xf32> to vector<1xf32>
        %squeeze3A_1421 = vector.extract %slice3A_1420[0] : f32 from vector<1xf32>
        %slice3A_1422 = vector.extract_strided_slice %get3A_747 {offsets = [13], sizes = [1], strides = [1]} : vector<16xf32> to vector<1xf32>
        %squeeze3A_1423 = vector.extract %slice3A_1422[0] : f32 from vector<1xf32>
        %add3A_1424 = arith.constant 13 : i32
        %add3A_1425 = arith.addi %mul3A_731, %add3A_1424 : i32
        %get3A_1426 = arith.constant 0 : i32
        %get3A_1427 = arith.index_cast %rem3A_513 : i32 to index
        %get3A_1428 = arith.index_cast %get3A_1426 : i32 to index
        %get3A_1429 = arith.index_cast %select_n3A_710 : i32 to index
        %get3A_1430 = arith.index_cast %add3A_1425 : i32 to index
        %get3A_1431 = arith.constant 0 : index
        %get3A_1432 = tpu.vector_load %arg12[%get3A_1427, %get3A_1428, %get3A_1429, %get3A_1430, %get3A_1431] {strides = array<i32>} : memref<2x2x4x128x32xi32, #tpu.memory_space<vmem>>, vector<1x1x1x1x16xi32>,
        %get3A_1433 = vector.shape_cast %get3A_1432 : vector<1x1x1x1x16xi32> to vector<16xi32>
        %add3A_1434 = arith.constant 13 : i32
        %add3A_1435 = arith.addi %mul3A_731, %add3A_1434 : i32
        %get3A_1436 = arith.constant 0 : i32
        %get3A_1437 = arith.index_cast %rem3A_513 : i32 to index
        %get3A_1438 = arith.index_cast %get3A_1436 : i32 to index
        %get3A_1439 = arith.index_cast %select_n3A_710 : i32 to index
        %get3A_1440 = arith.index_cast %add3A_1435 : i32 to index
        %get3A_1441 = arith.constant 16 : index
        %get3A_1442 = tpu.vector_load %arg12[%get3A_1437, %get3A_1438, %get3A_1439, %get3A_1440, %get3A_1441] {strides = array<i32>} : memref<2x2x4x128x32xi32, #tpu.memory_space<vmem>>, vector<1x1x1x1x16xi32>,
        %get3A_1443 = vector.shape_cast %get3A_1442 : vector<1x1x1x1x16xi32> to vector<16xi32>
        %shift_left3A_1444 = arith.constant 16 : i32
        %shift_left3A_1445 = vector.broadcast %shift_left3A_1444 : i32 to vector<16xi32>
        %shift_left3A_1446 = arith.shli %get3A_1433, %shift_left3A_1445 : vector<16xi32>
        %bitcast_convert_type3A_1447 = tpu.bitcast %shift_left3A_1446 : vector<16xi32> -> vector<16xf32>
        %and3A_1448 = arith.constant -65536 : i32
        %and3A_1449 = vector.broadcast %and3A_1448 : i32 to vector<16xi32>
        %and3A_1450 = arith.andi %get3A_1433, %and3A_1449 : vector<16xi32>
        %bitcast_convert_type3A_1451 = tpu.bitcast %and3A_1450 : vector<16xi32> -> vector<16xf32>
        %shift_left3A_1452 = arith.constant 16 : i32
        %shift_left3A_1453 = vector.broadcast %shift_left3A_1452 : i32 to vector<16xi32>
        %shift_left3A_1454 = arith.shli %get3A_1443, %shift_left3A_1453 : vector<16xi32>
        %bitcast_convert_type3A_1455 = tpu.bitcast %shift_left3A_1454 : vector<16xi32> -> vector<16xf32>
        %and3A_1456 = arith.constant -65536 : i32
        %and3A_1457 = vector.broadcast %and3A_1456 : i32 to vector<16xi32>
        %and3A_1458 = arith.andi %get3A_1443, %and3A_1457 : vector<16xi32>
        %bitcast_convert_type3A_1459 = tpu.bitcast %and3A_1458 : vector<16xi32> -> vector<16xf32>
        %mul3A_1460 = vector.broadcast %squeeze3A_1421 : f32 to vector<16xf32>
        %mul3A_1461 = arith.mulf %mul3A_1460, %bitcast_convert_type3A_1447 : vector<16xf32>
        %add3A_1462 = arith.addf %add3A_1416, %mul3A_1461 : vector<16xf32>
        %mul3A_1463 = vector.broadcast %squeeze3A_1421 : f32 to vector<16xf32>
        %mul3A_1464 = arith.mulf %mul3A_1463, %bitcast_convert_type3A_1451 : vector<16xf32>
        %add3A_1465 = arith.addf %add3A_1419, %mul3A_1464 : vector<16xf32>
        %mul3A_1466 = vector.broadcast %squeeze3A_1423 : f32 to vector<16xf32>
        %mul3A_1467 = arith.mulf %mul3A_1466, %bitcast_convert_type3A_1455 : vector<16xf32>
        %add3A_1468 = arith.addf %add3A_1462, %mul3A_1467 : vector<16xf32>
        %mul3A_1469 = vector.broadcast %squeeze3A_1423 : f32 to vector<16xf32>
        %mul3A_1470 = arith.mulf %mul3A_1469, %bitcast_convert_type3A_1459 : vector<16xf32>
        %add3A_1471 = arith.addf %add3A_1465, %mul3A_1470 : vector<16xf32>
        %slice3A_1472 = vector.extract_strided_slice %get3A_740 {offsets = [14], sizes = [1], strides = [1]} : vector<16xf32> to vector<1xf32>
        %squeeze3A_1473 = vector.extract %slice3A_1472[0] : f32 from vector<1xf32>
        %slice3A_1474 = vector.extract_strided_slice %get3A_747 {offsets = [14], sizes = [1], strides = [1]} : vector<16xf32> to vector<1xf32>
        %squeeze3A_1475 = vector.extract %slice3A_1474[0] : f32 from vector<1xf32>
        %add3A_1476 = arith.constant 14 : i32
        %add3A_1477 = arith.addi %mul3A_731, %add3A_1476 : i32
        %get3A_1478 = arith.constant 0 : i32
        %get3A_1479 = arith.index_cast %rem3A_513 : i32 to index
        %get3A_1480 = arith.index_cast %get3A_1478 : i32 to index
        %get3A_1481 = arith.index_cast %select_n3A_710 : i32 to index
        %get3A_1482 = arith.index_cast %add3A_1477 : i32 to index
        %get3A_1483 = arith.constant 0 : index
        %get3A_1484 = tpu.vector_load %arg12[%get3A_1479, %get3A_1480, %get3A_1481, %get3A_1482, %get3A_1483] {strides = array<i32>} : memref<2x2x4x128x32xi32, #tpu.memory_space<vmem>>, vector<1x1x1x1x16xi32>,
        %get3A_1485 = vector.shape_cast %get3A_1484 : vector<1x1x1x1x16xi32> to vector<16xi32>
        %add3A_1486 = arith.constant 14 : i32
        %add3A_1487 = arith.addi %mul3A_731, %add3A_1486 : i32
        %get3A_1488 = arith.constant 0 : i32
        %get3A_1489 = arith.index_cast %rem3A_513 : i32 to index
        %get3A_1490 = arith.index_cast %get3A_1488 : i32 to index
        %get3A_1491 = arith.index_cast %select_n3A_710 : i32 to index
        %get3A_1492 = arith.index_cast %add3A_1487 : i32 to index
        %get3A_1493 = arith.constant 16 : index
        %get3A_1494 = tpu.vector_load %arg12[%get3A_1489, %get3A_1490, %get3A_1491, %get3A_1492, %get3A_1493] {strides = array<i32>} : memref<2x2x4x128x32xi32, #tpu.memory_space<vmem>>, vector<1x1x1x1x16xi32>,
        %get3A_1495 = vector.shape_cast %get3A_1494 : vector<1x1x1x1x16xi32> to vector<16xi32>
        %shift_left3A_1496 = arith.constant 16 : i32
        %shift_left3A_1497 = vector.broadcast %shift_left3A_1496 : i32 to vector<16xi32>
        %shift_left3A_1498 = arith.shli %get3A_1485, %shift_left3A_1497 : vector<16xi32>
        %bitcast_convert_type3A_1499 = tpu.bitcast %shift_left3A_1498 : vector<16xi32> -> vector<16xf32>
        %and3A_1500 = arith.constant -65536 : i32
        %and3A_1501 = vector.broadcast %and3A_1500 : i32 to vector<16xi32>
        %and3A_1502 = arith.andi %get3A_1485, %and3A_1501 : vector<16xi32>
        %bitcast_convert_type3A_1503 = tpu.bitcast %and3A_1502 : vector<16xi32> -> vector<16xf32>
        %shift_left3A_1504 = arith.constant 16 : i32
        %shift_left3A_1505 = vector.broadcast %shift_left3A_1504 : i32 to vector<16xi32>
        %shift_left3A_1506 = arith.shli %get3A_1495, %shift_left3A_1505 : vector<16xi32>
        %bitcast_convert_type3A_1507 = tpu.bitcast %shift_left3A_1506 : vector<16xi32> -> vector<16xf32>
        %and3A_1508 = arith.constant -65536 : i32
        %and3A_1509 = vector.broadcast %and3A_1508 : i32 to vector<16xi32>
        %and3A_1510 = arith.andi %get3A_1495, %and3A_1509 : vector<16xi32>
        %bitcast_convert_type3A_1511 = tpu.bitcast %and3A_1510 : vector<16xi32> -> vector<16xf32>
        %mul3A_1512 = vector.broadcast %squeeze3A_1473 : f32 to vector<16xf32>
        %mul3A_1513 = arith.mulf %mul3A_1512, %bitcast_convert_type3A_1499 : vector<16xf32>
        %add3A_1514 = arith.addf %add3A_1468, %mul3A_1513 : vector<16xf32>
        %mul3A_1515 = vector.broadcast %squeeze3A_1473 : f32 to vector<16xf32>
        %mul3A_1516 = arith.mulf %mul3A_1515, %bitcast_convert_type3A_1503 : vector<16xf32>
        %add3A_1517 = arith.addf %add3A_1471, %mul3A_1516 : vector<16xf32>
        %mul3A_1518 = vector.broadcast %squeeze3A_1475 : f32 to vector<16xf32>
        %mul3A_1519 = arith.mulf %mul3A_1518, %bitcast_convert_type3A_1507 : vector<16xf32>
        %add3A_1520 = arith.addf %add3A_1514, %mul3A_1519 : vector<16xf32>
        %mul3A_1521 = vector.broadcast %squeeze3A_1475 : f32 to vector<16xf32>
        %mul3A_1522 = arith.mulf %mul3A_1521, %bitcast_convert_type3A_1511 : vector<16xf32>
        %add3A_1523 = arith.addf %add3A_1517, %mul3A_1522 : vector<16xf32>
        %slice3A_1524 = vector.extract_strided_slice %get3A_740 {offsets = [15], sizes = [1], strides = [1]} : vector<16xf32> to vector<1xf32>
        %squeeze3A_1525 = vector.extract %slice3A_1524[0] : f32 from vector<1xf32>
        %slice3A_1526 = vector.extract_strided_slice %get3A_747 {offsets = [15], sizes = [1], strides = [1]} : vector<16xf32> to vector<1xf32>
        %squeeze3A_1527 = vector.extract %slice3A_1526[0] : f32 from vector<1xf32>
        %add3A_1528 = arith.constant 15 : i32
        %add3A_1529 = arith.addi %mul3A_731, %add3A_1528 : i32
        %get3A_1530 = arith.constant 0 : i32
        %get3A_1531 = arith.index_cast %rem3A_513 : i32 to index
        %get3A_1532 = arith.index_cast %get3A_1530 : i32 to index
        %get3A_1533 = arith.index_cast %select_n3A_710 : i32 to index
        %get3A_1534 = arith.index_cast %add3A_1529 : i32 to index
        %get3A_1535 = arith.constant 0 : index
        %get3A_1536 = tpu.vector_load %arg12[%get3A_1531, %get3A_1532, %get3A_1533, %get3A_1534, %get3A_1535] {strides = array<i32>} : memref<2x2x4x128x32xi32, #tpu.memory_space<vmem>>, vector<1x1x1x1x16xi32>,
        %get3A_1537 = vector.shape_cast %get3A_1536 : vector<1x1x1x1x16xi32> to vector<16xi32>
        %add3A_1538 = arith.constant 15 : i32
        %add3A_1539 = arith.addi %mul3A_731, %add3A_1538 : i32
        %get3A_1540 = arith.constant 0 : i32
        %get3A_1541 = arith.index_cast %rem3A_513 : i32 to index
        %get3A_1542 = arith.index_cast %get3A_1540 : i32 to index
        %get3A_1543 = arith.index_cast %select_n3A_710 : i32 to index
        %get3A_1544 = arith.index_cast %add3A_1539 : i32 to index
        %get3A_1545 = arith.constant 16 : index
        %get3A_1546 = tpu.vector_load %arg12[%get3A_1541, %get3A_1542, %get3A_1543, %get3A_1544, %get3A_1545] {strides = array<i32>} : memref<2x2x4x128x32xi32, #tpu.memory_space<vmem>>, vector<1x1x1x1x16xi32>,
        %get3A_1547 = vector.shape_cast %get3A_1546 : vector<1x1x1x1x16xi32> to vector<16xi32>
        %shift_left3A_1548 = arith.constant 16 : i32
        %shift_left3A_1549 = vector.broadcast %shift_left3A_1548 : i32 to vector<16xi32>
        %shift_left3A_1550 = arith.shli %get3A_1537, %shift_left3A_1549 : vector<16xi32>
        %bitcast_convert_type3A_1551 = tpu.bitcast %shift_left3A_1550 : vector<16xi32> -> vector<16xf32>
        %and3A_1552 = arith.constant -65536 : i32
        %and3A_1553 = vector.broadcast %and3A_1552 : i32 to vector<16xi32>
        %and3A_1554 = arith.andi %get3A_1537, %and3A_1553 : vector<16xi32>
        %bitcast_convert_type3A_1555 = tpu.bitcast %and3A_1554 : vector<16xi32> -> vector<16xf32>
        %shift_left3A_1556 = arith.constant 16 : i32
        %shift_left3A_1557 = vector.broadcast %shift_left3A_1556 : i32 to vector<16xi32>
        %shift_left3A_1558 = arith.shli %get3A_1547, %shift_left3A_1557 : vector<16xi32>
        %bitcast_convert_type3A_1559 = tpu.bitcast %shift_left3A_1558 : vector<16xi32> -> vector<16xf32>
        %and3A_1560 = arith.constant -65536 : i32
        %and3A_1561 = vector.broadcast %and3A_1560 : i32 to vector<16xi32>
        %and3A_1562 = arith.andi %get3A_1547, %and3A_1561 : vector<16xi32>
        %bitcast_convert_type3A_1563 = tpu.bitcast %and3A_1562 : vector<16xi32> -> vector<16xf32>
        %mul3A_1564 = vector.broadcast %squeeze3A_1525 : f32 to vector<16xf32>
        %mul3A_1565 = arith.mulf %mul3A_1564, %bitcast_convert_type3A_1551 : vector<16xf32>
        %add3A_1566 = arith.addf %add3A_1520, %mul3A_1565 : vector<16xf32>
        %mul3A_1567 = vector.broadcast %squeeze3A_1525 : f32 to vector<16xf32>
        %mul3A_1568 = arith.mulf %mul3A_1567, %bitcast_convert_type3A_1555 : vector<16xf32>
        %add3A_1569 = arith.addf %add3A_1523, %mul3A_1568 : vector<16xf32>
        %mul3A_1570 = vector.broadcast %squeeze3A_1527 : f32 to vector<16xf32>
        %mul3A_1571 = arith.mulf %mul3A_1570, %bitcast_convert_type3A_1559 : vector<16xf32>
        %add3A_1572 = arith.addf %add3A_1566, %mul3A_1571 : vector<16xf32>
        %mul3A_1573 = vector.broadcast %squeeze3A_1527 : f32 to vector<16xf32>
        %mul3A_1574 = arith.mulf %mul3A_1573, %bitcast_convert_type3A_1563 : vector<16xf32>
        %add3A_1575 = arith.addf %add3A_1569, %mul3A_1574 : vector<16xf32>
        %get3A_1576 = arith.constant 2 : i32
        %get3A_1577 = arith.index_cast %rem3A_511 : i32 to index
        %get3A_1578 = arith.index_cast %get3A_1576 : i32 to index
        %get3A_1579 = arith.index_cast %add3A_729 : i32 to index
        %get3A_1580 = arith.index_cast %mul3A_731 : i32 to index
        %get3A_1581 = tpu.vector_load %arg11[%get3A_1577, %get3A_1578, %get3A_1579, %get3A_1580] {strides = array<i32>} : memref<2x4x20x128xf32, #tpu.memory_space<vmem>>, vector<1x1x1x16xf32>,
        %get3A_1582 = vector.shape_cast %get3A_1581 : vector<1x1x1x16xf32> to vector<16xf32>
        %get3A_1583 = arith.constant 3 : i32
        %get3A_1584 = arith.index_cast %rem3A_511 : i32 to index
        %get3A_1585 = arith.index_cast %get3A_1583 : i32 to index
        %get3A_1586 = arith.index_cast %add3A_729 : i32 to index
        %get3A_1587 = arith.index_cast %mul3A_731 : i32 to index
        %get3A_1588 = tpu.vector_load %arg11[%get3A_1584, %get3A_1585, %get3A_1586, %get3A_1587] {strides = array<i32>} : memref<2x4x20x128xf32, #tpu.memory_space<vmem>>, vector<1x1x1x16xf32>,
        %get3A_1589 = vector.shape_cast %get3A_1588 : vector<1x1x1x16xf32> to vector<16xf32>
        %slice3A_1590 = vector.extract_strided_slice %get3A_1582 {offsets = [0], sizes = [1], strides = [1]} : vector<16xf32> to vector<1xf32>
        %squeeze3A_1591 = vector.extract %slice3A_1590[0] : f32 from vector<1xf32>
        %slice3A_1592 = vector.extract_strided_slice %get3A_1589 {offsets = [0], sizes = [1], strides = [1]} : vector<16xf32> to vector<1xf32>
        %squeeze3A_1593 = vector.extract %slice3A_1592[0] : f32 from vector<1xf32>
        %add3A_1594 = arith.constant 0 : i32
        %add3A_1595 = arith.addi %mul3A_731, %add3A_1594 : i32
        %get3A_1596 = arith.constant 1 : i32
        %get3A_1597 = arith.index_cast %rem3A_513 : i32 to index
        %get3A_1598 = arith.index_cast %get3A_1596 : i32 to index
        %get3A_1599 = arith.index_cast %select_n3A_710 : i32 to index
        %get3A_1600 = arith.index_cast %add3A_1595 : i32 to index
        %get3A_1601 = arith.constant 0 : index
        %get3A_1602 = tpu.vector_load %arg12[%get3A_1597, %get3A_1598, %get3A_1599, %get3A_1600, %get3A_1601] {strides = array<i32>} : memref<2x2x4x128x32xi32, #tpu.memory_space<vmem>>, vector<1x1x1x1x16xi32>,
        %get3A_1603 = vector.shape_cast %get3A_1602 : vector<1x1x1x1x16xi32> to vector<16xi32>
        %add3A_1604 = arith.constant 0 : i32
        %add3A_1605 = arith.addi %mul3A_731, %add3A_1604 : i32
        %get3A_1606 = arith.constant 1 : i32
        %get3A_1607 = arith.index_cast %rem3A_513 : i32 to index
        %get3A_1608 = arith.index_cast %get3A_1606 : i32 to index
        %get3A_1609 = arith.index_cast %select_n3A_710 : i32 to index
        %get3A_1610 = arith.index_cast %add3A_1605 : i32 to index
        %get3A_1611 = arith.constant 16 : index
        %get3A_1612 = tpu.vector_load %arg12[%get3A_1607, %get3A_1608, %get3A_1609, %get3A_1610, %get3A_1611] {strides = array<i32>} : memref<2x2x4x128x32xi32, #tpu.memory_space<vmem>>, vector<1x1x1x1x16xi32>,
        %get3A_1613 = vector.shape_cast %get3A_1612 : vector<1x1x1x1x16xi32> to vector<16xi32>
        %shift_left3A_1614 = arith.constant 16 : i32
        %shift_left3A_1615 = vector.broadcast %shift_left3A_1614 : i32 to vector<16xi32>
        %shift_left3A_1616 = arith.shli %get3A_1603, %shift_left3A_1615 : vector<16xi32>
        %bitcast_convert_type3A_1617 = tpu.bitcast %shift_left3A_1616 : vector<16xi32> -> vector<16xf32>
        %and3A_1618 = arith.constant -65536 : i32
        %and3A_1619 = vector.broadcast %and3A_1618 : i32 to vector<16xi32>
        %and3A_1620 = arith.andi %get3A_1603, %and3A_1619 : vector<16xi32>
        %bitcast_convert_type3A_1621 = tpu.bitcast %and3A_1620 : vector<16xi32> -> vector<16xf32>
        %shift_left3A_1622 = arith.constant 16 : i32
        %shift_left3A_1623 = vector.broadcast %shift_left3A_1622 : i32 to vector<16xi32>
        %shift_left3A_1624 = arith.shli %get3A_1613, %shift_left3A_1623 : vector<16xi32>
        %bitcast_convert_type3A_1625 = tpu.bitcast %shift_left3A_1624 : vector<16xi32> -> vector<16xf32>
        %and3A_1626 = arith.constant -65536 : i32
        %and3A_1627 = vector.broadcast %and3A_1626 : i32 to vector<16xi32>
        %and3A_1628 = arith.andi %get3A_1613, %and3A_1627 : vector<16xi32>
        %bitcast_convert_type3A_1629 = tpu.bitcast %and3A_1628 : vector<16xi32> -> vector<16xf32>
        %mul3A_1630 = vector.broadcast %squeeze3A_1591 : f32 to vector<16xf32>
        %mul3A_1631 = arith.mulf %mul3A_1630, %bitcast_convert_type3A_1617 : vector<16xf32>
        %add3A_1632 = arith.addf %add3A_1572, %mul3A_1631 : vector<16xf32>
        %mul3A_1633 = vector.broadcast %squeeze3A_1591 : f32 to vector<16xf32>
        %mul3A_1634 = arith.mulf %mul3A_1633, %bitcast_convert_type3A_1621 : vector<16xf32>
        %add3A_1635 = arith.addf %add3A_1575, %mul3A_1634 : vector<16xf32>
        %mul3A_1636 = vector.broadcast %squeeze3A_1593 : f32 to vector<16xf32>
        %mul3A_1637 = arith.mulf %mul3A_1636, %bitcast_convert_type3A_1625 : vector<16xf32>
        %add3A_1638 = arith.addf %add3A_1632, %mul3A_1637 : vector<16xf32>
        %mul3A_1639 = vector.broadcast %squeeze3A_1593 : f32 to vector<16xf32>
        %mul3A_1640 = arith.mulf %mul3A_1639, %bitcast_convert_type3A_1629 : vector<16xf32>
        %add3A_1641 = arith.addf %add3A_1635, %mul3A_1640 : vector<16xf32>
        %slice3A_1642 = vector.extract_strided_slice %get3A_1582 {offsets = [1], sizes = [1], strides = [1]} : vector<16xf32> to vector<1xf32>
        %squeeze3A_1643 = vector.extract %slice3A_1642[0] : f32 from vector<1xf32>
        %slice3A_1644 = vector.extract_strided_slice %get3A_1589 {offsets = [1], sizes = [1], strides = [1]} : vector<16xf32> to vector<1xf32>
        %squeeze3A_1645 = vector.extract %slice3A_1644[0] : f32 from vector<1xf32>
        %add3A_1646 = arith.constant 1 : i32
        %add3A_1647 = arith.addi %mul3A_731, %add3A_1646 : i32
        %get3A_1648 = arith.constant 1 : i32
        %get3A_1649 = arith.index_cast %rem3A_513 : i32 to index
        %get3A_1650 = arith.index_cast %get3A_1648 : i32 to index
        %get3A_1651 = arith.index_cast %select_n3A_710 : i32 to index
        %get3A_1652 = arith.index_cast %add3A_1647 : i32 to index
        %get3A_1653 = arith.constant 0 : index
        %get3A_1654 = tpu.vector_load %arg12[%get3A_1649, %get3A_1650, %get3A_1651, %get3A_1652, %get3A_1653] {strides = array<i32>} : memref<2x2x4x128x32xi32, #tpu.memory_space<vmem>>, vector<1x1x1x1x16xi32>,
        %get3A_1655 = vector.shape_cast %get3A_1654 : vector<1x1x1x1x16xi32> to vector<16xi32>
        %add3A_1656 = arith.constant 1 : i32
        %add3A_1657 = arith.addi %mul3A_731, %add3A_1656 : i32
        %get3A_1658 = arith.constant 1 : i32
        %get3A_1659 = arith.index_cast %rem3A_513 : i32 to index
        %get3A_1660 = arith.index_cast %get3A_1658 : i32 to index
        %get3A_1661 = arith.index_cast %select_n3A_710 : i32 to index
        %get3A_1662 = arith.index_cast %add3A_1657 : i32 to index
        %get3A_1663 = arith.constant 16 : index
        %get3A_1664 = tpu.vector_load %arg12[%get3A_1659, %get3A_1660, %get3A_1661, %get3A_1662, %get3A_1663] {strides = array<i32>} : memref<2x2x4x128x32xi32, #tpu.memory_space<vmem>>, vector<1x1x1x1x16xi32>,
        %get3A_1665 = vector.shape_cast %get3A_1664 : vector<1x1x1x1x16xi32> to vector<16xi32>
        %shift_left3A_1666 = arith.constant 16 : i32
        %shift_left3A_1667 = vector.broadcast %shift_left3A_1666 : i32 to vector<16xi32>
        %shift_left3A_1668 = arith.shli %get3A_1655, %shift_left3A_1667 : vector<16xi32>
        %bitcast_convert_type3A_1669 = tpu.bitcast %shift_left3A_1668 : vector<16xi32> -> vector<16xf32>
        %and3A_1670 = arith.constant -65536 : i32
        %and3A_1671 = vector.broadcast %and3A_1670 : i32 to vector<16xi32>
        %and3A_1672 = arith.andi %get3A_1655, %and3A_1671 : vector<16xi32>
        %bitcast_convert_type3A_1673 = tpu.bitcast %and3A_1672 : vector<16xi32> -> vector<16xf32>
        %shift_left3A_1674 = arith.constant 16 : i32
        %shift_left3A_1675 = vector.broadcast %shift_left3A_1674 : i32 to vector<16xi32>
        %shift_left3A_1676 = arith.shli %get3A_1665, %shift_left3A_1675 : vector<16xi32>
        %bitcast_convert_type3A_1677 = tpu.bitcast %shift_left3A_1676 : vector<16xi32> -> vector<16xf32>
        %and3A_1678 = arith.constant -65536 : i32
        %and3A_1679 = vector.broadcast %and3A_1678 : i32 to vector<16xi32>
        %and3A_1680 = arith.andi %get3A_1665, %and3A_1679 : vector<16xi32>
        %bitcast_convert_type3A_1681 = tpu.bitcast %and3A_1680 : vector<16xi32> -> vector<16xf32>
        %mul3A_1682 = vector.broadcast %squeeze3A_1643 : f32 to vector<16xf32>
        %mul3A_1683 = arith.mulf %mul3A_1682, %bitcast_convert_type3A_1669 : vector<16xf32>
        %add3A_1684 = arith.addf %add3A_1638, %mul3A_1683 : vector<16xf32>
        %mul3A_1685 = vector.broadcast %squeeze3A_1643 : f32 to vector<16xf32>
        %mul3A_1686 = arith.mulf %mul3A_1685, %bitcast_convert_type3A_1673 : vector<16xf32>
        %add3A_1687 = arith.addf %add3A_1641, %mul3A_1686 : vector<16xf32>
        %mul3A_1688 = vector.broadcast %squeeze3A_1645 : f32 to vector<16xf32>
        %mul3A_1689 = arith.mulf %mul3A_1688, %bitcast_convert_type3A_1677 : vector<16xf32>
        %add3A_1690 = arith.addf %add3A_1684, %mul3A_1689 : vector<16xf32>
        %mul3A_1691 = vector.broadcast %squeeze3A_1645 : f32 to vector<16xf32>
        %mul3A_1692 = arith.mulf %mul3A_1691, %bitcast_convert_type3A_1681 : vector<16xf32>
        %add3A_1693 = arith.addf %add3A_1687, %mul3A_1692 : vector<16xf32>
        %slice3A_1694 = vector.extract_strided_slice %get3A_1582 {offsets = [2], sizes = [1], strides = [1]} : vector<16xf32> to vector<1xf32>
        %squeeze3A_1695 = vector.extract %slice3A_1694[0] : f32 from vector<1xf32>
        %slice3A_1696 = vector.extract_strided_slice %get3A_1589 {offsets = [2], sizes = [1], strides = [1]} : vector<16xf32> to vector<1xf32>
        %squeeze3A_1697 = vector.extract %slice3A_1696[0] : f32 from vector<1xf32>
        %add3A_1698 = arith.constant 2 : i32
        %add3A_1699 = arith.addi %mul3A_731, %add3A_1698 : i32
        %get3A_1700 = arith.constant 1 : i32
        %get3A_1701 = arith.index_cast %rem3A_513 : i32 to index
        %get3A_1702 = arith.index_cast %get3A_1700 : i32 to index
        %get3A_1703 = arith.index_cast %select_n3A_710 : i32 to index
        %get3A_1704 = arith.index_cast %add3A_1699 : i32 to index
        %get3A_1705 = arith.constant 0 : index
        %get3A_1706 = tpu.vector_load %arg12[%get3A_1701, %get3A_1702, %get3A_1703, %get3A_1704, %get3A_1705] {strides = array<i32>} : memref<2x2x4x128x32xi32, #tpu.memory_space<vmem>>, vector<1x1x1x1x16xi32>,
        %get3A_1707 = vector.shape_cast %get3A_1706 : vector<1x1x1x1x16xi32> to vector<16xi32>
        %add3A_1708 = arith.constant 2 : i32
        %add3A_1709 = arith.addi %mul3A_731, %add3A_1708 : i32
        %get3A_1710 = arith.constant 1 : i32
        %get3A_1711 = arith.index_cast %rem3A_513 : i32 to index
        %get3A_1712 = arith.index_cast %get3A_1710 : i32 to index
        %get3A_1713 = arith.index_cast %select_n3A_710 : i32 to index
        %get3A_1714 = arith.index_cast %add3A_1709 : i32 to index
        %get3A_1715 = arith.constant 16 : index
        %get3A_1716 = tpu.vector_load %arg12[%get3A_1711, %get3A_1712, %get3A_1713, %get3A_1714, %get3A_1715] {strides = array<i32>} : memref<2x2x4x128x32xi32, #tpu.memory_space<vmem>>, vector<1x1x1x1x16xi32>,
        %get3A_1717 = vector.shape_cast %get3A_1716 : vector<1x1x1x1x16xi32> to vector<16xi32>
        %shift_left3A_1718 = arith.constant 16 : i32
        %shift_left3A_1719 = vector.broadcast %shift_left3A_1718 : i32 to vector<16xi32>
        %shift_left3A_1720 = arith.shli %get3A_1707, %shift_left3A_1719 : vector<16xi32>
        %bitcast_convert_type3A_1721 = tpu.bitcast %shift_left3A_1720 : vector<16xi32> -> vector<16xf32>
        %and3A_1722 = arith.constant -65536 : i32
        %and3A_1723 = vector.broadcast %and3A_1722 : i32 to vector<16xi32>
        %and3A_1724 = arith.andi %get3A_1707, %and3A_1723 : vector<16xi32>
        %bitcast_convert_type3A_1725 = tpu.bitcast %and3A_1724 : vector<16xi32> -> vector<16xf32>
        %shift_left3A_1726 = arith.constant 16 : i32
        %shift_left3A_1727 = vector.broadcast %shift_left3A_1726 : i32 to vector<16xi32>
        %shift_left3A_1728 = arith.shli %get3A_1717, %shift_left3A_1727 : vector<16xi32>
        %bitcast_convert_type3A_1729 = tpu.bitcast %shift_left3A_1728 : vector<16xi32> -> vector<16xf32>
        %and3A_1730 = arith.constant -65536 : i32
        %and3A_1731 = vector.broadcast %and3A_1730 : i32 to vector<16xi32>
        %and3A_1732 = arith.andi %get3A_1717, %and3A_1731 : vector<16xi32>
        %bitcast_convert_type3A_1733 = tpu.bitcast %and3A_1732 : vector<16xi32> -> vector<16xf32>
        %mul3A_1734 = vector.broadcast %squeeze3A_1695 : f32 to vector<16xf32>
        %mul3A_1735 = arith.mulf %mul3A_1734, %bitcast_convert_type3A_1721 : vector<16xf32>
        %add3A_1736 = arith.addf %add3A_1690, %mul3A_1735 : vector<16xf32>
        %mul3A_1737 = vector.broadcast %squeeze3A_1695 : f32 to vector<16xf32>
        %mul3A_1738 = arith.mulf %mul3A_1737, %bitcast_convert_type3A_1725 : vector<16xf32>
        %add3A_1739 = arith.addf %add3A_1693, %mul3A_1738 : vector<16xf32>
        %mul3A_1740 = vector.broadcast %squeeze3A_1697 : f32 to vector<16xf32>
        %mul3A_1741 = arith.mulf %mul3A_1740, %bitcast_convert_type3A_1729 : vector<16xf32>
        %add3A_1742 = arith.addf %add3A_1736, %mul3A_1741 : vector<16xf32>
        %mul3A_1743 = vector.broadcast %squeeze3A_1697 : f32 to vector<16xf32>
        %mul3A_1744 = arith.mulf %mul3A_1743, %bitcast_convert_type3A_1733 : vector<16xf32>
        %add3A_1745 = arith.addf %add3A_1739, %mul3A_1744 : vector<16xf32>
        %slice3A_1746 = vector.extract_strided_slice %get3A_1582 {offsets = [3], sizes = [1], strides = [1]} : vector<16xf32> to vector<1xf32>
        %squeeze3A_1747 = vector.extract %slice3A_1746[0] : f32 from vector<1xf32>
        %slice3A_1748 = vector.extract_strided_slice %get3A_1589 {offsets = [3], sizes = [1], strides = [1]} : vector<16xf32> to vector<1xf32>
        %squeeze3A_1749 = vector.extract %slice3A_1748[0] : f32 from vector<1xf32>
        %add3A_1750 = arith.constant 3 : i32
        %add3A_1751 = arith.addi %mul3A_731, %add3A_1750 : i32
        %get3A_1752 = arith.constant 1 : i32
        %get3A_1753 = arith.index_cast %rem3A_513 : i32 to index
        %get3A_1754 = arith.index_cast %get3A_1752 : i32 to index
        %get3A_1755 = arith.index_cast %select_n3A_710 : i32 to index
        %get3A_1756 = arith.index_cast %add3A_1751 : i32 to index
        %get3A_1757 = arith.constant 0 : index
        %get3A_1758 = tpu.vector_load %arg12[%get3A_1753, %get3A_1754, %get3A_1755, %get3A_1756, %get3A_1757] {strides = array<i32>} : memref<2x2x4x128x32xi32, #tpu.memory_space<vmem>>, vector<1x1x1x1x16xi32>,
        %get3A_1759 = vector.shape_cast %get3A_1758 : vector<1x1x1x1x16xi32> to vector<16xi32>
        %add3A_1760 = arith.constant 3 : i32
        %add3A_1761 = arith.addi %mul3A_731, %add3A_1760 : i32
        %get3A_1762 = arith.constant 1 : i32
        %get3A_1763 = arith.index_cast %rem3A_513 : i32 to index
        %get3A_1764 = arith.index_cast %get3A_1762 : i32 to index
        %get3A_1765 = arith.index_cast %select_n3A_710 : i32 to index
        %get3A_1766 = arith.index_cast %add3A_1761 : i32 to index
        %get3A_1767 = arith.constant 16 : index
        %get3A_1768 = tpu.vector_load %arg12[%get3A_1763, %get3A_1764, %get3A_1765, %get3A_1766, %get3A_1767] {strides = array<i32>} : memref<2x2x4x128x32xi32, #tpu.memory_space<vmem>>, vector<1x1x1x1x16xi32>,
        %get3A_1769 = vector.shape_cast %get3A_1768 : vector<1x1x1x1x16xi32> to vector<16xi32>
        %shift_left3A_1770 = arith.constant 16 : i32
        %shift_left3A_1771 = vector.broadcast %shift_left3A_1770 : i32 to vector<16xi32>
        %shift_left3A_1772 = arith.shli %get3A_1759, %shift_left3A_1771 : vector<16xi32>
        %bitcast_convert_type3A_1773 = tpu.bitcast %shift_left3A_1772 : vector<16xi32> -> vector<16xf32>
        %and3A_1774 = arith.constant -65536 : i32
        %and3A_1775 = vector.broadcast %and3A_1774 : i32 to vector<16xi32>
        %and3A_1776 = arith.andi %get3A_1759, %and3A_1775 : vector<16xi32>
        %bitcast_convert_type3A_1777 = tpu.bitcast %and3A_1776 : vector<16xi32> -> vector<16xf32>
        %shift_left3A_1778 = arith.constant 16 : i32
        %shift_left3A_1779 = vector.broadcast %shift_left3A_1778 : i32 to vector<16xi32>
        %shift_left3A_1780 = arith.shli %get3A_1769, %shift_left3A_1779 : vector<16xi32>
        %bitcast_convert_type3A_1781 = tpu.bitcast %shift_left3A_1780 : vector<16xi32> -> vector<16xf32>
        %and3A_1782 = arith.constant -65536 : i32
        %and3A_1783 = vector.broadcast %and3A_1782 : i32 to vector<16xi32>
        %and3A_1784 = arith.andi %get3A_1769, %and3A_1783 : vector<16xi32>
        %bitcast_convert_type3A_1785 = tpu.bitcast %and3A_1784 : vector<16xi32> -> vector<16xf32>
        %mul3A_1786 = vector.broadcast %squeeze3A_1747 : f32 to vector<16xf32>
        %mul3A_1787 = arith.mulf %mul3A_1786, %bitcast_convert_type3A_1773 : vector<16xf32>
        %add3A_1788 = arith.addf %add3A_1742, %mul3A_1787 : vector<16xf32>
        %mul3A_1789 = vector.broadcast %squeeze3A_1747 : f32 to vector<16xf32>
        %mul3A_1790 = arith.mulf %mul3A_1789, %bitcast_convert_type3A_1777 : vector<16xf32>
        %add3A_1791 = arith.addf %add3A_1745, %mul3A_1790 : vector<16xf32>
        %mul3A_1792 = vector.broadcast %squeeze3A_1749 : f32 to vector<16xf32>
        %mul3A_1793 = arith.mulf %mul3A_1792, %bitcast_convert_type3A_1781 : vector<16xf32>
        %add3A_1794 = arith.addf %add3A_1788, %mul3A_1793 : vector<16xf32>
        %mul3A_1795 = vector.broadcast %squeeze3A_1749 : f32 to vector<16xf32>
        %mul3A_1796 = arith.mulf %mul3A_1795, %bitcast_convert_type3A_1785 : vector<16xf32>
        %add3A_1797 = arith.addf %add3A_1791, %mul3A_1796 : vector<16xf32>
        %slice3A_1798 = vector.extract_strided_slice %get3A_1582 {offsets = [4], sizes = [1], strides = [1]} : vector<16xf32> to vector<1xf32>
        %squeeze3A_1799 = vector.extract %slice3A_1798[0] : f32 from vector<1xf32>
        %slice3A_1800 = vector.extract_strided_slice %get3A_1589 {offsets = [4], sizes = [1], strides = [1]} : vector<16xf32> to vector<1xf32>
        %squeeze3A_1801 = vector.extract %slice3A_1800[0] : f32 from vector<1xf32>
        %add3A_1802 = arith.constant 4 : i32
        %add3A_1803 = arith.addi %mul3A_731, %add3A_1802 : i32
        %get3A_1804 = arith.constant 1 : i32
        %get3A_1805 = arith.index_cast %rem3A_513 : i32 to index
        %get3A_1806 = arith.index_cast %get3A_1804 : i32 to index
        %get3A_1807 = arith.index_cast %select_n3A_710 : i32 to index
        %get3A_1808 = arith.index_cast %add3A_1803 : i32 to index
        %get3A_1809 = arith.constant 0 : index
        %get3A_1810 = tpu.vector_load %arg12[%get3A_1805, %get3A_1806, %get3A_1807, %get3A_1808, %get3A_1809] {strides = array<i32>} : memref<2x2x4x128x32xi32, #tpu.memory_space<vmem>>, vector<1x1x1x1x16xi32>,
        %get3A_1811 = vector.shape_cast %get3A_1810 : vector<1x1x1x1x16xi32> to vector<16xi32>
        %add3A_1812 = arith.constant 4 : i32
        %add3A_1813 = arith.addi %mul3A_731, %add3A_1812 : i32
        %get3A_1814 = arith.constant 1 : i32
        %get3A_1815 = arith.index_cast %rem3A_513 : i32 to index
        %get3A_1816 = arith.index_cast %get3A_1814 : i32 to index
        %get3A_1817 = arith.index_cast %select_n3A_710 : i32 to index
        %get3A_1818 = arith.index_cast %add3A_1813 : i32 to index
        %get3A_1819 = arith.constant 16 : index
        %get3A_1820 = tpu.vector_load %arg12[%get3A_1815, %get3A_1816, %get3A_1817, %get3A_1818, %get3A_1819] {strides = array<i32>} : memref<2x2x4x128x32xi32, #tpu.memory_space<vmem>>, vector<1x1x1x1x16xi32>,
        %get3A_1821 = vector.shape_cast %get3A_1820 : vector<1x1x1x1x16xi32> to vector<16xi32>
        %shift_left3A_1822 = arith.constant 16 : i32
        %shift_left3A_1823 = vector.broadcast %shift_left3A_1822 : i32 to vector<16xi32>
        %shift_left3A_1824 = arith.shli %get3A_1811, %shift_left3A_1823 : vector<16xi32>
        %bitcast_convert_type3A_1825 = tpu.bitcast %shift_left3A_1824 : vector<16xi32> -> vector<16xf32>
        %and3A_1826 = arith.constant -65536 : i32
        %and3A_1827 = vector.broadcast %and3A_1826 : i32 to vector<16xi32>
        %and3A_1828 = arith.andi %get3A_1811, %and3A_1827 : vector<16xi32>
        %bitcast_convert_type3A_1829 = tpu.bitcast %and3A_1828 : vector<16xi32> -> vector<16xf32>
        %shift_left3A_1830 = arith.constant 16 : i32
        %shift_left3A_1831 = vector.broadcast %shift_left3A_1830 : i32 to vector<16xi32>
        %shift_left3A_1832 = arith.shli %get3A_1821, %shift_left3A_1831 : vector<16xi32>
        %bitcast_convert_type3A_1833 = tpu.bitcast %shift_left3A_1832 : vector<16xi32> -> vector<16xf32>
        %and3A_1834 = arith.constant -65536 : i32
        %and3A_1835 = vector.broadcast %and3A_1834 : i32 to vector<16xi32>
        %and3A_1836 = arith.andi %get3A_1821, %and3A_1835 : vector<16xi32>
        %bitcast_convert_type3A_1837 = tpu.bitcast %and3A_1836 : vector<16xi32> -> vector<16xf32>
        %mul3A_1838 = vector.broadcast %squeeze3A_1799 : f32 to vector<16xf32>
        %mul3A_1839 = arith.mulf %mul3A_1838, %bitcast_convert_type3A_1825 : vector<16xf32>
        %add3A_1840 = arith.addf %add3A_1794, %mul3A_1839 : vector<16xf32>
        %mul3A_1841 = vector.broadcast %squeeze3A_1799 : f32 to vector<16xf32>
        %mul3A_1842 = arith.mulf %mul3A_1841, %bitcast_convert_type3A_1829 : vector<16xf32>
        %add3A_1843 = arith.addf %add3A_1797, %mul3A_1842 : vector<16xf32>
        %mul3A_1844 = vector.broadcast %squeeze3A_1801 : f32 to vector<16xf32>
        %mul3A_1845 = arith.mulf %mul3A_1844, %bitcast_convert_type3A_1833 : vector<16xf32>
        %add3A_1846 = arith.addf %add3A_1840, %mul3A_1845 : vector<16xf32>
        %mul3A_1847 = vector.broadcast %squeeze3A_1801 : f32 to vector<16xf32>
        %mul3A_1848 = arith.mulf %mul3A_1847, %bitcast_convert_type3A_1837 : vector<16xf32>
        %add3A_1849 = arith.addf %add3A_1843, %mul3A_1848 : vector<16xf32>
        %slice3A_1850 = vector.extract_strided_slice %get3A_1582 {offsets = [5], sizes = [1], strides = [1]} : vector<16xf32> to vector<1xf32>
        %squeeze3A_1851 = vector.extract %slice3A_1850[0] : f32 from vector<1xf32>
        %slice3A_1852 = vector.extract_strided_slice %get3A_1589 {offsets = [5], sizes = [1], strides = [1]} : vector<16xf32> to vector<1xf32>
        %squeeze3A_1853 = vector.extract %slice3A_1852[0] : f32 from vector<1xf32>
        %add3A_1854 = arith.constant 5 : i32
        %add3A_1855 = arith.addi %mul3A_731, %add3A_1854 : i32
        %get3A_1856 = arith.constant 1 : i32
        %get3A_1857 = arith.index_cast %rem3A_513 : i32 to index
        %get3A_1858 = arith.index_cast %get3A_1856 : i32 to index
        %get3A_1859 = arith.index_cast %select_n3A_710 : i32 to index
        %get3A_1860 = arith.index_cast %add3A_1855 : i32 to index
        %get3A_1861 = arith.constant 0 : index
        %get3A_1862 = tpu.vector_load %arg12[%get3A_1857, %get3A_1858, %get3A_1859, %get3A_1860, %get3A_1861] {strides = array<i32>} : memref<2x2x4x128x32xi32, #tpu.memory_space<vmem>>, vector<1x1x1x1x16xi32>,
        %get3A_1863 = vector.shape_cast %get3A_1862 : vector<1x1x1x1x16xi32> to vector<16xi32>
        %add3A_1864 = arith.constant 5 : i32
        %add3A_1865 = arith.addi %mul3A_731, %add3A_1864 : i32
        %get3A_1866 = arith.constant 1 : i32
        %get3A_1867 = arith.index_cast %rem3A_513 : i32 to index
        %get3A_1868 = arith.index_cast %get3A_1866 : i32 to index
        %get3A_1869 = arith.index_cast %select_n3A_710 : i32 to index
        %get3A_1870 = arith.index_cast %add3A_1865 : i32 to index
        %get3A_1871 = arith.constant 16 : index
        %get3A_1872 = tpu.vector_load %arg12[%get3A_1867, %get3A_1868, %get3A_1869, %get3A_1870, %get3A_1871] {strides = array<i32>} : memref<2x2x4x128x32xi32, #tpu.memory_space<vmem>>, vector<1x1x1x1x16xi32>,
        %get3A_1873 = vector.shape_cast %get3A_1872 : vector<1x1x1x1x16xi32> to vector<16xi32>
        %shift_left3A_1874 = arith.constant 16 : i32
        %shift_left3A_1875 = vector.broadcast %shift_left3A_1874 : i32 to vector<16xi32>
        %shift_left3A_1876 = arith.shli %get3A_1863, %shift_left3A_1875 : vector<16xi32>
        %bitcast_convert_type3A_1877 = tpu.bitcast %shift_left3A_1876 : vector<16xi32> -> vector<16xf32>
        %and3A_1878 = arith.constant -65536 : i32
        %and3A_1879 = vector.broadcast %and3A_1878 : i32 to vector<16xi32>
        %and3A_1880 = arith.andi %get3A_1863, %and3A_1879 : vector<16xi32>
        %bitcast_convert_type3A_1881 = tpu.bitcast %and3A_1880 : vector<16xi32> -> vector<16xf32>
        %shift_left3A_1882 = arith.constant 16 : i32
        %shift_left3A_1883 = vector.broadcast %shift_left3A_1882 : i32 to vector<16xi32>
        %shift_left3A_1884 = arith.shli %get3A_1873, %shift_left3A_1883 : vector<16xi32>
        %bitcast_convert_type3A_1885 = tpu.bitcast %shift_left3A_1884 : vector<16xi32> -> vector<16xf32>
        %and3A_1886 = arith.constant -65536 : i32
        %and3A_1887 = vector.broadcast %and3A_1886 : i32 to vector<16xi32>
        %and3A_1888 = arith.andi %get3A_1873, %and3A_1887 : vector<16xi32>
        %bitcast_convert_type3A_1889 = tpu.bitcast %and3A_1888 : vector<16xi32> -> vector<16xf32>
        %mul3A_1890 = vector.broadcast %squeeze3A_1851 : f32 to vector<16xf32>
        %mul3A_1891 = arith.mulf %mul3A_1890, %bitcast_convert_type3A_1877 : vector<16xf32>
        %add3A_1892 = arith.addf %add3A_1846, %mul3A_1891 : vector<16xf32>
        %mul3A_1893 = vector.broadcast %squeeze3A_1851 : f32 to vector<16xf32>
        %mul3A_1894 = arith.mulf %mul3A_1893, %bitcast_convert_type3A_1881 : vector<16xf32>
        %add3A_1895 = arith.addf %add3A_1849, %mul3A_1894 : vector<16xf32>
        %mul3A_1896 = vector.broadcast %squeeze3A_1853 : f32 to vector<16xf32>
        %mul3A_1897 = arith.mulf %mul3A_1896, %bitcast_convert_type3A_1885 : vector<16xf32>
        %add3A_1898 = arith.addf %add3A_1892, %mul3A_1897 : vector<16xf32>
        %mul3A_1899 = vector.broadcast %squeeze3A_1853 : f32 to vector<16xf32>
        %mul3A_1900 = arith.mulf %mul3A_1899, %bitcast_convert_type3A_1889 : vector<16xf32>
        %add3A_1901 = arith.addf %add3A_1895, %mul3A_1900 : vector<16xf32>
        %slice3A_1902 = vector.extract_strided_slice %get3A_1582 {offsets = [6], sizes = [1], strides = [1]} : vector<16xf32> to vector<1xf32>
        %squeeze3A_1903 = vector.extract %slice3A_1902[0] : f32 from vector<1xf32>
        %slice3A_1904 = vector.extract_strided_slice %get3A_1589 {offsets = [6], sizes = [1], strides = [1]} : vector<16xf32> to vector<1xf32>
        %squeeze3A_1905 = vector.extract %slice3A_1904[0] : f32 from vector<1xf32>
        %add3A_1906 = arith.constant 6 : i32
        %add3A_1907 = arith.addi %mul3A_731, %add3A_1906 : i32
        %get3A_1908 = arith.constant 1 : i32
        %get3A_1909 = arith.index_cast %rem3A_513 : i32 to index
        %get3A_1910 = arith.index_cast %get3A_1908 : i32 to index
        %get3A_1911 = arith.index_cast %select_n3A_710 : i32 to index
        %get3A_1912 = arith.index_cast %add3A_1907 : i32 to index
        %get3A_1913 = arith.constant 0 : index
        %get3A_1914 = tpu.vector_load %arg12[%get3A_1909, %get3A_1910, %get3A_1911, %get3A_1912, %get3A_1913] {strides = array<i32>} : memref<2x2x4x128x32xi32, #tpu.memory_space<vmem>>, vector<1x1x1x1x16xi32>,
        %get3A_1915 = vector.shape_cast %get3A_1914 : vector<1x1x1x1x16xi32> to vector<16xi32>
        %add3A_1916 = arith.constant 6 : i32
        %add3A_1917 = arith.addi %mul3A_731, %add3A_1916 : i32
        %get3A_1918 = arith.constant 1 : i32
        %get3A_1919 = arith.index_cast %rem3A_513 : i32 to index
        %get3A_1920 = arith.index_cast %get3A_1918 : i32 to index
        %get3A_1921 = arith.index_cast %select_n3A_710 : i32 to index
        %get3A_1922 = arith.index_cast %add3A_1917 : i32 to index
        %get3A_1923 = arith.constant 16 : index
        %get3A_1924 = tpu.vector_load %arg12[%get3A_1919, %get3A_1920, %get3A_1921, %get3A_1922, %get3A_1923] {strides = array<i32>} : memref<2x2x4x128x32xi32, #tpu.memory_space<vmem>>, vector<1x1x1x1x16xi32>,
        %get3A_1925 = vector.shape_cast %get3A_1924 : vector<1x1x1x1x16xi32> to vector<16xi32>
        %shift_left3A_1926 = arith.constant 16 : i32
        %shift_left3A_1927 = vector.broadcast %shift_left3A_1926 : i32 to vector<16xi32>
        %shift_left3A_1928 = arith.shli %get3A_1915, %shift_left3A_1927 : vector<16xi32>
        %bitcast_convert_type3A_1929 = tpu.bitcast %shift_left3A_1928 : vector<16xi32> -> vector<16xf32>
        %and3A_1930 = arith.constant -65536 : i32
        %and3A_1931 = vector.broadcast %and3A_1930 : i32 to vector<16xi32>
        %and3A_1932 = arith.andi %get3A_1915, %and3A_1931 : vector<16xi32>
        %bitcast_convert_type3A_1933 = tpu.bitcast %and3A_1932 : vector<16xi32> -> vector<16xf32>
        %shift_left3A_1934 = arith.constant 16 : i32
        %shift_left3A_1935 = vector.broadcast %shift_left3A_1934 : i32 to vector<16xi32>
        %shift_left3A_1936 = arith.shli %get3A_1925, %shift_left3A_1935 : vector<16xi32>
        %bitcast_convert_type3A_1937 = tpu.bitcast %shift_left3A_1936 : vector<16xi32> -> vector<16xf32>
        %and3A_1938 = arith.constant -65536 : i32
        %and3A_1939 = vector.broadcast %and3A_1938 : i32 to vector<16xi32>
        %and3A_1940 = arith.andi %get3A_1925, %and3A_1939 : vector<16xi32>
        %bitcast_convert_type3A_1941 = tpu.bitcast %and3A_1940 : vector<16xi32> -> vector<16xf32>
        %mul3A_1942 = vector.broadcast %squeeze3A_1903 : f32 to vector<16xf32>
        %mul3A_1943 = arith.mulf %mul3A_1942, %bitcast_convert_type3A_1929 : vector<16xf32>
        %add3A_1944 = arith.addf %add3A_1898, %mul3A_1943 : vector<16xf32>
        %mul3A_1945 = vector.broadcast %squeeze3A_1903 : f32 to vector<16xf32>
        %mul3A_1946 = arith.mulf %mul3A_1945, %bitcast_convert_type3A_1933 : vector<16xf32>
        %add3A_1947 = arith.addf %add3A_1901, %mul3A_1946 : vector<16xf32>
        %mul3A_1948 = vector.broadcast %squeeze3A_1905 : f32 to vector<16xf32>
        %mul3A_1949 = arith.mulf %mul3A_1948, %bitcast_convert_type3A_1937 : vector<16xf32>
        %add3A_1950 = arith.addf %add3A_1944, %mul3A_1949 : vector<16xf32>
        %mul3A_1951 = vector.broadcast %squeeze3A_1905 : f32 to vector<16xf32>
        %mul3A_1952 = arith.mulf %mul3A_1951, %bitcast_convert_type3A_1941 : vector<16xf32>
        %add3A_1953 = arith.addf %add3A_1947, %mul3A_1952 : vector<16xf32>
        %slice3A_1954 = vector.extract_strided_slice %get3A_1582 {offsets = [7], sizes = [1], strides = [1]} : vector<16xf32> to vector<1xf32>
        %squeeze3A_1955 = vector.extract %slice3A_1954[0] : f32 from vector<1xf32>
        %slice3A_1956 = vector.extract_strided_slice %get3A_1589 {offsets = [7], sizes = [1], strides = [1]} : vector<16xf32> to vector<1xf32>
        %squeeze3A_1957 = vector.extract %slice3A_1956[0] : f32 from vector<1xf32>
        %add3A_1958 = arith.constant 7 : i32
        %add3A_1959 = arith.addi %mul3A_731, %add3A_1958 : i32
        %get3A_1960 = arith.constant 1 : i32
        %get3A_1961 = arith.index_cast %rem3A_513 : i32 to index
        %get3A_1962 = arith.index_cast %get3A_1960 : i32 to index
        %get3A_1963 = arith.index_cast %select_n3A_710 : i32 to index
        %get3A_1964 = arith.index_cast %add3A_1959 : i32 to index
        %get3A_1965 = arith.constant 0 : index
        %get3A_1966 = tpu.vector_load %arg12[%get3A_1961, %get3A_1962, %get3A_1963, %get3A_1964, %get3A_1965] {strides = array<i32>} : memref<2x2x4x128x32xi32, #tpu.memory_space<vmem>>, vector<1x1x1x1x16xi32>,
        %get3A_1967 = vector.shape_cast %get3A_1966 : vector<1x1x1x1x16xi32> to vector<16xi32>
        %add3A_1968 = arith.constant 7 : i32
        %add3A_1969 = arith.addi %mul3A_731, %add3A_1968 : i32
        %get3A_1970 = arith.constant 1 : i32
        %get3A_1971 = arith.index_cast %rem3A_513 : i32 to index
        %get3A_1972 = arith.index_cast %get3A_1970 : i32 to index
        %get3A_1973 = arith.index_cast %select_n3A_710 : i32 to index
        %get3A_1974 = arith.index_cast %add3A_1969 : i32 to index
        %get3A_1975 = arith.constant 16 : index
        %get3A_1976 = tpu.vector_load %arg12[%get3A_1971, %get3A_1972, %get3A_1973, %get3A_1974, %get3A_1975] {strides = array<i32>} : memref<2x2x4x128x32xi32, #tpu.memory_space<vmem>>, vector<1x1x1x1x16xi32>,
        %get3A_1977 = vector.shape_cast %get3A_1976 : vector<1x1x1x1x16xi32> to vector<16xi32>
        %shift_left3A_1978 = arith.constant 16 : i32
        %shift_left3A_1979 = vector.broadcast %shift_left3A_1978 : i32 to vector<16xi32>
        %shift_left3A_1980 = arith.shli %get3A_1967, %shift_left3A_1979 : vector<16xi32>
        %bitcast_convert_type3A_1981 = tpu.bitcast %shift_left3A_1980 : vector<16xi32> -> vector<16xf32>
        %and3A_1982 = arith.constant -65536 : i32
        %and3A_1983 = vector.broadcast %and3A_1982 : i32 to vector<16xi32>
        %and3A_1984 = arith.andi %get3A_1967, %and3A_1983 : vector<16xi32>
        %bitcast_convert_type3A_1985 = tpu.bitcast %and3A_1984 : vector<16xi32> -> vector<16xf32>
        %shift_left3A_1986 = arith.constant 16 : i32
        %shift_left3A_1987 = vector.broadcast %shift_left3A_1986 : i32 to vector<16xi32>
        %shift_left3A_1988 = arith.shli %get3A_1977, %shift_left3A_1987 : vector<16xi32>
        %bitcast_convert_type3A_1989 = tpu.bitcast %shift_left3A_1988 : vector<16xi32> -> vector<16xf32>
        %and3A_1990 = arith.constant -65536 : i32
        %and3A_1991 = vector.broadcast %and3A_1990 : i32 to vector<16xi32>
        %and3A_1992 = arith.andi %get3A_1977, %and3A_1991 : vector<16xi32>
        %bitcast_convert_type3A_1993 = tpu.bitcast %and3A_1992 : vector<16xi32> -> vector<16xf32>
        %mul3A_1994 = vector.broadcast %squeeze3A_1955 : f32 to vector<16xf32>
        %mul3A_1995 = arith.mulf %mul3A_1994, %bitcast_convert_type3A_1981 : vector<16xf32>
        %add3A_1996 = arith.addf %add3A_1950, %mul3A_1995 : vector<16xf32>
        %mul3A_1997 = vector.broadcast %squeeze3A_1955 : f32 to vector<16xf32>
        %mul3A_1998 = arith.mulf %mul3A_1997, %bitcast_convert_type3A_1985 : vector<16xf32>
        %add3A_1999 = arith.addf %add3A_1953, %mul3A_1998 : vector<16xf32>
        %mul3A_2000 = vector.broadcast %squeeze3A_1957 : f32 to vector<16xf32>
        %mul3A_2001 = arith.mulf %mul3A_2000, %bitcast_convert_type3A_1989 : vector<16xf32>
        %add3A_2002 = arith.addf %add3A_1996, %mul3A_2001 : vector<16xf32>
        %mul3A_2003 = vector.broadcast %squeeze3A_1957 : f32 to vector<16xf32>
        %mul3A_2004 = arith.mulf %mul3A_2003, %bitcast_convert_type3A_1993 : vector<16xf32>
        %add3A_2005 = arith.addf %add3A_1999, %mul3A_2004 : vector<16xf32>
        %slice3A_2006 = vector.extract_strided_slice %get3A_1582 {offsets = [8], sizes = [1], strides = [1]} : vector<16xf32> to vector<1xf32>
        %squeeze3A_2007 = vector.extract %slice3A_2006[0] : f32 from vector<1xf32>
        %slice3A_2008 = vector.extract_strided_slice %get3A_1589 {offsets = [8], sizes = [1], strides = [1]} : vector<16xf32> to vector<1xf32>
        %squeeze3A_2009 = vector.extract %slice3A_2008[0] : f32 from vector<1xf32>
        %add3A_2010 = arith.constant 8 : i32
        %add3A_2011 = arith.addi %mul3A_731, %add3A_2010 : i32
        %get3A_2012 = arith.constant 1 : i32
        %get3A_2013 = arith.index_cast %rem3A_513 : i32 to index
        %get3A_2014 = arith.index_cast %get3A_2012 : i32 to index
        %get3A_2015 = arith.index_cast %select_n3A_710 : i32 to index
        %get3A_2016 = arith.index_cast %add3A_2011 : i32 to index
        %get3A_2017 = arith.constant 0 : index
        %get3A_2018 = tpu.vector_load %arg12[%get3A_2013, %get3A_2014, %get3A_2015, %get3A_2016, %get3A_2017] {strides = array<i32>} : memref<2x2x4x128x32xi32, #tpu.memory_space<vmem>>, vector<1x1x1x1x16xi32>,
        %get3A_2019 = vector.shape_cast %get3A_2018 : vector<1x1x1x1x16xi32> to vector<16xi32>
        %add3A_2020 = arith.constant 8 : i32
        %add3A_2021 = arith.addi %mul3A_731, %add3A_2020 : i32
        %get3A_2022 = arith.constant 1 : i32
        %get3A_2023 = arith.index_cast %rem3A_513 : i32 to index
        %get3A_2024 = arith.index_cast %get3A_2022 : i32 to index
        %get3A_2025 = arith.index_cast %select_n3A_710 : i32 to index
        %get3A_2026 = arith.index_cast %add3A_2021 : i32 to index
        %get3A_2027 = arith.constant 16 : index
        %get3A_2028 = tpu.vector_load %arg12[%get3A_2023, %get3A_2024, %get3A_2025, %get3A_2026, %get3A_2027] {strides = array<i32>} : memref<2x2x4x128x32xi32, #tpu.memory_space<vmem>>, vector<1x1x1x1x16xi32>,
        %get3A_2029 = vector.shape_cast %get3A_2028 : vector<1x1x1x1x16xi32> to vector<16xi32>
        %shift_left3A_2030 = arith.constant 16 : i32
        %shift_left3A_2031 = vector.broadcast %shift_left3A_2030 : i32 to vector<16xi32>
        %shift_left3A_2032 = arith.shli %get3A_2019, %shift_left3A_2031 : vector<16xi32>
        %bitcast_convert_type3A_2033 = tpu.bitcast %shift_left3A_2032 : vector<16xi32> -> vector<16xf32>
        %and3A_2034 = arith.constant -65536 : i32
        %and3A_2035 = vector.broadcast %and3A_2034 : i32 to vector<16xi32>
        %and3A_2036 = arith.andi %get3A_2019, %and3A_2035 : vector<16xi32>
        %bitcast_convert_type3A_2037 = tpu.bitcast %and3A_2036 : vector<16xi32> -> vector<16xf32>
        %shift_left3A_2038 = arith.constant 16 : i32
        %shift_left3A_2039 = vector.broadcast %shift_left3A_2038 : i32 to vector<16xi32>
        %shift_left3A_2040 = arith.shli %get3A_2029, %shift_left3A_2039 : vector<16xi32>
        %bitcast_convert_type3A_2041 = tpu.bitcast %shift_left3A_2040 : vector<16xi32> -> vector<16xf32>
        %and3A_2042 = arith.constant -65536 : i32
        %and3A_2043 = vector.broadcast %and3A_2042 : i32 to vector<16xi32>
        %and3A_2044 = arith.andi %get3A_2029, %and3A_2043 : vector<16xi32>
        %bitcast_convert_type3A_2045 = tpu.bitcast %and3A_2044 : vector<16xi32> -> vector<16xf32>
        %mul3A_2046 = vector.broadcast %squeeze3A_2007 : f32 to vector<16xf32>
        %mul3A_2047 = arith.mulf %mul3A_2046, %bitcast_convert_type3A_2033 : vector<16xf32>
        %add3A_2048 = arith.addf %add3A_2002, %mul3A_2047 : vector<16xf32>
        %mul3A_2049 = vector.broadcast %squeeze3A_2007 : f32 to vector<16xf32>
        %mul3A_2050 = arith.mulf %mul3A_2049, %bitcast_convert_type3A_2037 : vector<16xf32>
        %add3A_2051 = arith.addf %add3A_2005, %mul3A_2050 : vector<16xf32>
        %mul3A_2052 = vector.broadcast %squeeze3A_2009 : f32 to vector<16xf32>
        %mul3A_2053 = arith.mulf %mul3A_2052, %bitcast_convert_type3A_2041 : vector<16xf32>
        %add3A_2054 = arith.addf %add3A_2048, %mul3A_2053 : vector<16xf32>
        %mul3A_2055 = vector.broadcast %squeeze3A_2009 : f32 to vector<16xf32>
        %mul3A_2056 = arith.mulf %mul3A_2055, %bitcast_convert_type3A_2045 : vector<16xf32>
        %add3A_2057 = arith.addf %add3A_2051, %mul3A_2056 : vector<16xf32>
        %slice3A_2058 = vector.extract_strided_slice %get3A_1582 {offsets = [9], sizes = [1], strides = [1]} : vector<16xf32> to vector<1xf32>
        %squeeze3A_2059 = vector.extract %slice3A_2058[0] : f32 from vector<1xf32>
        %slice3A_2060 = vector.extract_strided_slice %get3A_1589 {offsets = [9], sizes = [1], strides = [1]} : vector<16xf32> to vector<1xf32>
        %squeeze3A_2061 = vector.extract %slice3A_2060[0] : f32 from vector<1xf32>
        %add3A_2062 = arith.constant 9 : i32
        %add3A_2063 = arith.addi %mul3A_731, %add3A_2062 : i32
        %get3A_2064 = arith.constant 1 : i32
        %get3A_2065 = arith.index_cast %rem3A_513 : i32 to index
        %get3A_2066 = arith.index_cast %get3A_2064 : i32 to index
        %get3A_2067 = arith.index_cast %select_n3A_710 : i32 to index
        %get3A_2068 = arith.index_cast %add3A_2063 : i32 to index
        %get3A_2069 = arith.constant 0 : index
        %get3A_2070 = tpu.vector_load %arg12[%get3A_2065, %get3A_2066, %get3A_2067, %get3A_2068, %get3A_2069] {strides = array<i32>} : memref<2x2x4x128x32xi32, #tpu.memory_space<vmem>>, vector<1x1x1x1x16xi32>,
        %get3A_2071 = vector.shape_cast %get3A_2070 : vector<1x1x1x1x16xi32> to vector<16xi32>
        %add3A_2072 = arith.constant 9 : i32
        %add3A_2073 = arith.addi %mul3A_731, %add3A_2072 : i32
        %get3A_2074 = arith.constant 1 : i32
        %get3A_2075 = arith.index_cast %rem3A_513 : i32 to index
        %get3A_2076 = arith.index_cast %get3A_2074 : i32 to index
        %get3A_2077 = arith.index_cast %select_n3A_710 : i32 to index
        %get3A_2078 = arith.index_cast %add3A_2073 : i32 to index
        %get3A_2079 = arith.constant 16 : index
        %get3A_2080 = tpu.vector_load %arg12[%get3A_2075, %get3A_2076, %get3A_2077, %get3A_2078, %get3A_2079] {strides = array<i32>} : memref<2x2x4x128x32xi32, #tpu.memory_space<vmem>>, vector<1x1x1x1x16xi32>,
        %get3A_2081 = vector.shape_cast %get3A_2080 : vector<1x1x1x1x16xi32> to vector<16xi32>
        %shift_left3A_2082 = arith.constant 16 : i32
        %shift_left3A_2083 = vector.broadcast %shift_left3A_2082 : i32 to vector<16xi32>
        %shift_left3A_2084 = arith.shli %get3A_2071, %shift_left3A_2083 : vector<16xi32>
        %bitcast_convert_type3A_2085 = tpu.bitcast %shift_left3A_2084 : vector<16xi32> -> vector<16xf32>
        %and3A_2086 = arith.constant -65536 : i32
        %and3A_2087 = vector.broadcast %and3A_2086 : i32 to vector<16xi32>
        %and3A_2088 = arith.andi %get3A_2071, %and3A_2087 : vector<16xi32>
        %bitcast_convert_type3A_2089 = tpu.bitcast %and3A_2088 : vector<16xi32> -> vector<16xf32>
        %shift_left3A_2090 = arith.constant 16 : i32
        %shift_left3A_2091 = vector.broadcast %shift_left3A_2090 : i32 to vector<16xi32>
        %shift_left3A_2092 = arith.shli %get3A_2081, %shift_left3A_2091 : vector<16xi32>
        %bitcast_convert_type3A_2093 = tpu.bitcast %shift_left3A_2092 : vector<16xi32> -> vector<16xf32>
        %and3A_2094 = arith.constant -65536 : i32
        %and3A_2095 = vector.broadcast %and3A_2094 : i32 to vector<16xi32>
        %and3A_2096 = arith.andi %get3A_2081, %and3A_2095 : vector<16xi32>
        %bitcast_convert_type3A_2097 = tpu.bitcast %and3A_2096 : vector<16xi32> -> vector<16xf32>
        %mul3A_2098 = vector.broadcast %squeeze3A_2059 : f32 to vector<16xf32>
        %mul3A_2099 = arith.mulf %mul3A_2098, %bitcast_convert_type3A_2085 : vector<16xf32>
        %add3A_2100 = arith.addf %add3A_2054, %mul3A_2099 : vector<16xf32>
        %mul3A_2101 = vector.broadcast %squeeze3A_2059 : f32 to vector<16xf32>
        %mul3A_2102 = arith.mulf %mul3A_2101, %bitcast_convert_type3A_2089 : vector<16xf32>
        %add3A_2103 = arith.addf %add3A_2057, %mul3A_2102 : vector<16xf32>
        %mul3A_2104 = vector.broadcast %squeeze3A_2061 : f32 to vector<16xf32>
        %mul3A_2105 = arith.mulf %mul3A_2104, %bitcast_convert_type3A_2093 : vector<16xf32>
        %add3A_2106 = arith.addf %add3A_2100, %mul3A_2105 : vector<16xf32>
        %mul3A_2107 = vector.broadcast %squeeze3A_2061 : f32 to vector<16xf32>
        %mul3A_2108 = arith.mulf %mul3A_2107, %bitcast_convert_type3A_2097 : vector<16xf32>
        %add3A_2109 = arith.addf %add3A_2103, %mul3A_2108 : vector<16xf32>
        %slice3A_2110 = vector.extract_strided_slice %get3A_1582 {offsets = [10], sizes = [1], strides = [1]} : vector<16xf32> to vector<1xf32>
        %squeeze3A_2111 = vector.extract %slice3A_2110[0] : f32 from vector<1xf32>
        %slice3A_2112 = vector.extract_strided_slice %get3A_1589 {offsets = [10], sizes = [1], strides = [1]} : vector<16xf32> to vector<1xf32>
        %squeeze3A_2113 = vector.extract %slice3A_2112[0] : f32 from vector<1xf32>
        %add3A_2114 = arith.constant 10 : i32
        %add3A_2115 = arith.addi %mul3A_731, %add3A_2114 : i32
        %get3A_2116 = arith.constant 1 : i32
        %get3A_2117 = arith.index_cast %rem3A_513 : i32 to index
        %get3A_2118 = arith.index_cast %get3A_2116 : i32 to index
        %get3A_2119 = arith.index_cast %select_n3A_710 : i32 to index
        %get3A_2120 = arith.index_cast %add3A_2115 : i32 to index
        %get3A_2121 = arith.constant 0 : index
        %get3A_2122 = tpu.vector_load %arg12[%get3A_2117, %get3A_2118, %get3A_2119, %get3A_2120, %get3A_2121] {strides = array<i32>} : memref<2x2x4x128x32xi32, #tpu.memory_space<vmem>>, vector<1x1x1x1x16xi32>,
        %get3A_2123 = vector.shape_cast %get3A_2122 : vector<1x1x1x1x16xi32> to vector<16xi32>
        %add3A_2124 = arith.constant 10 : i32
        %add3A_2125 = arith.addi %mul3A_731, %add3A_2124 : i32
        %get3A_2126 = arith.constant 1 : i32
        %get3A_2127 = arith.index_cast %rem3A_513 : i32 to index
        %get3A_2128 = arith.index_cast %get3A_2126 : i32 to index
        %get3A_2129 = arith.index_cast %select_n3A_710 : i32 to index
        %get3A_2130 = arith.index_cast %add3A_2125 : i32 to index
        %get3A_2131 = arith.constant 16 : index
        %get3A_2132 = tpu.vector_load %arg12[%get3A_2127, %get3A_2128, %get3A_2129, %get3A_2130, %get3A_2131] {strides = array<i32>} : memref<2x2x4x128x32xi32, #tpu.memory_space<vmem>>, vector<1x1x1x1x16xi32>,
        %get3A_2133 = vector.shape_cast %get3A_2132 : vector<1x1x1x1x16xi32> to vector<16xi32>
        %shift_left3A_2134 = arith.constant 16 : i32
        %shift_left3A_2135 = vector.broadcast %shift_left3A_2134 : i32 to vector<16xi32>
        %shift_left3A_2136 = arith.shli %get3A_2123, %shift_left3A_2135 : vector<16xi32>
        %bitcast_convert_type3A_2137 = tpu.bitcast %shift_left3A_2136 : vector<16xi32> -> vector<16xf32>
        %and3A_2138 = arith.constant -65536 : i32
        %and3A_2139 = vector.broadcast %and3A_2138 : i32 to vector<16xi32>
        %and3A_2140 = arith.andi %get3A_2123, %and3A_2139 : vector<16xi32>
        %bitcast_convert_type3A_2141 = tpu.bitcast %and3A_2140 : vector<16xi32> -> vector<16xf32>
        %shift_left3A_2142 = arith.constant 16 : i32
        %shift_left3A_2143 = vector.broadcast %shift_left3A_2142 : i32 to vector<16xi32>
        %shift_left3A_2144 = arith.shli %get3A_2133, %shift_left3A_2143 : vector<16xi32>
        %bitcast_convert_type3A_2145 = tpu.bitcast %shift_left3A_2144 : vector<16xi32> -> vector<16xf32>
        %and3A_2146 = arith.constant -65536 : i32
        %and3A_2147 = vector.broadcast %and3A_2146 : i32 to vector<16xi32>
        %and3A_2148 = arith.andi %get3A_2133, %and3A_2147 : vector<16xi32>
        %bitcast_convert_type3A_2149 = tpu.bitcast %and3A_2148 : vector<16xi32> -> vector<16xf32>
        %mul3A_2150 = vector.broadcast %squeeze3A_2111 : f32 to vector<16xf32>
        %mul3A_2151 = arith.mulf %mul3A_2150, %bitcast_convert_type3A_2137 : vector<16xf32>
        %add3A_2152 = arith.addf %add3A_2106, %mul3A_2151 : vector<16xf32>
        %mul3A_2153 = vector.broadcast %squeeze3A_2111 : f32 to vector<16xf32>
        %mul3A_2154 = arith.mulf %mul3A_2153, %bitcast_convert_type3A_2141 : vector<16xf32>
        %add3A_2155 = arith.addf %add3A_2109, %mul3A_2154 : vector<16xf32>
        %mul3A_2156 = vector.broadcast %squeeze3A_2113 : f32 to vector<16xf32>
        %mul3A_2157 = arith.mulf %mul3A_2156, %bitcast_convert_type3A_2145 : vector<16xf32>
        %add3A_2158 = arith.addf %add3A_2152, %mul3A_2157 : vector<16xf32>
        %mul3A_2159 = vector.broadcast %squeeze3A_2113 : f32 to vector<16xf32>
        %mul3A_2160 = arith.mulf %mul3A_2159, %bitcast_convert_type3A_2149 : vector<16xf32>
        %add3A_2161 = arith.addf %add3A_2155, %mul3A_2160 : vector<16xf32>
        %slice3A_2162 = vector.extract_strided_slice %get3A_1582 {offsets = [11], sizes = [1], strides = [1]} : vector<16xf32> to vector<1xf32>
        %squeeze3A_2163 = vector.extract %slice3A_2162[0] : f32 from vector<1xf32>
        %slice3A_2164 = vector.extract_strided_slice %get3A_1589 {offsets = [11], sizes = [1], strides = [1]} : vector<16xf32> to vector<1xf32>
        %squeeze3A_2165 = vector.extract %slice3A_2164[0] : f32 from vector<1xf32>
        %add3A_2166 = arith.constant 11 : i32
        %add3A_2167 = arith.addi %mul3A_731, %add3A_2166 : i32
        %get3A_2168 = arith.constant 1 : i32
        %get3A_2169 = arith.index_cast %rem3A_513 : i32 to index
        %get3A_2170 = arith.index_cast %get3A_2168 : i32 to index
        %get3A_2171 = arith.index_cast %select_n3A_710 : i32 to index
        %get3A_2172 = arith.index_cast %add3A_2167 : i32 to index
        %get3A_2173 = arith.constant 0 : index
        %get3A_2174 = tpu.vector_load %arg12[%get3A_2169, %get3A_2170, %get3A_2171, %get3A_2172, %get3A_2173] {strides = array<i32>} : memref<2x2x4x128x32xi32, #tpu.memory_space<vmem>>, vector<1x1x1x1x16xi32>,
        %get3A_2175 = vector.shape_cast %get3A_2174 : vector<1x1x1x1x16xi32> to vector<16xi32>
        %add3A_2176 = arith.constant 11 : i32
        %add3A_2177 = arith.addi %mul3A_731, %add3A_2176 : i32
        %get3A_2178 = arith.constant 1 : i32
        %get3A_2179 = arith.index_cast %rem3A_513 : i32 to index
        %get3A_2180 = arith.index_cast %get3A_2178 : i32 to index
        %get3A_2181 = arith.index_cast %select_n3A_710 : i32 to index
        %get3A_2182 = arith.index_cast %add3A_2177 : i32 to index
        %get3A_2183 = arith.constant 16 : index
        %get3A_2184 = tpu.vector_load %arg12[%get3A_2179, %get3A_2180, %get3A_2181, %get3A_2182, %get3A_2183] {strides = array<i32>} : memref<2x2x4x128x32xi32, #tpu.memory_space<vmem>>, vector<1x1x1x1x16xi32>,
        %get3A_2185 = vector.shape_cast %get3A_2184 : vector<1x1x1x1x16xi32> to vector<16xi32>
        %shift_left3A_2186 = arith.constant 16 : i32
        %shift_left3A_2187 = vector.broadcast %shift_left3A_2186 : i32 to vector<16xi32>
        %shift_left3A_2188 = arith.shli %get3A_2175, %shift_left3A_2187 : vector<16xi32>
        %bitcast_convert_type3A_2189 = tpu.bitcast %shift_left3A_2188 : vector<16xi32> -> vector<16xf32>
        %and3A_2190 = arith.constant -65536 : i32
        %and3A_2191 = vector.broadcast %and3A_2190 : i32 to vector<16xi32>
        %and3A_2192 = arith.andi %get3A_2175, %and3A_2191 : vector<16xi32>
        %bitcast_convert_type3A_2193 = tpu.bitcast %and3A_2192 : vector<16xi32> -> vector<16xf32>
        %shift_left3A_2194 = arith.constant 16 : i32
        %shift_left3A_2195 = vector.broadcast %shift_left3A_2194 : i32 to vector<16xi32>
        %shift_left3A_2196 = arith.shli %get3A_2185, %shift_left3A_2195 : vector<16xi32>
        %bitcast_convert_type3A_2197 = tpu.bitcast %shift_left3A_2196 : vector<16xi32> -> vector<16xf32>
        %and3A_2198 = arith.constant -65536 : i32
        %and3A_2199 = vector.broadcast %and3A_2198 : i32 to vector<16xi32>
        %and3A_2200 = arith.andi %get3A_2185, %and3A_2199 : vector<16xi32>
        %bitcast_convert_type3A_2201 = tpu.bitcast %and3A_2200 : vector<16xi32> -> vector<16xf32>
        %mul3A_2202 = vector.broadcast %squeeze3A_2163 : f32 to vector<16xf32>
        %mul3A_2203 = arith.mulf %mul3A_2202, %bitcast_convert_type3A_2189 : vector<16xf32>
        %add3A_2204 = arith.addf %add3A_2158, %mul3A_2203 : vector<16xf32>
        %mul3A_2205 = vector.broadcast %squeeze3A_2163 : f32 to vector<16xf32>
        %mul3A_2206 = arith.mulf %mul3A_2205, %bitcast_convert_type3A_2193 : vector<16xf32>
        %add3A_2207 = arith.addf %add3A_2161, %mul3A_2206 : vector<16xf32>
        %mul3A_2208 = vector.broadcast %squeeze3A_2165 : f32 to vector<16xf32>
        %mul3A_2209 = arith.mulf %mul3A_2208, %bitcast_convert_type3A_2197 : vector<16xf32>
        %add3A_2210 = arith.addf %add3A_2204, %mul3A_2209 : vector<16xf32>
        %mul3A_2211 = vector.broadcast %squeeze3A_2165 : f32 to vector<16xf32>
        %mul3A_2212 = arith.mulf %mul3A_2211, %bitcast_convert_type3A_2201 : vector<16xf32>
        %add3A_2213 = arith.addf %add3A_2207, %mul3A_2212 : vector<16xf32>
        %slice3A_2214 = vector.extract_strided_slice %get3A_1582 {offsets = [12], sizes = [1], strides = [1]} : vector<16xf32> to vector<1xf32>
        %squeeze3A_2215 = vector.extract %slice3A_2214[0] : f32 from vector<1xf32>
        %slice3A_2216 = vector.extract_strided_slice %get3A_1589 {offsets = [12], sizes = [1], strides = [1]} : vector<16xf32> to vector<1xf32>
        %squeeze3A_2217 = vector.extract %slice3A_2216[0] : f32 from vector<1xf32>
        %add3A_2218 = arith.constant 12 : i32
        %add3A_2219 = arith.addi %mul3A_731, %add3A_2218 : i32
        %get3A_2220 = arith.constant 1 : i32
        %get3A_2221 = arith.index_cast %rem3A_513 : i32 to index
        %get3A_2222 = arith.index_cast %get3A_2220 : i32 to index
        %get3A_2223 = arith.index_cast %select_n3A_710 : i32 to index
        %get3A_2224 = arith.index_cast %add3A_2219 : i32 to index
        %get3A_2225 = arith.constant 0 : index
        %get3A_2226 = tpu.vector_load %arg12[%get3A_2221, %get3A_2222, %get3A_2223, %get3A_2224, %get3A_2225] {strides = array<i32>} : memref<2x2x4x128x32xi32, #tpu.memory_space<vmem>>, vector<1x1x1x1x16xi32>,
        %get3A_2227 = vector.shape_cast %get3A_2226 : vector<1x1x1x1x16xi32> to vector<16xi32>
        %add3A_2228 = arith.constant 12 : i32
        %add3A_2229 = arith.addi %mul3A_731, %add3A_2228 : i32
        %get3A_2230 = arith.constant 1 : i32
        %get3A_2231 = arith.index_cast %rem3A_513 : i32 to index
        %get3A_2232 = arith.index_cast %get3A_2230 : i32 to index
        %get3A_2233 = arith.index_cast %select_n3A_710 : i32 to index
        %get3A_2234 = arith.index_cast %add3A_2229 : i32 to index
        %get3A_2235 = arith.constant 16 : index
        %get3A_2236 = tpu.vector_load %arg12[%get3A_2231, %get3A_2232, %get3A_2233, %get3A_2234, %get3A_2235] {strides = array<i32>} : memref<2x2x4x128x32xi32, #tpu.memory_space<vmem>>, vector<1x1x1x1x16xi32>,
        %get3A_2237 = vector.shape_cast %get3A_2236 : vector<1x1x1x1x16xi32> to vector<16xi32>
        %shift_left3A_2238 = arith.constant 16 : i32
        %shift_left3A_2239 = vector.broadcast %shift_left3A_2238 : i32 to vector<16xi32>
        %shift_left3A_2240 = arith.shli %get3A_2227, %shift_left3A_2239 : vector<16xi32>
        %bitcast_convert_type3A_2241 = tpu.bitcast %shift_left3A_2240 : vector<16xi32> -> vector<16xf32>
        %and3A_2242 = arith.constant -65536 : i32
        %and3A_2243 = vector.broadcast %and3A_2242 : i32 to vector<16xi32>
        %and3A_2244 = arith.andi %get3A_2227, %and3A_2243 : vector<16xi32>
        %bitcast_convert_type3A_2245 = tpu.bitcast %and3A_2244 : vector<16xi32> -> vector<16xf32>
        %shift_left3A_2246 = arith.constant 16 : i32
        %shift_left3A_2247 = vector.broadcast %shift_left3A_2246 : i32 to vector<16xi32>
        %shift_left3A_2248 = arith.shli %get3A_2237, %shift_left3A_2247 : vector<16xi32>
        %bitcast_convert_type3A_2249 = tpu.bitcast %shift_left3A_2248 : vector<16xi32> -> vector<16xf32>
        %and3A_2250 = arith.constant -65536 : i32
        %and3A_2251 = vector.broadcast %and3A_2250 : i32 to vector<16xi32>
        %and3A_2252 = arith.andi %get3A_2237, %and3A_2251 : vector<16xi32>
        %bitcast_convert_type3A_2253 = tpu.bitcast %and3A_2252 : vector<16xi32> -> vector<16xf32>
        %mul3A_2254 = vector.broadcast %squeeze3A_2215 : f32 to vector<16xf32>
        %mul3A_2255 = arith.mulf %mul3A_2254, %bitcast_convert_type3A_2241 : vector<16xf32>
        %add3A_2256 = arith.addf %add3A_2210, %mul3A_2255 : vector<16xf32>
        %mul3A_2257 = vector.broadcast %squeeze3A_2215 : f32 to vector<16xf32>
        %mul3A_2258 = arith.mulf %mul3A_2257, %bitcast_convert_type3A_2245 : vector<16xf32>
        %add3A_2259 = arith.addf %add3A_2213, %mul3A_2258 : vector<16xf32>
        %mul3A_2260 = vector.broadcast %squeeze3A_2217 : f32 to vector<16xf32>
        %mul3A_2261 = arith.mulf %mul3A_2260, %bitcast_convert_type3A_2249 : vector<16xf32>
        %add3A_2262 = arith.addf %add3A_2256, %mul3A_2261 : vector<16xf32>
        %mul3A_2263 = vector.broadcast %squeeze3A_2217 : f32 to vector<16xf32>
        %mul3A_2264 = arith.mulf %mul3A_2263, %bitcast_convert_type3A_2253 : vector<16xf32>
        %add3A_2265 = arith.addf %add3A_2259, %mul3A_2264 : vector<16xf32>
        %slice3A_2266 = vector.extract_strided_slice %get3A_1582 {offsets = [13], sizes = [1], strides = [1]} : vector<16xf32> to vector<1xf32>
        %squeeze3A_2267 = vector.extract %slice3A_2266[0] : f32 from vector<1xf32>
        %slice3A_2268 = vector.extract_strided_slice %get3A_1589 {offsets = [13], sizes = [1], strides = [1]} : vector<16xf32> to vector<1xf32>
        %squeeze3A_2269 = vector.extract %slice3A_2268[0] : f32 from vector<1xf32>
        %add3A_2270 = arith.constant 13 : i32
        %add3A_2271 = arith.addi %mul3A_731, %add3A_2270 : i32
        %get3A_2272 = arith.constant 1 : i32
        %get3A_2273 = arith.index_cast %rem3A_513 : i32 to index
        %get3A_2274 = arith.index_cast %get3A_2272 : i32 to index
        %get3A_2275 = arith.index_cast %select_n3A_710 : i32 to index
        %get3A_2276 = arith.index_cast %add3A_2271 : i32 to index
        %get3A_2277 = arith.constant 0 : index
        %get3A_2278 = tpu.vector_load %arg12[%get3A_2273, %get3A_2274, %get3A_2275, %get3A_2276, %get3A_2277] {strides = array<i32>} : memref<2x2x4x128x32xi32, #tpu.memory_space<vmem>>, vector<1x1x1x1x16xi32>,
        %get3A_2279 = vector.shape_cast %get3A_2278 : vector<1x1x1x1x16xi32> to vector<16xi32>
        %add3A_2280 = arith.constant 13 : i32
        %add3A_2281 = arith.addi %mul3A_731, %add3A_2280 : i32
        %get3A_2282 = arith.constant 1 : i32
        %get3A_2283 = arith.index_cast %rem3A_513 : i32 to index
        %get3A_2284 = arith.index_cast %get3A_2282 : i32 to index
        %get3A_2285 = arith.index_cast %select_n3A_710 : i32 to index
        %get3A_2286 = arith.index_cast %add3A_2281 : i32 to index
        %get3A_2287 = arith.constant 16 : index
        %get3A_2288 = tpu.vector_load %arg12[%get3A_2283, %get3A_2284, %get3A_2285, %get3A_2286, %get3A_2287] {strides = array<i32>} : memref<2x2x4x128x32xi32, #tpu.memory_space<vmem>>, vector<1x1x1x1x16xi32>,
        %get3A_2289 = vector.shape_cast %get3A_2288 : vector<1x1x1x1x16xi32> to vector<16xi32>
        %shift_left3A_2290 = arith.constant 16 : i32
        %shift_left3A_2291 = vector.broadcast %shift_left3A_2290 : i32 to vector<16xi32>
        %shift_left3A_2292 = arith.shli %get3A_2279, %shift_left3A_2291 : vector<16xi32>
        %bitcast_convert_type3A_2293 = tpu.bitcast %shift_left3A_2292 : vector<16xi32> -> vector<16xf32>
        %and3A_2294 = arith.constant -65536 : i32
        %and3A_2295 = vector.broadcast %and3A_2294 : i32 to vector<16xi32>
        %and3A_2296 = arith.andi %get3A_2279, %and3A_2295 : vector<16xi32>
        %bitcast_convert_type3A_2297 = tpu.bitcast %and3A_2296 : vector<16xi32> -> vector<16xf32>
        %shift_left3A_2298 = arith.constant 16 : i32
        %shift_left3A_2299 = vector.broadcast %shift_left3A_2298 : i32 to vector<16xi32>
        %shift_left3A_2300 = arith.shli %get3A_2289, %shift_left3A_2299 : vector<16xi32>
        %bitcast_convert_type3A_2301 = tpu.bitcast %shift_left3A_2300 : vector<16xi32> -> vector<16xf32>
        %and3A_2302 = arith.constant -65536 : i32
        %and3A_2303 = vector.broadcast %and3A_2302 : i32 to vector<16xi32>
        %and3A_2304 = arith.andi %get3A_2289, %and3A_2303 : vector<16xi32>
        %bitcast_convert_type3A_2305 = tpu.bitcast %and3A_2304 : vector<16xi32> -> vector<16xf32>
        %mul3A_2306 = vector.broadcast %squeeze3A_2267 : f32 to vector<16xf32>
        %mul3A_2307 = arith.mulf %mul3A_2306, %bitcast_convert_type3A_2293 : vector<16xf32>
        %add3A_2308 = arith.addf %add3A_2262, %mul3A_2307 : vector<16xf32>
        %mul3A_2309 = vector.broadcast %squeeze3A_2267 : f32 to vector<16xf32>
        %mul3A_2310 = arith.mulf %mul3A_2309, %bitcast_convert_type3A_2297 : vector<16xf32>
        %add3A_2311 = arith.addf %add3A_2265, %mul3A_2310 : vector<16xf32>
        %mul3A_2312 = vector.broadcast %squeeze3A_2269 : f32 to vector<16xf32>
        %mul3A_2313 = arith.mulf %mul3A_2312, %bitcast_convert_type3A_2301 : vector<16xf32>
        %add3A_2314 = arith.addf %add3A_2308, %mul3A_2313 : vector<16xf32>
        %mul3A_2315 = vector.broadcast %squeeze3A_2269 : f32 to vector<16xf32>
        %mul3A_2316 = arith.mulf %mul3A_2315, %bitcast_convert_type3A_2305 : vector<16xf32>
        %add3A_2317 = arith.addf %add3A_2311, %mul3A_2316 : vector<16xf32>
        %slice3A_2318 = vector.extract_strided_slice %get3A_1582 {offsets = [14], sizes = [1], strides = [1]} : vector<16xf32> to vector<1xf32>
        %squeeze3A_2319 = vector.extract %slice3A_2318[0] : f32 from vector<1xf32>
        %slice3A_2320 = vector.extract_strided_slice %get3A_1589 {offsets = [14], sizes = [1], strides = [1]} : vector<16xf32> to vector<1xf32>
        %squeeze3A_2321 = vector.extract %slice3A_2320[0] : f32 from vector<1xf32>
        %add3A_2322 = arith.constant 14 : i32
        %add3A_2323 = arith.addi %mul3A_731, %add3A_2322 : i32
        %get3A_2324 = arith.constant 1 : i32
        %get3A_2325 = arith.index_cast %rem3A_513 : i32 to index
        %get3A_2326 = arith.index_cast %get3A_2324 : i32 to index
        %get3A_2327 = arith.index_cast %select_n3A_710 : i32 to index
        %get3A_2328 = arith.index_cast %add3A_2323 : i32 to index
        %get3A_2329 = arith.constant 0 : index
        %get3A_2330 = tpu.vector_load %arg12[%get3A_2325, %get3A_2326, %get3A_2327, %get3A_2328, %get3A_2329] {strides = array<i32>} : memref<2x2x4x128x32xi32, #tpu.memory_space<vmem>>, vector<1x1x1x1x16xi32>,
        %get3A_2331 = vector.shape_cast %get3A_2330 : vector<1x1x1x1x16xi32> to vector<16xi32>
        %add3A_2332 = arith.constant 14 : i32
        %add3A_2333 = arith.addi %mul3A_731, %add3A_2332 : i32
        %get3A_2334 = arith.constant 1 : i32
        %get3A_2335 = arith.index_cast %rem3A_513 : i32 to index
        %get3A_2336 = arith.index_cast %get3A_2334 : i32 to index
        %get3A_2337 = arith.index_cast %select_n3A_710 : i32 to index
        %get3A_2338 = arith.index_cast %add3A_2333 : i32 to index
        %get3A_2339 = arith.constant 16 : index
        %get3A_2340 = tpu.vector_load %arg12[%get3A_2335, %get3A_2336, %get3A_2337, %get3A_2338, %get3A_2339] {strides = array<i32>} : memref<2x2x4x128x32xi32, #tpu.memory_space<vmem>>, vector<1x1x1x1x16xi32>,
        %get3A_2341 = vector.shape_cast %get3A_2340 : vector<1x1x1x1x16xi32> to vector<16xi32>
        %shift_left3A_2342 = arith.constant 16 : i32
        %shift_left3A_2343 = vector.broadcast %shift_left3A_2342 : i32 to vector<16xi32>
        %shift_left3A_2344 = arith.shli %get3A_2331, %shift_left3A_2343 : vector<16xi32>
        %bitcast_convert_type3A_2345 = tpu.bitcast %shift_left3A_2344 : vector<16xi32> -> vector<16xf32>
        %and3A_2346 = arith.constant -65536 : i32
        %and3A_2347 = vector.broadcast %and3A_2346 : i32 to vector<16xi32>
        %and3A_2348 = arith.andi %get3A_2331, %and3A_2347 : vector<16xi32>
        %bitcast_convert_type3A_2349 = tpu.bitcast %and3A_2348 : vector<16xi32> -> vector<16xf32>
        %shift_left3A_2350 = arith.constant 16 : i32
        %shift_left3A_2351 = vector.broadcast %shift_left3A_2350 : i32 to vector<16xi32>
        %shift_left3A_2352 = arith.shli %get3A_2341, %shift_left3A_2351 : vector<16xi32>
        %bitcast_convert_type3A_2353 = tpu.bitcast %shift_left3A_2352 : vector<16xi32> -> vector<16xf32>
        %and3A_2354 = arith.constant -65536 : i32
        %and3A_2355 = vector.broadcast %and3A_2354 : i32 to vector<16xi32>
        %and3A_2356 = arith.andi %get3A_2341, %and3A_2355 : vector<16xi32>
        %bitcast_convert_type3A_2357 = tpu.bitcast %and3A_2356 : vector<16xi32> -> vector<16xf32>
        %mul3A_2358 = vector.broadcast %squeeze3A_2319 : f32 to vector<16xf32>
        %mul3A_2359 = arith.mulf %mul3A_2358, %bitcast_convert_type3A_2345 : vector<16xf32>
        %add3A_2360 = arith.addf %add3A_2314, %mul3A_2359 : vector<16xf32>
        %mul3A_2361 = vector.broadcast %squeeze3A_2319 : f32 to vector<16xf32>
        %mul3A_2362 = arith.mulf %mul3A_2361, %bitcast_convert_type3A_2349 : vector<16xf32>
        %add3A_2363 = arith.addf %add3A_2317, %mul3A_2362 : vector<16xf32>
        %mul3A_2364 = vector.broadcast %squeeze3A_2321 : f32 to vector<16xf32>
        %mul3A_2365 = arith.mulf %mul3A_2364, %bitcast_convert_type3A_2353 : vector<16xf32>
        %add3A_2366 = arith.addf %add3A_2360, %mul3A_2365 : vector<16xf32>
        %mul3A_2367 = vector.broadcast %squeeze3A_2321 : f32 to vector<16xf32>
        %mul3A_2368 = arith.mulf %mul3A_2367, %bitcast_convert_type3A_2357 : vector<16xf32>
        %add3A_2369 = arith.addf %add3A_2363, %mul3A_2368 : vector<16xf32>
        %slice3A_2370 = vector.extract_strided_slice %get3A_1582 {offsets = [15], sizes = [1], strides = [1]} : vector<16xf32> to vector<1xf32>
        %squeeze3A_2371 = vector.extract %slice3A_2370[0] : f32 from vector<1xf32>
        %slice3A_2372 = vector.extract_strided_slice %get3A_1589 {offsets = [15], sizes = [1], strides = [1]} : vector<16xf32> to vector<1xf32>
        %squeeze3A_2373 = vector.extract %slice3A_2372[0] : f32 from vector<1xf32>
        %add3A_2374 = arith.constant 15 : i32
        %add3A_2375 = arith.addi %mul3A_731, %add3A_2374 : i32
        %get3A_2376 = arith.constant 1 : i32
        %get3A_2377 = arith.index_cast %rem3A_513 : i32 to index
        %get3A_2378 = arith.index_cast %get3A_2376 : i32 to index
        %get3A_2379 = arith.index_cast %select_n3A_710 : i32 to index
        %get3A_2380 = arith.index_cast %add3A_2375 : i32 to index
        %get3A_2381 = arith.constant 0 : index
        %get3A_2382 = tpu.vector_load %arg12[%get3A_2377, %get3A_2378, %get3A_2379, %get3A_2380, %get3A_2381] {strides = array<i32>} : memref<2x2x4x128x32xi32, #tpu.memory_space<vmem>>, vector<1x1x1x1x16xi32>,
        %get3A_2383 = vector.shape_cast %get3A_2382 : vector<1x1x1x1x16xi32> to vector<16xi32>
        %add3A_2384 = arith.constant 15 : i32
        %add3A_2385 = arith.addi %mul3A_731, %add3A_2384 : i32
        %get3A_2386 = arith.constant 1 : i32
        %get3A_2387 = arith.index_cast %rem3A_513 : i32 to index
        %get3A_2388 = arith.index_cast %get3A_2386 : i32 to index
        %get3A_2389 = arith.index_cast %select_n3A_710 : i32 to index
        %get3A_2390 = arith.index_cast %add3A_2385 : i32 to index
        %get3A_2391 = arith.constant 16 : index
        %get3A_2392 = tpu.vector_load %arg12[%get3A_2387, %get3A_2388, %get3A_2389, %get3A_2390, %get3A_2391] {strides = array<i32>} : memref<2x2x4x128x32xi32, #tpu.memory_space<vmem>>, vector<1x1x1x1x16xi32>,
        %get3A_2393 = vector.shape_cast %get3A_2392 : vector<1x1x1x1x16xi32> to vector<16xi32>
        %shift_left3A_2394 = arith.constant 16 : i32
        %shift_left3A_2395 = vector.broadcast %shift_left3A_2394 : i32 to vector<16xi32>
        %shift_left3A_2396 = arith.shli %get3A_2383, %shift_left3A_2395 : vector<16xi32>
        %bitcast_convert_type3A_2397 = tpu.bitcast %shift_left3A_2396 : vector<16xi32> -> vector<16xf32>
        %and3A_2398 = arith.constant -65536 : i32
        %and3A_2399 = vector.broadcast %and3A_2398 : i32 to vector<16xi32>
        %and3A_2400 = arith.andi %get3A_2383, %and3A_2399 : vector<16xi32>
        %bitcast_convert_type3A_2401 = tpu.bitcast %and3A_2400 : vector<16xi32> -> vector<16xf32>
        %shift_left3A_2402 = arith.constant 16 : i32
        %shift_left3A_2403 = vector.broadcast %shift_left3A_2402 : i32 to vector<16xi32>
        %shift_left3A_2404 = arith.shli %get3A_2393, %shift_left3A_2403 : vector<16xi32>
        %bitcast_convert_type3A_2405 = tpu.bitcast %shift_left3A_2404 : vector<16xi32> -> vector<16xf32>
        %and3A_2406 = arith.constant -65536 : i32
        %and3A_2407 = vector.broadcast %and3A_2406 : i32 to vector<16xi32>
        %and3A_2408 = arith.andi %get3A_2393, %and3A_2407 : vector<16xi32>
        %bitcast_convert_type3A_2409 = tpu.bitcast %and3A_2408 : vector<16xi32> -> vector<16xf32>
        %mul3A_2410 = vector.broadcast %squeeze3A_2371 : f32 to vector<16xf32>
        %mul3A_2411 = arith.mulf %mul3A_2410, %bitcast_convert_type3A_2397 : vector<16xf32>
        %add3A_2412 = arith.addf %add3A_2366, %mul3A_2411 : vector<16xf32>
        %mul3A_2413 = vector.broadcast %squeeze3A_2371 : f32 to vector<16xf32>
        %mul3A_2414 = arith.mulf %mul3A_2413, %bitcast_convert_type3A_2401 : vector<16xf32>
        %add3A_2415 = arith.addf %add3A_2369, %mul3A_2414 : vector<16xf32>
        %mul3A_2416 = vector.broadcast %squeeze3A_2373 : f32 to vector<16xf32>
        %mul3A_2417 = arith.mulf %mul3A_2416, %bitcast_convert_type3A_2405 : vector<16xf32>
        %add3A_2418 = arith.addf %add3A_2412, %mul3A_2417 : vector<16xf32>
        %mul3A_2419 = vector.broadcast %squeeze3A_2373 : f32 to vector<16xf32>
        %mul3A_2420 = arith.mulf %mul3A_2419, %bitcast_convert_type3A_2409 : vector<16xf32>
        %add3A_2421 = arith.addf %add3A_2415, %mul3A_2420 : vector<16xf32>
        %mul3A_2422 = arith.constant 32 : i32
        %mul3A_2423 = arith.muli %select_n3A_726, %mul3A_2422 : i32
        %swap3A = arith.index_cast %rem3A_511 : i32 to index
        %swap3A_2424 = arith.index_cast %add3A_729 : i32 to index
        %swap3A_2425 = arith.index_cast %mul3A_2423 : i32 to index
        %swap3A_2426 = tpu.vector_load %arg13[%swap3A, %swap3A_2424, %swap3A_2425] {strides = array<i32>} : memref<2x20x256xf32, #tpu.memory_space<vmem>>, vector<1x1x16xf32>,
        %swap3A_2427 = vector.shape_cast %swap3A_2426 : vector<1x1x16xf32> to vector<16xf32>
        %swap3A_2428 = vector.shape_cast %add3A_2418 : vector<16xf32> to vector<1x1x16xf32>
        tpu.vector_store %arg13[%swap3A, %swap3A_2424, %swap3A_2425], %swap3A_2428 {strides = array<i32>} : memref<2x20x256xf32, #tpu.memory_space<vmem>>, vector<1x1x16xf32>,
        %mul3A_2429 = arith.constant 32 : i32
        %mul3A_2430 = arith.muli %select_n3A_726, %mul3A_2429 : i32
        %add3A_2431 = arith.constant 16 : i32
        %add3A_2432 = arith.addi %mul3A_2430, %add3A_2431 : i32
        %swap3A_2433 = arith.index_cast %rem3A_511 : i32 to index
        %swap3A_2434 = arith.index_cast %add3A_729 : i32 to index
        %swap3A_2435 = arith.index_cast %add3A_2432 : i32 to index
        %swap3A_2436 = tpu.vector_load %arg13[%swap3A_2433, %swap3A_2434, %swap3A_2435] {strides = array<i32>} : memref<2x20x256xf32, #tpu.memory_space<vmem>>, vector<1x1x16xf32>,
        %swap3A_2437 = vector.shape_cast %swap3A_2436 : vector<1x1x16xf32> to vector<16xf32>
        %swap3A_2438 = vector.shape_cast %add3A_2421 : vector<16xf32> to vector<1x1x16xf32>
        tpu.vector_store %arg13[%swap3A_2433, %swap3A_2434, %swap3A_2435], %swap3A_2438 {strides = array<i32>} : memref<2x20x256xf32, #tpu.memory_space<vmem>>, vector<1x1x16xf32>,
      }
      %scan3A_680 = arith.constant 32 : i32
      %eq3A_681 = arith.constant 4 : i32
      %eq3A_682 = arith.cmpi eq, %rem3A_509, %eq3A_681 : i32
      %convert_element_type3A_683 = arith.extui %eq3A_682 : i1 to i32
      %cond3A_684 = arith.constant 0 : i32
      %cond3A_685 = arith.cmpi ne, %convert_element_type3A_683, %cond3A_684 : i32
      scf.if %cond3A_685 {
        %mul3A_686 = arith.constant 20 : i32
        %mul3A_687 = arith.muli %select_n3A_507, %mul3A_686 : i32
        %add3A_688 = arith.addi %mul3A_32, %mul3A_687 : i32
        "tpu.region"() ({
          %run_scoped3A = tpu.sem_alloc : memref<!tpu.dma_semaphore, #tpu.memory_space<semaphore_mem>>
          %dma_start3A_696 = arith.constant 0 : i32
          %dma_start3A_697 = arith.constant 0 : i32
          %dma_start3A_698 = tpu.memref_slice %arg13[%rem3A_511, %dma_start3A_696, %dma_start3A_697] : memref<2x20x256xf32, #tpu.memory_space<vmem>> -> memref<1x20x256xf32, #tpu.memory_space<vmem>>
          %dma_start3A_699 = tpu.memref_squeeze %dma_start3A_698 : memref<1x20x256xf32, #tpu.memory_space<vmem>> -> memref<20x256xf32, #tpu.memory_space<vmem>>
          %dma_start3A_700 = arith.constant 0 : i32
          %dma_start3A_701 = tpu.memref_slice %arg9[%select_n3A, %add3A_688, %dma_start3A_700] : memref<4x5440x256xf32, #tpu.memory_space<hbm>> -> memref<1x20x256xf32, #tpu.memory_space<hbm>>
          %dma_start3A_702 = tpu.memref_squeeze %dma_start3A_701 : memref<1x20x256xf32, #tpu.memory_space<hbm>> -> memref<20x256xf32, #tpu.memory_space<hbm>>
          %dma_start3A_703 = arith.constant 0 : i32
          %dma_start3A_704 = tpu.memref_slice %arg9[%select_n3A, %add3A_688, %dma_start3A_703] : memref<4x5440x256xf32, #tpu.memory_space<hbm>> -> memref<1x20x256xf32, #tpu.memory_space<hbm>>
          %dma_start3A_705 = tpu.memref_squeeze %dma_start3A_704 : memref<1x20x256xf32, #tpu.memory_space<hbm>> -> memref<20x256xf32, #tpu.memory_space<hbm>>
          %dma_start3A_706 = arith.constant 0 : i32
          %dma_start3A_707 = arith.constant 0 : i32
          %dma_start3A_708 = tpu.memref_slice %arg13[%rem3A_511, %dma_start3A_706, %dma_start3A_707] : memref<2x20x256xf32, #tpu.memory_space<vmem>> -> memref<1x20x256xf32, #tpu.memory_space<vmem>>
          %dma_start3A_709 = tpu.memref_squeeze %dma_start3A_708 : memref<1x20x256xf32, #tpu.memory_space<vmem>> -> memref<20x256xf32, #tpu.memory_space<vmem>>
          tpu.enqueue_dma source(%dma_start3A_709 : memref<20x256xf32, #tpu.memory_space<vmem>>) target(%dma_start3A_705 : memref<20x256xf32, #tpu.memory_space<hbm>>) target_semaphore(%run_scoped3A : memref<!tpu.dma_semaphore, #tpu.memory_space<semaphore_mem>>)
          %dma_wait3A_710 = arith.constant 0 : i32
          %dma_wait3A_711 = arith.constant 0 : i32
          %dma_wait3A_712 = tpu.memref_slice %arg13[%rem3A_511, %dma_wait3A_710, %dma_wait3A_711] : memref<2x20x256xf32, #tpu.memory_space<vmem>> -> memref<1x20x256xf32, #tpu.memory_space<vmem>>
          %dma_wait3A_713 = tpu.memref_squeeze %dma_wait3A_712 : memref<1x20x256xf32, #tpu.memory_space<vmem>> -> memref<20x256xf32, #tpu.memory_space<vmem>>
          %dma_wait3A_714 = arith.constant 0 : i32
          %dma_wait3A_715 = tpu.memref_slice %arg9[%select_n3A, %add3A_688, %dma_wait3A_714] : memref<4x5440x256xf32, #tpu.memory_space<hbm>> -> memref<1x20x256xf32, #tpu.memory_space<hbm>>
          %dma_wait3A_716 = tpu.memref_squeeze %dma_wait3A_715 : memref<1x20x256xf32, #tpu.memory_space<hbm>> -> memref<20x256xf32, #tpu.memory_space<hbm>>
          %dma_wait3A_717 = arith.constant 0 : i32
          %dma_wait3A_718 = tpu.memref_slice %arg9[%select_n3A, %add3A_688, %dma_wait3A_717] : memref<4x5440x256xf32, #tpu.memory_space<hbm>> -> memref<1x20x256xf32, #tpu.memory_space<hbm>>
          %dma_wait3A_719 = tpu.memref_squeeze %dma_wait3A_718 : memref<1x20x256xf32, #tpu.memory_space<hbm>> -> memref<20x256xf32, #tpu.memory_space<hbm>>
          %dma_wait3A_720 = arith.constant 0 : i32
          %dma_wait3A_721 = arith.constant 0 : i32
          %dma_wait3A_722 = tpu.memref_slice %arg13[%rem3A_511, %dma_wait3A_720, %dma_wait3A_721] : memref<2x20x256xf32, #tpu.memory_space<vmem>> -> memref<1x20x256xf32, #tpu.memory_space<vmem>>
          %dma_wait3A_723 = tpu.memref_squeeze %dma_wait3A_722 : memref<1x20x256xf32, #tpu.memory_space<vmem>> -> memref<20x256xf32, #tpu.memory_space<vmem>>
          tpu.wait_dma2 semaphore(%run_scoped3A : memref<!tpu.dma_semaphore, #tpu.memory_space<semaphore_mem>>) src(%dma_wait3A_723 : memref<20x256xf32, #tpu.memory_space<vmem>>) dst(%dma_wait3A_719 : memref<20x256xf32, #tpu.memory_space<hbm>>)
          tpu.yield
        }) : () -> ()
        %add3A_689 = arith.constant 2 : i32
        %add3A_690 = arith.addi %select_n3A_507, %add3A_689 : i32
        %lt3A_691 = arith.constant 34 : i32
        %lt3A_692 = arith.cmpi slt, %add3A_690, %lt3A_691 : i32
        %convert_element_type3A_693 = arith.extui %lt3A_692 : i1 to i32
        %cond3A_694 = arith.constant 0 : i32
        %cond3A_695 = arith.cmpi ne, %convert_element_type3A_693, %cond3A_694 : i32
        scf.if %cond3A_695 {
          %add3A_696 = arith.constant 2 : i32
          %add3A_697 = arith.addi %select_n3A_507, %add3A_696 : i32
          %rem3A_698 = arith.constant 2 : i32
          %rem3A_699 = arith.remsi %add3A_697, %rem3A_698 : i32
          %mul3A_700 = arith.constant 20 : i32
          %mul3A_701 = arith.muli %add3A_697, %mul3A_700 : i32
          %add3A_702 = arith.addi %mul3A_32, %mul3A_701 : i32
          %dma_start3A_703 = arith.constant 0 : i32
          %dma_start3A_704 = arith.constant 0 : i32
          %dma_start3A_705 = arith.constant 0 : i32
          %dma_start3A_706 = tpu.memref_slice %arg10[%rem3A_699, %dma_start3A_703, %dma_start3A_704, %dma_start3A_705] : memref<2x2x20x128xi32, #tpu.memory_space<vmem>> -> memref<1x1x20x128xi32, #tpu.memory_space<vmem>>
          %dma_start3A_707 = tpu.memref_squeeze %dma_start3A_706 : memref<1x1x20x128xi32, #tpu.memory_space<vmem>> -> memref<20x128xi32, #tpu.memory_space<vmem>>
          %dma_start3A_708 = arith.constant 0 : i32
          %dma_start3A_709 = tpu.memref_slice %arg2[%select_n3A, %add3A_702, %dma_start3A_708] : memref<4x5440x128xi32, #tpu.memory_space<hbm>> -> memref<1x20x128xi32, #tpu.memory_space<hbm>>
          %dma_start3A_710 = tpu.memref_squeeze %dma_start3A_709 : memref<1x20x128xi32, #tpu.memory_space<hbm>> -> memref<20x128xi32, #tpu.memory_space<hbm>>
          %dma_start3A_711 = arith.constant 0 : i32
          %dma_start3A_712 = arith.constant 0 : i32
          %dma_start3A_713 = tpu.memref_slice %arg10[%rem3A_699, %dma_start3A_703, %dma_start3A_711, %dma_start3A_712] : memref<2x2x20x128xi32, #tpu.memory_space<vmem>> -> memref<1x1x20x128xi32, #tpu.memory_space<vmem>>
          %dma_start3A_714 = tpu.memref_squeeze %dma_start3A_713 : memref<1x1x20x128xi32, #tpu.memory_space<vmem>> -> memref<20x128xi32, #tpu.memory_space<vmem>>
          %dma_start3A_715 = arith.constant 0 : i32
          %dma_start3A_716 = tpu.memref_slice %arg2[%select_n3A, %add3A_702, %dma_start3A_715] : memref<4x5440x128xi32, #tpu.memory_space<hbm>> -> memref<1x20x128xi32, #tpu.memory_space<hbm>>
          %dma_start3A_717 = tpu.memref_squeeze %dma_start3A_716 : memref<1x20x128xi32, #tpu.memory_space<hbm>> -> memref<20x128xi32, #tpu.memory_space<hbm>>
          tpu.enqueue_dma source(%dma_start3A_717 : memref<20x128xi32, #tpu.memory_space<hbm>>) target(%dma_start3A_714 : memref<20x128xi32, #tpu.memory_space<vmem>>) target_semaphore(%arg14 : memref<!tpu.dma_semaphore, #tpu.memory_space<semaphore_mem>>)
          %dma_start3A_718 = arith.constant 1 : i32
          %dma_start3A_719 = arith.constant 0 : i32
          %dma_start3A_720 = arith.constant 0 : i32
          %dma_start3A_721 = tpu.memref_slice %arg10[%rem3A_699, %dma_start3A_718, %dma_start3A_719, %dma_start3A_720] : memref<2x2x20x128xi32, #tpu.memory_space<vmem>> -> memref<1x1x20x128xi32, #tpu.memory_space<vmem>>
          %dma_start3A_722 = tpu.memref_squeeze %dma_start3A_721 : memref<1x1x20x128xi32, #tpu.memory_space<vmem>> -> memref<20x128xi32, #tpu.memory_space<vmem>>
          %dma_start3A_723 = arith.constant 0 : i32
          %dma_start3A_724 = tpu.memref_slice %arg3[%select_n3A, %add3A_702, %dma_start3A_723] : memref<4x5440x128xi32, #tpu.memory_space<hbm>> -> memref<1x20x128xi32, #tpu.memory_space<hbm>>
          %dma_start3A_725 = tpu.memref_squeeze %dma_start3A_724 : memref<1x20x128xi32, #tpu.memory_space<hbm>> -> memref<20x128xi32, #tpu.memory_space<hbm>>
          %dma_start3A_726 = arith.constant 0 : i32
          %dma_start3A_727 = arith.constant 0 : i32
          %dma_start3A_728 = tpu.memref_slice %arg10[%rem3A_699, %dma_start3A_718, %dma_start3A_726, %dma_start3A_727] : memref<2x2x20x128xi32, #tpu.memory_space<vmem>> -> memref<1x1x20x128xi32, #tpu.memory_space<vmem>>
          %dma_start3A_729 = tpu.memref_squeeze %dma_start3A_728 : memref<1x1x20x128xi32, #tpu.memory_space<vmem>> -> memref<20x128xi32, #tpu.memory_space<vmem>>
          %dma_start3A_730 = arith.constant 0 : i32
          %dma_start3A_731 = tpu.memref_slice %arg3[%select_n3A, %add3A_702, %dma_start3A_730] : memref<4x5440x128xi32, #tpu.memory_space<hbm>> -> memref<1x20x128xi32, #tpu.memory_space<hbm>>
          %dma_start3A_732 = tpu.memref_squeeze %dma_start3A_731 : memref<1x20x128xi32, #tpu.memory_space<hbm>> -> memref<20x128xi32, #tpu.memory_space<hbm>>
          tpu.enqueue_dma source(%dma_start3A_732 : memref<20x128xi32, #tpu.memory_space<hbm>>) target(%dma_start3A_729 : memref<20x128xi32, #tpu.memory_space<vmem>>) target_semaphore(%arg14 : memref<!tpu.dma_semaphore, #tpu.memory_space<semaphore_mem>>)
          %dma_start3A_733 = arith.constant 0 : i32
          %dma_start3A_734 = arith.constant 0 : i32
          %dma_start3A_735 = arith.constant 0 : i32
          %dma_start3A_736 = tpu.memref_slice %arg11[%rem3A_699, %dma_start3A_733, %dma_start3A_734, %dma_start3A_735] : memref<2x4x20x128xf32, #tpu.memory_space<vmem>> -> memref<1x1x20x128xf32, #tpu.memory_space<vmem>>
          %dma_start3A_737 = tpu.memref_squeeze %dma_start3A_736 : memref<1x1x20x128xf32, #tpu.memory_space<vmem>> -> memref<20x128xf32, #tpu.memory_space<vmem>>
          %dma_start3A_738 = arith.constant 0 : i32
          %dma_start3A_739 = tpu.memref_slice %arg4[%select_n3A, %add3A_702, %dma_start3A_738] : memref<4x5440x128xf32, #tpu.memory_space<hbm>> -> memref<1x20x128xf32, #tpu.memory_space<hbm>>
          %dma_start3A_740 = tpu.memref_squeeze %dma_start3A_739 : memref<1x20x128xf32, #tpu.memory_space<hbm>> -> memref<20x128xf32, #tpu.memory_space<hbm>>
          %dma_start3A_741 = arith.constant 0 : i32
          %dma_start3A_742 = arith.constant 0 : i32
          %dma_start3A_743 = tpu.memref_slice %arg11[%rem3A_699, %dma_start3A_733, %dma_start3A_741, %dma_start3A_742] : memref<2x4x20x128xf32, #tpu.memory_space<vmem>> -> memref<1x1x20x128xf32, #tpu.memory_space<vmem>>
          %dma_start3A_744 = tpu.memref_squeeze %dma_start3A_743 : memref<1x1x20x128xf32, #tpu.memory_space<vmem>> -> memref<20x128xf32, #tpu.memory_space<vmem>>
          %dma_start3A_745 = arith.constant 0 : i32
          %dma_start3A_746 = tpu.memref_slice %arg4[%select_n3A, %add3A_702, %dma_start3A_745] : memref<4x5440x128xf32, #tpu.memory_space<hbm>> -> memref<1x20x128xf32, #tpu.memory_space<hbm>>
          %dma_start3A_747 = tpu.memref_squeeze %dma_start3A_746 : memref<1x20x128xf32, #tpu.memory_space<hbm>> -> memref<20x128xf32, #tpu.memory_space<hbm>>
          tpu.enqueue_dma source(%dma_start3A_747 : memref<20x128xf32, #tpu.memory_space<hbm>>) target(%dma_start3A_744 : memref<20x128xf32, #tpu.memory_space<vmem>>) target_semaphore(%arg14 : memref<!tpu.dma_semaphore, #tpu.memory_space<semaphore_mem>>)
          %dma_start3A_748 = arith.constant 1 : i32
          %dma_start3A_749 = arith.constant 0 : i32
          %dma_start3A_750 = arith.constant 0 : i32
          %dma_start3A_751 = tpu.memref_slice %arg11[%rem3A_699, %dma_start3A_748, %dma_start3A_749, %dma_start3A_750] : memref<2x4x20x128xf32, #tpu.memory_space<vmem>> -> memref<1x1x20x128xf32, #tpu.memory_space<vmem>>
          %dma_start3A_752 = tpu.memref_squeeze %dma_start3A_751 : memref<1x1x20x128xf32, #tpu.memory_space<vmem>> -> memref<20x128xf32, #tpu.memory_space<vmem>>
          %dma_start3A_753 = arith.constant 0 : i32
          %dma_start3A_754 = tpu.memref_slice %arg5[%select_n3A, %add3A_702, %dma_start3A_753] : memref<4x5440x128xf32, #tpu.memory_space<hbm>> -> memref<1x20x128xf32, #tpu.memory_space<hbm>>
          %dma_start3A_755 = tpu.memref_squeeze %dma_start3A_754 : memref<1x20x128xf32, #tpu.memory_space<hbm>> -> memref<20x128xf32, #tpu.memory_space<hbm>>
          %dma_start3A_756 = arith.constant 0 : i32
          %dma_start3A_757 = arith.constant 0 : i32
          %dma_start3A_758 = tpu.memref_slice %arg11[%rem3A_699, %dma_start3A_748, %dma_start3A_756, %dma_start3A_757] : memref<2x4x20x128xf32, #tpu.memory_space<vmem>> -> memref<1x1x20x128xf32, #tpu.memory_space<vmem>>
          %dma_start3A_759 = tpu.memref_squeeze %dma_start3A_758 : memref<1x1x20x128xf32, #tpu.memory_space<vmem>> -> memref<20x128xf32, #tpu.memory_space<vmem>>
          %dma_start3A_760 = arith.constant 0 : i32
          %dma_start3A_761 = tpu.memref_slice %arg5[%select_n3A, %add3A_702, %dma_start3A_760] : memref<4x5440x128xf32, #tpu.memory_space<hbm>> -> memref<1x20x128xf32, #tpu.memory_space<hbm>>
          %dma_start3A_762 = tpu.memref_squeeze %dma_start3A_761 : memref<1x20x128xf32, #tpu.memory_space<hbm>> -> memref<20x128xf32, #tpu.memory_space<hbm>>
          tpu.enqueue_dma source(%dma_start3A_762 : memref<20x128xf32, #tpu.memory_space<hbm>>) target(%dma_start3A_759 : memref<20x128xf32, #tpu.memory_space<vmem>>) target_semaphore(%arg14 : memref<!tpu.dma_semaphore, #tpu.memory_space<semaphore_mem>>)
          %dma_start3A_763 = arith.constant 2 : i32
          %dma_start3A_764 = arith.constant 0 : i32
          %dma_start3A_765 = arith.constant 0 : i32
          %dma_start3A_766 = tpu.memref_slice %arg11[%rem3A_699, %dma_start3A_763, %dma_start3A_764, %dma_start3A_765] : memref<2x4x20x128xf32, #tpu.memory_space<vmem>> -> memref<1x1x20x128xf32, #tpu.memory_space<vmem>>
          %dma_start3A_767 = tpu.memref_squeeze %dma_start3A_766 : memref<1x1x20x128xf32, #tpu.memory_space<vmem>> -> memref<20x128xf32, #tpu.memory_space<vmem>>
          %dma_start3A_768 = arith.constant 0 : i32
          %dma_start3A_769 = tpu.memref_slice %arg6[%select_n3A, %add3A_702, %dma_start3A_768] : memref<4x5440x128xf32, #tpu.memory_space<hbm>> -> memref<1x20x128xf32, #tpu.memory_space<hbm>>
          %dma_start3A_770 = tpu.memref_squeeze %dma_start3A_769 : memref<1x20x128xf32, #tpu.memory_space<hbm>> -> memref<20x128xf32, #tpu.memory_space<hbm>>
          %dma_start3A_771 = arith.constant 0 : i32
          %dma_start3A_772 = arith.constant 0 : i32
          %dma_start3A_773 = tpu.memref_slice %arg11[%rem3A_699, %dma_start3A_763, %dma_start3A_771, %dma_start3A_772] : memref<2x4x20x128xf32, #tpu.memory_space<vmem>> -> memref<1x1x20x128xf32, #tpu.memory_space<vmem>>
          %dma_start3A_774 = tpu.memref_squeeze %dma_start3A_773 : memref<1x1x20x128xf32, #tpu.memory_space<vmem>> -> memref<20x128xf32, #tpu.memory_space<vmem>>
          %dma_start3A_775 = arith.constant 0 : i32
          %dma_start3A_776 = tpu.memref_slice %arg6[%select_n3A, %add3A_702, %dma_start3A_775] : memref<4x5440x128xf32, #tpu.memory_space<hbm>> -> memref<1x20x128xf32, #tpu.memory_space<hbm>>
          %dma_start3A_777 = tpu.memref_squeeze %dma_start3A_776 : memref<1x20x128xf32, #tpu.memory_space<hbm>> -> memref<20x128xf32, #tpu.memory_space<hbm>>
          tpu.enqueue_dma source(%dma_start3A_777 : memref<20x128xf32, #tpu.memory_space<hbm>>) target(%dma_start3A_774 : memref<20x128xf32, #tpu.memory_space<vmem>>) target_semaphore(%arg14 : memref<!tpu.dma_semaphore, #tpu.memory_space<semaphore_mem>>)
          %dma_start3A_778 = arith.constant 3 : i32
          %dma_start3A_779 = arith.constant 0 : i32
          %dma_start3A_780 = arith.constant 0 : i32
          %dma_start3A_781 = tpu.memref_slice %arg11[%rem3A_699, %dma_start3A_778, %dma_start3A_779, %dma_start3A_780] : memref<2x4x20x128xf32, #tpu.memory_space<vmem>> -> memref<1x1x20x128xf32, #tpu.memory_space<vmem>>
          %dma_start3A_782 = tpu.memref_squeeze %dma_start3A_781 : memref<1x1x20x128xf32, #tpu.memory_space<vmem>> -> memref<20x128xf32, #tpu.memory_space<vmem>>
          %dma_start3A_783 = arith.constant 0 : i32
          %dma_start3A_784 = tpu.memref_slice %arg7[%select_n3A, %add3A_702, %dma_start3A_783] : memref<4x5440x128xf32, #tpu.memory_space<hbm>> -> memref<1x20x128xf32, #tpu.memory_space<hbm>>
          %dma_start3A_785 = tpu.memref_squeeze %dma_start3A_784 : memref<1x20x128xf32, #tpu.memory_space<hbm>> -> memref<20x128xf32, #tpu.memory_space<hbm>>
          %dma_start3A_786 = arith.constant 0 : i32
          %dma_start3A_787 = arith.constant 0 : i32
          %dma_start3A_788 = tpu.memref_slice %arg11[%rem3A_699, %dma_start3A_778, %dma_start3A_786, %dma_start3A_787] : memref<2x4x20x128xf32, #tpu.memory_space<vmem>> -> memref<1x1x20x128xf32, #tpu.memory_space<vmem>>
          %dma_start3A_789 = tpu.memref_squeeze %dma_start3A_788 : memref<1x1x20x128xf32, #tpu.memory_space<vmem>> -> memref<20x128xf32, #tpu.memory_space<vmem>>
          %dma_start3A_790 = arith.constant 0 : i32
          %dma_start3A_791 = tpu.memref_slice %arg7[%select_n3A, %add3A_702, %dma_start3A_790] : memref<4x5440x128xf32, #tpu.memory_space<hbm>> -> memref<1x20x128xf32, #tpu.memory_space<hbm>>
          %dma_start3A_792 = tpu.memref_squeeze %dma_start3A_791 : memref<1x20x128xf32, #tpu.memory_space<hbm>> -> memref<20x128xf32, #tpu.memory_space<hbm>>
          tpu.enqueue_dma source(%dma_start3A_792 : memref<20x128xf32, #tpu.memory_space<hbm>>) target(%dma_start3A_789 : memref<20x128xf32, #tpu.memory_space<vmem>>) target_semaphore(%arg14 : memref<!tpu.dma_semaphore, #tpu.memory_space<semaphore_mem>>)
        } else {
        }
      } else {
      }
    }
    %scan3A_482 = arith.constant 170 : i32
    return
  }
}

module attributes {stable_mosaic.version = 14 : i64} {
  func.func @_matmul_body(%arg0: i32, %arg1: i32, %arg2: memref<1x680x256xf32, #tpu.memory_space<vmem>>, %arg3: memref<256x256xf32, #tpu.memory_space<vmem>>, %arg4: memref<1x256xf32, #tpu.memory_space<vmem>>, %arg5: memref<1x680x256xf32, #tpu.memory_space<vmem>>) attributes {dimension_semantics = [#tpu.dimension_semantics<arbitrary>, #tpu.dimension_semantics<arbitrary>], iteration_bounds = array<i64: 4, 8>, scalar_prefetch = 0 : i64, scratch_operands = 0 : i64, tpu.core_type = #tpu.core_type<tc>, window_params = [{transform_indices = @transform_0, window_bounds = array<i64: 1, 680, 256>}, {pipeline_mode = #tpu.pipeline_mode<synchronous>, transform_indices = @transform_1, window_bounds = array<i64: 256, 256>}, {pipeline_mode = #tpu.pipeline_mode<synchronous>, transform_indices = @transform_2, window_bounds = array<i64: 1, 256>}, {transform_indices = @transform_3, window_bounds = array<i64: 1, 680, 256>}]} {
    %get3A = arith.constant 0 : index
    %get3A_0 = arith.constant 0 : index
    %get3A_1 = arith.constant 0 : index
    %get3A_2 = vector.load %arg2[%get3A, %get3A_0, %get3A_1] : memref<1x680x256xf32, #tpu.memory_space<vmem>>, vector<1x680x256xf32>
    %get3A_3 = vector.shape_cast %get3A_2 : vector<1x680x256xf32> to vector<680x256xf32>
    %get3A_4 = arith.constant 0 : index
    %get3A_5 = arith.constant 0 : index
    %get3A_6 = vector.load %arg3[%get3A_4, %get3A_5] : memref<256x256xf32, #tpu.memory_space<vmem>>, vector<256x256xf32>
    %dot_general3A = arith.constant dense<0.000000e+00> : vector<680x256xf32>
    %dot_general3A_7 = tpu.matmul %get3A_3, %get3A_6, %dot_general3A {dimension_numbers = #tpu.dot_dimension_numbers<[1], [0], [0], [1], [0, 0, 1, 1], [], []>, precision = #tpu.contract_precision<fp32>, transpose_lhs_hint = false} : vector<680x256xf32>, vector<256x256xf32>, vector<680x256xf32> -> vector<680x256xf32>
    %get3A_8 = arith.constant 0 : index
    %get3A_9 = arith.constant 0 : index
    %get3A_10 = vector.load %arg4[%get3A_8, %get3A_9] : memref<1x256xf32, #tpu.memory_space<vmem>>, vector<1x256xf32>
    %add3A = vector.broadcast %get3A_10 : vector<1x256xf32> to vector<680x256xf32>
    %add3A_11 = arith.addf %dot_general3A_7, %add3A : vector<680x256xf32>
    %swap3A = arith.constant 0 : index
    %swap3A_12 = arith.constant 0 : index
    %swap3A_13 = arith.constant 0 : index
    %swap3A_14 = vector.load %arg5[%swap3A, %swap3A_12, %swap3A_13] : memref<1x680x256xf32, #tpu.memory_space<vmem>>, vector<1x680x256xf32>
    %swap3A_15 = vector.shape_cast %swap3A_14 : vector<1x680x256xf32> to vector<680x256xf32>
    %swap3A_16 = vector.shape_cast %add3A_11 : vector<680x256xf32> to vector<1x680x256xf32>
    tpu.vector_store %arg5[%swap3A, %swap3A_12, %swap3A_13], %swap3A_16 {strides = array<i32>} : memref<1x680x256xf32, #tpu.memory_space<vmem>>, vector<1x680x256xf32>,
    return
  }
  func.func @transform_0(%arg0: i32, %arg1: i32) -> (i32, i32, i32) {
    %c0_i32 = arith.constant 0 : i32
    %c0_i32_0 = arith.constant 0 : i32
    return %arg0, %arg1, %c0_i32 : i32, i32, i32
  }
  func.func @transform_1(%arg0: i32, %arg1: i32) -> (i32, i32) {
    %c0_i32 = arith.constant 0 : i32
    %c0_i32_0 = arith.constant 0 : i32
    %c0_i32_1 = arith.constant 0 : i32
    return %c0_i32, %c0_i32_0 : i32, i32
  }
  func.func @transform_2(%arg0: i32, %arg1: i32) -> (i32, i32) {
    %c0_i32 = arith.constant 0 : i32
    %c0_i32_0 = arith.constant 0 : i32
    %c0_i32_1 = arith.constant 0 : i32
    return %c0_i32, %c0_i32_0 : i32, i32
  }
  func.func @transform_3(%arg0: i32, %arg1: i32) -> (i32, i32, i32) {
    %c0_i32 = arith.constant 0 : i32
    %c0_i32_0 = arith.constant 0 : i32
    return %arg0, %arg1, %c0_i32 : i32, i32, i32
  }
}

module attributes {stable_mosaic.version = 14 : i64} {
  func.func @_params_body(%arg0: i32, %arg1: i32, %arg2: memref<1x680x264xf32, #tpu.memory_space<vmem>>, %arg3: memref<264x128xf32, #tpu.memory_space<vmem>>, %arg4: memref<264x128xf32, #tpu.memory_space<vmem>>, %arg5: memref<1x128xf32, #tpu.memory_space<vmem>>, %arg6: memref<1x128xf32, #tpu.memory_space<vmem>>, %arg7: memref<256x128xf32, #tpu.memory_space<vmem>>, %arg8: memref<1x128xf32, #tpu.memory_space<vmem>>, %arg9: memref<1x128xf32, #tpu.memory_space<vmem>>, %arg10: memref<1x128xf32, #tpu.memory_space<vmem>>, %arg11: memref<1x128xi32, #tpu.memory_space<vmem>>, %arg12: memref<1x680x128xi32, #tpu.memory_space<vmem>>, %arg13: memref<1x680x128xi32, #tpu.memory_space<vmem>>, %arg14: memref<1x680x128xf32, #tpu.memory_space<vmem>>, %arg15: memref<1x680x128xf32, #tpu.memory_space<vmem>>, %arg16: memref<1x680x128xf32, #tpu.memory_space<vmem>>, %arg17: memref<1x680x128xf32, #tpu.memory_space<vmem>>) attributes {dimension_semantics = [#tpu.dimension_semantics<arbitrary>, #tpu.dimension_semantics<arbitrary>], iteration_bounds = array<i64: 4, 8>, scalar_prefetch = 0 : i64, scratch_operands = 0 : i64, tpu.core_type = #tpu.core_type<tc>, window_params = [{transform_indices = @transform_0, window_bounds = array<i64: 1, 680, 264>}, {pipeline_mode = #tpu.pipeline_mode<synchronous>, transform_indices = @transform_1, window_bounds = array<i64: 264, 128>}, {pipeline_mode = #tpu.pipeline_mode<synchronous>, transform_indices = @transform_2, window_bounds = array<i64: 264, 128>}, {pipeline_mode = #tpu.pipeline_mode<synchronous>, transform_indices = @transform_3, window_bounds = array<i64: 1, 128>}, {pipeline_mode = #tpu.pipeline_mode<synchronous>, transform_indices = @transform_4, window_bounds = array<i64: 1, 128>}, {pipeline_mode = #tpu.pipeline_mode<synchronous>, transform_indices = @transform_5, window_bounds = array<i64: 256, 128>}, {pipeline_mode = #tpu.pipeline_mode<synchronous>, transform_indices = @transform_6, window_bounds = array<i64: 1, 128>}, {pipeline_mode = #tpu.pipeline_mode<synchronous>, transform_indices = @transform_7, window_bounds = array<i64: 1, 128>}, {pipeline_mode = #tpu.pipeline_mode<synchronous>, transform_indices = @transform_8, window_bounds = array<i64: 1, 128>}, {pipeline_mode = #tpu.pipeline_mode<synchronous>, transform_indices = @transform_9, window_bounds = array<i64: 1, 128>}, {transform_indices = @transform_10, window_bounds = array<i64: 1, 680, 128>}, {transform_indices = @transform_11, window_bounds = array<i64: 1, 680, 128>}, {transform_indices = @transform_12, window_bounds = array<i64: 1, 680, 128>}, {transform_indices = @transform_13, window_bounds = array<i64: 1, 680, 128>}, {transform_indices = @transform_14, window_bounds = array<i64: 1, 680, 128>}, {transform_indices = @transform_15, window_bounds = array<i64: 1, 680, 128>}]} {
    %get3A = arith.constant 0 : index
    %get3A_0 = arith.constant 0 : index
    %get3A_1 = arith.constant 0 : index
    %get3A_2 = vector.load %arg2[%get3A, %get3A_0, %get3A_1] : memref<1x680x264xf32, #tpu.memory_space<vmem>>, vector<1x680x264xf32>
    %get3A_3 = vector.shape_cast %get3A_2 : vector<1x680x264xf32> to vector<680x264xf32>
    %get3A_4 = arith.constant 0 : index
    %get3A_5 = arith.constant 0 : index
    %get3A_6 = vector.load %arg3[%get3A_4, %get3A_5] : memref<264x128xf32, #tpu.memory_space<vmem>>, vector<264x128xf32>
    %dot_general3A = arith.constant dense<0.000000e+00> : vector<680x128xf32>
    %dot_general3A_7 = tpu.matmul %get3A_3, %get3A_6, %dot_general3A {dimension_numbers = #tpu.dot_dimension_numbers<[1], [0], [0], [1], [0, 0, 1, 1], [], []>, precision = #tpu.contract_precision<fp32>, transpose_lhs_hint = false} : vector<680x264xf32>, vector<264x128xf32>, vector<680x128xf32> -> vector<680x128xf32>
    %get3A_8 = arith.constant 0 : index
    %get3A_9 = arith.constant 0 : index
    %get3A_10 = vector.load %arg5[%get3A_8, %get3A_9] : memref<1x128xf32, #tpu.memory_space<vmem>>, vector<1x128xf32>
    %add3A = vector.broadcast %get3A_10 : vector<1x128xf32> to vector<680x128xf32>
    %add3A_11 = arith.addf %dot_general3A_7, %add3A : vector<680x128xf32>
    %get3A_12 = arith.constant 0 : index
    %get3A_13 = arith.constant 0 : index
    %get3A_14 = vector.load %arg4[%get3A_12, %get3A_13] : memref<264x128xf32, #tpu.memory_space<vmem>>, vector<264x128xf32>
    %dot_general3A_15 = arith.constant dense<0.000000e+00> : vector<680x128xf32>
    %dot_general3A_16 = tpu.matmul %get3A_3, %get3A_14, %dot_general3A_15 {dimension_numbers = #tpu.dot_dimension_numbers<[1], [0], [0], [1], [0, 0, 1, 1], [], []>, precision = #tpu.contract_precision<fp32>, transpose_lhs_hint = false} : vector<680x264xf32>, vector<264x128xf32>, vector<680x128xf32> -> vector<680x128xf32>
    %get3A_17 = arith.constant 0 : index
    %get3A_18 = arith.constant 0 : index
    %get3A_19 = vector.load %arg6[%get3A_17, %get3A_18] : memref<1x128xf32, #tpu.memory_space<vmem>>, vector<1x128xf32>
    %add3A_20 = vector.broadcast %get3A_19 : vector<1x128xf32> to vector<680x128xf32>
    %add3A_21 = arith.addf %dot_general3A_16, %add3A_20 : vector<680x128xf32>
    %slice3A = vector.extract_strided_slice %get3A_3 {offsets = [0, 0], sizes = [680, 256], strides = [1, 1]} : vector<680x264xf32> to vector<680x256xf32>
    %get3A_22 = arith.constant 0 : index
    %get3A_23 = arith.constant 0 : index
    %get3A_24 = vector.load %arg7[%get3A_22, %get3A_23] : memref<256x128xf32, #tpu.memory_space<vmem>>, vector<256x128xf32>
    %dot_general3A_25 = arith.constant dense<0.000000e+00> : vector<680x128xf32>
    %dot_general3A_26 = tpu.matmul %slice3A, %get3A_24, %dot_general3A_25 {dimension_numbers = #tpu.dot_dimension_numbers<[1], [0], [0], [1], [0, 0, 1, 1], [], []>, precision = #tpu.contract_precision<fp32>, transpose_lhs_hint = false} : vector<680x256xf32>, vector<256x128xf32>, vector<680x128xf32> -> vector<680x128xf32>
    %get3A_27 = arith.constant 0 : index
    %get3A_28 = arith.constant 0 : index
    %get3A_29 = vector.load %arg8[%get3A_27, %get3A_28] : memref<1x128xf32, #tpu.memory_space<vmem>>, vector<1x128xf32>
    %add3A_30 = vector.broadcast %get3A_29 : vector<1x128xf32> to vector<680x128xf32>
    %add3A_31 = arith.addf %dot_general3A_26, %add3A_30 : vector<680x128xf32>
    %reshape3A = vector.shape_cast %add3A_31 : vector<680x128xf32> to vector<680x8x16xf32>
    %reduce_max3A = arith.constant dense<0xFF800000> : vector<680x8xf32>
    %reduce_max3A_32 = vector.multi_reduction <maximumf>, %reshape3A, %reduce_max3A [2] : vector<680x8x16xf32> to vector<680x8xf32>
    %broadcast_in_dim3A = vector.shape_cast %reduce_max3A_32 : vector<680x8xf32> to vector<680x8x1xf32>
    %sub3A = vector.broadcast %broadcast_in_dim3A : vector<680x8x1xf32> to vector<680x8x16xf32>
    %sub3A_33 = arith.subf %reshape3A, %sub3A : vector<680x8x16xf32>
    %exp3A = math.exp %sub3A_33 : vector<680x8x16xf32>
    %reduce_sum3A = arith.constant dense<0.000000e+00> : vector<680x8xf32>
    %reduce_sum3A_34 = vector.multi_reduction <add>, %exp3A, %reduce_sum3A [2] : vector<680x8x16xf32> to vector<680x8xf32>
    %broadcast_in_dim3A_35 = vector.shape_cast %reduce_sum3A_34 : vector<680x8xf32> to vector<680x8x1xf32>
    %div3A = vector.broadcast %broadcast_in_dim3A_35 : vector<680x8x1xf32> to vector<680x8x16xf32>
    %div3A_36 = arith.divf %exp3A, %div3A : vector<680x8x16xf32>
    %reshape3A_37 = vector.shape_cast %div3A_36 : vector<680x8x16xf32> to vector<680x128xf32>
    %get3A_38 = arith.constant 0 : index
    %get3A_39 = arith.constant 0 : index
    %get3A_40 = vector.load %arg9[%get3A_38, %get3A_39] : memref<1x128xf32, #tpu.memory_space<vmem>>, vector<1x128xf32>
    %get3A_41 = arith.constant 0 : index
    %get3A_42 = arith.constant 0 : index
    %get3A_43 = vector.load %arg10[%get3A_41, %get3A_42] : memref<1x128xf32, #tpu.memory_space<vmem>>, vector<1x128xf32>
    %floor3A = math.floor %add3A_11 : vector<680x128xf32>
    %floor3A_44 = math.floor %add3A_21 : vector<680x128xf32>
    %sub3A_45 = arith.subf %add3A_11, %floor3A : vector<680x128xf32>
    %sub3A_46 = arith.subf %add3A_21, %floor3A_44 : vector<680x128xf32>
    %sub3A_47 = arith.constant 1.000000e+00 : f32
    %sub3A_48 = vector.broadcast %sub3A_47 : f32 to vector<680x128xf32>
    %sub3A_49 = arith.subf %sub3A_48, %sub3A_45 : vector<680x128xf32>
    %sub3A_50 = arith.constant 1.000000e+00 : f32
    %sub3A_51 = vector.broadcast %sub3A_50 : f32 to vector<680x128xf32>
    %sub3A_52 = arith.subf %sub3A_51, %sub3A_46 : vector<680x128xf32>
    %ge3A = arith.constant 0.000000e+00 : f32
    %ge3A_53 = vector.broadcast %ge3A : f32 to vector<680x128xf32>
    %ge3A_54 = arith.cmpf oge, %floor3A, %ge3A_53 : vector<680x128xf32>
    %sub3A_55 = arith.constant 1.000000e+00 : f32
    %sub3A_56 = vector.broadcast %sub3A_55 : f32 to vector<1x128xf32>
    %sub3A_57 = arith.subf %get3A_40, %sub3A_56 : vector<1x128xf32>
    %le3A = vector.broadcast %sub3A_57 : vector<1x128xf32> to vector<680x128xf32>
    %le3A_58 = arith.cmpf ole, %floor3A, %le3A : vector<680x128xf32>
    %and3A = arith.andi %ge3A_54, %le3A_58 : vector<680x128xi1>
    %ge3A_59 = arith.constant -1.000000e+00 : f32
    %ge3A_60 = vector.broadcast %ge3A_59 : f32 to vector<680x128xf32>
    %ge3A_61 = arith.cmpf oge, %floor3A, %ge3A_60 : vector<680x128xf32>
    %sub3A_62 = arith.constant 2.000000e+00 : f32
    %sub3A_63 = vector.broadcast %sub3A_62 : f32 to vector<1x128xf32>
    %sub3A_64 = arith.subf %get3A_40, %sub3A_63 : vector<1x128xf32>
    %le3A_65 = vector.broadcast %sub3A_64 : vector<1x128xf32> to vector<680x128xf32>
    %le3A_66 = arith.cmpf ole, %floor3A, %le3A_65 : vector<680x128xf32>
    %and3A_67 = arith.andi %ge3A_61, %le3A_66 : vector<680x128xi1>
    %ge3A_68 = arith.constant 0.000000e+00 : f32
    %ge3A_69 = vector.broadcast %ge3A_68 : f32 to vector<680x128xf32>
    %ge3A_70 = arith.cmpf oge, %floor3A_44, %ge3A_69 : vector<680x128xf32>
    %sub3A_71 = arith.constant 1.000000e+00 : f32
    %sub3A_72 = vector.broadcast %sub3A_71 : f32 to vector<1x128xf32>
    %sub3A_73 = arith.subf %get3A_43, %sub3A_72 : vector<1x128xf32>
    %le3A_74 = vector.broadcast %sub3A_73 : vector<1x128xf32> to vector<680x128xf32>
    %le3A_75 = arith.cmpf ole, %floor3A_44, %le3A_74 : vector<680x128xf32>
    %and3A_76 = arith.andi %ge3A_70, %le3A_75 : vector<680x128xi1>
    %ge3A_77 = arith.constant -1.000000e+00 : f32
    %ge3A_78 = vector.broadcast %ge3A_77 : f32 to vector<680x128xf32>
    %ge3A_79 = arith.cmpf oge, %floor3A_44, %ge3A_78 : vector<680x128xf32>
    %sub3A_80 = arith.constant 2.000000e+00 : f32
    %sub3A_81 = vector.broadcast %sub3A_80 : f32 to vector<1x128xf32>
    %sub3A_82 = arith.subf %get3A_43, %sub3A_81 : vector<1x128xf32>
    %le3A_83 = vector.broadcast %sub3A_82 : vector<1x128xf32> to vector<680x128xf32>
    %le3A_84 = arith.cmpf ole, %floor3A_44, %le3A_83 : vector<680x128xf32>
    %and3A_85 = arith.andi %ge3A_79, %le3A_84 : vector<680x128xi1>
    %ge3A_86 = arith.constant -5.000000e-01 : f32
    %ge3A_87 = vector.broadcast %ge3A_86 : f32 to vector<680x128xf32>
    %ge3A_88 = arith.cmpf oge, %add3A_11, %ge3A_87 : vector<680x128xf32>
    %sub3A_89 = arith.constant 5.000000e-01 : f32
    %sub3A_90 = vector.broadcast %sub3A_89 : f32 to vector<1x128xf32>
    %sub3A_91 = arith.subf %get3A_40, %sub3A_90 : vector<1x128xf32>
    %le3A_92 = vector.broadcast %sub3A_91 : vector<1x128xf32> to vector<680x128xf32>
    %le3A_93 = arith.cmpf ole, %add3A_11, %le3A_92 : vector<680x128xf32>
    %and3A_94 = arith.andi %ge3A_88, %le3A_93 : vector<680x128xi1>
    %ge3A_95 = arith.constant -5.000000e-01 : f32
    %ge3A_96 = vector.broadcast %ge3A_95 : f32 to vector<680x128xf32>
    %ge3A_97 = arith.cmpf oge, %add3A_21, %ge3A_96 : vector<680x128xf32>
    %and3A_98 = arith.andi %and3A_94, %ge3A_97 : vector<680x128xi1>
    %sub3A_99 = arith.constant 5.000000e-01 : f32
    %sub3A_100 = vector.broadcast %sub3A_99 : f32 to vector<1x128xf32>
    %sub3A_101 = arith.subf %get3A_43, %sub3A_100 : vector<1x128xf32>
    %le3A_102 = vector.broadcast %sub3A_101 : vector<1x128xf32> to vector<680x128xf32>
    %le3A_103 = arith.cmpf ole, %add3A_21, %le3A_102 : vector<680x128xf32>
    %and3A_104 = arith.andi %and3A_98, %le3A_103 : vector<680x128xi1>
    %jit3A = arith.constant 0.000000e+00 : f32
    %broadcast_in_dim3A_105 = vector.broadcast %jit3A : f32 to vector<680x128xf32>
    %select_n3A = arith.select %and3A_104, %reshape3A_37, %broadcast_in_dim3A_105 : vector<680x128xi1>, vector<680x128xf32>
    %and3A_106 = arith.andi %and3A, %and3A_76 : vector<680x128xi1>
    %mul3A = arith.mulf %sub3A_49, %sub3A_52 : vector<680x128xf32>
    %mul3A_107 = arith.mulf %mul3A, %select_n3A : vector<680x128xf32>
    %jit3A_108 = arith.constant 0.000000e+00 : f32
    %broadcast_in_dim3A_109 = vector.broadcast %jit3A_108 : f32 to vector<680x128xf32>
    %select_n3A_110 = arith.select %and3A_106, %mul3A_107, %broadcast_in_dim3A_109 : vector<680x128xi1>, vector<680x128xf32>
    %and3A_111 = arith.andi %and3A, %and3A_85 : vector<680x128xi1>
    %mul3A_112 = arith.mulf %sub3A_49, %sub3A_46 : vector<680x128xf32>
    %mul3A_113 = arith.mulf %mul3A_112, %select_n3A : vector<680x128xf32>
    %jit3A_114 = arith.constant 0.000000e+00 : f32
    %broadcast_in_dim3A_115 = vector.broadcast %jit3A_114 : f32 to vector<680x128xf32>
    %select_n3A_116 = arith.select %and3A_111, %mul3A_113, %broadcast_in_dim3A_115 : vector<680x128xi1>, vector<680x128xf32>
    %and3A_117 = arith.andi %and3A_67, %and3A_76 : vector<680x128xi1>
    %mul3A_118 = arith.mulf %sub3A_45, %sub3A_52 : vector<680x128xf32>
    %mul3A_119 = arith.mulf %mul3A_118, %select_n3A : vector<680x128xf32>
    %jit3A_120 = arith.constant 0.000000e+00 : f32
    %broadcast_in_dim3A_121 = vector.broadcast %jit3A_120 : f32 to vector<680x128xf32>
    %select_n3A_122 = arith.select %and3A_117, %mul3A_119, %broadcast_in_dim3A_121 : vector<680x128xi1>, vector<680x128xf32>
    %and3A_123 = arith.andi %and3A_67, %and3A_85 : vector<680x128xi1>
    %mul3A_124 = arith.mulf %sub3A_45, %sub3A_46 : vector<680x128xf32>
    %mul3A_125 = arith.mulf %mul3A_124, %select_n3A : vector<680x128xf32>
    %jit3A_126 = arith.constant 0.000000e+00 : f32
    %broadcast_in_dim3A_127 = vector.broadcast %jit3A_126 : f32 to vector<680x128xf32>
    %select_n3A_128 = arith.select %and3A_123, %mul3A_125, %broadcast_in_dim3A_127 : vector<680x128xi1>, vector<680x128xf32>
    %sub3A_129 = arith.constant 2.000000e+00 : f32
    %sub3A_130 = vector.broadcast %sub3A_129 : f32 to vector<1x128xf32>
    %sub3A_131 = arith.subf %get3A_40, %sub3A_130 : vector<1x128xf32>
    %jit3A_132 = arith.constant 0.000000e+00 : f32
    %max3A = vector.broadcast %jit3A_132 : f32 to vector<680x128xf32>
    %max3A_133 = arith.maximumf %max3A, %floor3A : vector<680x128xf32>
    %min3A = vector.broadcast %sub3A_131 : vector<1x128xf32> to vector<680x128xf32>
    %min3A_134 = arith.minimumf %min3A, %max3A_133 : vector<680x128xf32>
    %eq3A = arith.cmpf oeq, %floor3A, %min3A_134 : vector<680x128xf32>
    %lt3A = arith.cmpf olt, %floor3A, %min3A_134 : vector<680x128xf32>
    %jit3A_135 = arith.constant 0.000000e+00 : f32
    %broadcast_in_dim3A_136 = vector.broadcast %jit3A_135 : f32 to vector<680x128xf32>
    %select_n3A_137 = arith.select %lt3A, %select_n3A_122, %broadcast_in_dim3A_136 : vector<680x128xi1>, vector<680x128xf32>
    %select_n3A_138 = arith.select %eq3A, %select_n3A_110, %select_n3A_137 : vector<680x128xi1>, vector<680x128xf32>
    %jit3A_139 = arith.constant 0.000000e+00 : f32
    %broadcast_in_dim3A_140 = vector.broadcast %jit3A_139 : f32 to vector<680x128xf32>
    %select_n3A_141 = arith.select %lt3A, %broadcast_in_dim3A_140, %select_n3A_110 : vector<680x128xi1>, vector<680x128xf32>
    %select_n3A_142 = arith.select %eq3A, %select_n3A_122, %select_n3A_141 : vector<680x128xi1>, vector<680x128xf32>
    %jit3A_143 = arith.constant 0.000000e+00 : f32
    %broadcast_in_dim3A_144 = vector.broadcast %jit3A_143 : f32 to vector<680x128xf32>
    %select_n3A_145 = arith.select %lt3A, %select_n3A_128, %broadcast_in_dim3A_144 : vector<680x128xi1>, vector<680x128xf32>
    %select_n3A_146 = arith.select %eq3A, %select_n3A_116, %select_n3A_145 : vector<680x128xi1>, vector<680x128xf32>
    %jit3A_147 = arith.constant 0.000000e+00 : f32
    %broadcast_in_dim3A_148 = vector.broadcast %jit3A_147 : f32 to vector<680x128xf32>
    %select_n3A_149 = arith.select %lt3A, %broadcast_in_dim3A_148, %select_n3A_116 : vector<680x128xi1>, vector<680x128xf32>
    %select_n3A_150 = arith.select %eq3A, %select_n3A_128, %select_n3A_149 : vector<680x128xi1>, vector<680x128xf32>
    %swap3A = arith.constant 0 : index
    %swap3A_151 = arith.constant 0 : index
    %swap3A_152 = arith.constant 0 : index
    %swap3A_153 = vector.load %arg14[%swap3A, %swap3A_151, %swap3A_152] : memref<1x680x128xf32, #tpu.memory_space<vmem>>, vector<1x680x128xf32>
    %swap3A_154 = vector.shape_cast %swap3A_153 : vector<1x680x128xf32> to vector<680x128xf32>
    %swap3A_155 = vector.shape_cast %select_n3A_138 : vector<680x128xf32> to vector<1x680x128xf32>
    tpu.vector_store %arg14[%swap3A, %swap3A_151, %swap3A_152], %swap3A_155 {strides = array<i32>} : memref<1x680x128xf32, #tpu.memory_space<vmem>>, vector<1x680x128xf32>,
    %swap3A_156 = arith.constant 0 : index
    %swap3A_157 = arith.constant 0 : index
    %swap3A_158 = arith.constant 0 : index
    %swap3A_159 = vector.load %arg15[%swap3A_156, %swap3A_157, %swap3A_158] : memref<1x680x128xf32, #tpu.memory_space<vmem>>, vector<1x680x128xf32>
    %swap3A_160 = vector.shape_cast %swap3A_159 : vector<1x680x128xf32> to vector<680x128xf32>
    %swap3A_161 = vector.shape_cast %select_n3A_142 : vector<680x128xf32> to vector<1x680x128xf32>
    tpu.vector_store %arg15[%swap3A_156, %swap3A_157, %swap3A_158], %swap3A_161 {strides = array<i32>} : memref<1x680x128xf32, #tpu.memory_space<vmem>>, vector<1x680x128xf32>,
    %swap3A_162 = arith.constant 0 : index
    %swap3A_163 = arith.constant 0 : index
    %swap3A_164 = arith.constant 0 : index
    %swap3A_165 = vector.load %arg16[%swap3A_162, %swap3A_163, %swap3A_164] : memref<1x680x128xf32, #tpu.memory_space<vmem>>, vector<1x680x128xf32>
    %swap3A_166 = vector.shape_cast %swap3A_165 : vector<1x680x128xf32> to vector<680x128xf32>
    %swap3A_167 = vector.shape_cast %select_n3A_146 : vector<680x128xf32> to vector<1x680x128xf32>
    tpu.vector_store %arg16[%swap3A_162, %swap3A_163, %swap3A_164], %swap3A_167 {strides = array<i32>} : memref<1x680x128xf32, #tpu.memory_space<vmem>>, vector<1x680x128xf32>,
    %swap3A_168 = arith.constant 0 : index
    %swap3A_169 = arith.constant 0 : index
    %swap3A_170 = arith.constant 0 : index
    %swap3A_171 = vector.load %arg17[%swap3A_168, %swap3A_169, %swap3A_170] : memref<1x680x128xf32, #tpu.memory_space<vmem>>, vector<1x680x128xf32>
    %swap3A_172 = vector.shape_cast %swap3A_171 : vector<1x680x128xf32> to vector<680x128xf32>
    %swap3A_173 = vector.shape_cast %select_n3A_150 : vector<680x128xf32> to vector<1x680x128xf32>
    tpu.vector_store %arg17[%swap3A_168, %swap3A_169, %swap3A_170], %swap3A_173 {strides = array<i32>} : memref<1x680x128xf32, #tpu.memory_space<vmem>>, vector<1x680x128xf32>,
    %sub3A_174 = arith.constant 1.000000e+00 : f32
    %sub3A_175 = vector.broadcast %sub3A_174 : f32 to vector<1x128xf32>
    %sub3A_176 = arith.subf %get3A_43, %sub3A_175 : vector<1x128xf32>
    %jit3A_177 = arith.constant 0.000000e+00 : f32
    %max3A_178 = vector.broadcast %jit3A_177 : f32 to vector<680x128xf32>
    %max3A_179 = arith.maximumf %max3A_178, %floor3A_44 : vector<680x128xf32>
    %min3A_180 = vector.broadcast %sub3A_176 : vector<1x128xf32> to vector<680x128xf32>
    %min3A_181 = arith.minimumf %min3A_180, %max3A_179 : vector<680x128xf32>
    %add3A_182 = arith.constant 1.000000e+00 : f32
    %add3A_183 = vector.broadcast %add3A_182 : f32 to vector<680x128xf32>
    %add3A_184 = arith.addf %floor3A_44, %add3A_183 : vector<680x128xf32>
    %sub3A_185 = arith.constant 1.000000e+00 : f32
    %sub3A_186 = vector.broadcast %sub3A_185 : f32 to vector<1x128xf32>
    %sub3A_187 = arith.subf %get3A_43, %sub3A_186 : vector<1x128xf32>
    %jit3A_188 = arith.constant 0.000000e+00 : f32
    %max3A_189 = vector.broadcast %jit3A_188 : f32 to vector<680x128xf32>
    %max3A_190 = arith.maximumf %max3A_189, %add3A_184 : vector<680x128xf32>
    %min3A_191 = vector.broadcast %sub3A_187 : vector<1x128xf32> to vector<680x128xf32>
    %min3A_192 = arith.minimumf %min3A_191, %max3A_190 : vector<680x128xf32>
    %get3A_193 = arith.constant 0 : index
    %get3A_194 = arith.constant 0 : index
    %get3A_195 = vector.load %arg11[%get3A_193, %get3A_194] : memref<1x128xi32, #tpu.memory_space<vmem>>, vector<1x128xi32>
    %mul3A_196 = arith.constant 43520 : i32
    %mul3A_197 = arith.muli %arg0, %mul3A_196 : i32
    %add3A_198 = vector.broadcast %mul3A_197 : i32 to vector<1x128xi32>
    %add3A_199 = arith.addi %get3A_195, %add3A_198 : vector<1x128xi32>
    %mul3A_200 = vector.broadcast %get3A_40 : vector<1x128xf32> to vector<680x128xf32>
    %mul3A_201 = arith.mulf %min3A_181, %mul3A_200 : vector<680x128xf32>
    %add3A_202 = arith.addf %mul3A_201, %min3A_134 : vector<680x128xf32>
    %convert_element_type3A = arith.fptosi %add3A_202 : vector<680x128xf32> to vector<680x128xi32>
    %add3A_203 = vector.broadcast %add3A_199 : vector<1x128xi32> to vector<680x128xi32>
    %add3A_204 = arith.addi %add3A_203, %convert_element_type3A : vector<680x128xi32>
    %swap3A_205 = arith.constant 0 : index
    %swap3A_206 = arith.constant 0 : index
    %swap3A_207 = arith.constant 0 : index
    %swap3A_208 = vector.load %arg12[%swap3A_205, %swap3A_206, %swap3A_207] : memref<1x680x128xi32, #tpu.memory_space<vmem>>, vector<1x680x128xi32>
    %swap3A_209 = vector.shape_cast %swap3A_208 : vector<1x680x128xi32> to vector<680x128xi32>
    %swap3A_210 = vector.shape_cast %add3A_204 : vector<680x128xi32> to vector<1x680x128xi32>
    tpu.vector_store %arg12[%swap3A_205, %swap3A_206, %swap3A_207], %swap3A_210 {strides = array<i32>} : memref<1x680x128xi32, #tpu.memory_space<vmem>>, vector<1x680x128xi32>,
    %mul3A_211 = vector.broadcast %get3A_40 : vector<1x128xf32> to vector<680x128xf32>
    %mul3A_212 = arith.mulf %min3A_192, %mul3A_211 : vector<680x128xf32>
    %add3A_213 = arith.addf %mul3A_212, %min3A_134 : vector<680x128xf32>
    %convert_element_type3A_214 = arith.fptosi %add3A_213 : vector<680x128xf32> to vector<680x128xi32>
    %add3A_215 = vector.broadcast %add3A_199 : vector<1x128xi32> to vector<680x128xi32>
    %add3A_216 = arith.addi %add3A_215, %convert_element_type3A_214 : vector<680x128xi32>
    %swap3A_217 = arith.constant 0 : index
    %swap3A_218 = arith.constant 0 : index
    %swap3A_219 = arith.constant 0 : index
    %swap3A_220 = vector.load %arg13[%swap3A_217, %swap3A_218, %swap3A_219] : memref<1x680x128xi32, #tpu.memory_space<vmem>>, vector<1x680x128xi32>
    %swap3A_221 = vector.shape_cast %swap3A_220 : vector<1x680x128xi32> to vector<680x128xi32>
    %swap3A_222 = vector.shape_cast %add3A_216 : vector<680x128xi32> to vector<1x680x128xi32>
    tpu.vector_store %arg13[%swap3A_217, %swap3A_218, %swap3A_219], %swap3A_222 {strides = array<i32>} : memref<1x680x128xi32, #tpu.memory_space<vmem>>, vector<1x680x128xi32>,
    return
  }
  func.func @transform_0(%arg0: i32, %arg1: i32) -> (i32, i32, i32) {
    %c0_i32 = arith.constant 0 : i32
    %c0_i32_0 = arith.constant 0 : i32
    return %arg0, %arg1, %c0_i32 : i32, i32, i32
  }
  func.func @transform_1(%arg0: i32, %arg1: i32) -> (i32, i32) {
    %c0_i32 = arith.constant 0 : i32
    %c0_i32_0 = arith.constant 0 : i32
    %c0_i32_1 = arith.constant 0 : i32
    return %c0_i32, %c0_i32_0 : i32, i32
  }
  func.func @transform_2(%arg0: i32, %arg1: i32) -> (i32, i32) {
    %c0_i32 = arith.constant 0 : i32
    %c0_i32_0 = arith.constant 0 : i32
    %c0_i32_1 = arith.constant 0 : i32
    return %c0_i32, %c0_i32_0 : i32, i32
  }
  func.func @transform_3(%arg0: i32, %arg1: i32) -> (i32, i32) {
    %c0_i32 = arith.constant 0 : i32
    %c0_i32_0 = arith.constant 0 : i32
    %c0_i32_1 = arith.constant 0 : i32
    return %c0_i32, %c0_i32_0 : i32, i32
  }
  func.func @transform_4(%arg0: i32, %arg1: i32) -> (i32, i32) {
    %c0_i32 = arith.constant 0 : i32
    %c0_i32_0 = arith.constant 0 : i32
    %c0_i32_1 = arith.constant 0 : i32
    return %c0_i32, %c0_i32_0 : i32, i32
  }
  func.func @transform_5(%arg0: i32, %arg1: i32) -> (i32, i32) {
    %c0_i32 = arith.constant 0 : i32
    %c0_i32_0 = arith.constant 0 : i32
    %c0_i32_1 = arith.constant 0 : i32
    return %c0_i32, %c0_i32_0 : i32, i32
  }
  func.func @transform_6(%arg0: i32, %arg1: i32) -> (i32, i32) {
    %c0_i32 = arith.constant 0 : i32
    %c0_i32_0 = arith.constant 0 : i32
    %c0_i32_1 = arith.constant 0 : i32
    return %c0_i32, %c0_i32_0 : i32, i32
  }
  func.func @transform_7(%arg0: i32, %arg1: i32) -> (i32, i32) {
    %c0_i32 = arith.constant 0 : i32
    %c0_i32_0 = arith.constant 0 : i32
    %c0_i32_1 = arith.constant 0 : i32
    return %c0_i32, %c0_i32_0 : i32, i32
  }
  func.func @transform_8(%arg0: i32, %arg1: i32) -> (i32, i32) {
    %c0_i32 = arith.constant 0 : i32
    %c0_i32_0 = arith.constant 0 : i32
    %c0_i32_1 = arith.constant 0 : i32
    return %c0_i32, %c0_i32_0 : i32, i32
  }
  func.func @transform_9(%arg0: i32, %arg1: i32) -> (i32, i32) {
    %c0_i32 = arith.constant 0 : i32
    %c0_i32_0 = arith.constant 0 : i32
    %c0_i32_1 = arith.constant 0 : i32
    return %c0_i32, %c0_i32_0 : i32, i32
  }
  func.func @transform_10(%arg0: i32, %arg1: i32) -> (i32, i32, i32) {
    %c0_i32 = arith.constant 0 : i32
    %c0_i32_0 = arith.constant 0 : i32
    return %arg0, %arg1, %c0_i32 : i32, i32, i32
  }
  func.func @transform_11(%arg0: i32, %arg1: i32) -> (i32, i32, i32) {
    %c0_i32 = arith.constant 0 : i32
    %c0_i32_0 = arith.constant 0 : i32
    return %arg0, %arg1, %c0_i32 : i32, i32, i32
  }
  func.func @transform_12(%arg0: i32, %arg1: i32) -> (i32, i32, i32) {
    %c0_i32 = arith.constant 0 : i32
    %c0_i32_0 = arith.constant 0 : i32
    return %arg0, %arg1, %c0_i32 : i32, i32, i32
  }
  func.func @transform_13(%arg0: i32, %arg1: i32) -> (i32, i32, i32) {
    %c0_i32 = arith.constant 0 : i32
    %c0_i32_0 = arith.constant 0 : i32
    return %arg0, %arg1, %c0_i32 : i32, i32, i32
  }
  func.func @transform_14(%arg0: i32, %arg1: i32) -> (i32, i32, i32) {
    %c0_i32 = arith.constant 0 : i32
    %c0_i32_0 = arith.constant 0 : i32
    return %arg0, %arg1, %c0_i32 : i32, i32, i32
  }
  func.func @transform_15(%arg0: i32, %arg1: i32) -> (i32, i32, i32) {
    %c0_i32 = arith.constant 0 : i32
    %c0_i32_0 = arith.constant 0 : i32
    return %arg0, %arg1, %c0_i32 : i32, i32, i32
  }
}

module attributes {stable_mosaic.version = 14 : i64} {
  func.func @_matmul_body(%arg0: i32, %arg1: i32, %arg2: memref<1x680x256xf32, #tpu.memory_space<vmem>>, %arg3: memref<256x256xf32, #tpu.memory_space<vmem>>, %arg4: memref<1x256xf32, #tpu.memory_space<vmem>>, %arg5: memref<1x680x256xf32, #tpu.memory_space<vmem>>) attributes {dimension_semantics = [#tpu.dimension_semantics<arbitrary>, #tpu.dimension_semantics<arbitrary>], iteration_bounds = array<i64: 4, 8>, scalar_prefetch = 0 : i64, scratch_operands = 0 : i64, tpu.core_type = #tpu.core_type<tc>, window_params = [{transform_indices = @transform_0, window_bounds = array<i64: 1, 680, 256>}, {pipeline_mode = #tpu.pipeline_mode<synchronous>, transform_indices = @transform_1, window_bounds = array<i64: 256, 256>}, {pipeline_mode = #tpu.pipeline_mode<synchronous>, transform_indices = @transform_2, window_bounds = array<i64: 1, 256>}, {transform_indices = @transform_3, window_bounds = array<i64: 1, 680, 256>}]} {
    %get3A = arith.constant 0 : index
    %get3A_0 = arith.constant 0 : index
    %get3A_1 = arith.constant 0 : index
    %get3A_2 = vector.load %arg2[%get3A, %get3A_0, %get3A_1] : memref<1x680x256xf32, #tpu.memory_space<vmem>>, vector<1x680x256xf32>
    %get3A_3 = vector.shape_cast %get3A_2 : vector<1x680x256xf32> to vector<680x256xf32>
    %get3A_4 = arith.constant 0 : index
    %get3A_5 = arith.constant 0 : index
    %get3A_6 = vector.load %arg3[%get3A_4, %get3A_5] : memref<256x256xf32, #tpu.memory_space<vmem>>, vector<256x256xf32>
    %dot_general3A = arith.constant dense<0.000000e+00> : vector<680x256xf32>
    %dot_general3A_7 = tpu.matmul %get3A_3, %get3A_6, %dot_general3A {dimension_numbers = #tpu.dot_dimension_numbers<[1], [0], [0], [1], [0, 0, 1, 1], [], []>, precision = #tpu.contract_precision<fp32>, transpose_lhs_hint = false} : vector<680x256xf32>, vector<256x256xf32>, vector<680x256xf32> -> vector<680x256xf32>
    %get3A_8 = arith.constant 0 : index
    %get3A_9 = arith.constant 0 : index
    %get3A_10 = vector.load %arg4[%get3A_8, %get3A_9] : memref<1x256xf32, #tpu.memory_space<vmem>>, vector<1x256xf32>
    %add3A = vector.broadcast %get3A_10 : vector<1x256xf32> to vector<680x256xf32>
    %add3A_11 = arith.addf %dot_general3A_7, %add3A : vector<680x256xf32>
    %swap3A = arith.constant 0 : index
    %swap3A_12 = arith.constant 0 : index
    %swap3A_13 = arith.constant 0 : index
    %swap3A_14 = vector.load %arg5[%swap3A, %swap3A_12, %swap3A_13] : memref<1x680x256xf32, #tpu.memory_space<vmem>>, vector<1x680x256xf32>
    %swap3A_15 = vector.shape_cast %swap3A_14 : vector<1x680x256xf32> to vector<680x256xf32>
    %swap3A_16 = vector.shape_cast %add3A_11 : vector<680x256xf32> to vector<1x680x256xf32>
    tpu.vector_store %arg5[%swap3A, %swap3A_12, %swap3A_13], %swap3A_16 {strides = array<i32>} : memref<1x680x256xf32, #tpu.memory_space<vmem>>, vector<1x680x256xf32>,
    return
  }
  func.func @transform_0(%arg0: i32, %arg1: i32) -> (i32, i32, i32) {
    %c0_i32 = arith.constant 0 : i32
    %c0_i32_0 = arith.constant 0 : i32
    return %arg0, %arg1, %c0_i32 : i32, i32, i32
  }
  func.func @transform_1(%arg0: i32, %arg1: i32) -> (i32, i32) {
    %c0_i32 = arith.constant 0 : i32
    %c0_i32_0 = arith.constant 0 : i32
    %c0_i32_1 = arith.constant 0 : i32
    return %c0_i32, %c0_i32_0 : i32, i32
  }
  func.func @transform_2(%arg0: i32, %arg1: i32) -> (i32, i32) {
    %c0_i32 = arith.constant 0 : i32
    %c0_i32_0 = arith.constant 0 : i32
    %c0_i32_1 = arith.constant 0 : i32
    return %c0_i32, %c0_i32_0 : i32, i32
  }
  func.func @transform_3(%arg0: i32, %arg1: i32) -> (i32, i32, i32) {
    %c0_i32 = arith.constant 0 : i32
    %c0_i32_0 = arith.constant 0 : i32
    return %arg0, %arg1, %c0_i32 : i32, i32, i32
  }
}

</mosaic_0001>

<sc_bundles>
// kernel: kernel.6.cloned.1.call-start
scs
__scs_entry_jumppad:
0x0: {  	(pc) =	sbr.rel $0x88, $3  }
0x1: {  	(tag) =	ssettag $0x0;
	lr =	simm.s32 $0x1  }
0x2: {  	[smem:$0x3F96] =	sst lr;
	_ =	strace $0xD0000000  }
0x3: {  	_ = 	snop  }
0x4: {  	_ = 	snop  }
0x5: {  	_ = 	snop  }
0x6: {  	_ = 	snop  }
0x7: {  	_ = 	snop  }
__scs_overlays_trampoline_lowered:
0x8: {  	[smem:$0x3FA5] =	sst s0  }
0x9: {  	[smem:$0x3FA6] =	sst s1  }
0xa: {  	[smem:$0x3FA7] =	sst s2  }
0xb: {  	[smem:$0x3FA8] =	sst s3  }
0xc: {  	[smem:$0x3FA9] =	sst s4  }
0xd: {  	[smem:$0x3FAA] =	sst s5  }
0xe: {  	[smem:$0x3FAB] =	sst s6  }
0xf: {  	[smem:$0x3FAC] =	sst s7  }
0x10: {  	[smem:$0x3FAD] =	sst s8  }
0x11: {  	[smem:$0x3FAE] =	sst s9;
	s0 =	simm.s32 @!p0 $0x0  }
0x12: {  	s1 =	sld [smem:$0x3F94];
	s0 =	simm.s32 @p0 $0x1  }
0x13: {  	[smem:$0x3FAF] =	sst s0;
	s0 =	simm.s32 @!p1 $0x0  }
0x14: {  	s2 =	sld [smem:$0x3F93];
	s0 =	simm.s32 @p1 $0x1  }
0x15: {  	[smem:$0x3FB0] =	sst s0;
	s0 =	simm.s32 @!p2 $0x0  }
0x16: {  	s3 =	sld [smem:$0x3FDB];
	s0 =	simm.s32 @p2 $0x1  }
0x17: {  	s4 =	simm.s32 $0x1BF5;
	[smem:$0x3FB2] =	sst s0  }
0x18: {  	s0 =	sld [smem:$0x3F95];
	_ =	swait.ge [sflag:s4], $0x0  }
0x19: {  	s7 =	sld [smem:$0x3F96]  }
0x1a: {  	s8 =	sadd.s32 $0xFFFFE003, lr  }
0x1b: {  	s9 =	sadd.s32 $0xFFFFFEF7, lr;
	s5 =	simm.s32 $0xFFFFFFFF;
	p2 =	slt.u32 s8, $0xFFFFF086  }
0x1c: {  	p1 =	slt.u32 s9, $0xF7A;
	s5 =	simm.s32 @!p2 $0x0  }
0x1d: {  	s5 =	simm.s32 @p1 $0x1;
	p0 =	seq.s32 s7, s2  }
0x1e: {  	s7 =	smul.u32 @!p0 $0xF7A, s2;
	p2 =	seq.s32 @!p0 s5, $0x0  }
0x1f: {  	s9 =	smul.u32 $0xF7A, s1;
	s8 =	simm.s32 @!p0 $0x1BF5;
	p2 =	por !p2, p0  }
0x20: {  	[sflag:s8] =	ssyncset.s32 @!p0 $0xFFFFF086;
	s6 =	sadd.s32 @!p0 s3, s7;
	s7 =	simm.s32 @!p0 $0x108  }
0x21: {  	s3 =	sadd.s32 s3, s9;
	s6 =	sadd.s32 @!p0 $0x88, s6;
	s7 =	simm.s32 @p2 $0x1082  }
0x22: {  	[simem:s7], [sflag:s8] =	dma.local @!p0 [hbm:s6], $0xF7A  }
0x23: {  	s9 =	sor.u32 $0xD0000000, s2;
	s6 =	simm.s32 $0x108;
	_ =	swait.ge @!p0 [sflag:s8], $0x0  }
0x24: {  	s3 =	sadd.s32 $0x88, s3;
	s6 =	simm.s32 @!p1 $0x1082;
	[sflag:s4] =	ssyncset.s32 $0xFFFFF086  }
0x25: {  	[simem:s6], [sflag:s4] =	dma.local [hbm:s3], $0xF7A  }
0x26: {  	[smem:$0x3F96] =	sst s1;
	(tag) =	ssettag s2;
	_ =	strace s9  }
0x27: {  	s1 =	sld [smem:$0x3FA6]  }
0x28: {  	s2 =	sld [smem:$0x3FA7]  }
0x29: {  	s4 =	sld [smem:$0x3FA9]  }
0x2a: {  	p0 =	seq.s32 s5, $0x0;
	s5 =	sld [smem:$0x3FAA]  }
0x2b: {  	s6 =	sld [smem:$0x3FAB]  }
0x2c: {  	s7 =	sld [smem:$0x3FAC]  }
0x2d: {  	s3 =	simm.s32 $0x108;
	s8 =	sld [smem:$0x3FAD]  }
0x2e: {  	s3 =	simm.s32 @!p0 $0x1082;
	s9 =	sld [smem:$0x3FAE]  }
0x2f: {  	lr =	sadd.s32 s0, s3;
	s0 =	sld [smem:$0x3FA5]  }
0x30: {  	s3 =	sld [smem:$0x3FA8]  }
0x31: {  	[smem:$0x3FB1] =	sst s10  }
0x32: {  	s10 =	sld [smem:$0x3FAF];
	_ =	sdelay $0x3  }
0x33: {  	p0 =	seq.s32 s10, $0x1;
	s10 =	sld [smem:$0x3FB1];
	_ =	sdelay $0x3  }
0x34: {  	[smem:$0x3FB1] =	sst s10  }
0x35: {  	s10 =	sld [smem:$0x3FB0];
	_ =	sdelay $0x3  }
0x36: {  	p1 =	seq.s32 s10, $0x1;
	s10 =	sld [smem:$0x3FB1];
	_ =	sdelay $0x3  }
0x37: {  	[smem:$0x3FB1] =	sst s10  }
0x38: {  	s10 =	sld [smem:$0x3FB2]  }
0x39: {  	_ = 	snop;
	(pc) =	sbr.ind lr, $3  }
0x3a: {  	_ = 	snop  }
0x3b: {  	_ = 	snop  }
0x3c: {  	p2 =	seq.s32 s10, $0x1;
	s10 =	sld [smem:$0x3FB1]  }
0x3d: {  	_ =	shalt  }
0x3e: {  	_ =	shalt  }
0x3f: {  	_ =	shalt  }
0x40: {  	_ =	shalt  }
0x41: {  	_ =	shalt  }
0x42: {  	_ =	shalt  }
0x43: {  	_ =	shalt  }
0x44: {  	_ =	shalt  }
0x45: {  	_ =	shalt  }
0x46: {  	_ =	shalt  }
0x47: {  	_ =	shalt  }
0x48: {  	_ =	shalt  }
0x49: {  	_ =	shalt  }
0x4a: {  	_ =	shalt  }
0x4b: {  	_ =	shalt  }
0x4c: {  	_ =	shalt  }
0x4d: {  	_ =	shalt  }
0x4e: {  	_ =	shalt  }
0x4f: {  	_ =	shalt  }
0x50: {  	_ =	shalt  }
0x51: {  	_ =	shalt  }
0x52: {  	_ =	shalt  }
0x53: {  	_ =	shalt  }
0x54: {  	_ =	shalt  }
0x55: {  	_ =	shalt  }
0x56: {  	_ =	shalt  }
0x57: {  	_ =	shalt  }
0x58: {  	_ =	shalt  }
0x59: {  	_ =	shalt  }
0x5a: {  	_ =	shalt  }
0x5b: {  	_ =	shalt  }
0x5c: {  	_ =	shalt  }
0x5d: {  	_ =	shalt  }
0x5e: {  	_ =	shalt  }
0x5f: {  	_ =	shalt  }
0x60: {  	_ =	shalt  }
0x61: {  	_ =	shalt  }
0x62: {  	_ =	shalt  }
0x63: {  	_ =	shalt  }
0x64: {  	_ =	shalt  }
0x65: {  	_ =	shalt  }
0x66: {  	_ =	shalt  }
0x67: {  	_ =	shalt  }
0x68: {  	_ =	shalt  }
0x69: {  	_ =	shalt  }
0x6a: {  	_ =	shalt  }
0x6b: {  	_ =	shalt  }
0x6c: {  	_ =	shalt  }
0x6d: {  	_ =	shalt  }
0x6e: {  	_ =	shalt  }
0x6f: {  	_ =	shalt  }
0x70: {  	_ =	shalt  }
0x71: {  	_ =	shalt  }
0x72: {  	_ =	shalt  }
0x73: {  	_ =	shalt  }
0x74: {  	_ =	shalt  }
0x75: {  	_ =	shalt  }
0x76: {  	_ =	shalt  }
0x77: {  	_ =	shalt  }
0x78: {  	_ =	shalt  }
0x79: {  	_ =	shalt  }
0x7a: {  	_ =	shalt  }
0x7b: {  	_ =	shalt  }
0x7c: {  	_ =	shalt  }
0x7d: {  	_ =	shalt  }
0x7e: {  	_ =	shalt  }
0x7f: {  	_ =	shalt  }
0x80: {  	_ =	shalt  }
0x81: {  	_ =	shalt  }
0x82: {  	_ =	shalt  }
0x83: {  	_ =	shalt  }
0x84: {  	_ =	shalt  }
0x85: {  	_ =	shalt  }
0x86: {  	_ =	shalt  }
0x87: {  	_ =	shalt  }
.Lfunc_end0:
.L_simem_size_0:
called_computation_lowered:
.L_overlay_start_0:
0x88: {  	s2 =	sld [smem:$0x3FD9]  }
0x89: {  	s3 =	sld [smem:$0x3FFE];
	_ =	sdelay $0x1  }
0x8a: {  	s1 =	srdreg.scid  }
0x8b: {  	s0 =	sand.u32 $0x1, s1  }
0x8c: {  	s17 =	sshll.u32 s0, $0xA;
	s2 =	sadd.s32 s3, s2  }
0x8d: {  	s2 =	sadd.s32 s2, s17  }
0x8e: {  	[smem:$0x3FBD] =	sst s2  }
0x8f: {  	_ = 	snop  }
0x90: {  	s2 =	sld [smem:$0x3FD0];
	(tm) =	ssettm $0x1  }
0x91: {  	s18 =	sld [smem:$0x3FFB];
	_ =	sdelay $0x3  }
0x92: {  	_ =	strace s18  }
0x93: {  	s3 =	sld [smem:$0x3FFC];
	_ =	sdelay $0x3  }
0x94: {  	_ =	strace s3  }
0x95: {  	s3 =	sld [smem:$0x3FFD];
	_ =	sdelay $0x3  }
0x96: {  	_ =	strace s3  }
0x97: {  	_ =	strace $0x8FFFFFFF  }
0x98: {  	s19 =	sld [smem:$0x3FDB];
	_ =	sdelay $0x1  }
0x99: {  	s4 =	simm.s32 $_scs_section_size  }
0x9a: {  	s5 =	simm.s32 $_size__tile_overlayer_lowered;
	s6 =	simm.s32 $_tile_overlayer_lowered  }
0x9b: {  	s22 =	simm.s32 $0x1BFF;
	s21 =	sshll.u32 s6, $0x1;
	s3 =	sadd.s32 s4, s19  }
0x9c: {  	s7 =	simm.s32 $0x0;
	s20 =	sshll.u32 s5, $0x1;
	s5 =	sadd.s32 s21, s3  }
0x9d: {  	[timem:s7], [sflag:s22] =	dma.local [hbm:s5], s20  }
0x9e: {  	_ =	swait.ge [sflag:s22], s20  }
0x9f: {  	s4 =	ssub.s32 $0x0, s20;
	[sflag:s22] =	ssyncset.done $0x0  }
0xa0: {  	[sflag:s22] =	ssyncadd.s32 s4;
	_ =	sdelay $0x1  }
0xa1: {  	s23 =	simm.s32 $0x1B8B  }
0xa2: {  	_ =	swait.ge [sflag:s23], $0x1  }
0xa3: {  	[sflag:s23] =	ssyncset.done $0x0  }
0xa4: {  	s25 =	simm.s32 $0x1B8E;
	s24 =	sld [smem:$0x3FFE];
	[sflag:s23] =	ssyncadd.s32 $0xFFFFFFFF  }
0xa5: {  	s26 =	simm.s32 $execute0_lowered;
	[smem:$0x3FD2] =	sst s25  }
0xa6: {  	s5 =	sshll.u32 s26, $0x1;
	_ =	strace $0x80000046;
	[dreg:$0x1] =	wrdreg $0xFFFFFFFF  }
0xa7: {  	s28 =	simm.s32 $_size_execute0_lowered;
	s3 =	sadd.s32 s3, s5;
	[dreg:$0x0] =	wrdreg $0x0  }
0xa8: {  	s5 =	sshll.u32 s28, $0x1;
	[dreg:$0x2] =	wrdreg s3  }
0xa9: {  	[dreg:$0x3] =	wrdreg s5  }
0xaa: {  	[dreg:$0x4] =	wrdreg $0xC0  }
0xab: {  	_ =	task [dreg:s7], $0x5FFFF  }
0xac: {  	[dreg:$0x1] =	wrdreg $0xFFFFFFFF  }
0xad: {  	[dreg:$0x0] =	wrdreg $0x60  }
0xae: {  	[dreg:$0x2] =	wrdreg s24  }
0xaf: {  	[dreg:$0x3] =	wrdreg s2  }
0xb0: {  	[dreg:$0x4] =	wrdreg $0x9  }
0xb1: {  	_ =	task.clear_ibuf [dreg:s7], $0x5FFFF;
	_ =	strace $0x90000046  }
0xb2: {  	s29 =	simm.s32 $0x9;
	_ =	strace $0x80000048  }
0xb3: {  	_ =	swait.ge [sflag:s29], $0x1  }
0xb4: {  	[sflag:s29] =	ssyncadd.s32 $0xFFFFFFFF  }
0xb5: {  	_ =	strace $0x90000048  }
0xb6: {  	_ =	sfence  }
0xb7: {  	s30 =	sld [smem:$0x0];
	_ =	sdelay $0x2  }
0xb8: {  	s31 =	sshll.u32 s1, $0xD;
	s1 =	sshrl.u32 s1, $0x2  }
0xb9: {  	s3 =	sand.u32 $0x4000, s31;
	s1 =	sadd.s32 s1, s30  }
0xba: {  	s0 =	sor.u32 s3, s0;
	s1 =	sshll.u32 s1, $0x11  }
0xbb: {  	s0 =	sor.u32 s1, s0  }
0xbc: {  	s0 =	sadd.s32 $0x8F2B, s0  }
0xbd: {  	[sflag:s0] =	ssyncadd.remote.s32 $0x1  }
0xbe: {  	_ =	sfence.sel $0xFFFF  }
0xbf: {  	[dreg:$0x0] =	wrdreg $0xFFFFFFFF;
	(pc) =	sbr.abs _section_cstart, $3  }
0xc0: {  	[dreg:$0x1] =	wrdreg $0xFFFFFFFF  }
0xc1: {  	_ =	task.clear_ibuf [dreg:s7], $0x2FFFF;
	_ =	strace $0x9FFFFFFF  }
0xc2: {  	(tm) =	ssettm $0x7FFFFFFF  }
0xc3: {  	_ =	shalt  }
tec
execute0_lowered:
.L_overlay_start_1:
0x0: {  	(tag) =	ssettag $0x1  }
0x1: {  	s0 =	rddreg [dreg:$0x0];
	s1 =	simm.s32 $0x0  }
0x2: {  	[smem:$0x7FF] =	sst s1;
	s7 =	sadd.s32 $0x58400, s0;
	s8 =	sadd.s32 $0x104400, s0  }
0x3: {  	s9 =	sadd.s32 $0x159400, s0;
	s10 =	sadd.s32 $0x1AE400, s0  }
0x4: {  	s5 =	sadd.s32 $0x3400, s0;
	s11 =	sadd.s32 $0x203400, s0;
	s0 =	sadd.s32 $0x258400, s0  }
0x5: {  	_ =	strace $0x80000047;
	[dreg:$0xb] =	wrdreg s0  }
0x6: {  	s3 =	stileid.u32;
	[dreg:$0x4] =	wrdreg s5  }
0x7: {  	s16 =	srdreg.scid;
	s2 =	sshll.u32 s3, $0x1;
	[dreg:$0x6] =	wrdreg s7  }
0x8: {  	s1 =	sand.u32 $0x1, s16;
	s3 =	sshrl.u32 s3, $0x2;
	[dreg:$0x7] =	wrdreg s8  }
0x9: {  	s2 =	sand.u32 $0x6, s2;
	s6 =	smul.u32 $0xAA000, s3;
	[dreg:$0x8] =	wrdreg s9  }
0xa: {  	[dreg:$0x9] =	wrdreg s10;
	s30 =	smul.u32 $0x154000, s3;
	s2 =	sor.u32 s1, s2  }
0xb: {  	[dreg:$0xa] =	wrdreg s11;
	s1 =	ssub.s32 $0x2, s1;
	s4 =	smul.u32 $0x15400, s2  }
0xc: {  	[dreg:$0x5] =	wrdreg s6;
	s17 =	sshrl.u32 s1, $0x1;
	s2 =	smul.u32 $0x2A8, s2  }
0xd: {  	[dreg:$0x19] =	wrdreg s30;
	s0 =	ssub.s32 s1, s17  }
0xe: {  	s4 =	sadd.s32 s6, s4;
	s0 =	smax.u32 s0, $0x1;
	[dreg:$0xc] =	wrdreg s2  }
0xf: {  	s31 =	sadd.s32 $0x28, s2;
	s4 =	sshrl.u32 s4, $0x3;
	[dreg:$0x1a] =	wrdreg s0  }
0x10: {  	[dreg:$0x1b] =	wrdreg s31;
	s18 =	sadd.s32 s5, s4  }
0x11: {  	s19 =	sadd.s32 s7, s4;
	[dreg:$0xd] =	wrdreg s18  }
0x12: {  	s20 =	sadd.s32 s8, s4;
	[dreg:$0xe] =	wrdreg s19  }
0x13: {  	s21 =	sadd.s32 s9, s4;
	[dreg:$0xf] =	wrdreg s20  }
0x14: {  	s22 =	sadd.s32 s10, s4;
	[dreg:$0x10] =	wrdreg s21  }
0x15: {  	s23 =	sadd.s32 s11, s4;
	s24 =	sadd.s32 $0x140, s4;
	[dreg:$0x11] =	wrdreg s22  }
0x16: {  	[dreg:$0x12] =	wrdreg s23;
	s4 =	sadd.s32 s5, s24  }
0x17: {  	s25 =	sadd.s32 s7, s24;
	[dreg:$0x13] =	wrdreg s4  }
0x18: {  	s26 =	sadd.s32 s8, s24;
	[dreg:$0x14] =	wrdreg s25  }
0x19: {  	s28 =	sadd.s32 s9, s24;
	[dreg:$0x15] =	wrdreg s26  }
0x1a: {  	s29 =	sadd.s32 s10, s24;
	[dreg:$0x16] =	wrdreg s28  }
0x1b: {  	s1 =	sadd.s32 s11, s24;
	[dreg:$0x17] =	wrdreg s29  }
0x1c: {  	[dreg:$0x18] =	wrdreg s1;
	s1 =	simm.s32 $0x0  }
.LBB2_1:
0x1d: {  	[dreg:$0x1c] =	wrdreg s1  }
0x1e: {  	s1 =	simm.s32 $0x0;
	s0 =	rddreg [dreg:$0xd]  }
0x1f: {  	[tilespmem:s1], [sflag:$0x1] =	stream.linear.gather [hbm4b:s0+s1], $0xA00, $0x38;
	[tilespmem:$0x1A000] =	vst v63  }
0x20: {  	s25 =	rddreg [dreg:$0xe];
	s2 =	simm.s32 $0xA00  }
0x21: {  	[tilespmem:s2], [sflag:$0x1] =	stream.linear.gather [hbm4b:s25+s1], $0xA00, $0x38;
	[tilespmem:$0x1A000] =	vst v63  }
0x22: {  	s26 =	rddreg [dreg:$0xf];
	s3 =	simm.s32 $0x2800  }
0x23: {  	[tilespmem:s3], [sflag:$0x1] =	stream.linear.gather [hbm4b:s26+s1], $0xA00, $0x38;
	[tilespmem:$0x1A000] =	vst v63  }
0x24: {  	s28 =	rddreg [dreg:$0x10];
	s29 =	simm.s32 $0x3200  }
0x25: {  	[tilespmem:s29], [sflag:$0x1] =	stream.linear.gather [hbm4b:s28+s1], $0xA00, $0x38;
	[tilespmem:$0x1A000] =	vst v63  }
0x26: {  	s30 =	rddreg [dreg:$0x11];
	s31 =	simm.s32 $0x3C00  }
0x27: {  	[tilespmem:s31], [sflag:$0x1] =	stream.linear.gather [hbm4b:s30+s1], $0xA00, $0x38;
	[tilespmem:$0x1A000] =	vst v63  }
0x28: {  	s4 =	rddreg [dreg:$0x12];
	s5 =	simm.s32 $0x4600;
	s6 =	simm.s32 $0x1  }
0x29: {  	[tilespmem:s5], [sflag:$0x1] =	stream.linear.gather [hbm4b:s4+s1], $0xA00, $0x38;
	[tilespmem:$0x1A000] =	vst v63  }
0x2a: {  	_ =	swait.ge [sflag:s6], $0xA00  }
0x2b: {  	[sflag:s6] =	ssyncset.done $0x0  }
0x2c: {  	[sflag:s6] =	ssyncadd.s32 $0xFFFFF600  }
0x2d: {  	_ =	swait.ge [sflag:s6], $0xA00  }
0x2e: {  	[sflag:s6] =	ssyncset.done $0x0  }
0x2f: {  	[sflag:s6] =	ssyncadd.s32 $0xFFFFF600  }
0x30: {  	_ =	swait.ge [sflag:s6], $0xA00  }
0x31: {  	[sflag:s6] =	ssyncset.done $0x0  }
0x32: {  	[sflag:s6] =	ssyncadd.s32 $0xFFFFF600  }
0x33: {  	_ =	swait.ge [sflag:s6], $0xA00  }
0x34: {  	[sflag:s6] =	ssyncset.done $0x0  }
0x35: {  	[sflag:s6] =	ssyncadd.s32 $0xFFFFF600  }
0x36: {  	_ =	swait.ge [sflag:s6], $0xA00  }
0x37: {  	[sflag:s6] =	ssyncset.done $0x0  }
0x38: {  	[sflag:s6] =	ssyncadd.s32 $0xFFFFF600  }
0x39: {  	_ =	swait.ge [sflag:s6], $0xA00  }
0x3a: {  	[sflag:s6] =	ssyncset.done $0x0  }
0x3b: {  	[sflag:s6] =	ssyncadd.s32 $0xFFFFF600  }
0x3c: {  	s7 =	simm.s32 $0x80;
	s4 =	simm.s32 $0x7800;
	s0 =	rddreg [dreg:$0x1]  }
0x3d: {  	[tilespmem:s4], [sflag:$0x2] =	stream.indirect.gather [hbm4b:s0+s7], $0x20, s1, s7, $0xb8;
	[tilespmem:$0x1A000] =	vst v63  }
0x3e: {  	s8 =	simm.s32 $0x8800  }
0x3f: {  	[tilespmem:s8], [sflag:$0x2] =	stream.indirect.gather [hbm4b:s0+s7], $0x20, s7, s7, $0xb8;
	[tilespmem:$0x1A000] =	vst v63  }
0x40: {  	s9 =	simm.s32 $0x100;
	s5 =	simm.s32 $0x9800  }
0x41: {  	[tilespmem:s5], [sflag:$0x2] =	stream.indirect.gather [hbm4b:s0+s7], $0x20, s9, s7, $0xb8;
	[tilespmem:$0x1A000] =	vst v63  }
0x42: {  	s10 =	simm.s32 $0x180;
	s11 =	simm.s32 $0xA800  }
0x43: {  	[tilespmem:s11], [sflag:$0x2] =	stream.indirect.gather [hbm4b:s0+s7], $0x20, s10, s7, $0xb8;
	[tilespmem:$0x1A000] =	vst v63  }
0x44: {  	s12 =	simm.s32 $0xB800  }
0x45: {  	[tilespmem:s12], [sflag:$0x2] =	stream.indirect.gather [hbm4b:s0+s7], $0x20, s2, s7, $0xb8;
	[tilespmem:$0x1A000] =	vst v63  }
0x46: {  	s13 =	simm.s32 $0xA80;
	s14 =	simm.s32 $0xC800  }
0x47: {  	[tilespmem:s14], [sflag:$0x2] =	stream.indirect.gather [hbm4b:s0+s7], $0x20, s13, s7, $0xb8;
	[tilespmem:$0x1A000] =	vst v63  }
0x48: {  	s15 =	simm.s32 $0xB00;
	s16 =	simm.s32 $0xD800  }
0x49: {  	[tilespmem:s16], [sflag:$0x2] =	stream.indirect.gather [hbm4b:s0+s7], $0x20, s15, s7, $0xb8;
	[tilespmem:$0x1A000] =	vst v63  }
0x4a: {  	s17 =	simm.s32 $0xB80;
	s18 =	simm.s32 $0xE800  }
0x4b: {  	[tilespmem:s18], [sflag:$0x2] =	stream.indirect.gather [hbm4b:s0+s7], $0x20, s17, s7, $0xb8;
	[tilespmem:$0x1A000] =	vst v63  }
0x4c: {  	s20 =	simm.s32 $0x1400;
	s19 =	rddreg [dreg:$0x13]  }
0x4d: {  	[tilespmem:s20], [sflag:$0x1] =	stream.linear.gather [hbm4b:s19+s1], $0xA00, $0x38;
	[tilespmem:$0x1A000] =	vst v63  }
0x4e: {  	s22 =	simm.s32 $0x1E00;
	s21 =	rddreg [dreg:$0x14]  }
0x4f: {  	[tilespmem:s22], [sflag:$0x1] =	stream.linear.gather [hbm4b:s21+s1], $0xA00, $0x38;
	[tilespmem:$0x1A000] =	vst v63  }
0x50: {  	s24 =	simm.s32 $0x5000;
	s23 =	rddreg [dreg:$0x15]  }
0x51: {  	[tilespmem:s24], [sflag:$0x1] =	stream.linear.gather [hbm4b:s23+s1], $0xA00, $0x38;
	[tilespmem:$0x1A000] =	vst v63  }
0x52: {  	s26 =	simm.s32 $0x5A00;
	s25 =	rddreg [dreg:$0x16]  }
0x53: {  	[tilespmem:s26], [sflag:$0x1] =	stream.linear.gather [hbm4b:s25+s1], $0xA00, $0x38;
	[tilespmem:$0x1A000] =	vst v63  }
0x54: {  	s29 =	simm.s32 $0x6400;
	s28 =	rddreg [dreg:$0x17]  }
0x55: {  	[tilespmem:s29], [sflag:$0x1] =	stream.linear.gather [hbm4b:s28+s1], $0xA00, $0x38;
	[tilespmem:$0x1A000] =	vst v63  }
0x56: {  	s31 =	simm.s32 $0x6E00;
	s30 =	rddreg [dreg:$0x18];
	s0 =	simm.s32 $0x0  }
0x57: {  	[tilespmem:s31], [sflag:$0x1] =	stream.linear.gather [hbm4b:s30+s1], $0xA00, $0x38;
	[tilespmem:$0x1A000] =	vst v63  }
.LBB2_2:
0x58: {  	s14 =	sand.u32 $0x1, s0  }
0x59: {  	s1 =	sor.u32 $0x2, s14  }
0x5a: {  	_ =	swait.ge [sflag:s1], $0x1000  }
0x5b: {  	[sflag:s1] =	ssyncset.done $0x0  }
0x5c: {  	[sflag:s1] =	ssyncadd.s32 $0xFFFFF000  }
0x5d: {  	_ =	swait.ge [sflag:s1], $0x1000  }
0x5e: {  	[sflag:s1] =	ssyncset.done $0x0  }
0x5f: {  	[sflag:s1] =	ssyncadd.s32 $0xFFFFF000  }
0x60: {  	_ =	swait.ge [sflag:s1], $0x1000  }
0x61: {  	[sflag:s1] =	ssyncset.done $0x0  }
0x62: {  	[sflag:s1] =	ssyncadd.s32 $0xFFFFF000  }
0x63: {  	_ =	swait.ge [sflag:s1], $0x1000  }
0x64: {  	[sflag:s1] =	ssyncset.done $0x0  }
0x65: {  	[sflag:s1] =	ssyncadd.s32 $0xFFFFF000  }
0x66: {  	s13 =	sadd.s32 $0x1, s0;
	p0 =	seq.s32 s0, $0xA9;
	_ =	swait.ge [sflag:s1], $0x1000  }
0x67: {  	s2 =	sand.u32 @!p0 $0xFF, s13;
	[sflag:s1] =	ssyncset.done $0x0  }
0x68: {  	s2 =	smul.u32 @!p0 $0xCD, s2;
	[sflag:s1] =	ssyncadd.s32 $0xFFFFF000  }
0x69: {  	_ =	swait.ge [sflag:s1], $0x1000  }
0x6a: {  	s2 =	sshrl.u32 @!p0 s2, $0xA;
	[sflag:s1] =	ssyncset.done $0x0  }
0x6b: {  	s3 =	smul.u32 @!p0 $0x5, s2;
	[sflag:s1] =	ssyncadd.s32 $0xFFFFF000  }
0x6c: {  	_ =	swait.ge [sflag:s1], $0x1000  }
0x6d: {  	s3 =	ssub.s32 @!p0 s13, s3;
	[sflag:s1] =	ssyncset.done $0x0  }
0x6e: {  	s3 =	sand.u32 @!p0 $0xFF, s3;
	[sflag:s1] =	ssyncadd.s32 $0xFFFFF000  }
0x6f: {  	p1 =	sne.s32 @!p0 s3, $0x0;
	_ =	swait.ge [sflag:s1], $0x1000  }
0x70: {  	p1 =	por p1, p0;
	[sflag:s1] =	ssyncset.done $0x0  }
0x71: {  	[sflag:s1] =	ssyncadd.s32 $0xFFFFF000;
	s1 =	simm.s32 @!p1 $0x1  }
0x72: {  	_ =	swait.ge @!p1 [sflag:s1], $0xA00  }
0x73: {  	[sflag:s1] =	ssyncset.done @!p1 $0x0  }
0x74: {  	[sflag:s1] =	ssyncadd.s32 @!p1 $0xFFFFF600  }
0x75: {  	_ =	swait.ge @!p1 [sflag:s1], $0xA00  }
0x76: {  	[sflag:s1] =	ssyncset.done @!p1 $0x0  }
0x77: {  	[sflag:s1] =	ssyncadd.s32 @!p1 $0xFFFFF600  }
0x78: {  	_ =	swait.ge @!p1 [sflag:s1], $0xA00  }
0x79: {  	[sflag:s1] =	ssyncset.done @!p1 $0x0  }
0x7a: {  	[sflag:s1] =	ssyncadd.s32 @!p1 $0xFFFFF600  }
0x7b: {  	_ =	swait.ge @!p1 [sflag:s1], $0xA00  }
0x7c: {  	[sflag:s1] =	ssyncset.done @!p1 $0x0  }
0x7d: {  	[sflag:s1] =	ssyncadd.s32 @!p1 $0xFFFFF600  }
0x7e: {  	_ =	swait.ge @!p1 [sflag:s1], $0xA00  }
0x7f: {  	[sflag:s1] =	ssyncset.done @!p1 $0x0  }
0x80: {  	[sflag:s1] =	ssyncadd.s32 @!p1 $0xFFFFF600  }
0x81: {  	_ =	swait.ge @!p1 [sflag:s1], $0xA00  }
0x82: {  	s4 =	simm.s32 @!p0 $0x1400;
	s2 =	sand.u32 @!p0 $0x1, s2;
	[sflag:s1] =	ssyncset.done @!p1 $0x0  }
0x83: {  	[sflag:s1] =	ssyncadd.s32 @!p1 $0xFFFFF600;
	s1 =	sand.u32 @!p0 $0x1, s13;
	p1 =	seq.s32 @!p0 s2, $0x1  }
0x84: {  	s3 =	sshll.u32 @!p0 s3, $0x9;
	s2 =	sshll.u32 @!p0 s1, $0xF;
	p1 =	por !p1, p0  }
0x85: {  	s1 =	sor.u32 @!p0 $0x2, s1;
	s9 =	rddreg [dreg:$0x1];
	s4 =	simm.s32 @p1 $0x0  }
0x86: {  	s5 =	sor.u32 @!p0 $0x7800, s2;
	s3 =	sadd.s32 @!p0 s3, s4;
	s4 =	simm.s32 @!p0 $0x80  }
0x87: {  	[tilespmem:s5], [sflag:s1] =	stream.indirect.gather @!p0 [hbm4b:s9+s4], $0x20, s3, s4, $0xb8;
	[tilespmem:$0x1A000] =	vst v63  }
0x88: {  	s5 =	sadd.s32 @!p0 $0x8800, s2;
	s6 =	sor.u32 @!p0 $0x80, s3  }
0x89: {  	[tilespmem:s5], [sflag:s1] =	stream.indirect.gather @!p0 [hbm4b:s9+s4], $0x20, s6, s4, $0xb8;
	[tilespmem:$0x1A000] =	vst v63  }
0x8a: {  	s24 =	smul.u32 $0xCD, s0;
	s5 =	sadd.s32 @!p0 $0x9800, s2;
	s6 =	sor.u32 @!p0 $0x100, s3  }
0x8b: {  	[tilespmem:s5], [sflag:s1] =	stream.indirect.gather @!p0 [hbm4b:s9+s4], $0x20, s6, s4, $0xb8;
	[tilespmem:$0x1A000] =	vst v63  }
0x8c: {  	s5 =	sshrl.u32 s24, $0xA  }
0x8d: {  	s7 =	sor.u32 @!p0 $0x180, s3;
	s6 =	sadd.s32 @!p0 $0xA800, s2;
	s8 =	sand.u32 $0x3F, s5  }
0x8e: {  	[tilespmem:s6], [sflag:s1] =	stream.indirect.gather @!p0 [hbm4b:s9+s4], $0x20, s7, s4, $0xb8;
	[tilespmem:$0x1A000] =	vst v63  }
0x8f: {  	s22 =	simm.s32 $0x0;
	s5 =	sand.u32 $0x1, s5;
	s25 =	smul.u32 $0x5, s8  }
0x90: {  	s6 =	sadd.s32 @!p0 $0xB800, s2;
	s7 =	sadd.s32 @!p0 $0xA00, s3;
	s28 =	smul.u32 $0xA000, s5  }
0x91: {  	[dreg:$0x1e] =	wrdreg s8;
	s8 =	sadd.s32 @!p0 $0xB00, s3;
	s30 =	smul.u32 $0x5000, s5  }
0x92: {  	[tilespmem:s6], [sflag:s1] =	stream.indirect.gather @!p0 [hbm4b:s9+s4], $0x20, s7, s4, $0xb8;
	[tilespmem:$0x1A000] =	vst v63  }
0x93: {  	s6 =	sadd.s32 @!p0 $0xC800, s2;
	s7 =	sadd.s32 @!p0 $0xA80, s3;
	s3 =	sadd.s32 @!p0 $0xB80, s3  }
0x94: {  	[tilespmem:s6], [sflag:s1] =	stream.indirect.gather @!p0 [hbm4b:s9+s4], $0x20, s7, s4, $0xb8;
	[tilespmem:$0x1A000] =	vst v63  }
0x95: {  	s26 =	ssub.s32 s0, s25;
	[dreg:$0x1d] =	wrdreg s30;
	s7 =	sadd.s32 @!p0 $0xD800, s2  }
0x96: {  	[tilespmem:s7], [sflag:s1] =	stream.indirect.gather @!p0 [hbm4b:s9+s4], $0x20, s8, s4, $0xb8;
	[tilespmem:$0x1A000] =	vst v63  }
0x97: {  	s31 =	sshrl.u32 s30, $0x2;
	[dreg:$0x1f] =	wrdreg s26;
	s2 =	sadd.s32 @!p0 $0xE800, s2  }
0x98: {  	[tilespmem:s2], [sflag:s1] =	stream.indirect.gather @!p0 [hbm4b:s9+s4], $0x20, s3, s4, $0xb8;
	[tilespmem:$0x1A000] =	vst v63  }
0x99: {  	s21 =	sadd.s32 $0x17800, s31;
	s2 =	sshll.u32 s26, $0x2;
	s1 =	sshrl.u32 s28, $0x2  }
0x9a: {  	s2 =	sand.u32 $0xFC, s2;
	s17 =	sadd.s32 $0x2800, s1;
	s29 =	sadd.s32 $0x3200, s1  }
0x9b: {  	s15 =	sadd.s32 $0x3C00, s1;
	s16 =	sor.u32 $0x4600, s1;
	[dreg:$0x3] =	wrdreg s2  }
.LBB2_3:
0x9c: {  	s1 =	rddreg [dreg:$0x3];
	s2 =	sshrl.u32 s22, $0x3  }
0x9d: {  	s24 =	sor.u32 s1, s2  }
0x9e: {  	s23 =	sand.u32 $0x7, s22;
	s5 =	sshll.u32 s14, $0xF;
	s8 =	sshll.u32 s24, $0x7  }
0x9f: {  	s4 =	sshll.u32 s2, $0xE;
	s10 =	sshll.u32 s23, $0x4;
	s3 =	sadd.s32 s8, s17  }
0xa0: {  	s1 =	sshra.s32 s4, $0x2;
	s7 =	sadd.s32 s8, s29;
	s6 =	sadd.s32 s10, s3  }
0xa1: {  	s2 =	sadd.s32 s5, s1;
	s1 =	sadd.s32 s10, s7;
	v1 =	vld [tilespmem:s6+$0x0]  }
0xa2: {  	v0 =	vld [tilespmem:s1+$0x0];
	_ =	sdelay $0x1  }
0xa3: {  	s18 =	sshll.u32 s23, $0x9;
	s20 =	sadd.s32 $0x7800, s2  }
0xa4: {  	s9 =	sadd.s32 s18, s20  }
0xa5: {  	s30 =	sor.u32 $0x20, s18;
	v2 =	vld [tilespmem:s9+$0x0];
	v4 =	vbroadcast v1, $0x0  }
0xa6: {  	s11 =	sadd.s32 s30, s20;
	v3 =	vld [tilespmem:s9+$0x10];
	v7 =	vbroadcast v0, $0x0;
	v9 =	vbroadcast v1, $0x1  }
0xa7: {  	s26 =	sor.u32 $0x40, s18;
	v6 =	vld [tilespmem:s11+$0x0];
	v10 =	vbroadcast v0, $0x1;
	v36 =	vbroadcast v1, $0x2  }
0xa8: {  	s12 =	sadd.s32 s26, s20;
	v31 =	vld [tilespmem:s11+$0x10];
	v39 =	vbroadcast v0, $0x2;
	v43 =	vbroadcast v1, $0x3  }
0xa9: {  	s31 =	sor.u32 $0x60, s18;
	v33 =	vld [tilespmem:s12+$0x0];
	v47 =	vbroadcast v0, $0x3;
	v51 =	vbroadcast v1, $0x4  }
0xaa: {  	s19 =	sadd.s32 s31, s20;
	v35 =	vld [tilespmem:s12+$0x10];
	v55 =	vbroadcast v0, $0x4;
	v59 =	vbroadcast v1, $0x5  }
0xab: {  	s3 =	sor.u32 $0x80, s18;
	v38 =	vld [tilespmem:s19+$0x0];
	v63 =	vbroadcast v0, $0x5;
	v15 =	vbroadcast v1, $0x6  }
0xac: {  	s25 =	sadd.s32 s3, s20;
	v41 =	vld [tilespmem:s19+$0x10];
	v19 =	vbroadcast v0, $0x6;
	v23 =	vbroadcast v1, $0x7  }
0xad: {  	s1 =	sor.u32 $0xA0, s18;
	v46 =	vld [tilespmem:s25+$0x0];
	v27 =	vbroadcast v0, $0x7;
	v5 =	vshll.u32 v2, $0x10;
	v2 =	vand.u32 $0xFFFF0000, v2  }
0xae: {  	v49 =	vld [tilespmem:s25+$0x10];
	s4 =	sadd.s32 s1, s20;
	v8 =	vshll.u32 v3, $0x10;
	v3 =	vand.u32 $0xFFFF0000, v3;
	v32 =	vshll.u32 v6, $0x10  }
0xaf: {  	v54 =	vld [tilespmem:s4+$0x0];
	v6 =	vand.u32 $0xFFFF0000, v6;
	v34 =	vshll.u32 v31, $0x10;
	v37 =	vshll.u32 v33, $0x10  }
0xb0: {  	v57 =	vld [tilespmem:s4+$0x10];
	s4 =	sor.u32 $0xC0, s18;
	v40 =	vshll.u32 v35, $0x10;
	v42 =	vand.u32 $0xFFFF0000, v35;
	v45 =	vshll.u32 v38, $0x10  }
0xb1: {  	s5 =	sadd.s32 s4, s20;
	v48 =	vshll.u32 v41, $0x10;
	v50 =	vand.u32 $0xFFFF0000, v41;
	v35 =	vbroadcast v0, $0x8  }
0xb2: {  	v62 =	vld [tilespmem:s5+$0x0];
	v53 =	vshll.u32 v46, $0x10;
	v5 =	vmul.f32 v5, v4;
	v2 =	vmul.f32 v2, v4  }
0xb3: {  	v13 =	vld [tilespmem:s5+$0x10];
	s5 =	sor.u32 $0xE0, s18;
	v56 =	vshll.u32 v49, $0x10;
	v8 =	vmul.f32 v8, v7;
	v3 =	vmul.f32 v3, v7  }
0xb4: {  	s6 =	sadd.s32 s5, s20;
	v58 =	vand.u32 $0xFFFF0000, v49;
	v7 =	vmul.f32 v32, v9;
	v6 =	vmul.f32 v6, v9  }
0xb5: {  	v18 =	vld [tilespmem:s6+$0x0];
	v4 =	vand.u32 $0xFFFF0000, v31;
	v44 =	vmul.f32 v42, v39;
	v52 =	vmul.f32 v50, v47  }
0xb6: {  	v21 =	vld [tilespmem:s6+$0x10];
	s6 =	sor.u32 $0x100, s18;
	v9 =	vand.u32 $0xFFFF0000, v46;
	v60 =	vmul.f32 v58, v55;
	v61 =	vshll.u32 v54, $0x10  }
0xb7: {  	v12 =	vshll.u32 v57, $0x10;
	v14 =	vand.u32 $0xFFFF0000, v57;
	s7 =	sadd.s32 s6, s20;
	v31 =	vbroadcast v1, $0x8  }
0xb8: {  	s25 =	sor.u32 $0x1A0, s18;
	v4 =	vmul.f32 v4, v10;
	v16 =	vmul.f32 v14, v63;
	v26 =	vld [tilespmem:s7+$0x0];
	v5 =	vadd.f32 $0.0e+00, v5  }
0xb9: {  	s28 =	sadd.s32 s25, s20;
	v29 =	vld [tilespmem:s7+$0x10];
	v2 =	vadd.f32 $0.0e+00, v2;
	v17 =	vshll.u32 v62, $0x10;
	v22 =	vand.u32 $0xFFFF0000, v13  }
0xba: {  	v14 =	vld [tilespmem:s28+$0x0];
	v20 =	vshll.u32 v13, $0x10;
	v24 =	vmul.f32 v22, v19;
	v5 =	vadd.f32 v8, v5  }
0xbb: {  	s7 =	sor.u32 $0x120, s18;
	v2 =	vadd.f32 v3, v2;
	v3 =	vmul.f32 v34, v10;
	v8 =	vand.u32 $0xFFFF0000, v33  }
0xbc: {  	s9 =	sadd.s32 s7, s20;
	v25 =	vshll.u32 v18, $0x10;
	v28 =	vshll.u32 v21, $0x10;
	v30 =	vand.u32 $0xFFFF0000, v21  }
0xbd: {  	v34 =	vld [tilespmem:s9+$0x0];
	v32 =	vmul.f32 v30, v27;
	v5 =	vadd.f32 v7, v5;
	v2 =	vadd.f32 v6, v2  }
0xbe: {  	v6 =	vmul.f32 v8, v36;
	v7 =	vand.u32 $0xFFFF0000, v38;
	v8 =	vand.u32 $0xFFFF0000, v54  }
0xbf: {  	v33 =	vshll.u32 v26, $0x10;
	v38 =	vand.u32 $0xFFFF0000, v29;
	v21 =	vshll.u32 v14, $0x10  }
0xc0: {  	v3 =	vadd.f32 v3, v5;
	v5 =	vmul.f32 v37, v36;
	v2 =	vadd.f32 v4, v2  }
0xc1: {  	v4 =	vmul.f32 v40, v39;
	v36 =	vshll.u32 v29, $0x10;
	v37 =	vld [tilespmem:s9+$0x10];
	s9 =	sor.u32 $0x140, s18;
	v39 =	vbroadcast v1, $0x9  }
0xc2: {  	v40 =	vmul.f32 v38, v35;
	s11 =	sadd.s32 s9, s20;
	v41 =	vshll.u32 v34, $0x10;
	v3 =	vadd.f32 v5, v3  }
0xc3: {  	v2 =	vadd.f32 v6, v2;
	v5 =	vmul.f32 v45, v43;
	v6 =	vmul.f32 v7, v43;
	v42 =	vld [tilespmem:s11+$0x0]  }
0xc4: {  	v7 =	vand.u32 $0xFFFF0000, v62;
	v43 =	vbroadcast v0, $0x9;
	v45 =	vld [tilespmem:s11+$0x10];
	s11 =	sor.u32 $0x160, s18;
	v3 =	vadd.f32 v4, v3  }
0xc5: {  	s12 =	sadd.s32 s11, s20;
	v2 =	vadd.f32 v44, v2;
	v4 =	vmul.f32 v48, v47;
	v47 =	vbroadcast v1, $0xA  }
0xc6: {  	v50 =	vld [tilespmem:s12+$0x0];
	v44 =	vshll.u32 v37, $0x10;
	v46 =	vand.u32 $0xFFFF0000, v37;
	v3 =	vadd.f32 v5, v3  }
0xc7: {  	v2 =	vadd.f32 v6, v2;
	v5 =	vmul.f32 v53, v51;
	v6 =	vmul.f32 v9, v51  }
0xc8: {  	v9 =	vand.u32 $0xFFFF0000, v18;
	v48 =	vmul.f32 v46, v43;
	v51 =	vbroadcast v0, $0xA  }
0xc9: {  	v53 =	vld [tilespmem:s12+$0x10];
	s12 =	sor.u32 $0x180, s18;
	v49 =	vshll.u32 v42, $0x10;
	v54 =	vand.u32 $0xFFFF0000, v45;
	v3 =	vadd.f32 v4, v3  }
0xca: {  	s19 =	sadd.s32 s12, s20;
	v2 =	vadd.f32 v52, v2;
	v4 =	vmul.f32 v56, v55;
	v52 =	vshll.u32 v45, $0x10  }
0xcb: {  	v55 =	vbroadcast v1, $0xB;
	v56 =	vmul.f32 v54, v51;
	v58 =	vld [tilespmem:s19+$0x0];
	v57 =	vshll.u32 v50, $0x10  }
0xcc: {  	v3 =	vadd.f32 v5, v3;
	v2 =	vadd.f32 v6, v2;
	v5 =	vmul.f32 v61, v59  }
0xcd: {  	v6 =	vmul.f32 v8, v59;
	v8 =	vand.u32 $0xFFFF0000, v26;
	v59 =	vbroadcast v0, $0xB;
	v61 =	vld [tilespmem:s19+$0x10]  }
0xce: {  	v62 =	vand.u32 $0xFFFF0000, v53;
	v3 =	vadd.f32 v4, v3;
	v2 =	vadd.f32 v60, v2  }
0xcf: {  	v4 =	vmul.f32 v12, v63;
	v60 =	vshll.u32 v53, $0x10;
	v63 =	vbroadcast v1, $0xC  }
0xd0: {  	v12 =	vmul.f32 v62, v59;
	v13 =	vshll.u32 v58, $0x10;
	v3 =	vadd.f32 v5, v3  }
0xd1: {  	v2 =	vadd.f32 v6, v2;
	v5 =	vmul.f32 v17, v15;
	v6 =	vmul.f32 v7, v15  }
0xd2: {  	v7 =	vand.u32 $0xFFFF0000, v34;
	v15 =	vbroadcast v0, $0xC;
	v17 =	vld [tilespmem:s28+$0x10];
	v18 =	vand.u32 $0xFFFF0000, v61  }
0xd3: {  	s28 =	sor.u32 $0x1C0, s18;
	v3 =	vadd.f32 v4, v3;
	v2 =	vadd.f32 v16, v2;
	v4 =	vmul.f32 v20, v19  }
0xd4: {  	s19 =	sadd.s32 s28, s20;
	v16 =	vshll.u32 v61, $0x10;
	v19 =	vbroadcast v1, $0xD;
	v20 =	vmul.f32 v18, v15  }
0xd5: {  	v22 =	vld [tilespmem:s19+$0x0];
	v3 =	vadd.f32 v5, v3;
	v2 =	vadd.f32 v6, v2;
	v5 =	vmul.f32 v25, v23  }
0xd6: {  	v6 =	vmul.f32 v9, v23;
	v9 =	vand.u32 $0xFFFF0000, v42;
	v23 =	vbroadcast v0, $0xD  }
0xd7: {  	s2 =	sadd.s32 $0xB800, s2;
	v26 =	vand.u32 $0xFFFF0000, v17;
	v3 =	vadd.f32 v4, v3;
	v2 =	vadd.f32 v24, v2  }
0xd8: {  	v25 =	vld [tilespmem:s19+$0x10];
	s19 =	sor.u32 $0x1E0, s18;
	s18 =	sadd.s32 s18, s2;
	v4 =	vmul.f32 v28, v27;
	v24 =	vshll.u32 v17, $0x10;
	v27 =	vbroadcast v1, $0xE  }
0xd9: {  	s20 =	sadd.s32 s19, s20;
	v38 =	vld [tilespmem:s18+$0x0];
	v28 =	vmul.f32 v26, v23;
	v3 =	vadd.f32 v5, v3;
	v2 =	vadd.f32 v6, v2  }
0xda: {  	v30 =	vld [tilespmem:s20+$0x0];
	v29 =	vshll.u32 v22, $0x10;
	v5 =	vmul.f32 v33, v31;
	v6 =	vmul.f32 v8, v31  }
0xdb: {  	v31 =	vbroadcast v0, $0xE;
	v33 =	vld [tilespmem:s20+$0x10];
	s20 =	sadd.s32 s8, s15;
	s8 =	sadd.s32 s8, s16;
	v3 =	vadd.f32 v4, v3;
	v2 =	vadd.f32 v32, v2  }
0xdc: {  	v8 =	vand.u32 $0xFFFF0000, v50;
	v0 =	vbroadcast v0, $0xF;
	s8 =	sadd.s32 s10, s8;
	v4 =	vmul.f32 v36, v35  }
0xdd: {  	v35 =	vbroadcast v1, $0xF;
	v1 =	vld [tilespmem:s8+$0x0];
	v3 =	vadd.f32 v5, v3;
	v2 =	vadd.f32 v6, v2  }
0xde: {  	v32 =	vshll.u32 v25, $0x10;
	v42 =	vshll.u32 v38, $0x10;
	v5 =	vmul.f32 v41, v39  }
0xdf: {  	v6 =	vmul.f32 v7, v39;
	v3 =	vadd.f32 v4, v3;
	v2 =	vadd.f32 v40, v2  }
0xe0: {  	v34 =	vmul.f32 v32, v31;
	v37 =	vshll.u32 v30, $0x10;
	v7 =	vand.u32 $0xFFFF0000, v58  }
0xe1: {  	v4 =	vmul.f32 v44, v43;
	v3 =	vadd.f32 v5, v3;
	v2 =	vadd.f32 v6, v2  }
0xe2: {  	v39 =	vshll.u32 v33, $0x10;
	v45 =	vbroadcast v1, $0x0;
	v5 =	vmul.f32 v49, v47  }
0xe3: {  	v6 =	vmul.f32 v9, v47;
	v3 =	vadd.f32 v4, v3;
	v2 =	vadd.f32 v48, v2  }
0xe4: {  	v11 =	vld [tilespmem:s18+$0x10];
	v40 =	vand.u32 $0xFFFF0000, v33;
	v53 =	vbroadcast v1, $0x1;
	v61 =	vbroadcast v1, $0x2  }
0xe5: {  	v4 =	vmul.f32 v52, v51;
	v3 =	vadd.f32 v5, v3;
	v2 =	vadd.f32 v6, v2  }
0xe6: {  	v44 =	vand.u32 $0xFFFF0000, v38;
	v17 =	vbroadcast v1, $0x3;
	v5 =	vmul.f32 v57, v55  }
0xe7: {  	s31 =	sadd.s32 s31, s2;
	v6 =	vmul.f32 v8, v55;
	v3 =	vadd.f32 v4, v3;
	v2 =	vadd.f32 v56, v2  }
0xe8: {  	v33 =	vbroadcast v1, $0x5;
	v9 =	vand.u32 $0xFFFF0000, v14;
	v4 =	vmul.f32 v60, v59;
	v60 =	vld [tilespmem:s31+$0x0]  }
0xe9: {  	v48 =	vand.u32 $0xFFFF0000, v11;
	v3 =	vadd.f32 v5, v3;
	v2 =	vadd.f32 v6, v2  }
0xea: {  	v47 =	vshll.u32 v11, $0x10;
	v50 =	vmul.f32 v48, v45;
	v5 =	vmul.f32 v13, v63  }
0xeb: {  	v62 =	vld [tilespmem:s31+$0x10];
	v6 =	vmul.f32 v7, v63;
	v3 =	vadd.f32 v4, v3;
	v2 =	vadd.f32 v12, v2  }
0xec: {  	s3 =	sadd.s32 s3, s2;
	v8 =	vand.u32 $0xFFFF0000, v22;
	v7 =	vand.u32 $0xFFFF0000, v30;
	v4 =	vmul.f32 v16, v15  }
0xed: {  	v16 =	vld [tilespmem:s3+$0x0];
	v15 =	vshll.u32 v60, $0x10;
	v3 =	vadd.f32 v5, v3;
	v2 =	vadd.f32 v6, v2  }
0xee: {  	v5 =	vmul.f32 v21, v19;
	v6 =	vmul.f32 v9, v19;
	v9 =	vand.u32 $0xFFFF0000, v25  }
0xef: {  	s1 =	sadd.s32 s1, s2;
	v18 =	vld [tilespmem:s3+$0x10];
	v25 =	vbroadcast v1, $0x4;
	v3 =	vadd.f32 v4, v3;
	v2 =	vadd.f32 v20, v2  }
0xf0: {  	v19 =	vshll.u32 v62, $0x10;
	v36 =	vmul.f32 v9, v31;
	v4 =	vmul.f32 v24, v23;
	v24 =	vld [tilespmem:s1+$0x0]  }
0xf1: {  	s4 =	sadd.s32 s4, s2;
	v26 =	vld [tilespmem:s1+$0x10];
	v20 =	vand.u32 $0xFFFF0000, v62;
	v3 =	vadd.f32 v5, v3;
	v2 =	vadd.f32 v6, v2  }
0xf2: {  	s20 =	sadd.s32 s10, s20;
	v32 =	vld [tilespmem:s4+$0x0];
	v9 =	vmul.f32 v37, v35;
	v22 =	vmul.f32 v20, v17;
	v23 =	vshll.u32 v16, $0x10  }
0xf3: {  	v5 =	vmul.f32 v29, v27;
	v3 =	vadd.f32 v4, v3;
	v4 =	vadd.f32 v28, v2;
	v2 =	vld [tilespmem:s20+$0x0]  }
0xf4: {  	v6 =	vmul.f32 v8, v27;
	v27 =	vshll.u32 v18, $0x10;
	v28 =	vand.u32 $0xFFFF0000, v18  }
0xf5: {  	v30 =	vmul.f32 v28, v25;
	v31 =	vshll.u32 v24, $0x10;
	v3 =	vadd.f32 v5, v3  }
0xf6: {  	s20 =	sadd.s32 s30, s2;
	v4 =	vadd.f32 v6, v4;
	v6 =	vmul.f32 v7, v35;
	v5 =	vmul.f32 v39, v0  }
0xf7: {  	v43 =	vld [tilespmem:s20+$0x0];
	v0 =	vmul.f32 v40, v0;
	v35 =	vshll.u32 v26, $0x10;
	v39 =	vshll.u32 v32, $0x10  }
0xf8: {  	v46 =	vld [tilespmem:s20+$0x10];
	v3 =	vadd.f32 v34, v3;
	v41 =	vbroadcast v2, $0x0;
	v49 =	vbroadcast v2, $0x1  }
0xf9: {  	s30 =	sadd.s32 s26, s2;
	v4 =	vadd.f32 v36, v4;
	v57 =	vbroadcast v2, $0x2;
	v13 =	vbroadcast v2, $0x3  }
0xfa: {  	v52 =	vld [tilespmem:s30+$0x0];
	v36 =	vand.u32 $0xFFFF0000, v26;
	v21 =	vbroadcast v2, $0x4;
	v29 =	vbroadcast v2, $0x5  }
0xfb: {  	v54 =	vld [tilespmem:s30+$0x10];
	v37 =	vbroadcast v2, $0x6;
	v38 =	vmul.f32 v36, v33;
	v3 =	vadd.f32 v9, v3  }
0xfc: {  	v4 =	vadd.f32 v6, v4;
	v51 =	vshll.u32 v43, $0x10;
	v7 =	vand.u32 $0xFFFF0000, v43  }
0xfd: {  	v55 =	vshll.u32 v46, $0x10;
	v3 =	vadd.f32 v5, v3;
	v5 =	vmul.f32 v42, v41  }
0xfe: {  	v56 =	vand.u32 $0xFFFF0000, v46;
	v6 =	vmul.f32 v44, v41;
	v0 =	vadd.f32 v0, v4  }
0xff: {  	s5 =	sadd.s32 s5, s2;
	v59 =	vshll.u32 v52, $0x10;
	v4 =	vmul.f32 v47, v45;
	v3 =	vadd.f32 v5, v3  }
0x100: {  	v40 =	vld [tilespmem:s5+$0x0];
	v8 =	vand.u32 $0xFFFF0000, v52;
	v63 =	vshll.u32 v54, $0x10;
	v0 =	vadd.f32 v6, v0  }
0x101: {  	v34 =	vld [tilespmem:s4+$0x10];
	v12 =	vand.u32 $0xFFFF0000, v54;
	v5 =	vmul.f32 v51, v49;
	v3 =	vadd.f32 v4, v3  }
0x102: {  	v58 =	vmul.f32 v56, v53;
	v6 =	vmul.f32 v7, v49;
	v0 =	vadd.f32 v50, v0  }
0x103: {  	v14 =	vmul.f32 v12, v61;
	v4 =	vmul.f32 v55, v53;
	v3 =	vadd.f32 v5, v3  }
0x104: {  	v41 =	vbroadcast v1, $0x6;
	v45 =	vbroadcast v2, $0x7;
	v0 =	vadd.f32 v6, v0  }
0x105: {  	s6 =	sadd.s32 s6, s2;
	v47 =	vshll.u32 v40, $0x10;
	v5 =	vmul.f32 v59, v57;
	v3 =	vadd.f32 v4, v3  }
0x106: {  	v48 =	vld [tilespmem:s6+$0x0];
	v43 =	vshll.u32 v34, $0x10;
	v6 =	vmul.f32 v8, v57;
	v0 =	vadd.f32 v58, v0  }
0x107: {  	v42 =	vld [tilespmem:s5+$0x10];
	v44 =	vand.u32 $0xFFFF0000, v34;
	v4 =	vmul.f32 v63, v61;
	v3 =	vadd.f32 v5, v3  }
0x108: {  	v7 =	vand.u32 $0xFFFF0000, v60;
	v46 =	vmul.f32 v44, v41;
	v0 =	vadd.f32 v6, v0  }
0x109: {  	v49 =	vbroadcast v1, $0x7;
	v5 =	vmul.f32 v15, v13;
	v3 =	vadd.f32 v4, v3  }
0x10a: {  	s8 =	sadd.s32 s7, s2;
	v53 =	vbroadcast v2, $0x8;
	v6 =	vmul.f32 v7, v13;
	v0 =	vadd.f32 v14, v0  }
0x10b: {  	v56 =	vld [tilespmem:s8+$0x0];
	v55 =	vshll.u32 v48, $0x10;
	v4 =	vmul.f32 v19, v17;
	v3 =	vadd.f32 v5, v3  }
0x10c: {  	v51 =	vshll.u32 v42, $0x10;
	v52 =	vand.u32 $0xFFFF0000, v42;
	v0 =	vadd.f32 v6, v0  }
0x10d: {  	v50 =	vld [tilespmem:s6+$0x10];
	v8 =	vand.u32 $0xFFFF0000, v16;
	v5 =	vmul.f32 v23, v21;
	v3 =	vadd.f32 v4, v3  }
0x10e: {  	v54 =	vmul.f32 v52, v49;
	v6 =	vmul.f32 v8, v21;
	v0 =	vadd.f32 v22, v0  }
0x10f: {  	v57 =	vbroadcast v1, $0x8;
	v4 =	vmul.f32 v27, v25;
	v3 =	vadd.f32 v5, v3  }
0x110: {  	s26 =	sadd.s32 s28, s2;
	s28 =	sadd.s32 s19, s2;
	v61 =	vbroadcast v2, $0x9;
	v63 =	vshll.u32 v56, $0x10;
	v0 =	vadd.f32 v6, v0  }
0x111: {  	s10 =	sadd.s32 s9, s2;
	v52 =	vld [tilespmem:s28+$0x0];
	v7 =	vand.u32 $0xFFFF0000, v24;
	v5 =	vmul.f32 v31, v29;
	v3 =	vadd.f32 v4, v3  }
0x112: {  	v12 =	vld [tilespmem:s10+$0x0];
	v59 =	vshll.u32 v50, $0x10;
	v6 =	vmul.f32 v7, v29;
	v0 =	vadd.f32 v30, v0  }
0x113: {  	v58 =	vld [tilespmem:s8+$0x10];
	v60 =	vand.u32 $0xFFFF0000, v50;
	v4 =	vmul.f32 v35, v33;
	v3 =	vadd.f32 v5, v3  }
0x114: {  	v62 =	vmul.f32 v60, v57;
	v13 =	vbroadcast v1, $0x9;
	v0 =	vadd.f32 v6, v0  }
0x115: {  	v8 =	vand.u32 $0xFFFF0000, v32;
	v5 =	vmul.f32 v39, v37;
	v3 =	vadd.f32 v4, v3  }
0x116: {  	v60 =	vand.u32 $0xFFFF0000, v52;
	v6 =	vmul.f32 v8, v37;
	v0 =	vadd.f32 v38, v0  }
0x117: {  	v17 =	vbroadcast v2, $0xA;
	v4 =	vmul.f32 v43, v41;
	v3 =	vadd.f32 v5, v3  }
0x118: {  	s18 =	sadd.s32 s11, s2;
	v19 =	vshll.u32 v12, $0x10;
	v15 =	vshll.u32 v58, $0x10;
	v0 =	vadd.f32 v6, v0  }
0x119: {  	v20 =	vld [tilespmem:s18+$0x0];
	v7 =	vand.u32 $0xFFFF0000, v40;
	v5 =	vmul.f32 v47, v45;
	v3 =	vadd.f32 v4, v3  }
0x11a: {  	v14 =	vld [tilespmem:s10+$0x10];
	v16 =	vand.u32 $0xFFFF0000, v58;
	v6 =	vmul.f32 v7, v45;
	v0 =	vadd.f32 v46, v0  }
0x11b: {  	v18 =	vmul.f32 v16, v13;
	v4 =	vmul.f32 v51, v49;
	v3 =	vadd.f32 v5, v3  }
0x11c: {  	v21 =	vbroadcast v1, $0xA;
	v25 =	vbroadcast v2, $0xB;
	v0 =	vadd.f32 v6, v0  }
0x11d: {  	s20 =	sadd.s32 s12, s2;
	v8 =	vand.u32 $0xFFFF0000, v48;
	v5 =	vmul.f32 v55, v53;
	v3 =	vadd.f32 v4, v3  }
0x11e: {  	v28 =	vld [tilespmem:s20+$0x0];
	v27 =	vshll.u32 v20, $0x10;
	v6 =	vmul.f32 v8, v53;
	v0 =	vadd.f32 v54, v0  }
0x11f: {  	v22 =	vld [tilespmem:s18+$0x10];
	v24 =	vand.u32 $0xFFFF0000, v14;
	v4 =	vmul.f32 v59, v57;
	v3 =	vadd.f32 v5, v3  }
0x120: {  	v23 =	vshll.u32 v14, $0x10;
	v26 =	vmul.f32 v24, v21;
	v0 =	vadd.f32 v6, v0  }
0x121: {  	v7 =	vand.u32 $0xFFFF0000, v56;
	v5 =	vmul.f32 v63, v61;
	v3 =	vadd.f32 v4, v3  }
0x122: {  	v29 =	vbroadcast v1, $0xB;
	v6 =	vmul.f32 v7, v61;
	v0 =	vadd.f32 v62, v0  }
0x123: {  	v33 =	vbroadcast v2, $0xC;
	v4 =	vmul.f32 v15, v13;
	v3 =	vadd.f32 v5, v3  }
0x124: {  	s25 =	sadd.s32 s25, s2;
	v35 =	vshll.u32 v28, $0x10;
	v31 =	vshll.u32 v22, $0x10;
	v0 =	vadd.f32 v6, v0  }
0x125: {  	v36 =	vld [tilespmem:s25+$0x0];
	v8 =	vand.u32 $0xFFFF0000, v12;
	v5 =	vmul.f32 v19, v17;
	v3 =	vadd.f32 v4, v3  }
0x126: {  	v30 =	vld [tilespmem:s20+$0x10];
	v32 =	vand.u32 $0xFFFF0000, v22;
	v6 =	vmul.f32 v8, v17;
	v0 =	vadd.f32 v18, v0  }
0x127: {  	v34 =	vmul.f32 v32, v29;
	v4 =	vmul.f32 v23, v21;
	v3 =	vadd.f32 v5, v3  }
0x128: {  	v37 =	vbroadcast v1, $0xC;
	v41 =	vbroadcast v2, $0xD;
	v0 =	vadd.f32 v6, v0  }
0x129: {  	v7 =	vand.u32 $0xFFFF0000, v20;
	v5 =	vmul.f32 v27, v25;
	v3 =	vadd.f32 v4, v3  }
0x12a: {  	v43 =	vshll.u32 v36, $0x10;
	v6 =	vmul.f32 v7, v25;
	v0 =	vadd.f32 v26, v0  }
0x12b: {  	v44 =	vld [tilespmem:s26+$0x0];
	v40 =	vand.u32 $0xFFFF0000, v30;
	v4 =	vmul.f32 v31, v29;
	v3 =	vadd.f32 v5, v3  }
0x12c: {  	v39 =	vshll.u32 v30, $0x10;
	v42 =	vmul.f32 v40, v37;
	v0 =	vadd.f32 v6, v0  }
0x12d: {  	v38 =	vld [tilespmem:s25+$0x10];
	v8 =	vand.u32 $0xFFFF0000, v28;
	v5 =	vmul.f32 v35, v33;
	v3 =	vadd.f32 v4, v3  }
0x12e: {  	v45 =	vbroadcast v1, $0xD;
	v6 =	vmul.f32 v8, v33;
	v0 =	vadd.f32 v34, v0  }
0x12f: {  	v49 =	vbroadcast v2, $0xE;
	v4 =	vmul.f32 v39, v37;
	v3 =	vadd.f32 v5, v3  }
0x130: {  	v51 =	vshll.u32 v44, $0x10;
	v2 =	vbroadcast v2, $0xF;
	v0 =	vadd.f32 v6, v0  }
0x131: {  	v46 =	vld [tilespmem:s26+$0x10];
	v7 =	vand.u32 $0xFFFF0000, v36;
	v5 =	vmul.f32 v43, v41;
	v3 =	vadd.f32 v4, v3  }
0x132: {  	v47 =	vshll.u32 v38, $0x10;
	v6 =	vmul.f32 v7, v41;
	v0 =	vadd.f32 v42, v0  }
0x133: {  	v48 =	vand.u32 $0xFFFF0000, v38;
	v4 =	vmul.f32 v47, v45;
	v3 =	vadd.f32 v5, v3  }
0x134: {  	v50 =	vmul.f32 v48, v45;
	v53 =	vbroadcast v1, $0xE;
	v0 =	vadd.f32 v6, v0  }
0x135: {  	v54 =	vld [tilespmem:s28+$0x10];
	v8 =	vand.u32 $0xFFFF0000, v44;
	v5 =	vmul.f32 v51, v49;
	v3 =	vadd.f32 v4, v3  }
0x136: {  	v56 =	vshll.u32 v46, $0x10;
	v55 =	vmul.f32 v8, v49;
	v0 =	vadd.f32 v50, v0  }
0x137: {  	v58 =	vand.u32 $0xFFFF0000, v46;
	v57 =	vmul.f32 v56, v53;
	v3 =	vadd.f32 v5, v3  }
0x138: {  	v59 =	vshll.u32 v52, $0x10;
	v4 =	vmul.f32 v58, v53;
	v0 =	vadd.f32 v55, v0  }
0x139: {  	v1 =	vbroadcast v1, $0xF;
	v5 =	vmul.f32 v59, v2;
	v3 =	vadd.f32 v57, v3  }
0x13a: {  	v61 =	vshll.u32 v54, $0x10;
	v2 =	vmul.f32 v60, v2;
	v0 =	vadd.f32 v4, v0  }
0x13b: {  	p0 =	sne.s32 s22, $0x1F;
	s30 =	sshll.u32 s24, $0x8;
	v62 =	vand.u32 $0xFFFF0000, v54;
	v4 =	vmul.f32 v61, v1;
	v3 =	vadd.f32 v5, v3  }
.Ltmp0:
0x13c: {  	s1 =	sand.u32 $0x3FFFFF00, s30;
	v1 =	vmul.f32 v62, v1;
	v0 =	vadd.f32 v2, v0;
	(pc) =	sbr.rel @p0 .LBB2_3-.Ltmp0, $4  }
0x13d: {  	s31 =	sshll.u32 s23, $0x5;
	s1 =	sadd.s32 s1, s21;
	v63 =	vadd.f32 v4, v3  }
0x13e: {  	s1 =	sadd.s32 s31, s1;
	v0 =	vadd.f32 v1, v0  }
0x13f: {  	[tilespmem:s1+$0x0] =	vst v63  }
0x140: {  	s22 =	sadd.s32 $0x1, s22;
	[tilespmem:s1+$0x10] =	vst v0  }
0x141: {  	s1 =	rddreg [dreg:$0x1f]  }
0x142: {  	s1 =	sand.u32 $0xFF, s1  }
0x143: {  	p1 =	sne.s32 s1, $0x4;
	s1 =	rddreg [dreg:$0x1e]  }
0x144: {  	s1 =	smul.u32 @!p1 $0x14, s1  }
0x145: {  	s2 =	rddreg [dreg:$0xc]  }
0x146: {  	s2 =	sadd.s32 @!p1 s2, s1  }
0x147: {  	s3 =	rddreg [dreg:$0x19];
	s2 =	sshll.u32 @!p1 s2, $0x8  }
0x148: {  	s2 =	sadd.s32 @!p1 s3, s2  }
0x149: {  	s3 =	rddreg [dreg:$0xb];
	s2 =	sshrl.u32 @!p1 s2, $0x3  }
0x14a: {  	p0 =	sgt.u32 @!p1 s0, $0x9F;
	s2 =	sadd.s32 @!p1 s3, s2;
	s3 =	simm.s32 @!p1 $0x0  }
0x14b: {  	[hbm4b:s2+s3] =	stream.linear.scatter @!p1 [tilespmem:s21], [sflag:$0x4], $0x1400, $0x38;
	[tilespmem:$0x1A000] =	vst v63  }
0x14c: {  	s0 =	simm.s32 @!p1 $0x4;
	p0 =	por p0, p1;
	s2 =	rddreg [dreg:$0x1b]  }
0x14d: {  	s1 =	sadd.s32 @!p0 s1, s2;
	_ =	swait.ge @!p1 [sflag:s0], $0x1400  }
0x14e: {  	s1 =	sshll.u32 @!p0 s1, $0x7;
	s2 =	rddreg [dreg:$0x5]  }
0x14f: {  	[sflag:s0] =	ssyncset.done @!p1 $0x0;
	s1 =	sadd.s32 @!p0 s2, s1;
	s2 =	rddreg [dreg:$0x4]  }
0x150: {  	[sflag:s0] =	ssyncadd.s32 @!p1 $0xFFFFEC00;
	s0 =	sshrl.u32 @!p0 s1, $0x3;
	s1 =	rddreg [dreg:$0x1d]  }
0x151: {  	s3 =	simm.s32 @!p0 $0x0;
	s1 =	sshrl.u32 @!p0 s1, $0x2;
	s2 =	sadd.s32 @!p0 s2, s0  }
0x152: {  	[tilespmem:s1], [sflag:$0x1] =	stream.linear.gather @!p0 [hbm4b:s2+s3], $0xA00, $0x38;
	[tilespmem:$0x1A000] =	vst v63  }
0x153: {  	s2 =	rddreg [dreg:$0x6]  }
0x154: {  	s1 =	sadd.s32 @!p0 $0xA00, s1;
	s2 =	sadd.s32 @!p0 s2, s0  }
0x155: {  	[tilespmem:s1], [sflag:$0x1] =	stream.linear.gather @!p0 [hbm4b:s2+s3], $0xA00, $0x38;
	[tilespmem:$0x1A000] =	vst v63  }
0x156: {  	s1 =	rddreg [dreg:$0x7]  }
0x157: {  	s1 =	sadd.s32 @!p0 s1, s0  }
0x158: {  	[tilespmem:s17], [sflag:$0x1] =	stream.linear.gather @!p0 [hbm4b:s1+s3], $0xA00, $0x38;
	[tilespmem:$0x1A000] =	vst v63  }
0x159: {  	s1 =	rddreg [dreg:$0x8]  }
0x15a: {  	s1 =	sadd.s32 @!p0 s1, s0  }
0x15b: {  	[tilespmem:s29], [sflag:$0x1] =	stream.linear.gather @!p0 [hbm4b:s1+s3], $0xA00, $0x38;
	[tilespmem:$0x1A000] =	vst v63  }
0x15c: {  	s1 =	rddreg [dreg:$0x9]  }
0x15d: {  	s1 =	sadd.s32 @!p0 s1, s0  }
0x15e: {  	[tilespmem:s15], [sflag:$0x1] =	stream.linear.gather @!p0 [hbm4b:s1+s3], $0xA00, $0x38;
	[tilespmem:$0x1A000] =	vst v63  }
0x15f: {  	s1 =	rddreg [dreg:$0xa]  }
0x160: {  	s0 =	sadd.s32 @!p0 s1, s0  }
0x161: {  	[tilespmem:s16], [sflag:$0x1] =	stream.linear.gather @!p0 [hbm4b:s0+s3], $0xA00, $0x38;
	[tilespmem:$0x1A000] =	vst v63  }
0x162: {  	p0 =	sne.s32 s13, $0xAA  }
.Ltmp1:
0x163: {  	_ = 	snop;
	(pc) =	sbr.rel @p0 .LBB2_2-.Ltmp1, $2  }
0x164: {  	_ =	sdelay $0x2  }
0x165: {  	s0 =	smov.u32 s13  }
0x166: {  	s1 =	rddreg [dreg:$0x1c]  }
0x167: {  	s0 =	rddreg [dreg:$0x1a];
	s1 =	sadd.s32 $0x1, s1  }
0x168: {  	p0 =	sne.s32 s1, s0  }
.Ltmp2:
0x169: {  	_ = 	snop;
	(pc) =	sbr.rel @p0 .LBB2_1-.Ltmp2, $1  }
0x16a: {  	_ =	sdelay $0x3  }
0x16b: {  	_ =	sfence.sel $0x180000  }
0x16c: {  	[bflag:$0x0] =	sbarrier.arrive $0xFFFF  }
0x16d: {  	_ =	strace $0x90000047  }
0x16e: {  	s0 =	stileid.u32;
	[bflag:$0x2] =	sbarrier.arrive $0xFFFF  }
0x16f: {  	p0 =	sne.s32 s0, $0x0;
	s0 =	rddreg [dreg:$0x2]  }
0x170: {  	s0 =	sadd.s32 @!p0 $0x100000, s0  }
0x171: {  	[sflag:s0] =	ssyncadd.tile.s32 @!p0 $0x1;
	_ =	shalt  }
.Lfunc_end2:
_tile_overlayer_lowered:
.L_overlay_start_2:
0x172: {  	(tag) =	ssettag $0x2  }
0x173: {  	s0 =	rddreg [dreg:$0x0];
	s2 =	stileid.u32  }
0x174: {  	s1 =	rddreg [dreg:$0x1];
	p0 =	sne.s32 s2, $0x0  }
0x175: {  	s3 =	rddreg [dreg:$0x2];
	[bflag:$0x3] =	sbarrier.arrive $0xFFFF;
	s2 =	simm.s32 @!p0 $0x1C04  }
0x176: {  	[timem:s3], [sflag:s2] =	dma.local @!p0 [hbm:s0], s1  }
0x177: {  	s0 =	simm.s32 @!p0 $0x4  }
0x178: {  	_ =	swait.ge @!p0 [sflag:s0], s1  }
0x179: {  	s1 =	ssub.s32 @!p0 $0x0, s1;
	[sflag:s0] =	ssyncset.done @!p0 $0x0  }
0x17a: {  	[sflag:s0] =	ssyncadd.s32 @!p0 s1  }
0x17b: {  	[bflag:$0x3] =	sbarrier.arrive $0xFFFF  }
0x17c: {  	_ =	shalt  }

</sc_bundles>
